<compile_context>
chip_gen: v7x
topology: tpu7x:2x2x1
jax: 0.10.2.dev20260603
libtpu: 0.0.44.dev20260713+nightly
codegen_flags: <defaults>
</compile_context>

<pallas_src>
import functools

import jax
import jax.numpy as jnp
import numpy as np
from jax import lax
from jax.experimental import pallas as pl
from jax.experimental.pallas import tpu as pltpu
from jax.experimental.pallas import tpu_sc as plsc

N_POS = 262144
FEATS = 4
T3 = 8192
T2 = 32768
RES3_LIST = [int(16 * (512.0 / 16.0) ** (i / 11.0)) for i in range(12)]
RES2_LIST = [int(128 * (1024.0 / 128.0) ** (i / 3.0)) for i in range(4)]
NLEV3 = len(RES3_LIST)
NLEV2 = len(RES2_LIST)
NFEAT_OUT = NLEV3 * FEATS + NLEV2 * FEATS

K2 = int(np.uint32(2654435761).astype(np.int32))
K3 = 805459861
SIGN = -2147483648

W3_PER_LEV = T3 * FEATS // 32
W2_PER_LEV = T2 * FEATS // 32
W3_TOTAL = NLEV3 * W3_PER_LEV
NWORDS = W3_TOTAL + 3 * NLEV2 * W2_PER_LEV

NC, NS, L = 2, 16, 16
NWK = NC * NS
P_PER_WK = N_POS // NWK
CHUNK = 256
NG = CHUNK // L
NCHUNK = P_PER_WK // CHUNK

_PACK_BLK_ROWS = 4096
_WPB = _PACK_BLK_ROWS // 8


def _pack_body(x_ref, o_ref):
    x = x_ref[...].reshape(_WPB, 8, FEATS)
    r = lax.broadcasted_iota(jnp.int32, (_WPB, 8, FEATS), 1)
    f = lax.broadcasted_iota(jnp.int32, (_WPB, 8, FEATS), 2)
    sv = lax.shift_left(jnp.int32(1), r * FEATS + f)
    vals = jnp.where(x < 0, sv, jnp.int32(0))
    o_ref[...] = jnp.sum(vals, axis=(1, 2)).reshape(1, 1, _WPB)


def _pack_rows(rows4):
    nblk = rows4.shape[0] // _PACK_BLK_ROWS
    out = pl.pallas_call(
        _pack_body,
        grid=(nblk,),
        in_specs=[pl.BlockSpec((_PACK_BLK_ROWS, FEATS), lambda i: (i, 0))],
        out_specs=pl.BlockSpec((1, 1, _WPB), lambda i: (i, 0, 0)),
        out_shape=jax.ShapeDtypeStruct((nblk, 1, _WPB), jnp.int32),
    )(rows4)
    return out.reshape(nblk * _WPB)


def _corner_accum(tab_ref, hraw, wgt, tmask, acc):
    hm = hraw & tmask
    word = lax.shift_right_logical(hm, 3)
    s0 = 28 - lax.shift_left(hm & 7, 2)
    pk = plsc.load_gather(tab_ref, [word])
    t0 = lax.shift_left(pk, s0)
    wb = lax.bitcast_convert_type(wgt, jnp.int32)
    out = []
    for f in range(FEATS):
        tf = t0 if f == 3 else lax.shift_left(t0, 3 - f)
        sb = tf & SIGN
        v = lax.bitcast_convert_type(sb ^ wb, jnp.float32)
        out.append(v if acc is None else acc[f] + v)
    return out


def _make_sc_kernel():
    mesh = plsc.VectorSubcoreMesh(core_axis_name="c", subcore_axis_name="s")

    @functools.partial(
        pl.kernel,
        mesh=mesh,
        out_type=jax.ShapeDtypeStruct((N_POS, NFEAT_OUT), jnp.float32),
        compiler_params=pltpu.CompilerParams(needs_layout_passes=False),
        scratch_types=[
            pltpu.VMEM((NWORDS,), jnp.int32),
            pltpu.VMEM((CHUNK,), jnp.float32),
            pltpu.VMEM((CHUNK,), jnp.float32),
            pltpu.VMEM((CHUNK,), jnp.float32),
            pltpu.VMEM((CHUNK,), jnp.float32),
            pltpu.VMEM((CHUNK,), jnp.float32),
            pltpu.VMEM((CHUNK,), jnp.float32),
            pltpu.VMEM((CHUNK, NFEAT_OUT), jnp.float32),
            pltpu.VMEM((CHUNK, NFEAT_OUT), jnp.float32),
            pltpu.VMEM((NLEV3 * L,), jnp.float32),
            pltpu.VMEM((NLEV2 * L,), jnp.float32),
            pltpu.SemaphoreType.DMA,
            pltpu.SemaphoreType.DMA,
            pltpu.SemaphoreType.DMA,
            pltpu.SemaphoreType.DMA,
        ],
    )
    def sc_kernel(packed_hbm, xs_hbm, ys_hbm, zs_hbm, r3_hbm, r2_hbm, out_hbm,
                  tab_v, xba, yba, zba, xbb, ybb, zbb, oba, obb, r3v, r2v,
                  sia, sib, soa, sob):
        wid = lax.axis_index("s") * NC + lax.axis_index("c")
        pltpu.sync_copy(packed_hbm, tab_v)
        pltpu.sync_copy(r3_hbm, r3v)
        pltpu.sync_copy(r2_hbm, r2v)
        iota = lax.broadcasted_iota(jnp.int32, (L,), 0)
        izero = iota * 0
        base0 = wid * P_PER_WK
        bufs = ((xba, yba, zba, oba, sia, soa),
                (xbb, ybb, zbb, obb, sib, sob))

        def in_copies(ch, b):
            xb, yb, zb = bufs[b][0], bufs[b][1], bufs[b][2]
            base = base0 + ch * CHUNK
            return (
                pltpu.make_async_copy(xs_hbm.at[pl.ds(base, CHUNK)], xb,
                                      bufs[b][4]),
                pltpu.make_async_copy(ys_hbm.at[pl.ds(base, CHUNK)], yb,
                                      bufs[b][4]),
                pltpu.make_async_copy(zs_hbm.at[pl.ds(base, CHUNK)], zb,
                                      bufs[b][4]),
            )

        def out_copy(ch, b):
            base = base0 + ch * CHUNK
            return pltpu.make_async_copy(bufs[b][3],
                                         out_hbm.at[pl.ds(base, CHUNK)],
                                         bufs[b][5])

        def compute_chunk(xb, yb, zb, ob):
            @plsc.parallel_loop(0, NG)
            def group_body(g):
                xv = xb[pl.ds(g * L, L)]
                yv = yb[pl.ds(g * L, L)]
                zv = zb[pl.ds(g * L, L)]
                xn = jnp.minimum(jnp.maximum(xv, 0.0), 0.9999)
                yn = jnp.minimum(jnp.maximum(yv, 0.0), 0.9999)
                zn = jnp.minimum(jnp.maximum(zv, 0.0), 0.9999)
                rows = iota + g * L

                @plsc.parallel_loop(0, NLEV3)
                def lev3_body(lev):
                    res = r3v[pl.ds(lev * L, L)]
                    sx = xn * res
                    sy = yn * res
                    sz = zn * res
                    fx = sx.astype(jnp.int32)
                    fy = sy.astype(jnp.int32)
                    fz = sz.astype(jnp.int32)
                    wx = sx - fx.astype(jnp.float32)
                    wy = sy - fy.astype(jnp.float32)
                    wz = sz - fz.astype(jnp.float32)
                    ux = 1.0 - wx
                    uy = 1.0 - wy
                    uz = 1.0 - wz
                    by0 = fy * K2
                    by1 = by0 + K2
                    cz0 = fz * K3
                    cz1 = cz0 + K3
                    ax1 = fx + 1
                    xy00 = fx ^ by0
                    xy01 = fx ^ by1
                    xy10 = ax1 ^ by0
                    xy11 = ax1 ^ by1
                    w00 = ux * uy
                    w01 = ux * wy
                    w10 = wx * uy
                    w11 = wx * wy
                    tab3 = tab_v.at[pl.ds(lev * W3_PER_LEV, W3_PER_LEV)]
                    acc = None
                    for hxy, wxy in ((xy00, w00), (xy01, w01),
                                     (xy10, w10), (xy11, w11)):
                        acc = _corner_accum(tab3, hxy ^ cz0, wxy * uz,
                                            T3 - 1, acc)
                        acc = _corner_accum(tab3, hxy ^ cz1, wxy * wz,
                                            T3 - 1, acc)
                    col0 = izero + lev * FEATS
                    for f in range(FEATS):
                        plsc.store_scatter(ob, [rows, col0 + f], acc[f])

                @plsc.parallel_loop(0, NLEV2)
                def lev2_body(lev):
                    res = r2v[pl.ds(lev * L, L)]
                    wb2 = W3_TOTAL + lev * W2_PER_LEV
                    acc = None
                    for pi, (pc, qc) in enumerate(((xn, yn), (xn, zn), (yn, zn))):
                        su = pc * res
                        sv = qc * res
                        fu = su.astype(jnp.int32)
                        fv = sv.astype(jnp.int32)
                        wu = su - fu.astype(jnp.float32)
                        wv = sv - fv.astype(jnp.float32)
                        pu = 1.0 - wu
                        pv = 1.0 - wv
                        bv0 = fv * K2
                        bv1 = bv0 + K2
                        au1 = fu + 1
                        tabp = tab_v.at[pl.ds(wb2 + pi * (NLEV2 * W2_PER_LEV),
                                              W2_PER_LEV)]
                        acc = _corner_accum(tabp, fu ^ bv0, pu * pv,
                                            T2 - 1, acc)
                        acc = _corner_accum(tabp, fu ^ bv1, pu * wv,
                                            T2 - 1, acc)
                        acc = _corner_accum(tabp, au1 ^ bv0, wu * pv,
                                            T2 - 1, acc)
                        acc = _corner_accum(tabp, au1 ^ bv1, wu * wv,
                                            T2 - 1, acc)
                    col0 = izero + (NLEV3 * FEATS + lev * FEATS)
                    for f in range(FEATS):
                        plsc.store_scatter(ob, [rows, col0 + f], acc[f])

        for c in in_copies(0, 0):
            c.start()

        def chunk2_body(ch2, carry):
            for b in range(2):
                ch = ch2 * 2 + b
                if b == 0:
                    for c in in_copies(ch + 1, 1):
                        c.start()
                else:
                    @pl.when(ch2 < NCHUNK // 2 - 1)
                    def _():
                        for c in in_copies(ch + 1, 0):
                            c.start()
                for c in in_copies(ch, b):
                    c.wait()
                @pl.when(ch2 > 0)
                def _():
                    out_copy(ch, b).wait()
                compute_chunk(bufs[b][0], bufs[b][1], bufs[b][2], bufs[b][3])
                out_copy(ch, b).start()
            return carry

        lax.fori_loop(0, NCHUNK // 2, chunk2_body, 0)
        out_copy(NCHUNK - 2, 0).wait()
        out_copy(NCHUNK - 1, 1).wait()

    return sc_kernel


_SC_KERNEL = _make_sc_kernel()

_R3_ARR = np.repeat(np.asarray(RES3_LIST, np.float32), L)
_R2_ARR = np.repeat(np.asarray(RES2_LIST, np.float32), L)


@jax.jit
def kernel(positions, tables_3d, tables_2d_xy, tables_2d_xz, tables_2d_yz):
    packed = jnp.concatenate([
        _pack_rows(tables_3d.reshape(-1, FEATS)),
        _pack_rows(tables_2d_xy.reshape(-1, FEATS)),
        _pack_rows(tables_2d_xz.reshape(-1, FEATS)),
        _pack_rows(tables_2d_yz.reshape(-1, FEATS)),
    ])
    posT = positions.T
    return _SC_KERNEL(packed, posT[0], posT[1], posT[2],
                      jnp.asarray(_R3_ARR), jnp.asarray(_R2_ARR))

# --- scband reference (transcript-rebuilt; emitter-appended) ---
"""Pipeline reference for scband-binary-hash-grid-69372311765526 (READ-ONLY COPY).

The authoritative reference and input builder live on the scoring server;
editing this copy changes nothing except your own understanding.
"""

import jax, jax.numpy as jnp
import numpy as np

N = 262144
FEAT = 4
T3 = 8192
T2 = 32768
RES3 = [int(16 * (512.0 / 16.0) ** (i / 11.0)) for i in range(12)]
RES2 = [int(128 * (1024.0 / 128.0) ** (i / 3.0)) for i in range(4)]


@jax.custom_vjp
def binarize_ste(x):
    # torch: sign(x) then zeros -> +1  == where(x >= 0, 1, -1)
    return jnp.where(x >= 0, 1.0, -1.0).astype(x.dtype)


def _bin_fwd(x):
    return jnp.where(x >= 0, 1.0, -1.0).astype(x.dtype), None


def _bin_bwd(_, g):
    return (g,)


binarize_ste.defvjp(_bin_fwd, _bin_bwd)


def _hash3(coords, tsize):
    # coords are non-negative; low bits of uint32 products match int64 semantics,
    # and tsize is a power of two so (h % tsize) == (h & (tsize-1)).
    c = coords.astype(jnp.uint32)
    h = c[..., 0] * jnp.uint32(1) ^ c[..., 1] * jnp.uint32(2654435761) ^ c[..., 2] * jnp.uint32(805459861)
    return (h & jnp.uint32(tsize - 1)).astype(jnp.int32)


def _hash2(coords, tsize):
    c = coords.astype(jnp.uint32)
    h = c[..., 0] * jnp.uint32(1) ^ c[..., 1] * jnp.uint32(2654435761)
    return (h & jnp.uint32(tsize - 1)).astype(jnp.int32)


def _level3d(norm, table, res):
    scaled = norm * res
    floor_c = jnp.floor(scaled).astype(jnp.int32)
    w = scaled - floor_c.astype(jnp.float32)
    offsets = jnp.array([[0, 0, 0], [0, 0, 1], [0, 1, 0], [0, 1, 1], [1, 0, 0], [1, 0, 1], [1, 1, 0], [1, 1, 1]], dtype=jnp.int32)
    corners = floor_c[:, None, :] + offsets[None, :, :]
    idx = _hash3(corners, T3)
    tab = binarize_ste(table)
    feats = tab[idx]
    wx, wy, wz = w[:, 0], w[:, 1], w[:, 2]
    weights = jnp.stack([
        (1 - wx) * (1 - wy) * (1 - wz),
        (1 - wx) * (1 - wy) * wz,
        (1 - wx) * wy * (1 - wz),
        (1 - wx) * wy * wz,
        wx * (1 - wy) * (1 - wz),
        wx * (1 - wy) * wz,
        wx * wy * (1 - wz),
        wx * wy * wz,
    ], axis=1)
    return (feats * weights[:, :, None]).sum(axis=1)


def _bilinear(pos2d, table, res):
    scaled = pos2d * res
    floor_c = jnp.floor(scaled).astype(jnp.int32)
    w = scaled - floor_c.astype(jnp.float32)
    offsets = jnp.array([[0, 0], [0, 1], [1, 0], [1, 1]], dtype=jnp.int32)
    corners = floor_c[:, None, :] + offsets[None, :, :]
    idx = _hash2(corners, T2)
    tab = binarize_ste(table)
    feats = tab[idx]
    wx, wy = w[:, 0], w[:, 1]
    weights = jnp.stack([(1 - wx) * (1 - wy), (1 - wx) * wy, wx * (1 - wy), wx * wy], axis=1)
    return (feats * weights[:, :, None]).sum(axis=1)


def setup_inputs(seed: int = 0) -> dict:
    key = jax.random.key(seed)
    ks = jax.random.split(key, 5)
    positions = jax.random.uniform(ks[0], (N, 3), dtype=jnp.float32)
    tables_3d = jax.random.normal(ks[1], (12, T3, FEAT), dtype=jnp.float32) * 0.01
    tables_2d_xy = jax.random.normal(ks[2], (4, T2, FEAT), dtype=jnp.float32) * 0.01
    tables_2d_xz = jax.random.normal(ks[3], (4, T2, FEAT), dtype=jnp.float32) * 0.01
    tables_2d_yz = jax.random.normal(ks[4], (4, T2, FEAT), dtype=jnp.float32) * 0.01
    return {"positions": positions, "tables_3d": tables_3d, "tables_2d_xy": tables_2d_xy, "tables_2d_xz": tables_2d_xz, "tables_2d_yz": tables_2d_yz}


def reference(positions, tables_3d, tables_2d_xy, tables_2d_xz, tables_2d_yz):
    # bbox_min = zeros(3), bbox_max = ones(3)
    norm = jnp.clip(positions / (1.0 + 1e-08), 0.0, 0.9999)
    parts = []
    for i, r in enumerate(RES3):
        parts.append(_level3d(norm, tables_3d[i], r))
    idx_xz = jnp.array([0, 2], dtype=jnp.int32)
    for i, r in enumerate(RES2):
        f_xy = _bilinear(norm[:, :2], tables_2d_xy[i], r)
        f_xz = _bilinear(norm[:, idx_xz], tables_2d_xz[i], r)
        f_yz = _bilinear(norm[:, 1:3], tables_2d_yz[i], r)
        parts.append(f_xy + f_xz + f_yz)
    return jnp.concatenate(parts, axis=-1)

if __name__ == "__main__":
    import jax
    _d = setup_inputs()
    print(jax.jit(kernel)(*tuple(_d.values())))

</pallas_src>

<mosaic_0001>
#map = affine_map<(d0, d1) -> (0)>
#map1 = affine_map<(d0, d1) -> (0, 0)>
module attributes {stable_mosaic.version = 14 : i64} {
  func.func @sc_kernel(%arg0: i32, %arg1: i32, %arg2: memref<61440xi32, #tpu.memory_space<hbm>>, %arg3: memref<262144xf32, #tpu.memory_space<hbm>>, %arg4: memref<262144xf32, #tpu.memory_space<hbm>>, %arg5: memref<262144xf32, #tpu.memory_space<hbm>>, %arg6: memref<192xf32, #tpu.memory_space<hbm>>, %arg7: memref<64xf32, #tpu.memory_space<hbm>>, %arg8: memref<262144x64xf32, #tpu.memory_space<hbm>>, %arg9: memref<61440xi32, #tpu.memory_space<vmem>>, %arg10: memref<256xf32, #tpu.memory_space<vmem>>, %arg11: memref<256xf32, #tpu.memory_space<vmem>>, %arg12: memref<256xf32, #tpu.memory_space<vmem>>, %arg13: memref<256xf32, #tpu.memory_space<vmem>>, %arg14: memref<256xf32, #tpu.memory_space<vmem>>, %arg15: memref<256xf32, #tpu.memory_space<vmem>>, %arg16: memref<256x64xf32, #tpu.memory_space<vmem>>, %arg17: memref<256x64xf32, #tpu.memory_space<vmem>>, %arg18: memref<192xf32, #tpu.memory_space<vmem>>, %arg19: memref<64xf32, #tpu.memory_space<vmem>>, %arg20: memref<!tpu.dma_semaphore, #tpu.memory_space<semaphore_mem>>, %arg21: memref<!tpu.dma_semaphore, #tpu.memory_space<semaphore_mem>>, %arg22: memref<!tpu.dma_semaphore, #tpu.memory_space<semaphore_mem>>, %arg23: memref<!tpu.dma_semaphore, #tpu.memory_space<semaphore_mem>>) attributes {dimension_semantics = [#tpu.dimension_semantics<core_parallel>, #tpu.dimension_semantics<subcore_parallel>], iteration_bounds = array<i64: 2, 16>, scalar_prefetch = 0 : i64, scratch_operands = 15 : i64, tpu.core_type = #tpu.core_type<sc_vector_subcore>, window_params = [{transform_indices = #map}, {transform_indices = #map}, {transform_indices = #map}, {transform_indices = #map}, {transform_indices = #map}, {transform_indices = #map}, {transform_indices = #map1}]} {
    %mul3A = arith.constant 2 : i32
    %mul3A_0 = arith.muli %arg1, %mul3A : i32
    %add3A = arith.addi %mul3A_0, %arg0 : i32
    "tpu.region"() ({
      %run_scoped3A = tpu.sem_alloc : memref<!tpu.dma_semaphore, #tpu.memory_space<semaphore_mem>>
      tpu.enqueue_dma source(%arg2 : memref<61440xi32, #tpu.memory_space<hbm>>) target(%arg9 : memref<61440xi32, #tpu.memory_space<vmem>>) target_semaphore(%run_scoped3A : memref<!tpu.dma_semaphore, #tpu.memory_space<semaphore_mem>>)
      tpu.wait_dma2 semaphore(%run_scoped3A : memref<!tpu.dma_semaphore, #tpu.memory_space<semaphore_mem>>) src(%arg2 : memref<61440xi32, #tpu.memory_space<hbm>>) dst(%arg9 : memref<61440xi32, #tpu.memory_space<vmem>>)
      tpu.yield
    }) : () -> ()
    "tpu.region"() ({
      %run_scoped3A = tpu.sem_alloc : memref<!tpu.dma_semaphore, #tpu.memory_space<semaphore_mem>>
      tpu.enqueue_dma source(%arg6 : memref<192xf32, #tpu.memory_space<hbm>>) target(%arg18 : memref<192xf32, #tpu.memory_space<vmem>>) target_semaphore(%run_scoped3A : memref<!tpu.dma_semaphore, #tpu.memory_space<semaphore_mem>>)
      tpu.wait_dma2 semaphore(%run_scoped3A : memref<!tpu.dma_semaphore, #tpu.memory_space<semaphore_mem>>) src(%arg6 : memref<192xf32, #tpu.memory_space<hbm>>) dst(%arg18 : memref<192xf32, #tpu.memory_space<vmem>>)
      tpu.yield
    }) : () -> ()
    "tpu.region"() ({
      %run_scoped3A = tpu.sem_alloc : memref<!tpu.dma_semaphore, #tpu.memory_space<semaphore_mem>>
      tpu.enqueue_dma source(%arg7 : memref<64xf32, #tpu.memory_space<hbm>>) target(%arg19 : memref<64xf32, #tpu.memory_space<vmem>>) target_semaphore(%run_scoped3A : memref<!tpu.dma_semaphore, #tpu.memory_space<semaphore_mem>>)
      tpu.wait_dma2 semaphore(%run_scoped3A : memref<!tpu.dma_semaphore, #tpu.memory_space<semaphore_mem>>) src(%arg7 : memref<64xf32, #tpu.memory_space<hbm>>) dst(%arg19 : memref<64xf32, #tpu.memory_space<vmem>>)
      tpu.yield
    }) : () -> ()
    %iota3A = tpu.iota {dimensions = array<i32: 0>} : vector<16xi32>
    %mul3A_1 = arith.constant 0 : i32
    %mul3A_2 = vector.broadcast %mul3A_1 : i32 to vector<16xi32>
    %mul3A_3 = arith.muli %iota3A, %mul3A_2 : vector<16xi32>
    %mul3A_4 = arith.constant 8192 : i32
    %mul3A_5 = arith.muli %add3A, %mul3A_4 : i32
    %add3A_6 = arith.constant 0 : i32
    %add3A_7 = arith.addi %mul3A_5, %add3A_6 : i32
    %dma_start3A = tpu.memref_slice %arg3[%add3A_7] : memref<262144xf32, #tpu.memory_space<hbm>> -> memref<256xf32, #tpu.memory_space<hbm>>
    %dma_start3A_8 = tpu.memref_slice %arg3[%add3A_7] : memref<262144xf32, #tpu.memory_space<hbm>> -> memref<256xf32, #tpu.memory_space<hbm>>
    tpu.enqueue_dma source(%dma_start3A_8 : memref<256xf32, #tpu.memory_space<hbm>>) target(%arg10 : memref<256xf32, #tpu.memory_space<vmem>>) target_semaphore(%arg20 : memref<!tpu.dma_semaphore, #tpu.memory_space<semaphore_mem>>)
    %dma_start3A_9 = tpu.memref_slice %arg4[%add3A_7] : memref<262144xf32, #tpu.memory_space<hbm>> -> memref<256xf32, #tpu.memory_space<hbm>>
    %dma_start3A_10 = tpu.memref_slice %arg4[%add3A_7] : memref<262144xf32, #tpu.memory_space<hbm>> -> memref<256xf32, #tpu.memory_space<hbm>>
    tpu.enqueue_dma source(%dma_start3A_10 : memref<256xf32, #tpu.memory_space<hbm>>) target(%arg11 : memref<256xf32, #tpu.memory_space<vmem>>) target_semaphore(%arg20 : memref<!tpu.dma_semaphore, #tpu.memory_space<semaphore_mem>>)
    %dma_start3A_11 = tpu.memref_slice %arg5[%add3A_7] : memref<262144xf32, #tpu.memory_space<hbm>> -> memref<256xf32, #tpu.memory_space<hbm>>
    %dma_start3A_12 = tpu.memref_slice %arg5[%add3A_7] : memref<262144xf32, #tpu.memory_space<hbm>> -> memref<256xf32, #tpu.memory_space<hbm>>
    tpu.enqueue_dma source(%dma_start3A_12 : memref<256xf32, #tpu.memory_space<hbm>>) target(%arg12 : memref<256xf32, #tpu.memory_space<vmem>>) target_semaphore(%arg20 : memref<!tpu.dma_semaphore, #tpu.memory_space<semaphore_mem>>)
    %scan3A = arith.constant 0 : i32
    %scan3A_13 = arith.constant 0 : i32
    %scan3A_14 = arith.constant 16 : i32
    %scan3A_15 = arith.addi %scan3A_13, %scan3A_14 : i32
    %scan3A_16 = arith.constant 1 : i32
    scf.for %scan3A_29 = %scan3A_13 to %scan3A_15 step %scan3A_16  : i32 {
      %mul3A_30 = arith.constant 2 : i32
      %mul3A_31 = arith.muli %scan3A_29, %mul3A_30 : i32
      %add3A_32 = arith.constant 0 : i32
      %add3A_33 = arith.addi %mul3A_31, %add3A_32 : i32
      %add3A_34 = arith.constant 1 : i32
      %add3A_35 = arith.addi %add3A_33, %add3A_34 : i32
      %mul3A_36 = arith.constant 256 : i32
      %mul3A_37 = arith.muli %add3A_35, %mul3A_36 : i32
      %add3A_38 = arith.addi %mul3A_5, %mul3A_37 : i32
      %dma_start3A_39 = tpu.memref_slice %arg3[%add3A_38] : memref<262144xf32, #tpu.memory_space<hbm>> -> memref<256xf32, #tpu.memory_space<hbm>>
      %dma_start3A_40 = tpu.memref_slice %arg3[%add3A_38] : memref<262144xf32, #tpu.memory_space<hbm>> -> memref<256xf32, #tpu.memory_space<hbm>>
      tpu.enqueue_dma source(%dma_start3A_40 : memref<256xf32, #tpu.memory_space<hbm>>) target(%arg13 : memref<256xf32, #tpu.memory_space<vmem>>) target_semaphore(%arg21 : memref<!tpu.dma_semaphore, #tpu.memory_space<semaphore_mem>>)
      %dma_start3A_41 = tpu.memref_slice %arg4[%add3A_38] : memref<262144xf32, #tpu.memory_space<hbm>> -> memref<256xf32, #tpu.memory_space<hbm>>
      %dma_start3A_42 = tpu.memref_slice %arg4[%add3A_38] : memref<262144xf32, #tpu.memory_space<hbm>> -> memref<256xf32, #tpu.memory_space<hbm>>
      tpu.enqueue_dma source(%dma_start3A_42 : memref<256xf32, #tpu.memory_space<hbm>>) target(%arg14 : memref<256xf32, #tpu.memory_space<vmem>>) target_semaphore(%arg21 : memref<!tpu.dma_semaphore, #tpu.memory_space<semaphore_mem>>)
      %dma_start3A_43 = tpu.memref_slice %arg5[%add3A_38] : memref<262144xf32, #tpu.memory_space<hbm>> -> memref<256xf32, #tpu.memory_space<hbm>>
      %dma_start3A_44 = tpu.memref_slice %arg5[%add3A_38] : memref<262144xf32, #tpu.memory_space<hbm>> -> memref<256xf32, #tpu.memory_space<hbm>>
      tpu.enqueue_dma source(%dma_start3A_44 : memref<256xf32, #tpu.memory_space<hbm>>) target(%arg15 : memref<256xf32, #tpu.memory_space<vmem>>) target_semaphore(%arg21 : memref<!tpu.dma_semaphore, #tpu.memory_space<semaphore_mem>>)
      %mul3A_45 = arith.constant 256 : i32
      %mul3A_46 = arith.muli %add3A_33, %mul3A_45 : i32
      %add3A_47 = arith.addi %mul3A_5, %mul3A_46 : i32
      %dma_wait3A_48 = tpu.memref_slice %arg3[%add3A_47] : memref<262144xf32, #tpu.memory_space<hbm>> -> memref<256xf32, #tpu.memory_space<hbm>>
      %dma_wait3A_49 = tpu.memref_slice %arg3[%add3A_47] : memref<262144xf32, #tpu.memory_space<hbm>> -> memref<256xf32, #tpu.memory_space<hbm>>
      tpu.wait_dma2 semaphore(%arg20 : memref<!tpu.dma_semaphore, #tpu.memory_space<semaphore_mem>>) src(%dma_wait3A_49 : memref<256xf32, #tpu.memory_space<hbm>>) dst(%arg10 : memref<256xf32, #tpu.memory_space<vmem>>)
      %dma_wait3A_50 = tpu.memref_slice %arg4[%add3A_47] : memref<262144xf32, #tpu.memory_space<hbm>> -> memref<256xf32, #tpu.memory_space<hbm>>
      %dma_wait3A_51 = tpu.memref_slice %arg4[%add3A_47] : memref<262144xf32, #tpu.memory_space<hbm>> -> memref<256xf32, #tpu.memory_space<hbm>>
      tpu.wait_dma2 semaphore(%arg20 : memref<!tpu.dma_semaphore, #tpu.memory_space<semaphore_mem>>) src(%dma_wait3A_51 : memref<256xf32, #tpu.memory_space<hbm>>) dst(%arg11 : memref<256xf32, #tpu.memory_space<vmem>>)
      %dma_wait3A_52 = tpu.memref_slice %arg5[%add3A_47] : memref<262144xf32, #tpu.memory_space<hbm>> -> memref<256xf32, #tpu.memory_space<hbm>>
      %dma_wait3A_53 = tpu.memref_slice %arg5[%add3A_47] : memref<262144xf32, #tpu.memory_space<hbm>> -> memref<256xf32, #tpu.memory_space<hbm>>
      tpu.wait_dma2 semaphore(%arg20 : memref<!tpu.dma_semaphore, #tpu.memory_space<semaphore_mem>>) src(%dma_wait3A_53 : memref<256xf32, #tpu.memory_space<hbm>>) dst(%arg12 : memref<256xf32, #tpu.memory_space<vmem>>)
      %gt3A = arith.constant 0 : i32
      %gt3A_54 = arith.cmpi sgt, %scan3A_29, %gt3A : i32
      %convert_element_type3A = arith.extui %gt3A_54 : i1 to i32
      %cond3A = arith.constant 0 : i32
      %cond3A_55 = arith.cmpi ne, %convert_element_type3A, %cond3A : i32
      scf.if %cond3A_55 {
        %mul3A_97 = arith.constant 256 : i32
        %mul3A_98 = arith.muli %add3A_33, %mul3A_97 : i32
        %add3A_99 = arith.addi %mul3A_5, %mul3A_98 : i32
        %dma_wait3A_100 = arith.constant 0 : i32
        %dma_wait3A_101 = tpu.memref_slice %arg8[%add3A_99, %dma_wait3A_100] : memref<262144x64xf32, #tpu.memory_space<hbm>> -> memref<256x64xf32, #tpu.memory_space<hbm>>
        %dma_wait3A_102 = arith.constant 0 : i32
        %dma_wait3A_103 = tpu.memref_slice %arg8[%add3A_99, %dma_wait3A_102] : memref<262144x64xf32, #tpu.memory_space<hbm>> -> memref<256x64xf32, #tpu.memory_space<hbm>>
        tpu.wait_dma2 semaphore(%arg22 : memref<!tpu.dma_semaphore, #tpu.memory_space<semaphore_mem>>) src(%arg16 : memref<256x64xf32, #tpu.memory_space<vmem>>) dst(%dma_wait3A_103 : memref<256x64xf32, #tpu.memory_space<hbm>>)
      } else {
      }
      %parallel_loop3A = arith.constant 0 : i32
      %parallel_loop3A_56 = arith.constant 16 : i32
      %parallel_loop3A_57 = arith.constant 1 : i32
      scf.for %parallel_loop3A_97 = %parallel_loop3A to %parallel_loop3A_56 step %parallel_loop3A_57  : i32 {
        %parallel_loop3A_98 = arith.constant 16 : i32
        %parallel_loop3A_99 = arith.muli %parallel_loop3A_97, %parallel_loop3A_98 : i32
        %parallel_loop3A_100 = arith.index_cast %parallel_loop3A_99 : i32 to index
        %parallel_loop3A_101 = tpu.vector_load %arg10[%parallel_loop3A_100] {strides = array<i32>} : memref<256xf32, #tpu.memory_space<vmem>>, vector<16xf32>,
        %parallel_loop3A_102 = arith.constant 16 : i32
        %parallel_loop3A_103 = arith.muli %parallel_loop3A_97, %parallel_loop3A_102 : i32
        %parallel_loop3A_104 = arith.index_cast %parallel_loop3A_103 : i32 to index
        %parallel_loop3A_105 = tpu.vector_load %arg11[%parallel_loop3A_104] {strides = array<i32>} : memref<256xf32, #tpu.memory_space<vmem>>, vector<16xf32>,
        %parallel_loop3A_106 = arith.constant 16 : i32
        %parallel_loop3A_107 = arith.muli %parallel_loop3A_97, %parallel_loop3A_106 : i32
        %parallel_loop3A_108 = arith.index_cast %parallel_loop3A_107 : i32 to index
        %parallel_loop3A_109 = tpu.vector_load %arg12[%parallel_loop3A_108] {strides = array<i32>} : memref<256xf32, #tpu.memory_space<vmem>>, vector<16xf32>,
        %parallel_loop3A_110 = arith.constant 0.000000e+00 : f32
        %parallel_loop3A_111 = vector.broadcast %parallel_loop3A_110 : f32 to vector<16xf32>
        %parallel_loop3A_112 = arith.maximumf %parallel_loop3A_101, %parallel_loop3A_111 : vector<16xf32>
        %parallel_loop3A_113 = arith.constant 0.999899983 : f32
        %parallel_loop3A_114 = vector.broadcast %parallel_loop3A_113 : f32 to vector<16xf32>
        %parallel_loop3A_115 = arith.minimumf %parallel_loop3A_112, %parallel_loop3A_114 : vector<16xf32>
        %parallel_loop3A_116 = arith.constant 0.000000e+00 : f32
        %parallel_loop3A_117 = vector.broadcast %parallel_loop3A_116 : f32 to vector<16xf32>
        %parallel_loop3A_118 = arith.maximumf %parallel_loop3A_105, %parallel_loop3A_117 : vector<16xf32>
        %parallel_loop3A_119 = arith.constant 0.999899983 : f32
        %parallel_loop3A_120 = vector.broadcast %parallel_loop3A_119 : f32 to vector<16xf32>
        %parallel_loop3A_121 = arith.minimumf %parallel_loop3A_118, %parallel_loop3A_120 : vector<16xf32>
        %parallel_loop3A_122 = arith.constant 0.000000e+00 : f32
        %parallel_loop3A_123 = vector.broadcast %parallel_loop3A_122 : f32 to vector<16xf32>
        %parallel_loop3A_124 = arith.maximumf %parallel_loop3A_109, %parallel_loop3A_123 : vector<16xf32>
        %parallel_loop3A_125 = arith.constant 0.999899983 : f32
        %parallel_loop3A_126 = vector.broadcast %parallel_loop3A_125 : f32 to vector<16xf32>
        %parallel_loop3A_127 = arith.minimumf %parallel_loop3A_124, %parallel_loop3A_126 : vector<16xf32>
        %parallel_loop3A_128 = arith.constant 16 : i32
        %parallel_loop3A_129 = arith.muli %parallel_loop3A_97, %parallel_loop3A_128 : i32
        %parallel_loop3A_130 = vector.broadcast %parallel_loop3A_129 : i32 to vector<16xi32>
        %parallel_loop3A_131 = arith.addi %iota3A, %parallel_loop3A_130 : vector<16xi32>
        %parallel_loop3A_132 = arith.constant 0 : i32
        %parallel_loop3A_133 = arith.constant 12 : i32
        %parallel_loop3A_134 = arith.constant 1 : i32
        scf.for %parallel_loop3A_138 = %parallel_loop3A_132 to %parallel_loop3A_133 step %parallel_loop3A_134  : i32 {
          %parallel_loop3A_139 = arith.constant 16 : i32
          %parallel_loop3A_140 = arith.muli %parallel_loop3A_138, %parallel_loop3A_139 : i32
          %parallel_loop3A_141 = arith.index_cast %parallel_loop3A_140 : i32 to index
          %parallel_loop3A_142 = tpu.vector_load %arg18[%parallel_loop3A_141] {strides = array<i32>} : memref<192xf32, #tpu.memory_space<vmem>>, vector<16xf32>,
          %parallel_loop3A_143 = arith.mulf %parallel_loop3A_115, %parallel_loop3A_142 : vector<16xf32>
          %parallel_loop3A_144 = arith.mulf %parallel_loop3A_121, %parallel_loop3A_142 : vector<16xf32>
          %parallel_loop3A_145 = arith.mulf %parallel_loop3A_127, %parallel_loop3A_142 : vector<16xf32>
          %parallel_loop3A_146 = arith.fptosi %parallel_loop3A_143 : vector<16xf32> to vector<16xi32>
          %parallel_loop3A_147 = arith.fptosi %parallel_loop3A_144 : vector<16xf32> to vector<16xi32>
          %parallel_loop3A_148 = arith.fptosi %parallel_loop3A_145 : vector<16xf32> to vector<16xi32>
          %parallel_loop3A_149 = arith.sitofp %parallel_loop3A_146 : vector<16xi32> to vector<16xf32>
          %parallel_loop3A_150 = arith.subf %parallel_loop3A_143, %parallel_loop3A_149 : vector<16xf32>
          %parallel_loop3A_151 = arith.sitofp %parallel_loop3A_147 : vector<16xi32> to vector<16xf32>
          %parallel_loop3A_152 = arith.subf %parallel_loop3A_144, %parallel_loop3A_151 : vector<16xf32>
          %parallel_loop3A_153 = arith.sitofp %parallel_loop3A_148 : vector<16xi32> to vector<16xf32>
          %parallel_loop3A_154 = arith.subf %parallel_loop3A_145, %parallel_loop3A_153 : vector<16xf32>
          %parallel_loop3A_155 = arith.constant 1.000000e+00 : f32
          %parallel_loop3A_156 = vector.broadcast %parallel_loop3A_155 : f32 to vector<16xf32>
          %parallel_loop3A_157 = arith.subf %parallel_loop3A_156, %parallel_loop3A_150 : vector<16xf32>
          %parallel_loop3A_158 = arith.constant 1.000000e+00 : f32
          %parallel_loop3A_159 = vector.broadcast %parallel_loop3A_158 : f32 to vector<16xf32>
          %parallel_loop3A_160 = arith.subf %parallel_loop3A_159, %parallel_loop3A_152 : vector<16xf32>
          %parallel_loop3A_161 = arith.constant 1.000000e+00 : f32
          %parallel_loop3A_162 = vector.broadcast %parallel_loop3A_161 : f32 to vector<16xf32>
          %parallel_loop3A_163 = arith.subf %parallel_loop3A_162, %parallel_loop3A_154 : vector<16xf32>
          %parallel_loop3A_164 = arith.constant -1640531535 : i32
          %parallel_loop3A_165 = vector.broadcast %parallel_loop3A_164 : i32 to vector<16xi32>
          %parallel_loop3A_166 = arith.muli %parallel_loop3A_147, %parallel_loop3A_165 : vector<16xi32>
          %parallel_loop3A_167 = arith.constant -1640531535 : i32
          %parallel_loop3A_168 = vector.broadcast %parallel_loop3A_167 : i32 to vector<16xi32>
          %parallel_loop3A_169 = arith.addi %parallel_loop3A_166, %parallel_loop3A_168 : vector<16xi32>
          %parallel_loop3A_170 = arith.constant 805459861 : i32
          %parallel_loop3A_171 = vector.broadcast %parallel_loop3A_170 : i32 to vector<16xi32>
          %parallel_loop3A_172 = arith.muli %parallel_loop3A_148, %parallel_loop3A_171 : vector<16xi32>
          %parallel_loop3A_173 = arith.constant 805459861 : i32
          %parallel_loop3A_174 = vector.broadcast %parallel_loop3A_173 : i32 to vector<16xi32>
          %parallel_loop3A_175 = arith.addi %parallel_loop3A_172, %parallel_loop3A_174 : vector<16xi32>
          %parallel_loop3A_176 = arith.constant 1 : i32
          %parallel_loop3A_177 = vector.broadcast %parallel_loop3A_176 : i32 to vector<16xi32>
          %parallel_loop3A_178 = arith.addi %parallel_loop3A_146, %parallel_loop3A_177 : vector<16xi32>
          %parallel_loop3A_179 = arith.xori %parallel_loop3A_146, %parallel_loop3A_166 : vector<16xi32>
          %parallel_loop3A_180 = arith.xori %parallel_loop3A_146, %parallel_loop3A_169 : vector<16xi32>
          %parallel_loop3A_181 = arith.xori %parallel_loop3A_178, %parallel_loop3A_166 : vector<16xi32>
          %parallel_loop3A_182 = arith.xori %parallel_loop3A_178, %parallel_loop3A_169 : vector<16xi32>
          %parallel_loop3A_183 = arith.mulf %parallel_loop3A_157, %parallel_loop3A_160 : vector<16xf32>
          %parallel_loop3A_184 = arith.mulf %parallel_loop3A_157, %parallel_loop3A_152 : vector<16xf32>
          %parallel_loop3A_185 = arith.mulf %parallel_loop3A_150, %parallel_loop3A_160 : vector<16xf32>
          %parallel_loop3A_186 = arith.mulf %parallel_loop3A_150, %parallel_loop3A_152 : vector<16xf32>
          %parallel_loop3A_187 = arith.constant 1024 : i32
          %parallel_loop3A_188 = arith.muli %parallel_loop3A_138, %parallel_loop3A_187 : i32
          %parallel_loop3A_189 = arith.xori %parallel_loop3A_179, %parallel_loop3A_172 : vector<16xi32>
          %parallel_loop3A_190 = arith.mulf %parallel_loop3A_183, %parallel_loop3A_163 : vector<16xf32>
          %parallel_loop3A_191 = arith.constant 8191 : i32
          %parallel_loop3A_192 = vector.broadcast %parallel_loop3A_191 : i32 to vector<16xi32>
          %parallel_loop3A_193 = arith.andi %parallel_loop3A_189, %parallel_loop3A_192 : vector<16xi32>
          %parallel_loop3A_194 = arith.constant 3 : i32
          %parallel_loop3A_195 = vector.broadcast %parallel_loop3A_194 : i32 to vector<16xi32>
          %parallel_loop3A_196 = arith.shrui %parallel_loop3A_193, %parallel_loop3A_195 : vector<16xi32>
          %parallel_loop3A_197 = arith.constant 7 : i32
          %parallel_loop3A_198 = vector.broadcast %parallel_loop3A_197 : i32 to vector<16xi32>
          %parallel_loop3A_199 = arith.andi %parallel_loop3A_193, %parallel_loop3A_198 : vector<16xi32>
          %parallel_loop3A_200 = arith.constant 2 : i32
          %parallel_loop3A_201 = vector.broadcast %parallel_loop3A_200 : i32 to vector<16xi32>
          %parallel_loop3A_202 = arith.shli %parallel_loop3A_199, %parallel_loop3A_201 : vector<16xi32>
          %parallel_loop3A_203 = arith.constant 28 : i32
          %parallel_loop3A_204 = vector.broadcast %parallel_loop3A_203 : i32 to vector<16xi32>
          %parallel_loop3A_205 = arith.subi %parallel_loop3A_204, %parallel_loop3A_202 : vector<16xi32>
          %parallel_loop3A_206 = tpu.memref_slice %arg9[%parallel_loop3A_188] : memref<61440xi32, #tpu.memory_space<vmem>> -> memref<1024xi32, #tpu.memory_space<vmem>>
          %parallel_loop3A_207 = tpu.vector_load_idx %parallel_loop3A_206[%parallel_loop3A_196] : memref<1024xi32, #tpu.memory_space<vmem>>[vector<16xi32>], vector<16xi32>,
          %parallel_loop3A_208 = arith.shli %parallel_loop3A_207, %parallel_loop3A_205 : vector<16xi32>
          %parallel_loop3A_209 = tpu.bitcast %parallel_loop3A_190 : vector<16xf32> -> vector<16xi32>
          %parallel_loop3A_210 = arith.constant 3 : i32
          %parallel_loop3A_211 = vector.broadcast %parallel_loop3A_210 : i32 to vector<16xi32>
          %parallel_loop3A_212 = arith.shli %parallel_loop3A_208, %parallel_loop3A_211 : vector<16xi32>
          %parallel_loop3A_213 = arith.constant -2147483648 : i32
          %parallel_loop3A_214 = vector.broadcast %parallel_loop3A_213 : i32 to vector<16xi32>
          %parallel_loop3A_215 = arith.andi %parallel_loop3A_212, %parallel_loop3A_214 : vector<16xi32>
          %parallel_loop3A_216 = arith.xori %parallel_loop3A_215, %parallel_loop3A_209 : vector<16xi32>
          %parallel_loop3A_217 = tpu.bitcast %parallel_loop3A_216 : vector<16xi32> -> vector<16xf32>
          %parallel_loop3A_218 = arith.constant 2 : i32
          %parallel_loop3A_219 = vector.broadcast %parallel_loop3A_218 : i32 to vector<16xi32>
          %parallel_loop3A_220 = arith.shli %parallel_loop3A_208, %parallel_loop3A_219 : vector<16xi32>
          %parallel_loop3A_221 = arith.constant -2147483648 : i32
          %parallel_loop3A_222 = vector.broadcast %parallel_loop3A_221 : i32 to vector<16xi32>
          %parallel_loop3A_223 = arith.andi %parallel_loop3A_220, %parallel_loop3A_222 : vector<16xi32>
          %parallel_loop3A_224 = arith.xori %parallel_loop3A_223, %parallel_loop3A_209 : vector<16xi32>
          %parallel_loop3A_225 = tpu.bitcast %parallel_loop3A_224 : vector<16xi32> -> vector<16xf32>
          %parallel_loop3A_226 = arith.constant 1 : i32
          %parallel_loop3A_227 = vector.broadcast %parallel_loop3A_226 : i32 to vector<16xi32>
          %parallel_loop3A_228 = arith.shli %parallel_loop3A_208, %parallel_loop3A_227 : vector<16xi32>
          %parallel_loop3A_229 = arith.constant -2147483648 : i32
          %parallel_loop3A_230 = vector.broadcast %parallel_loop3A_229 : i32 to vector<16xi32>
          %parallel_loop3A_231 = arith.andi %parallel_loop3A_228, %parallel_loop3A_230 : vector<16xi32>
          %parallel_loop3A_232 = arith.xori %parallel_loop3A_231, %parallel_loop3A_209 : vector<16xi32>
          %parallel_loop3A_233 = tpu.bitcast %parallel_loop3A_232 : vector<16xi32> -> vector<16xf32>
          %parallel_loop3A_234 = arith.constant -2147483648 : i32
          %parallel_loop3A_235 = vector.broadcast %parallel_loop3A_234 : i32 to vector<16xi32>
          %parallel_loop3A_236 = arith.andi %parallel_loop3A_208, %parallel_loop3A_235 : vector<16xi32>
          %parallel_loop3A_237 = arith.xori %parallel_loop3A_236, %parallel_loop3A_209 : vector<16xi32>
          %parallel_loop3A_238 = tpu.bitcast %parallel_loop3A_237 : vector<16xi32> -> vector<16xf32>
          %parallel_loop3A_239 = arith.xori %parallel_loop3A_179, %parallel_loop3A_175 : vector<16xi32>
          %parallel_loop3A_240 = arith.mulf %parallel_loop3A_183, %parallel_loop3A_154 : vector<16xf32>
          %parallel_loop3A_241 = arith.constant 8191 : i32
          %parallel_loop3A_242 = vector.broadcast %parallel_loop3A_241 : i32 to vector<16xi32>
          %parallel_loop3A_243 = arith.andi %parallel_loop3A_239, %parallel_loop3A_242 : vector<16xi32>
          %parallel_loop3A_244 = arith.constant 3 : i32
          %parallel_loop3A_245 = vector.broadcast %parallel_loop3A_244 : i32 to vector<16xi32>
          %parallel_loop3A_246 = arith.shrui %parallel_loop3A_243, %parallel_loop3A_245 : vector<16xi32>
          %parallel_loop3A_247 = arith.constant 7 : i32
          %parallel_loop3A_248 = vector.broadcast %parallel_loop3A_247 : i32 to vector<16xi32>
          %parallel_loop3A_249 = arith.andi %parallel_loop3A_243, %parallel_loop3A_248 : vector<16xi32>
          %parallel_loop3A_250 = arith.constant 2 : i32
          %parallel_loop3A_251 = vector.broadcast %parallel_loop3A_250 : i32 to vector<16xi32>
          %parallel_loop3A_252 = arith.shli %parallel_loop3A_249, %parallel_loop3A_251 : vector<16xi32>
          %parallel_loop3A_253 = arith.constant 28 : i32
          %parallel_loop3A_254 = vector.broadcast %parallel_loop3A_253 : i32 to vector<16xi32>
          %parallel_loop3A_255 = arith.subi %parallel_loop3A_254, %parallel_loop3A_252 : vector<16xi32>
          %parallel_loop3A_256 = tpu.memref_slice %arg9[%parallel_loop3A_188] : memref<61440xi32, #tpu.memory_space<vmem>> -> memref<1024xi32, #tpu.memory_space<vmem>>
          %parallel_loop3A_257 = tpu.vector_load_idx %parallel_loop3A_256[%parallel_loop3A_246] : memref<1024xi32, #tpu.memory_space<vmem>>[vector<16xi32>], vector<16xi32>,
          %parallel_loop3A_258 = arith.shli %parallel_loop3A_257, %parallel_loop3A_255 : vector<16xi32>
          %parallel_loop3A_259 = tpu.bitcast %parallel_loop3A_240 : vector<16xf32> -> vector<16xi32>
          %parallel_loop3A_260 = arith.constant 3 : i32
          %parallel_loop3A_261 = vector.broadcast %parallel_loop3A_260 : i32 to vector<16xi32>
          %parallel_loop3A_262 = arith.shli %parallel_loop3A_258, %parallel_loop3A_261 : vector<16xi32>
          %parallel_loop3A_263 = arith.constant -2147483648 : i32
          %parallel_loop3A_264 = vector.broadcast %parallel_loop3A_263 : i32 to vector<16xi32>
          %parallel_loop3A_265 = arith.andi %parallel_loop3A_262, %parallel_loop3A_264 : vector<16xi32>
          %parallel_loop3A_266 = arith.xori %parallel_loop3A_265, %parallel_loop3A_259 : vector<16xi32>
          %parallel_loop3A_267 = tpu.bitcast %parallel_loop3A_266 : vector<16xi32> -> vector<16xf32>
          %parallel_loop3A_268 = arith.addf %parallel_loop3A_217, %parallel_loop3A_267 : vector<16xf32>
          %parallel_loop3A_269 = arith.constant 2 : i32
          %parallel_loop3A_270 = vector.broadcast %parallel_loop3A_269 : i32 to vector<16xi32>
          %parallel_loop3A_271 = arith.shli %parallel_loop3A_258, %parallel_loop3A_270 : vector<16xi32>
          %parallel_loop3A_272 = arith.constant -2147483648 : i32
          %parallel_loop3A_273 = vector.broadcast %parallel_loop3A_272 : i32 to vector<16xi32>
          %parallel_loop3A_274 = arith.andi %parallel_loop3A_271, %parallel_loop3A_273 : vector<16xi32>
          %parallel_loop3A_275 = arith.xori %parallel_loop3A_274, %parallel_loop3A_259 : vector<16xi32>
          %parallel_loop3A_276 = tpu.bitcast %parallel_loop3A_275 : vector<16xi32> -> vector<16xf32>
          %parallel_loop3A_277 = arith.addf %parallel_loop3A_225, %parallel_loop3A_276 : vector<16xf32>
          %parallel_loop3A_278 = arith.constant 1 : i32
          %parallel_loop3A_279 = vector.broadcast %parallel_loop3A_278 : i32 to vector<16xi32>
          %parallel_loop3A_280 = arith.shli %parallel_loop3A_258, %parallel_loop3A_279 : vector<16xi32>
          %parallel_loop3A_281 = arith.constant -2147483648 : i32
          %parallel_loop3A_282 = vector.broadcast %parallel_loop3A_281 : i32 to vector<16xi32>
          %parallel_loop3A_283 = arith.andi %parallel_loop3A_280, %parallel_loop3A_282 : vector<16xi32>
          %parallel_loop3A_284 = arith.xori %parallel_loop3A_283, %parallel_loop3A_259 : vector<16xi32>
          %parallel_loop3A_285 = tpu.bitcast %parallel_loop3A_284 : vector<16xi32> -> vector<16xf32>
          %parallel_loop3A_286 = arith.addf %parallel_loop3A_233, %parallel_loop3A_285 : vector<16xf32>
          %parallel_loop3A_287 = arith.constant -2147483648 : i32
          %parallel_loop3A_288 = vector.broadcast %parallel_loop3A_287 : i32 to vector<16xi32>
          %parallel_loop3A_289 = arith.andi %parallel_loop3A_258, %parallel_loop3A_288 : vector<16xi32>
          %parallel_loop3A_290 = arith.xori %parallel_loop3A_289, %parallel_loop3A_259 : vector<16xi32>
          %parallel_loop3A_291 = tpu.bitcast %parallel_loop3A_290 : vector<16xi32> -> vector<16xf32>
          %parallel_loop3A_292 = arith.addf %parallel_loop3A_238, %parallel_loop3A_291 : vector<16xf32>
          %parallel_loop3A_293 = arith.xori %parallel_loop3A_180, %parallel_loop3A_172 : vector<16xi32>
          %parallel_loop3A_294 = arith.mulf %parallel_loop3A_184, %parallel_loop3A_163 : vector<16xf32>
          %parallel_loop3A_295 = arith.constant 8191 : i32
          %parallel_loop3A_296 = vector.broadcast %parallel_loop3A_295 : i32 to vector<16xi32>
          %parallel_loop3A_297 = arith.andi %parallel_loop3A_293, %parallel_loop3A_296 : vector<16xi32>
          %parallel_loop3A_298 = arith.constant 3 : i32
          %parallel_loop3A_299 = vector.broadcast %parallel_loop3A_298 : i32 to vector<16xi32>
          %parallel_loop3A_300 = arith.shrui %parallel_loop3A_297, %parallel_loop3A_299 : vector<16xi32>
          %parallel_loop3A_301 = arith.constant 7 : i32
          %parallel_loop3A_302 = vector.broadcast %parallel_loop3A_301 : i32 to vector<16xi32>
          %parallel_loop3A_303 = arith.andi %parallel_loop3A_297, %parallel_loop3A_302 : vector<16xi32>
          %parallel_loop3A_304 = arith.constant 2 : i32
          %parallel_loop3A_305 = vector.broadcast %parallel_loop3A_304 : i32 to vector<16xi32>
          %parallel_loop3A_306 = arith.shli %parallel_loop3A_303, %parallel_loop3A_305 : vector<16xi32>
          %parallel_loop3A_307 = arith.constant 28 : i32
          %parallel_loop3A_308 = vector.broadcast %parallel_loop3A_307 : i32 to vector<16xi32>
          %parallel_loop3A_309 = arith.subi %parallel_loop3A_308, %parallel_loop3A_306 : vector<16xi32>
          %parallel_loop3A_310 = tpu.memref_slice %arg9[%parallel_loop3A_188] : memref<61440xi32, #tpu.memory_space<vmem>> -> memref<1024xi32, #tpu.memory_space<vmem>>
          %parallel_loop3A_311 = tpu.vector_load_idx %parallel_loop3A_310[%parallel_loop3A_300] : memref<1024xi32, #tpu.memory_space<vmem>>[vector<16xi32>], vector<16xi32>,
          %parallel_loop3A_312 = arith.shli %parallel_loop3A_311, %parallel_loop3A_309 : vector<16xi32>
          %parallel_loop3A_313 = tpu.bitcast %parallel_loop3A_294 : vector<16xf32> -> vector<16xi32>
          %parallel_loop3A_314 = arith.constant 3 : i32
          %parallel_loop3A_315 = vector.broadcast %parallel_loop3A_314 : i32 to vector<16xi32>
          %parallel_loop3A_316 = arith.shli %parallel_loop3A_312, %parallel_loop3A_315 : vector<16xi32>
          %parallel_loop3A_317 = arith.constant -2147483648 : i32
          %parallel_loop3A_318 = vector.broadcast %parallel_loop3A_317 : i32 to vector<16xi32>
          %parallel_loop3A_319 = arith.andi %parallel_loop3A_316, %parallel_loop3A_318 : vector<16xi32>
          %parallel_loop3A_320 = arith.xori %parallel_loop3A_319, %parallel_loop3A_313 : vector<16xi32>
          %parallel_loop3A_321 = tpu.bitcast %parallel_loop3A_320 : vector<16xi32> -> vector<16xf32>
          %parallel_loop3A_322 = arith.addf %parallel_loop3A_268, %parallel_loop3A_321 : vector<16xf32>
          %parallel_loop3A_323 = arith.constant 2 : i32
          %parallel_loop3A_324 = vector.broadcast %parallel_loop3A_323 : i32 to vector<16xi32>
          %parallel_loop3A_325 = arith.shli %parallel_loop3A_312, %parallel_loop3A_324 : vector<16xi32>
          %parallel_loop3A_326 = arith.constant -2147483648 : i32
          %parallel_loop3A_327 = vector.broadcast %parallel_loop3A_326 : i32 to vector<16xi32>
          %parallel_loop3A_328 = arith.andi %parallel_loop3A_325, %parallel_loop3A_327 : vector<16xi32>
          %parallel_loop3A_329 = arith.xori %parallel_loop3A_328, %parallel_loop3A_313 : vector<16xi32>
          %parallel_loop3A_330 = tpu.bitcast %parallel_loop3A_329 : vector<16xi32> -> vector<16xf32>
          %parallel_loop3A_331 = arith.addf %parallel_loop3A_277, %parallel_loop3A_330 : vector<16xf32>
          %parallel_loop3A_332 = arith.constant 1 : i32
          %parallel_loop3A_333 = vector.broadcast %parallel_loop3A_332 : i32 to vector<16xi32>
          %parallel_loop3A_334 = arith.shli %parallel_loop3A_312, %parallel_loop3A_333 : vector<16xi32>
          %parallel_loop3A_335 = arith.constant -2147483648 : i32
          %parallel_loop3A_336 = vector.broadcast %parallel_loop3A_335 : i32 to vector<16xi32>
          %parallel_loop3A_337 = arith.andi %parallel_loop3A_334, %parallel_loop3A_336 : vector<16xi32>
          %parallel_loop3A_338 = arith.xori %parallel_loop3A_337, %parallel_loop3A_313 : vector<16xi32>
          %parallel_loop3A_339 = tpu.bitcast %parallel_loop3A_338 : vector<16xi32> -> vector<16xf32>
          %parallel_loop3A_340 = arith.addf %parallel_loop3A_286, %parallel_loop3A_339 : vector<16xf32>
          %parallel_loop3A_341 = arith.constant -2147483648 : i32
          %parallel_loop3A_342 = vector.broadcast %parallel_loop3A_341 : i32 to vector<16xi32>
          %parallel_loop3A_343 = arith.andi %parallel_loop3A_312, %parallel_loop3A_342 : vector<16xi32>
          %parallel_loop3A_344 = arith.xori %parallel_loop3A_343, %parallel_loop3A_313 : vector<16xi32>
          %parallel_loop3A_345 = tpu.bitcast %parallel_loop3A_344 : vector<16xi32> -> vector<16xf32>
          %parallel_loop3A_346 = arith.addf %parallel_loop3A_292, %parallel_loop3A_345 : vector<16xf32>
          %parallel_loop3A_347 = arith.xori %parallel_loop3A_180, %parallel_loop3A_175 : vector<16xi32>
          %parallel_loop3A_348 = arith.mulf %parallel_loop3A_184, %parallel_loop3A_154 : vector<16xf32>
          %parallel_loop3A_349 = arith.constant 8191 : i32
          %parallel_loop3A_350 = vector.broadcast %parallel_loop3A_349 : i32 to vector<16xi32>
          %parallel_loop3A_351 = arith.andi %parallel_loop3A_347, %parallel_loop3A_350 : vector<16xi32>
          %parallel_loop3A_352 = arith.constant 3 : i32
          %parallel_loop3A_353 = vector.broadcast %parallel_loop3A_352 : i32 to vector<16xi32>
          %parallel_loop3A_354 = arith.shrui %parallel_loop3A_351, %parallel_loop3A_353 : vector<16xi32>
          %parallel_loop3A_355 = arith.constant 7 : i32
          %parallel_loop3A_356 = vector.broadcast %parallel_loop3A_355 : i32 to vector<16xi32>
          %parallel_loop3A_357 = arith.andi %parallel_loop3A_351, %parallel_loop3A_356 : vector<16xi32>
          %parallel_loop3A_358 = arith.constant 2 : i32
          %parallel_loop3A_359 = vector.broadcast %parallel_loop3A_358 : i32 to vector<16xi32>
          %parallel_loop3A_360 = arith.shli %parallel_loop3A_357, %parallel_loop3A_359 : vector<16xi32>
          %parallel_loop3A_361 = arith.constant 28 : i32
          %parallel_loop3A_362 = vector.broadcast %parallel_loop3A_361 : i32 to vector<16xi32>
          %parallel_loop3A_363 = arith.subi %parallel_loop3A_362, %parallel_loop3A_360 : vector<16xi32>
          %parallel_loop3A_364 = tpu.memref_slice %arg9[%parallel_loop3A_188] : memref<61440xi32, #tpu.memory_space<vmem>> -> memref<1024xi32, #tpu.memory_space<vmem>>
          %parallel_loop3A_365 = tpu.vector_load_idx %parallel_loop3A_364[%parallel_loop3A_354] : memref<1024xi32, #tpu.memory_space<vmem>>[vector<16xi32>], vector<16xi32>,
          %parallel_loop3A_366 = arith.shli %parallel_loop3A_365, %parallel_loop3A_363 : vector<16xi32>
          %parallel_loop3A_367 = tpu.bitcast %parallel_loop3A_348 : vector<16xf32> -> vector<16xi32>
          %parallel_loop3A_368 = arith.constant 3 : i32
          %parallel_loop3A_369 = vector.broadcast %parallel_loop3A_368 : i32 to vector<16xi32>
          %parallel_loop3A_370 = arith.shli %parallel_loop3A_366, %parallel_loop3A_369 : vector<16xi32>
          %parallel_loop3A_371 = arith.constant -2147483648 : i32
          %parallel_loop3A_372 = vector.broadcast %parallel_loop3A_371 : i32 to vector<16xi32>
          %parallel_loop3A_373 = arith.andi %parallel_loop3A_370, %parallel_loop3A_372 : vector<16xi32>
          %parallel_loop3A_374 = arith.xori %parallel_loop3A_373, %parallel_loop3A_367 : vector<16xi32>
          %parallel_loop3A_375 = tpu.bitcast %parallel_loop3A_374 : vector<16xi32> -> vector<16xf32>
          %parallel_loop3A_376 = arith.addf %parallel_loop3A_322, %parallel_loop3A_375 : vector<16xf32>
          %parallel_loop3A_377 = arith.constant 2 : i32
          %parallel_loop3A_378 = vector.broadcast %parallel_loop3A_377 : i32 to vector<16xi32>
          %parallel_loop3A_379 = arith.shli %parallel_loop3A_366, %parallel_loop3A_378 : vector<16xi32>
          %parallel_loop3A_380 = arith.constant -2147483648 : i32
          %parallel_loop3A_381 = vector.broadcast %parallel_loop3A_380 : i32 to vector<16xi32>
          %parallel_loop3A_382 = arith.andi %parallel_loop3A_379, %parallel_loop3A_381 : vector<16xi32>
          %parallel_loop3A_383 = arith.xori %parallel_loop3A_382, %parallel_loop3A_367 : vector<16xi32>
          %parallel_loop3A_384 = tpu.bitcast %parallel_loop3A_383 : vector<16xi32> -> vector<16xf32>
          %parallel_loop3A_385 = arith.addf %parallel_loop3A_331, %parallel_loop3A_384 : vector<16xf32>
          %parallel_loop3A_386 = arith.constant 1 : i32
          %parallel_loop3A_387 = vector.broadcast %parallel_loop3A_386 : i32 to vector<16xi32>
          %parallel_loop3A_388 = arith.shli %parallel_loop3A_366, %parallel_loop3A_387 : vector<16xi32>
          %parallel_loop3A_389 = arith.constant -2147483648 : i32
          %parallel_loop3A_390 = vector.broadcast %parallel_loop3A_389 : i32 to vector<16xi32>
          %parallel_loop3A_391 = arith.andi %parallel_loop3A_388, %parallel_loop3A_390 : vector<16xi32>
          %parallel_loop3A_392 = arith.xori %parallel_loop3A_391, %parallel_loop3A_367 : vector<16xi32>
          %parallel_loop3A_393 = tpu.bitcast %parallel_loop3A_392 : vector<16xi32> -> vector<16xf32>
          %parallel_loop3A_394 = arith.addf %parallel_loop3A_340, %parallel_loop3A_393 : vector<16xf32>
          %parallel_loop3A_395 = arith.constant -2147483648 : i32
          %parallel_loop3A_396 = vector.broadcast %parallel_loop3A_395 : i32 to vector<16xi32>
          %parallel_loop3A_397 = arith.andi %parallel_loop3A_366, %parallel_loop3A_396 : vector<16xi32>
          %parallel_loop3A_398 = arith.xori %parallel_loop3A_397, %parallel_loop3A_367 : vector<16xi32>
          %parallel_loop3A_399 = tpu.bitcast %parallel_loop3A_398 : vector<16xi32> -> vector<16xf32>
          %parallel_loop3A_400 = arith.addf %parallel_loop3A_346, %parallel_loop3A_399 : vector<16xf32>
          %parallel_loop3A_401 = arith.xori %parallel_loop3A_181, %parallel_loop3A_172 : vector<16xi32>
          %parallel_loop3A_402 = arith.mulf %parallel_loop3A_185, %parallel_loop3A_163 : vector<16xf32>
          %parallel_loop3A_403 = arith.constant 8191 : i32
          %parallel_loop3A_404 = vector.broadcast %parallel_loop3A_403 : i32 to vector<16xi32>
          %parallel_loop3A_405 = arith.andi %parallel_loop3A_401, %parallel_loop3A_404 : vector<16xi32>
          %parallel_loop3A_406 = arith.constant 3 : i32
          %parallel_loop3A_407 = vector.broadcast %parallel_loop3A_406 : i32 to vector<16xi32>
          %parallel_loop3A_408 = arith.shrui %parallel_loop3A_405, %parallel_loop3A_407 : vector<16xi32>
          %parallel_loop3A_409 = arith.constant 7 : i32
          %parallel_loop3A_410 = vector.broadcast %parallel_loop3A_409 : i32 to vector<16xi32>
          %parallel_loop3A_411 = arith.andi %parallel_loop3A_405, %parallel_loop3A_410 : vector<16xi32>
          %parallel_loop3A_412 = arith.constant 2 : i32
          %parallel_loop3A_413 = vector.broadcast %parallel_loop3A_412 : i32 to vector<16xi32>
          %parallel_loop3A_414 = arith.shli %parallel_loop3A_411, %parallel_loop3A_413 : vector<16xi32>
          %parallel_loop3A_415 = arith.constant 28 : i32
          %parallel_loop3A_416 = vector.broadcast %parallel_loop3A_415 : i32 to vector<16xi32>
          %parallel_loop3A_417 = arith.subi %parallel_loop3A_416, %parallel_loop3A_414 : vector<16xi32>
          %parallel_loop3A_418 = tpu.memref_slice %arg9[%parallel_loop3A_188] : memref<61440xi32, #tpu.memory_space<vmem>> -> memref<1024xi32, #tpu.memory_space<vmem>>
          %parallel_loop3A_419 = tpu.vector_load_idx %parallel_loop3A_418[%parallel_loop3A_408] : memref<1024xi32, #tpu.memory_space<vmem>>[vector<16xi32>], vector<16xi32>,
          %parallel_loop3A_420 = arith.shli %parallel_loop3A_419, %parallel_loop3A_417 : vector<16xi32>
          %parallel_loop3A_421 = tpu.bitcast %parallel_loop3A_402 : vector<16xf32> -> vector<16xi32>
          %parallel_loop3A_422 = arith.constant 3 : i32
          %parallel_loop3A_423 = vector.broadcast %parallel_loop3A_422 : i32 to vector<16xi32>
          %parallel_loop3A_424 = arith.shli %parallel_loop3A_420, %parallel_loop3A_423 : vector<16xi32>
          %parallel_loop3A_425 = arith.constant -2147483648 : i32
          %parallel_loop3A_426 = vector.broadcast %parallel_loop3A_425 : i32 to vector<16xi32>
          %parallel_loop3A_427 = arith.andi %parallel_loop3A_424, %parallel_loop3A_426 : vector<16xi32>
          %parallel_loop3A_428 = arith.xori %parallel_loop3A_427, %parallel_loop3A_421 : vector<16xi32>
          %parallel_loop3A_429 = tpu.bitcast %parallel_loop3A_428 : vector<16xi32> -> vector<16xf32>
          %parallel_loop3A_430 = arith.addf %parallel_loop3A_376, %parallel_loop3A_429 : vector<16xf32>
          %parallel_loop3A_431 = arith.constant 2 : i32
          %parallel_loop3A_432 = vector.broadcast %parallel_loop3A_431 : i32 to vector<16xi32>
          %parallel_loop3A_433 = arith.shli %parallel_loop3A_420, %parallel_loop3A_432 : vector<16xi32>
          %parallel_loop3A_434 = arith.constant -2147483648 : i32
          %parallel_loop3A_435 = vector.broadcast %parallel_loop3A_434 : i32 to vector<16xi32>
          %parallel_loop3A_436 = arith.andi %parallel_loop3A_433, %parallel_loop3A_435 : vector<16xi32>
          %parallel_loop3A_437 = arith.xori %parallel_loop3A_436, %parallel_loop3A_421 : vector<16xi32>
          %parallel_loop3A_438 = tpu.bitcast %parallel_loop3A_437 : vector<16xi32> -> vector<16xf32>
          %parallel_loop3A_439 = arith.addf %parallel_loop3A_385, %parallel_loop3A_438 : vector<16xf32>
          %parallel_loop3A_440 = arith.constant 1 : i32
          %parallel_loop3A_441 = vector.broadcast %parallel_loop3A_440 : i32 to vector<16xi32>
          %parallel_loop3A_442 = arith.shli %parallel_loop3A_420, %parallel_loop3A_441 : vector<16xi32>
          %parallel_loop3A_443 = arith.constant -2147483648 : i32
          %parallel_loop3A_444 = vector.broadcast %parallel_loop3A_443 : i32 to vector<16xi32>
          %parallel_loop3A_445 = arith.andi %parallel_loop3A_442, %parallel_loop3A_444 : vector<16xi32>
          %parallel_loop3A_446 = arith.xori %parallel_loop3A_445, %parallel_loop3A_421 : vector<16xi32>
          %parallel_loop3A_447 = tpu.bitcast %parallel_loop3A_446 : vector<16xi32> -> vector<16xf32>
          %parallel_loop3A_448 = arith.addf %parallel_loop3A_394, %parallel_loop3A_447 : vector<16xf32>
          %parallel_loop3A_449 = arith.constant -2147483648 : i32
          %parallel_loop3A_450 = vector.broadcast %parallel_loop3A_449 : i32 to vector<16xi32>
          %parallel_loop3A_451 = arith.andi %parallel_loop3A_420, %parallel_loop3A_450 : vector<16xi32>
          %parallel_loop3A_452 = arith.xori %parallel_loop3A_451, %parallel_loop3A_421 : vector<16xi32>
          %parallel_loop3A_453 = tpu.bitcast %parallel_loop3A_452 : vector<16xi32> -> vector<16xf32>
          %parallel_loop3A_454 = arith.addf %parallel_loop3A_400, %parallel_loop3A_453 : vector<16xf32>
          %parallel_loop3A_455 = arith.xori %parallel_loop3A_181, %parallel_loop3A_175 : vector<16xi32>
          %parallel_loop3A_456 = arith.mulf %parallel_loop3A_185, %parallel_loop3A_154 : vector<16xf32>
          %parallel_loop3A_457 = arith.constant 8191 : i32
          %parallel_loop3A_458 = vector.broadcast %parallel_loop3A_457 : i32 to vector<16xi32>
          %parallel_loop3A_459 = arith.andi %parallel_loop3A_455, %parallel_loop3A_458 : vector<16xi32>
          %parallel_loop3A_460 = arith.constant 3 : i32
          %parallel_loop3A_461 = vector.broadcast %parallel_loop3A_460 : i32 to vector<16xi32>
          %parallel_loop3A_462 = arith.shrui %parallel_loop3A_459, %parallel_loop3A_461 : vector<16xi32>
          %parallel_loop3A_463 = arith.constant 7 : i32
          %parallel_loop3A_464 = vector.broadcast %parallel_loop3A_463 : i32 to vector<16xi32>
          %parallel_loop3A_465 = arith.andi %parallel_loop3A_459, %parallel_loop3A_464 : vector<16xi32>
          %parallel_loop3A_466 = arith.constant 2 : i32
          %parallel_loop3A_467 = vector.broadcast %parallel_loop3A_466 : i32 to vector<16xi32>
          %parallel_loop3A_468 = arith.shli %parallel_loop3A_465, %parallel_loop3A_467 : vector<16xi32>
          %parallel_loop3A_469 = arith.constant 28 : i32
          %parallel_loop3A_470 = vector.broadcast %parallel_loop3A_469 : i32 to vector<16xi32>
          %parallel_loop3A_471 = arith.subi %parallel_loop3A_470, %parallel_loop3A_468 : vector<16xi32>
          %parallel_loop3A_472 = tpu.memref_slice %arg9[%parallel_loop3A_188] : memref<61440xi32, #tpu.memory_space<vmem>> -> memref<1024xi32, #tpu.memory_space<vmem>>
          %parallel_loop3A_473 = tpu.vector_load_idx %parallel_loop3A_472[%parallel_loop3A_462] : memref<1024xi32, #tpu.memory_space<vmem>>[vector<16xi32>], vector<16xi32>,
          %parallel_loop3A_474 = arith.shli %parallel_loop3A_473, %parallel_loop3A_471 : vector<16xi32>
          %parallel_loop3A_475 = tpu.bitcast %parallel_loop3A_456 : vector<16xf32> -> vector<16xi32>
          %parallel_loop3A_476 = arith.constant 3 : i32
          %parallel_loop3A_477 = vector.broadcast %parallel_loop3A_476 : i32 to vector<16xi32>
          %parallel_loop3A_478 = arith.shli %parallel_loop3A_474, %parallel_loop3A_477 : vector<16xi32>
          %parallel_loop3A_479 = arith.constant -2147483648 : i32
          %parallel_loop3A_480 = vector.broadcast %parallel_loop3A_479 : i32 to vector<16xi32>
          %parallel_loop3A_481 = arith.andi %parallel_loop3A_478, %parallel_loop3A_480 : vector<16xi32>
          %parallel_loop3A_482 = arith.xori %parallel_loop3A_481, %parallel_loop3A_475 : vector<16xi32>
          %parallel_loop3A_483 = tpu.bitcast %parallel_loop3A_482 : vector<16xi32> -> vector<16xf32>
          %parallel_loop3A_484 = arith.addf %parallel_loop3A_430, %parallel_loop3A_483 : vector<16xf32>
          %parallel_loop3A_485 = arith.constant 2 : i32
          %parallel_loop3A_486 = vector.broadcast %parallel_loop3A_485 : i32 to vector<16xi32>
          %parallel_loop3A_487 = arith.shli %parallel_loop3A_474, %parallel_loop3A_486 : vector<16xi32>
          %parallel_loop3A_488 = arith.constant -2147483648 : i32
          %parallel_loop3A_489 = vector.broadcast %parallel_loop3A_488 : i32 to vector<16xi32>
          %parallel_loop3A_490 = arith.andi %parallel_loop3A_487, %parallel_loop3A_489 : vector<16xi32>
          %parallel_loop3A_491 = arith.xori %parallel_loop3A_490, %parallel_loop3A_475 : vector<16xi32>
          %parallel_loop3A_492 = tpu.bitcast %parallel_loop3A_491 : vector<16xi32> -> vector<16xf32>
          %parallel_loop3A_493 = arith.addf %parallel_loop3A_439, %parallel_loop3A_492 : vector<16xf32>
          %parallel_loop3A_494 = arith.constant 1 : i32
          %parallel_loop3A_495 = vector.broadcast %parallel_loop3A_494 : i32 to vector<16xi32>
          %parallel_loop3A_496 = arith.shli %parallel_loop3A_474, %parallel_loop3A_495 : vector<16xi32>
          %parallel_loop3A_497 = arith.constant -2147483648 : i32
          %parallel_loop3A_498 = vector.broadcast %parallel_loop3A_497 : i32 to vector<16xi32>
          %parallel_loop3A_499 = arith.andi %parallel_loop3A_496, %parallel_loop3A_498 : vector<16xi32>
          %parallel_loop3A_500 = arith.xori %parallel_loop3A_499, %parallel_loop3A_475 : vector<16xi32>
          %parallel_loop3A_501 = tpu.bitcast %parallel_loop3A_500 : vector<16xi32> -> vector<16xf32>
          %parallel_loop3A_502 = arith.addf %parallel_loop3A_448, %parallel_loop3A_501 : vector<16xf32>
          %parallel_loop3A_503 = arith.constant -2147483648 : i32
          %parallel_loop3A_504 = vector.broadcast %parallel_loop3A_503 : i32 to vector<16xi32>
          %parallel_loop3A_505 = arith.andi %parallel_loop3A_474, %parallel_loop3A_504 : vector<16xi32>
          %parallel_loop3A_506 = arith.xori %parallel_loop3A_505, %parallel_loop3A_475 : vector<16xi32>
          %parallel_loop3A_507 = tpu.bitcast %parallel_loop3A_506 : vector<16xi32> -> vector<16xf32>
          %parallel_loop3A_508 = arith.addf %parallel_loop3A_454, %parallel_loop3A_507 : vector<16xf32>
          %parallel_loop3A_509 = arith.xori %parallel_loop3A_182, %parallel_loop3A_172 : vector<16xi32>
          %parallel_loop3A_510 = arith.mulf %parallel_loop3A_186, %parallel_loop3A_163 : vector<16xf32>
          %parallel_loop3A_511 = arith.constant 8191 : i32
          %parallel_loop3A_512 = vector.broadcast %parallel_loop3A_511 : i32 to vector<16xi32>
          %parallel_loop3A_513 = arith.andi %parallel_loop3A_509, %parallel_loop3A_512 : vector<16xi32>
          %parallel_loop3A_514 = arith.constant 3 : i32
          %parallel_loop3A_515 = vector.broadcast %parallel_loop3A_514 : i32 to vector<16xi32>
          %parallel_loop3A_516 = arith.shrui %parallel_loop3A_513, %parallel_loop3A_515 : vector<16xi32>
          %parallel_loop3A_517 = arith.constant 7 : i32
          %parallel_loop3A_518 = vector.broadcast %parallel_loop3A_517 : i32 to vector<16xi32>
          %parallel_loop3A_519 = arith.andi %parallel_loop3A_513, %parallel_loop3A_518 : vector<16xi32>
          %parallel_loop3A_520 = arith.constant 2 : i32
          %parallel_loop3A_521 = vector.broadcast %parallel_loop3A_520 : i32 to vector<16xi32>
          %parallel_loop3A_522 = arith.shli %parallel_loop3A_519, %parallel_loop3A_521 : vector<16xi32>
          %parallel_loop3A_523 = arith.constant 28 : i32
          %parallel_loop3A_524 = vector.broadcast %parallel_loop3A_523 : i32 to vector<16xi32>
          %parallel_loop3A_525 = arith.subi %parallel_loop3A_524, %parallel_loop3A_522 : vector<16xi32>
          %parallel_loop3A_526 = tpu.memref_slice %arg9[%parallel_loop3A_188] : memref<61440xi32, #tpu.memory_space<vmem>> -> memref<1024xi32, #tpu.memory_space<vmem>>
          %parallel_loop3A_527 = tpu.vector_load_idx %parallel_loop3A_526[%parallel_loop3A_516] : memref<1024xi32, #tpu.memory_space<vmem>>[vector<16xi32>], vector<16xi32>,
          %parallel_loop3A_528 = arith.shli %parallel_loop3A_527, %parallel_loop3A_525 : vector<16xi32>
          %parallel_loop3A_529 = tpu.bitcast %parallel_loop3A_510 : vector<16xf32> -> vector<16xi32>
          %parallel_loop3A_530 = arith.constant 3 : i32
          %parallel_loop3A_531 = vector.broadcast %parallel_loop3A_530 : i32 to vector<16xi32>
          %parallel_loop3A_532 = arith.shli %parallel_loop3A_528, %parallel_loop3A_531 : vector<16xi32>
          %parallel_loop3A_533 = arith.constant -2147483648 : i32
          %parallel_loop3A_534 = vector.broadcast %parallel_loop3A_533 : i32 to vector<16xi32>
          %parallel_loop3A_535 = arith.andi %parallel_loop3A_532, %parallel_loop3A_534 : vector<16xi32>
          %parallel_loop3A_536 = arith.xori %parallel_loop3A_535, %parallel_loop3A_529 : vector<16xi32>
          %parallel_loop3A_537 = tpu.bitcast %parallel_loop3A_536 : vector<16xi32> -> vector<16xf32>
          %parallel_loop3A_538 = arith.addf %parallel_loop3A_484, %parallel_loop3A_537 : vector<16xf32>
          %parallel_loop3A_539 = arith.constant 2 : i32
          %parallel_loop3A_540 = vector.broadcast %parallel_loop3A_539 : i32 to vector<16xi32>
          %parallel_loop3A_541 = arith.shli %parallel_loop3A_528, %parallel_loop3A_540 : vector<16xi32>
          %parallel_loop3A_542 = arith.constant -2147483648 : i32
          %parallel_loop3A_543 = vector.broadcast %parallel_loop3A_542 : i32 to vector<16xi32>
          %parallel_loop3A_544 = arith.andi %parallel_loop3A_541, %parallel_loop3A_543 : vector<16xi32>
          %parallel_loop3A_545 = arith.xori %parallel_loop3A_544, %parallel_loop3A_529 : vector<16xi32>
          %parallel_loop3A_546 = tpu.bitcast %parallel_loop3A_545 : vector<16xi32> -> vector<16xf32>
          %parallel_loop3A_547 = arith.addf %parallel_loop3A_493, %parallel_loop3A_546 : vector<16xf32>
          %parallel_loop3A_548 = arith.constant 1 : i32
          %parallel_loop3A_549 = vector.broadcast %parallel_loop3A_548 : i32 to vector<16xi32>
          %parallel_loop3A_550 = arith.shli %parallel_loop3A_528, %parallel_loop3A_549 : vector<16xi32>
          %parallel_loop3A_551 = arith.constant -2147483648 : i32
          %parallel_loop3A_552 = vector.broadcast %parallel_loop3A_551 : i32 to vector<16xi32>
          %parallel_loop3A_553 = arith.andi %parallel_loop3A_550, %parallel_loop3A_552 : vector<16xi32>
          %parallel_loop3A_554 = arith.xori %parallel_loop3A_553, %parallel_loop3A_529 : vector<16xi32>
          %parallel_loop3A_555 = tpu.bitcast %parallel_loop3A_554 : vector<16xi32> -> vector<16xf32>
          %parallel_loop3A_556 = arith.addf %parallel_loop3A_502, %parallel_loop3A_555 : vector<16xf32>
          %parallel_loop3A_557 = arith.constant -2147483648 : i32
          %parallel_loop3A_558 = vector.broadcast %parallel_loop3A_557 : i32 to vector<16xi32>
          %parallel_loop3A_559 = arith.andi %parallel_loop3A_528, %parallel_loop3A_558 : vector<16xi32>
          %parallel_loop3A_560 = arith.xori %parallel_loop3A_559, %parallel_loop3A_529 : vector<16xi32>
          %parallel_loop3A_561 = tpu.bitcast %parallel_loop3A_560 : vector<16xi32> -> vector<16xf32>
          %parallel_loop3A_562 = arith.addf %parallel_loop3A_508, %parallel_loop3A_561 : vector<16xf32>
          %parallel_loop3A_563 = arith.xori %parallel_loop3A_182, %parallel_loop3A_175 : vector<16xi32>
          %parallel_loop3A_564 = arith.mulf %parallel_loop3A_186, %parallel_loop3A_154 : vector<16xf32>
          %parallel_loop3A_565 = arith.constant 8191 : i32
          %parallel_loop3A_566 = vector.broadcast %parallel_loop3A_565 : i32 to vector<16xi32>
          %parallel_loop3A_567 = arith.andi %parallel_loop3A_563, %parallel_loop3A_566 : vector<16xi32>
          %parallel_loop3A_568 = arith.constant 3 : i32
          %parallel_loop3A_569 = vector.broadcast %parallel_loop3A_568 : i32 to vector<16xi32>
          %parallel_loop3A_570 = arith.shrui %parallel_loop3A_567, %parallel_loop3A_569 : vector<16xi32>
          %parallel_loop3A_571 = arith.constant 7 : i32
          %parallel_loop3A_572 = vector.broadcast %parallel_loop3A_571 : i32 to vector<16xi32>
          %parallel_loop3A_573 = arith.andi %parallel_loop3A_567, %parallel_loop3A_572 : vector<16xi32>
          %parallel_loop3A_574 = arith.constant 2 : i32
          %parallel_loop3A_575 = vector.broadcast %parallel_loop3A_574 : i32 to vector<16xi32>
          %parallel_loop3A_576 = arith.shli %parallel_loop3A_573, %parallel_loop3A_575 : vector<16xi32>
          %parallel_loop3A_577 = arith.constant 28 : i32
          %parallel_loop3A_578 = vector.broadcast %parallel_loop3A_577 : i32 to vector<16xi32>
          %parallel_loop3A_579 = arith.subi %parallel_loop3A_578, %parallel_loop3A_576 : vector<16xi32>
          %parallel_loop3A_580 = tpu.memref_slice %arg9[%parallel_loop3A_188] : memref<61440xi32, #tpu.memory_space<vmem>> -> memref<1024xi32, #tpu.memory_space<vmem>>
          %parallel_loop3A_581 = tpu.vector_load_idx %parallel_loop3A_580[%parallel_loop3A_570] : memref<1024xi32, #tpu.memory_space<vmem>>[vector<16xi32>], vector<16xi32>,
          %parallel_loop3A_582 = arith.shli %parallel_loop3A_581, %parallel_loop3A_579 : vector<16xi32>
          %parallel_loop3A_583 = tpu.bitcast %parallel_loop3A_564 : vector<16xf32> -> vector<16xi32>
          %parallel_loop3A_584 = arith.constant 3 : i32
          %parallel_loop3A_585 = vector.broadcast %parallel_loop3A_584 : i32 to vector<16xi32>
          %parallel_loop3A_586 = arith.shli %parallel_loop3A_582, %parallel_loop3A_585 : vector<16xi32>
          %parallel_loop3A_587 = arith.constant -2147483648 : i32
          %parallel_loop3A_588 = vector.broadcast %parallel_loop3A_587 : i32 to vector<16xi32>
          %parallel_loop3A_589 = arith.andi %parallel_loop3A_586, %parallel_loop3A_588 : vector<16xi32>
          %parallel_loop3A_590 = arith.xori %parallel_loop3A_589, %parallel_loop3A_583 : vector<16xi32>
          %parallel_loop3A_591 = tpu.bitcast %parallel_loop3A_590 : vector<16xi32> -> vector<16xf32>
          %parallel_loop3A_592 = arith.addf %parallel_loop3A_538, %parallel_loop3A_591 : vector<16xf32>
          %parallel_loop3A_593 = arith.constant 2 : i32
          %parallel_loop3A_594 = vector.broadcast %parallel_loop3A_593 : i32 to vector<16xi32>
          %parallel_loop3A_595 = arith.shli %parallel_loop3A_582, %parallel_loop3A_594 : vector<16xi32>
          %parallel_loop3A_596 = arith.constant -2147483648 : i32
          %parallel_loop3A_597 = vector.broadcast %parallel_loop3A_596 : i32 to vector<16xi32>
          %parallel_loop3A_598 = arith.andi %parallel_loop3A_595, %parallel_loop3A_597 : vector<16xi32>
          %parallel_loop3A_599 = arith.xori %parallel_loop3A_598, %parallel_loop3A_583 : vector<16xi32>
          %parallel_loop3A_600 = tpu.bitcast %parallel_loop3A_599 : vector<16xi32> -> vector<16xf32>
          %parallel_loop3A_601 = arith.addf %parallel_loop3A_547, %parallel_loop3A_600 : vector<16xf32>
          %parallel_loop3A_602 = arith.constant 1 : i32
          %parallel_loop3A_603 = vector.broadcast %parallel_loop3A_602 : i32 to vector<16xi32>
          %parallel_loop3A_604 = arith.shli %parallel_loop3A_582, %parallel_loop3A_603 : vector<16xi32>
          %parallel_loop3A_605 = arith.constant -2147483648 : i32
          %parallel_loop3A_606 = vector.broadcast %parallel_loop3A_605 : i32 to vector<16xi32>
          %parallel_loop3A_607 = arith.andi %parallel_loop3A_604, %parallel_loop3A_606 : vector<16xi32>
          %parallel_loop3A_608 = arith.xori %parallel_loop3A_607, %parallel_loop3A_583 : vector<16xi32>
          %parallel_loop3A_609 = tpu.bitcast %parallel_loop3A_608 : vector<16xi32> -> vector<16xf32>
          %parallel_loop3A_610 = arith.addf %parallel_loop3A_556, %parallel_loop3A_609 : vector<16xf32>
          %parallel_loop3A_611 = arith.constant -2147483648 : i32
          %parallel_loop3A_612 = vector.broadcast %parallel_loop3A_611 : i32 to vector<16xi32>
          %parallel_loop3A_613 = arith.andi %parallel_loop3A_582, %parallel_loop3A_612 : vector<16xi32>
          %parallel_loop3A_614 = arith.xori %parallel_loop3A_613, %parallel_loop3A_583 : vector<16xi32>
          %parallel_loop3A_615 = tpu.bitcast %parallel_loop3A_614 : vector<16xi32> -> vector<16xf32>
          %parallel_loop3A_616 = arith.addf %parallel_loop3A_562, %parallel_loop3A_615 : vector<16xf32>
          %parallel_loop3A_617 = arith.constant 4 : i32
          %parallel_loop3A_618 = arith.muli %parallel_loop3A_138, %parallel_loop3A_617 : i32
          %parallel_loop3A_619 = vector.broadcast %parallel_loop3A_618 : i32 to vector<16xi32>
          %parallel_loop3A_620 = arith.addi %mul3A_3, %parallel_loop3A_619 : vector<16xi32>
          %parallel_loop3A_621 = arith.constant 0 : i32
          %parallel_loop3A_622 = vector.broadcast %parallel_loop3A_621 : i32 to vector<16xi32>
          %parallel_loop3A_623 = arith.addi %parallel_loop3A_620, %parallel_loop3A_622 : vector<16xi32>
          tpu.vector_store_idx %arg16[%parallel_loop3A_131, %parallel_loop3A_623], %parallel_loop3A_592 : memref<256x64xf32, #tpu.memory_space<vmem>>[vector<16xi32>, vector<16xi32>], vector<16xf32>,
          %parallel_loop3A_624 = arith.constant 1 : i32
          %parallel_loop3A_625 = vector.broadcast %parallel_loop3A_624 : i32 to vector<16xi32>
          %parallel_loop3A_626 = arith.addi %parallel_loop3A_620, %parallel_loop3A_625 : vector<16xi32>
          tpu.vector_store_idx %arg16[%parallel_loop3A_131, %parallel_loop3A_626], %parallel_loop3A_601 : memref<256x64xf32, #tpu.memory_space<vmem>>[vector<16xi32>, vector<16xi32>], vector<16xf32>,
          %parallel_loop3A_627 = arith.constant 2 : i32
          %parallel_loop3A_628 = vector.broadcast %parallel_loop3A_627 : i32 to vector<16xi32>
          %parallel_loop3A_629 = arith.addi %parallel_loop3A_620, %parallel_loop3A_628 : vector<16xi32>
          tpu.vector_store_idx %arg16[%parallel_loop3A_131, %parallel_loop3A_629], %parallel_loop3A_610 : memref<256x64xf32, #tpu.memory_space<vmem>>[vector<16xi32>, vector<16xi32>], vector<16xf32>,
          %parallel_loop3A_630 = arith.constant 3 : i32
          %parallel_loop3A_631 = vector.broadcast %parallel_loop3A_630 : i32 to vector<16xi32>
          %parallel_loop3A_632 = arith.addi %parallel_loop3A_620, %parallel_loop3A_631 : vector<16xi32>
          tpu.vector_store_idx %arg16[%parallel_loop3A_131, %parallel_loop3A_632], %parallel_loop3A_616 : memref<256x64xf32, #tpu.memory_space<vmem>>[vector<16xi32>, vector<16xi32>], vector<16xf32>,
        } {sc.loop_unroll_factor = 1 : i64, sc.parallel_access}
        %parallel_loop3A_135 = arith.constant 0 : i32
        %parallel_loop3A_136 = arith.constant 4 : i32
        %parallel_loop3A_137 = arith.constant 1 : i32
        scf.for %parallel_loop3A_138 = %parallel_loop3A_135 to %parallel_loop3A_136 step %parallel_loop3A_137  : i32 {
          %parallel_loop3A_139 = arith.constant 16 : i32
          %parallel_loop3A_140 = arith.muli %parallel_loop3A_138, %parallel_loop3A_139 : i32
          %parallel_loop3A_141 = arith.index_cast %parallel_loop3A_140 : i32 to index
          %parallel_loop3A_142 = tpu.vector_load %arg19[%parallel_loop3A_141] {strides = array<i32>} : memref<64xf32, #tpu.memory_space<vmem>>, vector<16xf32>,
          %parallel_loop3A_143 = arith.constant 4096 : i32
          %parallel_loop3A_144 = arith.muli %parallel_loop3A_138, %parallel_loop3A_143 : i32
          %parallel_loop3A_145 = arith.constant 12288 : i32
          %parallel_loop3A_146 = arith.addi %parallel_loop3A_145, %parallel_loop3A_144 : i32
          %parallel_loop3A_147 = arith.mulf %parallel_loop3A_115, %parallel_loop3A_142 : vector<16xf32>
          %parallel_loop3A_148 = arith.mulf %parallel_loop3A_121, %parallel_loop3A_142 : vector<16xf32>
          %parallel_loop3A_149 = arith.fptosi %parallel_loop3A_147 : vector<16xf32> to vector<16xi32>
          %parallel_loop3A_150 = arith.fptosi %parallel_loop3A_148 : vector<16xf32> to vector<16xi32>
          %parallel_loop3A_151 = arith.sitofp %parallel_loop3A_149 : vector<16xi32> to vector<16xf32>
          %parallel_loop3A_152 = arith.subf %parallel_loop3A_147, %parallel_loop3A_151 : vector<16xf32>
          %parallel_loop3A_153 = arith.sitofp %parallel_loop3A_150 : vector<16xi32> to vector<16xf32>
          %parallel_loop3A_154 = arith.subf %parallel_loop3A_148, %parallel_loop3A_153 : vector<16xf32>
          %parallel_loop3A_155 = arith.constant 1.000000e+00 : f32
          %parallel_loop3A_156 = vector.broadcast %parallel_loop3A_155 : f32 to vector<16xf32>
          %parallel_loop3A_157 = arith.subf %parallel_loop3A_156, %parallel_loop3A_152 : vector<16xf32>
          %parallel_loop3A_158 = arith.constant 1.000000e+00 : f32
          %parallel_loop3A_159 = vector.broadcast %parallel_loop3A_158 : f32 to vector<16xf32>
          %parallel_loop3A_160 = arith.subf %parallel_loop3A_159, %parallel_loop3A_154 : vector<16xf32>
          %parallel_loop3A_161 = arith.constant -1640531535 : i32
          %parallel_loop3A_162 = vector.broadcast %parallel_loop3A_161 : i32 to vector<16xi32>
          %parallel_loop3A_163 = arith.muli %parallel_loop3A_150, %parallel_loop3A_162 : vector<16xi32>
          %parallel_loop3A_164 = arith.constant -1640531535 : i32
          %parallel_loop3A_165 = vector.broadcast %parallel_loop3A_164 : i32 to vector<16xi32>
          %parallel_loop3A_166 = arith.addi %parallel_loop3A_163, %parallel_loop3A_165 : vector<16xi32>
          %parallel_loop3A_167 = arith.constant 1 : i32
          %parallel_loop3A_168 = vector.broadcast %parallel_loop3A_167 : i32 to vector<16xi32>
          %parallel_loop3A_169 = arith.addi %parallel_loop3A_149, %parallel_loop3A_168 : vector<16xi32>
          %parallel_loop3A_170 = arith.constant 0 : i32
          %parallel_loop3A_171 = arith.addi %parallel_loop3A_146, %parallel_loop3A_170 : i32
          %parallel_loop3A_172 = arith.xori %parallel_loop3A_149, %parallel_loop3A_163 : vector<16xi32>
          %parallel_loop3A_173 = arith.mulf %parallel_loop3A_157, %parallel_loop3A_160 : vector<16xf32>
          %parallel_loop3A_174 = arith.constant 32767 : i32
          %parallel_loop3A_175 = vector.broadcast %parallel_loop3A_174 : i32 to vector<16xi32>
          %parallel_loop3A_176 = arith.andi %parallel_loop3A_172, %parallel_loop3A_175 : vector<16xi32>
          %parallel_loop3A_177 = arith.constant 3 : i32
          %parallel_loop3A_178 = vector.broadcast %parallel_loop3A_177 : i32 to vector<16xi32>
          %parallel_loop3A_179 = arith.shrui %parallel_loop3A_176, %parallel_loop3A_178 : vector<16xi32>
          %parallel_loop3A_180 = arith.constant 7 : i32
          %parallel_loop3A_181 = vector.broadcast %parallel_loop3A_180 : i32 to vector<16xi32>
          %parallel_loop3A_182 = arith.andi %parallel_loop3A_176, %parallel_loop3A_181 : vector<16xi32>
          %parallel_loop3A_183 = arith.constant 2 : i32
          %parallel_loop3A_184 = vector.broadcast %parallel_loop3A_183 : i32 to vector<16xi32>
          %parallel_loop3A_185 = arith.shli %parallel_loop3A_182, %parallel_loop3A_184 : vector<16xi32>
          %parallel_loop3A_186 = arith.constant 28 : i32
          %parallel_loop3A_187 = vector.broadcast %parallel_loop3A_186 : i32 to vector<16xi32>
          %parallel_loop3A_188 = arith.subi %parallel_loop3A_187, %parallel_loop3A_185 : vector<16xi32>
          %parallel_loop3A_189 = tpu.memref_slice %arg9[%parallel_loop3A_171] : memref<61440xi32, #tpu.memory_space<vmem>> -> memref<4096xi32, #tpu.memory_space<vmem>>
          %parallel_loop3A_190 = tpu.vector_load_idx %parallel_loop3A_189[%parallel_loop3A_179] : memref<4096xi32, #tpu.memory_space<vmem>>[vector<16xi32>], vector<16xi32>,
          %parallel_loop3A_191 = arith.shli %parallel_loop3A_190, %parallel_loop3A_188 : vector<16xi32>
          %parallel_loop3A_192 = tpu.bitcast %parallel_loop3A_173 : vector<16xf32> -> vector<16xi32>
          %parallel_loop3A_193 = arith.constant 3 : i32
          %parallel_loop3A_194 = vector.broadcast %parallel_loop3A_193 : i32 to vector<16xi32>
          %parallel_loop3A_195 = arith.shli %parallel_loop3A_191, %parallel_loop3A_194 : vector<16xi32>
          %parallel_loop3A_196 = arith.constant -2147483648 : i32
          %parallel_loop3A_197 = vector.broadcast %parallel_loop3A_196 : i32 to vector<16xi32>
          %parallel_loop3A_198 = arith.andi %parallel_loop3A_195, %parallel_loop3A_197 : vector<16xi32>
          %parallel_loop3A_199 = arith.xori %parallel_loop3A_198, %parallel_loop3A_192 : vector<16xi32>
          %parallel_loop3A_200 = tpu.bitcast %parallel_loop3A_199 : vector<16xi32> -> vector<16xf32>
          %parallel_loop3A_201 = arith.constant 2 : i32
          %parallel_loop3A_202 = vector.broadcast %parallel_loop3A_201 : i32 to vector<16xi32>
          %parallel_loop3A_203 = arith.shli %parallel_loop3A_191, %parallel_loop3A_202 : vector<16xi32>
          %parallel_loop3A_204 = arith.constant -2147483648 : i32
          %parallel_loop3A_205 = vector.broadcast %parallel_loop3A_204 : i32 to vector<16xi32>
          %parallel_loop3A_206 = arith.andi %parallel_loop3A_203, %parallel_loop3A_205 : vector<16xi32>
          %parallel_loop3A_207 = arith.xori %parallel_loop3A_206, %parallel_loop3A_192 : vector<16xi32>
          %parallel_loop3A_208 = tpu.bitcast %parallel_loop3A_207 : vector<16xi32> -> vector<16xf32>
          %parallel_loop3A_209 = arith.constant 1 : i32
          %parallel_loop3A_210 = vector.broadcast %parallel_loop3A_209 : i32 to vector<16xi32>
          %parallel_loop3A_211 = arith.shli %parallel_loop3A_191, %parallel_loop3A_210 : vector<16xi32>
          %parallel_loop3A_212 = arith.constant -2147483648 : i32
          %parallel_loop3A_213 = vector.broadcast %parallel_loop3A_212 : i32 to vector<16xi32>
          %parallel_loop3A_214 = arith.andi %parallel_loop3A_211, %parallel_loop3A_213 : vector<16xi32>
          %parallel_loop3A_215 = arith.xori %parallel_loop3A_214, %parallel_loop3A_192 : vector<16xi32>
          %parallel_loop3A_216 = tpu.bitcast %parallel_loop3A_215 : vector<16xi32> -> vector<16xf32>
          %parallel_loop3A_217 = arith.constant -2147483648 : i32
          %parallel_loop3A_218 = vector.broadcast %parallel_loop3A_217 : i32 to vector<16xi32>
          %parallel_loop3A_219 = arith.andi %parallel_loop3A_191, %parallel_loop3A_218 : vector<16xi32>
          %parallel_loop3A_220 = arith.xori %parallel_loop3A_219, %parallel_loop3A_192 : vector<16xi32>
          %parallel_loop3A_221 = tpu.bitcast %parallel_loop3A_220 : vector<16xi32> -> vector<16xf32>
          %parallel_loop3A_222 = arith.xori %parallel_loop3A_149, %parallel_loop3A_166 : vector<16xi32>
          %parallel_loop3A_223 = arith.mulf %parallel_loop3A_157, %parallel_loop3A_154 : vector<16xf32>
          %parallel_loop3A_224 = arith.constant 32767 : i32
          %parallel_loop3A_225 = vector.broadcast %parallel_loop3A_224 : i32 to vector<16xi32>
          %parallel_loop3A_226 = arith.andi %parallel_loop3A_222, %parallel_loop3A_225 : vector<16xi32>
          %parallel_loop3A_227 = arith.constant 3 : i32
          %parallel_loop3A_228 = vector.broadcast %parallel_loop3A_227 : i32 to vector<16xi32>
          %parallel_loop3A_229 = arith.shrui %parallel_loop3A_226, %parallel_loop3A_228 : vector<16xi32>
          %parallel_loop3A_230 = arith.constant 7 : i32
          %parallel_loop3A_231 = vector.broadcast %parallel_loop3A_230 : i32 to vector<16xi32>
          %parallel_loop3A_232 = arith.andi %parallel_loop3A_226, %parallel_loop3A_231 : vector<16xi32>
          %parallel_loop3A_233 = arith.constant 2 : i32
          %parallel_loop3A_234 = vector.broadcast %parallel_loop3A_233 : i32 to vector<16xi32>
          %parallel_loop3A_235 = arith.shli %parallel_loop3A_232, %parallel_loop3A_234 : vector<16xi32>
          %parallel_loop3A_236 = arith.constant 28 : i32
          %parallel_loop3A_237 = vector.broadcast %parallel_loop3A_236 : i32 to vector<16xi32>
          %parallel_loop3A_238 = arith.subi %parallel_loop3A_237, %parallel_loop3A_235 : vector<16xi32>
          %parallel_loop3A_239 = tpu.memref_slice %arg9[%parallel_loop3A_171] : memref<61440xi32, #tpu.memory_space<vmem>> -> memref<4096xi32, #tpu.memory_space<vmem>>
          %parallel_loop3A_240 = tpu.vector_load_idx %parallel_loop3A_239[%parallel_loop3A_229] : memref<4096xi32, #tpu.memory_space<vmem>>[vector<16xi32>], vector<16xi32>,
          %parallel_loop3A_241 = arith.shli %parallel_loop3A_240, %parallel_loop3A_238 : vector<16xi32>
          %parallel_loop3A_242 = tpu.bitcast %parallel_loop3A_223 : vector<16xf32> -> vector<16xi32>
          %parallel_loop3A_243 = arith.constant 3 : i32
          %parallel_loop3A_244 = vector.broadcast %parallel_loop3A_243 : i32 to vector<16xi32>
          %parallel_loop3A_245 = arith.shli %parallel_loop3A_241, %parallel_loop3A_244 : vector<16xi32>
          %parallel_loop3A_246 = arith.constant -2147483648 : i32
          %parallel_loop3A_247 = vector.broadcast %parallel_loop3A_246 : i32 to vector<16xi32>
          %parallel_loop3A_248 = arith.andi %parallel_loop3A_245, %parallel_loop3A_247 : vector<16xi32>
          %parallel_loop3A_249 = arith.xori %parallel_loop3A_248, %parallel_loop3A_242 : vector<16xi32>
          %parallel_loop3A_250 = tpu.bitcast %parallel_loop3A_249 : vector<16xi32> -> vector<16xf32>
          %parallel_loop3A_251 = arith.addf %parallel_loop3A_200, %parallel_loop3A_250 : vector<16xf32>
          %parallel_loop3A_252 = arith.constant 2 : i32
          %parallel_loop3A_253 = vector.broadcast %parallel_loop3A_252 : i32 to vector<16xi32>
          %parallel_loop3A_254 = arith.shli %parallel_loop3A_241, %parallel_loop3A_253 : vector<16xi32>
          %parallel_loop3A_255 = arith.constant -2147483648 : i32
          %parallel_loop3A_256 = vector.broadcast %parallel_loop3A_255 : i32 to vector<16xi32>
          %parallel_loop3A_257 = arith.andi %parallel_loop3A_254, %parallel_loop3A_256 : vector<16xi32>
          %parallel_loop3A_258 = arith.xori %parallel_loop3A_257, %parallel_loop3A_242 : vector<16xi32>
          %parallel_loop3A_259 = tpu.bitcast %parallel_loop3A_258 : vector<16xi32> -> vector<16xf32>
          %parallel_loop3A_260 = arith.addf %parallel_loop3A_208, %parallel_loop3A_259 : vector<16xf32>
          %parallel_loop3A_261 = arith.constant 1 : i32
          %parallel_loop3A_262 = vector.broadcast %parallel_loop3A_261 : i32 to vector<16xi32>
          %parallel_loop3A_263 = arith.shli %parallel_loop3A_241, %parallel_loop3A_262 : vector<16xi32>
          %parallel_loop3A_264 = arith.constant -2147483648 : i32
          %parallel_loop3A_265 = vector.broadcast %parallel_loop3A_264 : i32 to vector<16xi32>
          %parallel_loop3A_266 = arith.andi %parallel_loop3A_263, %parallel_loop3A_265 : vector<16xi32>
          %parallel_loop3A_267 = arith.xori %parallel_loop3A_266, %parallel_loop3A_242 : vector<16xi32>
          %parallel_loop3A_268 = tpu.bitcast %parallel_loop3A_267 : vector<16xi32> -> vector<16xf32>
          %parallel_loop3A_269 = arith.addf %parallel_loop3A_216, %parallel_loop3A_268 : vector<16xf32>
          %parallel_loop3A_270 = arith.constant -2147483648 : i32
          %parallel_loop3A_271 = vector.broadcast %parallel_loop3A_270 : i32 to vector<16xi32>
          %parallel_loop3A_272 = arith.andi %parallel_loop3A_241, %parallel_loop3A_271 : vector<16xi32>
          %parallel_loop3A_273 = arith.xori %parallel_loop3A_272, %parallel_loop3A_242 : vector<16xi32>
          %parallel_loop3A_274 = tpu.bitcast %parallel_loop3A_273 : vector<16xi32> -> vector<16xf32>
          %parallel_loop3A_275 = arith.addf %parallel_loop3A_221, %parallel_loop3A_274 : vector<16xf32>
          %parallel_loop3A_276 = arith.xori %parallel_loop3A_169, %parallel_loop3A_163 : vector<16xi32>
          %parallel_loop3A_277 = arith.mulf %parallel_loop3A_152, %parallel_loop3A_160 : vector<16xf32>
          %parallel_loop3A_278 = arith.constant 32767 : i32
          %parallel_loop3A_279 = vector.broadcast %parallel_loop3A_278 : i32 to vector<16xi32>
          %parallel_loop3A_280 = arith.andi %parallel_loop3A_276, %parallel_loop3A_279 : vector<16xi32>
          %parallel_loop3A_281 = arith.constant 3 : i32
          %parallel_loop3A_282 = vector.broadcast %parallel_loop3A_281 : i32 to vector<16xi32>
          %parallel_loop3A_283 = arith.shrui %parallel_loop3A_280, %parallel_loop3A_282 : vector<16xi32>
          %parallel_loop3A_284 = arith.constant 7 : i32
          %parallel_loop3A_285 = vector.broadcast %parallel_loop3A_284 : i32 to vector<16xi32>
          %parallel_loop3A_286 = arith.andi %parallel_loop3A_280, %parallel_loop3A_285 : vector<16xi32>
          %parallel_loop3A_287 = arith.constant 2 : i32
          %parallel_loop3A_288 = vector.broadcast %parallel_loop3A_287 : i32 to vector<16xi32>
          %parallel_loop3A_289 = arith.shli %parallel_loop3A_286, %parallel_loop3A_288 : vector<16xi32>
          %parallel_loop3A_290 = arith.constant 28 : i32
          %parallel_loop3A_291 = vector.broadcast %parallel_loop3A_290 : i32 to vector<16xi32>
          %parallel_loop3A_292 = arith.subi %parallel_loop3A_291, %parallel_loop3A_289 : vector<16xi32>
          %parallel_loop3A_293 = tpu.memref_slice %arg9[%parallel_loop3A_171] : memref<61440xi32, #tpu.memory_space<vmem>> -> memref<4096xi32, #tpu.memory_space<vmem>>
          %parallel_loop3A_294 = tpu.vector_load_idx %parallel_loop3A_293[%parallel_loop3A_283] : memref<4096xi32, #tpu.memory_space<vmem>>[vector<16xi32>], vector<16xi32>,
          %parallel_loop3A_295 = arith.shli %parallel_loop3A_294, %parallel_loop3A_292 : vector<16xi32>
          %parallel_loop3A_296 = tpu.bitcast %parallel_loop3A_277 : vector<16xf32> -> vector<16xi32>
          %parallel_loop3A_297 = arith.constant 3 : i32
          %parallel_loop3A_298 = vector.broadcast %parallel_loop3A_297 : i32 to vector<16xi32>
          %parallel_loop3A_299 = arith.shli %parallel_loop3A_295, %parallel_loop3A_298 : vector<16xi32>
          %parallel_loop3A_300 = arith.constant -2147483648 : i32
          %parallel_loop3A_301 = vector.broadcast %parallel_loop3A_300 : i32 to vector<16xi32>
          %parallel_loop3A_302 = arith.andi %parallel_loop3A_299, %parallel_loop3A_301 : vector<16xi32>
          %parallel_loop3A_303 = arith.xori %parallel_loop3A_302, %parallel_loop3A_296 : vector<16xi32>
          %parallel_loop3A_304 = tpu.bitcast %parallel_loop3A_303 : vector<16xi32> -> vector<16xf32>
          %parallel_loop3A_305 = arith.addf %parallel_loop3A_251, %parallel_loop3A_304 : vector<16xf32>
          %parallel_loop3A_306 = arith.constant 2 : i32
          %parallel_loop3A_307 = vector.broadcast %parallel_loop3A_306 : i32 to vector<16xi32>
          %parallel_loop3A_308 = arith.shli %parallel_loop3A_295, %parallel_loop3A_307 : vector<16xi32>
          %parallel_loop3A_309 = arith.constant -2147483648 : i32
          %parallel_loop3A_310 = vector.broadcast %parallel_loop3A_309 : i32 to vector<16xi32>
          %parallel_loop3A_311 = arith.andi %parallel_loop3A_308, %parallel_loop3A_310 : vector<16xi32>
          %parallel_loop3A_312 = arith.xori %parallel_loop3A_311, %parallel_loop3A_296 : vector<16xi32>
          %parallel_loop3A_313 = tpu.bitcast %parallel_loop3A_312 : vector<16xi32> -> vector<16xf32>
          %parallel_loop3A_314 = arith.addf %parallel_loop3A_260, %parallel_loop3A_313 : vector<16xf32>
          %parallel_loop3A_315 = arith.constant 1 : i32
          %parallel_loop3A_316 = vector.broadcast %parallel_loop3A_315 : i32 to vector<16xi32>
          %parallel_loop3A_317 = arith.shli %parallel_loop3A_295, %parallel_loop3A_316 : vector<16xi32>
          %parallel_loop3A_318 = arith.constant -2147483648 : i32
          %parallel_loop3A_319 = vector.broadcast %parallel_loop3A_318 : i32 to vector<16xi32>
          %parallel_loop3A_320 = arith.andi %parallel_loop3A_317, %parallel_loop3A_319 : vector<16xi32>
          %parallel_loop3A_321 = arith.xori %parallel_loop3A_320, %parallel_loop3A_296 : vector<16xi32>
          %parallel_loop3A_322 = tpu.bitcast %parallel_loop3A_321 : vector<16xi32> -> vector<16xf32>
          %parallel_loop3A_323 = arith.addf %parallel_loop3A_269, %parallel_loop3A_322 : vector<16xf32>
          %parallel_loop3A_324 = arith.constant -2147483648 : i32
          %parallel_loop3A_325 = vector.broadcast %parallel_loop3A_324 : i32 to vector<16xi32>
          %parallel_loop3A_326 = arith.andi %parallel_loop3A_295, %parallel_loop3A_325 : vector<16xi32>
          %parallel_loop3A_327 = arith.xori %parallel_loop3A_326, %parallel_loop3A_296 : vector<16xi32>
          %parallel_loop3A_328 = tpu.bitcast %parallel_loop3A_327 : vector<16xi32> -> vector<16xf32>
          %parallel_loop3A_329 = arith.addf %parallel_loop3A_275, %parallel_loop3A_328 : vector<16xf32>
          %parallel_loop3A_330 = arith.xori %parallel_loop3A_169, %parallel_loop3A_166 : vector<16xi32>
          %parallel_loop3A_331 = arith.mulf %parallel_loop3A_152, %parallel_loop3A_154 : vector<16xf32>
          %parallel_loop3A_332 = arith.constant 32767 : i32
          %parallel_loop3A_333 = vector.broadcast %parallel_loop3A_332 : i32 to vector<16xi32>
          %parallel_loop3A_334 = arith.andi %parallel_loop3A_330, %parallel_loop3A_333 : vector<16xi32>
          %parallel_loop3A_335 = arith.constant 3 : i32
          %parallel_loop3A_336 = vector.broadcast %parallel_loop3A_335 : i32 to vector<16xi32>
          %parallel_loop3A_337 = arith.shrui %parallel_loop3A_334, %parallel_loop3A_336 : vector<16xi32>
          %parallel_loop3A_338 = arith.constant 7 : i32
          %parallel_loop3A_339 = vector.broadcast %parallel_loop3A_338 : i32 to vector<16xi32>
          %parallel_loop3A_340 = arith.andi %parallel_loop3A_334, %parallel_loop3A_339 : vector<16xi32>
          %parallel_loop3A_341 = arith.constant 2 : i32
          %parallel_loop3A_342 = vector.broadcast %parallel_loop3A_341 : i32 to vector<16xi32>
          %parallel_loop3A_343 = arith.shli %parallel_loop3A_340, %parallel_loop3A_342 : vector<16xi32>
          %parallel_loop3A_344 = arith.constant 28 : i32
          %parallel_loop3A_345 = vector.broadcast %parallel_loop3A_344 : i32 to vector<16xi32>
          %parallel_loop3A_346 = arith.subi %parallel_loop3A_345, %parallel_loop3A_343 : vector<16xi32>
          %parallel_loop3A_347 = tpu.memref_slice %arg9[%parallel_loop3A_171] : memref<61440xi32, #tpu.memory_space<vmem>> -> memref<4096xi32, #tpu.memory_space<vmem>>
          %parallel_loop3A_348 = tpu.vector_load_idx %parallel_loop3A_347[%parallel_loop3A_337] : memref<4096xi32, #tpu.memory_space<vmem>>[vector<16xi32>], vector<16xi32>,
          %parallel_loop3A_349 = arith.shli %parallel_loop3A_348, %parallel_loop3A_346 : vector<16xi32>
          %parallel_loop3A_350 = tpu.bitcast %parallel_loop3A_331 : vector<16xf32> -> vector<16xi32>
          %parallel_loop3A_351 = arith.constant 3 : i32
          %parallel_loop3A_352 = vector.broadcast %parallel_loop3A_351 : i32 to vector<16xi32>
          %parallel_loop3A_353 = arith.shli %parallel_loop3A_349, %parallel_loop3A_352 : vector<16xi32>
          %parallel_loop3A_354 = arith.constant -2147483648 : i32
          %parallel_loop3A_355 = vector.broadcast %parallel_loop3A_354 : i32 to vector<16xi32>
          %parallel_loop3A_356 = arith.andi %parallel_loop3A_353, %parallel_loop3A_355 : vector<16xi32>
          %parallel_loop3A_357 = arith.xori %parallel_loop3A_356, %parallel_loop3A_350 : vector<16xi32>
          %parallel_loop3A_358 = tpu.bitcast %parallel_loop3A_357 : vector<16xi32> -> vector<16xf32>
          %parallel_loop3A_359 = arith.addf %parallel_loop3A_305, %parallel_loop3A_358 : vector<16xf32>
          %parallel_loop3A_360 = arith.constant 2 : i32
          %parallel_loop3A_361 = vector.broadcast %parallel_loop3A_360 : i32 to vector<16xi32>
          %parallel_loop3A_362 = arith.shli %parallel_loop3A_349, %parallel_loop3A_361 : vector<16xi32>
          %parallel_loop3A_363 = arith.constant -2147483648 : i32
          %parallel_loop3A_364 = vector.broadcast %parallel_loop3A_363 : i32 to vector<16xi32>
          %parallel_loop3A_365 = arith.andi %parallel_loop3A_362, %parallel_loop3A_364 : vector<16xi32>
          %parallel_loop3A_366 = arith.xori %parallel_loop3A_365, %parallel_loop3A_350 : vector<16xi32>
          %parallel_loop3A_367 = tpu.bitcast %parallel_loop3A_366 : vector<16xi32> -> vector<16xf32>
          %parallel_loop3A_368 = arith.addf %parallel_loop3A_314, %parallel_loop3A_367 : vector<16xf32>
          %parallel_loop3A_369 = arith.constant 1 : i32
          %parallel_loop3A_370 = vector.broadcast %parallel_loop3A_369 : i32 to vector<16xi32>
          %parallel_loop3A_371 = arith.shli %parallel_loop3A_349, %parallel_loop3A_370 : vector<16xi32>
          %parallel_loop3A_372 = arith.constant -2147483648 : i32
          %parallel_loop3A_373 = vector.broadcast %parallel_loop3A_372 : i32 to vector<16xi32>
          %parallel_loop3A_374 = arith.andi %parallel_loop3A_371, %parallel_loop3A_373 : vector<16xi32>
          %parallel_loop3A_375 = arith.xori %parallel_loop3A_374, %parallel_loop3A_350 : vector<16xi32>
          %parallel_loop3A_376 = tpu.bitcast %parallel_loop3A_375 : vector<16xi32> -> vector<16xf32>
          %parallel_loop3A_377 = arith.addf %parallel_loop3A_323, %parallel_loop3A_376 : vector<16xf32>
          %parallel_loop3A_378 = arith.constant -2147483648 : i32
          %parallel_loop3A_379 = vector.broadcast %parallel_loop3A_378 : i32 to vector<16xi32>
          %parallel_loop3A_380 = arith.andi %parallel_loop3A_349, %parallel_loop3A_379 : vector<16xi32>
          %parallel_loop3A_381 = arith.xori %parallel_loop3A_380, %parallel_loop3A_350 : vector<16xi32>
          %parallel_loop3A_382 = tpu.bitcast %parallel_loop3A_381 : vector<16xi32> -> vector<16xf32>
          %parallel_loop3A_383 = arith.addf %parallel_loop3A_329, %parallel_loop3A_382 : vector<16xf32>
          %parallel_loop3A_384 = arith.mulf %parallel_loop3A_115, %parallel_loop3A_142 : vector<16xf32>
          %parallel_loop3A_385 = arith.mulf %parallel_loop3A_127, %parallel_loop3A_142 : vector<16xf32>
          %parallel_loop3A_386 = arith.fptosi %parallel_loop3A_384 : vector<16xf32> to vector<16xi32>
          %parallel_loop3A_387 = arith.fptosi %parallel_loop3A_385 : vector<16xf32> to vector<16xi32>
          %parallel_loop3A_388 = arith.sitofp %parallel_loop3A_386 : vector<16xi32> to vector<16xf32>
          %parallel_loop3A_389 = arith.subf %parallel_loop3A_384, %parallel_loop3A_388 : vector<16xf32>
          %parallel_loop3A_390 = arith.sitofp %parallel_loop3A_387 : vector<16xi32> to vector<16xf32>
          %parallel_loop3A_391 = arith.subf %parallel_loop3A_385, %parallel_loop3A_390 : vector<16xf32>
          %parallel_loop3A_392 = arith.constant 1.000000e+00 : f32
          %parallel_loop3A_393 = vector.broadcast %parallel_loop3A_392 : f32 to vector<16xf32>
          %parallel_loop3A_394 = arith.subf %parallel_loop3A_393, %parallel_loop3A_389 : vector<16xf32>
          %parallel_loop3A_395 = arith.constant 1.000000e+00 : f32
          %parallel_loop3A_396 = vector.broadcast %parallel_loop3A_395 : f32 to vector<16xf32>
          %parallel_loop3A_397 = arith.subf %parallel_loop3A_396, %parallel_loop3A_391 : vector<16xf32>
          %parallel_loop3A_398 = arith.constant -1640531535 : i32
          %parallel_loop3A_399 = vector.broadcast %parallel_loop3A_398 : i32 to vector<16xi32>
          %parallel_loop3A_400 = arith.muli %parallel_loop3A_387, %parallel_loop3A_399 : vector<16xi32>
          %parallel_loop3A_401 = arith.constant -1640531535 : i32
          %parallel_loop3A_402 = vector.broadcast %parallel_loop3A_401 : i32 to vector<16xi32>
          %parallel_loop3A_403 = arith.addi %parallel_loop3A_400, %parallel_loop3A_402 : vector<16xi32>
          %parallel_loop3A_404 = arith.constant 1 : i32
          %parallel_loop3A_405 = vector.broadcast %parallel_loop3A_404 : i32 to vector<16xi32>
          %parallel_loop3A_406 = arith.addi %parallel_loop3A_386, %parallel_loop3A_405 : vector<16xi32>
          %parallel_loop3A_407 = arith.constant 16384 : i32
          %parallel_loop3A_408 = arith.addi %parallel_loop3A_146, %parallel_loop3A_407 : i32
          %parallel_loop3A_409 = arith.xori %parallel_loop3A_386, %parallel_loop3A_400 : vector<16xi32>
          %parallel_loop3A_410 = arith.mulf %parallel_loop3A_394, %parallel_loop3A_397 : vector<16xf32>
          %parallel_loop3A_411 = arith.constant 32767 : i32
          %parallel_loop3A_412 = vector.broadcast %parallel_loop3A_411 : i32 to vector<16xi32>
          %parallel_loop3A_413 = arith.andi %parallel_loop3A_409, %parallel_loop3A_412 : vector<16xi32>
          %parallel_loop3A_414 = arith.constant 3 : i32
          %parallel_loop3A_415 = vector.broadcast %parallel_loop3A_414 : i32 to vector<16xi32>
          %parallel_loop3A_416 = arith.shrui %parallel_loop3A_413, %parallel_loop3A_415 : vector<16xi32>
          %parallel_loop3A_417 = arith.constant 7 : i32
          %parallel_loop3A_418 = vector.broadcast %parallel_loop3A_417 : i32 to vector<16xi32>
          %parallel_loop3A_419 = arith.andi %parallel_loop3A_413, %parallel_loop3A_418 : vector<16xi32>
          %parallel_loop3A_420 = arith.constant 2 : i32
          %parallel_loop3A_421 = vector.broadcast %parallel_loop3A_420 : i32 to vector<16xi32>
          %parallel_loop3A_422 = arith.shli %parallel_loop3A_419, %parallel_loop3A_421 : vector<16xi32>
          %parallel_loop3A_423 = arith.constant 28 : i32
          %parallel_loop3A_424 = vector.broadcast %parallel_loop3A_423 : i32 to vector<16xi32>
          %parallel_loop3A_425 = arith.subi %parallel_loop3A_424, %parallel_loop3A_422 : vector<16xi32>
          %parallel_loop3A_426 = tpu.memref_slice %arg9[%parallel_loop3A_408] : memref<61440xi32, #tpu.memory_space<vmem>> -> memref<4096xi32, #tpu.memory_space<vmem>>
          %parallel_loop3A_427 = tpu.vector_load_idx %parallel_loop3A_426[%parallel_loop3A_416] : memref<4096xi32, #tpu.memory_space<vmem>>[vector<16xi32>], vector<16xi32>,
          %parallel_loop3A_428 = arith.shli %parallel_loop3A_427, %parallel_loop3A_425 : vector<16xi32>
          %parallel_loop3A_429 = tpu.bitcast %parallel_loop3A_410 : vector<16xf32> -> vector<16xi32>
          %parallel_loop3A_430 = arith.constant 3 : i32
          %parallel_loop3A_431 = vector.broadcast %parallel_loop3A_430 : i32 to vector<16xi32>
          %parallel_loop3A_432 = arith.shli %parallel_loop3A_428, %parallel_loop3A_431 : vector<16xi32>
          %parallel_loop3A_433 = arith.constant -2147483648 : i32
          %parallel_loop3A_434 = vector.broadcast %parallel_loop3A_433 : i32 to vector<16xi32>
          %parallel_loop3A_435 = arith.andi %parallel_loop3A_432, %parallel_loop3A_434 : vector<16xi32>
          %parallel_loop3A_436 = arith.xori %parallel_loop3A_435, %parallel_loop3A_429 : vector<16xi32>
          %parallel_loop3A_437 = tpu.bitcast %parallel_loop3A_436 : vector<16xi32> -> vector<16xf32>
          %parallel_loop3A_438 = arith.addf %parallel_loop3A_359, %parallel_loop3A_437 : vector<16xf32>
          %parallel_loop3A_439 = arith.constant 2 : i32
          %parallel_loop3A_440 = vector.broadcast %parallel_loop3A_439 : i32 to vector<16xi32>
          %parallel_loop3A_441 = arith.shli %parallel_loop3A_428, %parallel_loop3A_440 : vector<16xi32>
          %parallel_loop3A_442 = arith.constant -2147483648 : i32
          %parallel_loop3A_443 = vector.broadcast %parallel_loop3A_442 : i32 to vector<16xi32>
          %parallel_loop3A_444 = arith.andi %parallel_loop3A_441, %parallel_loop3A_443 : vector<16xi32>
          %parallel_loop3A_445 = arith.xori %parallel_loop3A_444, %parallel_loop3A_429 : vector<16xi32>
          %parallel_loop3A_446 = tpu.bitcast %parallel_loop3A_445 : vector<16xi32> -> vector<16xf32>
          %parallel_loop3A_447 = arith.addf %parallel_loop3A_368, %parallel_loop3A_446 : vector<16xf32>
          %parallel_loop3A_448 = arith.constant 1 : i32
          %parallel_loop3A_449 = vector.broadcast %parallel_loop3A_448 : i32 to vector<16xi32>
          %parallel_loop3A_450 = arith.shli %parallel_loop3A_428, %parallel_loop3A_449 : vector<16xi32>
          %parallel_loop3A_451 = arith.constant -2147483648 : i32
          %parallel_loop3A_452 = vector.broadcast %parallel_loop3A_451 : i32 to vector<16xi32>
          %parallel_loop3A_453 = arith.andi %parallel_loop3A_450, %parallel_loop3A_452 : vector<16xi32>
          %parallel_loop3A_454 = arith.xori %parallel_loop3A_453, %parallel_loop3A_429 : vector<16xi32>
          %parallel_loop3A_455 = tpu.bitcast %parallel_loop3A_454 : vector<16xi32> -> vector<16xf32>
          %parallel_loop3A_456 = arith.addf %parallel_loop3A_377, %parallel_loop3A_455 : vector<16xf32>
          %parallel_loop3A_457 = arith.constant -2147483648 : i32
          %parallel_loop3A_458 = vector.broadcast %parallel_loop3A_457 : i32 to vector<16xi32>
          %parallel_loop3A_459 = arith.andi %parallel_loop3A_428, %parallel_loop3A_458 : vector<16xi32>
          %parallel_loop3A_460 = arith.xori %parallel_loop3A_459, %parallel_loop3A_429 : vector<16xi32>
          %parallel_loop3A_461 = tpu.bitcast %parallel_loop3A_460 : vector<16xi32> -> vector<16xf32>
          %parallel_loop3A_462 = arith.addf %parallel_loop3A_383, %parallel_loop3A_461 : vector<16xf32>
          %parallel_loop3A_463 = arith.xori %parallel_loop3A_386, %parallel_loop3A_403 : vector<16xi32>
          %parallel_loop3A_464 = arith.mulf %parallel_loop3A_394, %parallel_loop3A_391 : vector<16xf32>
          %parallel_loop3A_465 = arith.constant 32767 : i32
          %parallel_loop3A_466 = vector.broadcast %parallel_loop3A_465 : i32 to vector<16xi32>
          %parallel_loop3A_467 = arith.andi %parallel_loop3A_463, %parallel_loop3A_466 : vector<16xi32>
          %parallel_loop3A_468 = arith.constant 3 : i32
          %parallel_loop3A_469 = vector.broadcast %parallel_loop3A_468 : i32 to vector<16xi32>
          %parallel_loop3A_470 = arith.shrui %parallel_loop3A_467, %parallel_loop3A_469 : vector<16xi32>
          %parallel_loop3A_471 = arith.constant 7 : i32
          %parallel_loop3A_472 = vector.broadcast %parallel_loop3A_471 : i32 to vector<16xi32>
          %parallel_loop3A_473 = arith.andi %parallel_loop3A_467, %parallel_loop3A_472 : vector<16xi32>
          %parallel_loop3A_474 = arith.constant 2 : i32
          %parallel_loop3A_475 = vector.broadcast %parallel_loop3A_474 : i32 to vector<16xi32>
          %parallel_loop3A_476 = arith.shli %parallel_loop3A_473, %parallel_loop3A_475 : vector<16xi32>
          %parallel_loop3A_477 = arith.constant 28 : i32
          %parallel_loop3A_478 = vector.broadcast %parallel_loop3A_477 : i32 to vector<16xi32>
          %parallel_loop3A_479 = arith.subi %parallel_loop3A_478, %parallel_loop3A_476 : vector<16xi32>
          %parallel_loop3A_480 = tpu.memref_slice %arg9[%parallel_loop3A_408] : memref<61440xi32, #tpu.memory_space<vmem>> -> memref<4096xi32, #tpu.memory_space<vmem>>
          %parallel_loop3A_481 = tpu.vector_load_idx %parallel_loop3A_480[%parallel_loop3A_470] : memref<4096xi32, #tpu.memory_space<vmem>>[vector<16xi32>], vector<16xi32>,
          %parallel_loop3A_482 = arith.shli %parallel_loop3A_481, %parallel_loop3A_479 : vector<16xi32>
          %parallel_loop3A_483 = tpu.bitcast %parallel_loop3A_464 : vector<16xf32> -> vector<16xi32>
          %parallel_loop3A_484 = arith.constant 3 : i32
          %parallel_loop3A_485 = vector.broadcast %parallel_loop3A_484 : i32 to vector<16xi32>
          %parallel_loop3A_486 = arith.shli %parallel_loop3A_482, %parallel_loop3A_485 : vector<16xi32>
          %parallel_loop3A_487 = arith.constant -2147483648 : i32
          %parallel_loop3A_488 = vector.broadcast %parallel_loop3A_487 : i32 to vector<16xi32>
          %parallel_loop3A_489 = arith.andi %parallel_loop3A_486, %parallel_loop3A_488 : vector<16xi32>
          %parallel_loop3A_490 = arith.xori %parallel_loop3A_489, %parallel_loop3A_483 : vector<16xi32>
          %parallel_loop3A_491 = tpu.bitcast %parallel_loop3A_490 : vector<16xi32> -> vector<16xf32>
          %parallel_loop3A_492 = arith.addf %parallel_loop3A_438, %parallel_loop3A_491 : vector<16xf32>
          %parallel_loop3A_493 = arith.constant 2 : i32
          %parallel_loop3A_494 = vector.broadcast %parallel_loop3A_493 : i32 to vector<16xi32>
          %parallel_loop3A_495 = arith.shli %parallel_loop3A_482, %parallel_loop3A_494 : vector<16xi32>
          %parallel_loop3A_496 = arith.constant -2147483648 : i32
          %parallel_loop3A_497 = vector.broadcast %parallel_loop3A_496 : i32 to vector<16xi32>
          %parallel_loop3A_498 = arith.andi %parallel_loop3A_495, %parallel_loop3A_497 : vector<16xi32>
          %parallel_loop3A_499 = arith.xori %parallel_loop3A_498, %parallel_loop3A_483 : vector<16xi32>
          %parallel_loop3A_500 = tpu.bitcast %parallel_loop3A_499 : vector<16xi32> -> vector<16xf32>
          %parallel_loop3A_501 = arith.addf %parallel_loop3A_447, %parallel_loop3A_500 : vector<16xf32>
          %parallel_loop3A_502 = arith.constant 1 : i32
          %parallel_loop3A_503 = vector.broadcast %parallel_loop3A_502 : i32 to vector<16xi32>
          %parallel_loop3A_504 = arith.shli %parallel_loop3A_482, %parallel_loop3A_503 : vector<16xi32>
          %parallel_loop3A_505 = arith.constant -2147483648 : i32
          %parallel_loop3A_506 = vector.broadcast %parallel_loop3A_505 : i32 to vector<16xi32>
          %parallel_loop3A_507 = arith.andi %parallel_loop3A_504, %parallel_loop3A_506 : vector<16xi32>
          %parallel_loop3A_508 = arith.xori %parallel_loop3A_507, %parallel_loop3A_483 : vector<16xi32>
          %parallel_loop3A_509 = tpu.bitcast %parallel_loop3A_508 : vector<16xi32> -> vector<16xf32>
          %parallel_loop3A_510 = arith.addf %parallel_loop3A_456, %parallel_loop3A_509 : vector<16xf32>
          %parallel_loop3A_511 = arith.constant -2147483648 : i32
          %parallel_loop3A_512 = vector.broadcast %parallel_loop3A_511 : i32 to vector<16xi32>
          %parallel_loop3A_513 = arith.andi %parallel_loop3A_482, %parallel_loop3A_512 : vector<16xi32>
          %parallel_loop3A_514 = arith.xori %parallel_loop3A_513, %parallel_loop3A_483 : vector<16xi32>
          %parallel_loop3A_515 = tpu.bitcast %parallel_loop3A_514 : vector<16xi32> -> vector<16xf32>
          %parallel_loop3A_516 = arith.addf %parallel_loop3A_462, %parallel_loop3A_515 : vector<16xf32>
          %parallel_loop3A_517 = arith.xori %parallel_loop3A_406, %parallel_loop3A_400 : vector<16xi32>
          %parallel_loop3A_518 = arith.mulf %parallel_loop3A_389, %parallel_loop3A_397 : vector<16xf32>
          %parallel_loop3A_519 = arith.constant 32767 : i32
          %parallel_loop3A_520 = vector.broadcast %parallel_loop3A_519 : i32 to vector<16xi32>
          %parallel_loop3A_521 = arith.andi %parallel_loop3A_517, %parallel_loop3A_520 : vector<16xi32>
          %parallel_loop3A_522 = arith.constant 3 : i32
          %parallel_loop3A_523 = vector.broadcast %parallel_loop3A_522 : i32 to vector<16xi32>
          %parallel_loop3A_524 = arith.shrui %parallel_loop3A_521, %parallel_loop3A_523 : vector<16xi32>
          %parallel_loop3A_525 = arith.constant 7 : i32
          %parallel_loop3A_526 = vector.broadcast %parallel_loop3A_525 : i32 to vector<16xi32>
          %parallel_loop3A_527 = arith.andi %parallel_loop3A_521, %parallel_loop3A_526 : vector<16xi32>
          %parallel_loop3A_528 = arith.constant 2 : i32
          %parallel_loop3A_529 = vector.broadcast %parallel_loop3A_528 : i32 to vector<16xi32>
          %parallel_loop3A_530 = arith.shli %parallel_loop3A_527, %parallel_loop3A_529 : vector<16xi32>
          %parallel_loop3A_531 = arith.constant 28 : i32
          %parallel_loop3A_532 = vector.broadcast %parallel_loop3A_531 : i32 to vector<16xi32>
          %parallel_loop3A_533 = arith.subi %parallel_loop3A_532, %parallel_loop3A_530 : vector<16xi32>
          %parallel_loop3A_534 = tpu.memref_slice %arg9[%parallel_loop3A_408] : memref<61440xi32, #tpu.memory_space<vmem>> -> memref<4096xi32, #tpu.memory_space<vmem>>
          %parallel_loop3A_535 = tpu.vector_load_idx %parallel_loop3A_534[%parallel_loop3A_524] : memref<4096xi32, #tpu.memory_space<vmem>>[vector<16xi32>], vector<16xi32>,
          %parallel_loop3A_536 = arith.shli %parallel_loop3A_535, %parallel_loop3A_533 : vector<16xi32>
          %parallel_loop3A_537 = tpu.bitcast %parallel_loop3A_518 : vector<16xf32> -> vector<16xi32>
          %parallel_loop3A_538 = arith.constant 3 : i32
          %parallel_loop3A_539 = vector.broadcast %parallel_loop3A_538 : i32 to vector<16xi32>
          %parallel_loop3A_540 = arith.shli %parallel_loop3A_536, %parallel_loop3A_539 : vector<16xi32>
          %parallel_loop3A_541 = arith.constant -2147483648 : i32
          %parallel_loop3A_542 = vector.broadcast %parallel_loop3A_541 : i32 to vector<16xi32>
          %parallel_loop3A_543 = arith.andi %parallel_loop3A_540, %parallel_loop3A_542 : vector<16xi32>
          %parallel_loop3A_544 = arith.xori %parallel_loop3A_543, %parallel_loop3A_537 : vector<16xi32>
          %parallel_loop3A_545 = tpu.bitcast %parallel_loop3A_544 : vector<16xi32> -> vector<16xf32>
          %parallel_loop3A_546 = arith.addf %parallel_loop3A_492, %parallel_loop3A_545 : vector<16xf32>
          %parallel_loop3A_547 = arith.constant 2 : i32
          %parallel_loop3A_548 = vector.broadcast %parallel_loop3A_547 : i32 to vector<16xi32>
          %parallel_loop3A_549 = arith.shli %parallel_loop3A_536, %parallel_loop3A_548 : vector<16xi32>
          %parallel_loop3A_550 = arith.constant -2147483648 : i32
          %parallel_loop3A_551 = vector.broadcast %parallel_loop3A_550 : i32 to vector<16xi32>
          %parallel_loop3A_552 = arith.andi %parallel_loop3A_549, %parallel_loop3A_551 : vector<16xi32>
          %parallel_loop3A_553 = arith.xori %parallel_loop3A_552, %parallel_loop3A_537 : vector<16xi32>
          %parallel_loop3A_554 = tpu.bitcast %parallel_loop3A_553 : vector<16xi32> -> vector<16xf32>
          %parallel_loop3A_555 = arith.addf %parallel_loop3A_501, %parallel_loop3A_554 : vector<16xf32>
          %parallel_loop3A_556 = arith.constant 1 : i32
          %parallel_loop3A_557 = vector.broadcast %parallel_loop3A_556 : i32 to vector<16xi32>
          %parallel_loop3A_558 = arith.shli %parallel_loop3A_536, %parallel_loop3A_557 : vector<16xi32>
          %parallel_loop3A_559 = arith.constant -2147483648 : i32
          %parallel_loop3A_560 = vector.broadcast %parallel_loop3A_559 : i32 to vector<16xi32>
          %parallel_loop3A_561 = arith.andi %parallel_loop3A_558, %parallel_loop3A_560 : vector<16xi32>
          %parallel_loop3A_562 = arith.xori %parallel_loop3A_561, %parallel_loop3A_537 : vector<16xi32>
          %parallel_loop3A_563 = tpu.bitcast %parallel_loop3A_562 : vector<16xi32> -> vector<16xf32>
          %parallel_loop3A_564 = arith.addf %parallel_loop3A_510, %parallel_loop3A_563 : vector<16xf32>
          %parallel_loop3A_565 = arith.constant -2147483648 : i32
          %parallel_loop3A_566 = vector.broadcast %parallel_loop3A_565 : i32 to vector<16xi32>
          %parallel_loop3A_567 = arith.andi %parallel_loop3A_536, %parallel_loop3A_566 : vector<16xi32>
          %parallel_loop3A_568 = arith.xori %parallel_loop3A_567, %parallel_loop3A_537 : vector<16xi32>
          %parallel_loop3A_569 = tpu.bitcast %parallel_loop3A_568 : vector<16xi32> -> vector<16xf32>
          %parallel_loop3A_570 = arith.addf %parallel_loop3A_516, %parallel_loop3A_569 : vector<16xf32>
          %parallel_loop3A_571 = arith.xori %parallel_loop3A_406, %parallel_loop3A_403 : vector<16xi32>
          %parallel_loop3A_572 = arith.mulf %parallel_loop3A_389, %parallel_loop3A_391 : vector<16xf32>
          %parallel_loop3A_573 = arith.constant 32767 : i32
          %parallel_loop3A_574 = vector.broadcast %parallel_loop3A_573 : i32 to vector<16xi32>
          %parallel_loop3A_575 = arith.andi %parallel_loop3A_571, %parallel_loop3A_574 : vector<16xi32>
          %parallel_loop3A_576 = arith.constant 3 : i32
          %parallel_loop3A_577 = vector.broadcast %parallel_loop3A_576 : i32 to vector<16xi32>
          %parallel_loop3A_578 = arith.shrui %parallel_loop3A_575, %parallel_loop3A_577 : vector<16xi32>
          %parallel_loop3A_579 = arith.constant 7 : i32
          %parallel_loop3A_580 = vector.broadcast %parallel_loop3A_579 : i32 to vector<16xi32>
          %parallel_loop3A_581 = arith.andi %parallel_loop3A_575, %parallel_loop3A_580 : vector<16xi32>
          %parallel_loop3A_582 = arith.constant 2 : i32
          %parallel_loop3A_583 = vector.broadcast %parallel_loop3A_582 : i32 to vector<16xi32>
          %parallel_loop3A_584 = arith.shli %parallel_loop3A_581, %parallel_loop3A_583 : vector<16xi32>
          %parallel_loop3A_585 = arith.constant 28 : i32
          %parallel_loop3A_586 = vector.broadcast %parallel_loop3A_585 : i32 to vector<16xi32>
          %parallel_loop3A_587 = arith.subi %parallel_loop3A_586, %parallel_loop3A_584 : vector<16xi32>
          %parallel_loop3A_588 = tpu.memref_slice %arg9[%parallel_loop3A_408] : memref<61440xi32, #tpu.memory_space<vmem>> -> memref<4096xi32, #tpu.memory_space<vmem>>
          %parallel_loop3A_589 = tpu.vector_load_idx %parallel_loop3A_588[%parallel_loop3A_578] : memref<4096xi32, #tpu.memory_space<vmem>>[vector<16xi32>], vector<16xi32>,
          %parallel_loop3A_590 = arith.shli %parallel_loop3A_589, %parallel_loop3A_587 : vector<16xi32>
          %parallel_loop3A_591 = tpu.bitcast %parallel_loop3A_572 : vector<16xf32> -> vector<16xi32>
          %parallel_loop3A_592 = arith.constant 3 : i32
          %parallel_loop3A_593 = vector.broadcast %parallel_loop3A_592 : i32 to vector<16xi32>
          %parallel_loop3A_594 = arith.shli %parallel_loop3A_590, %parallel_loop3A_593 : vector<16xi32>
          %parallel_loop3A_595 = arith.constant -2147483648 : i32
          %parallel_loop3A_596 = vector.broadcast %parallel_loop3A_595 : i32 to vector<16xi32>
          %parallel_loop3A_597 = arith.andi %parallel_loop3A_594, %parallel_loop3A_596 : vector<16xi32>
          %parallel_loop3A_598 = arith.xori %parallel_loop3A_597, %parallel_loop3A_591 : vector<16xi32>
          %parallel_loop3A_599 = tpu.bitcast %parallel_loop3A_598 : vector<16xi32> -> vector<16xf32>
          %parallel_loop3A_600 = arith.addf %parallel_loop3A_546, %parallel_loop3A_599 : vector<16xf32>
          %parallel_loop3A_601 = arith.constant 2 : i32
          %parallel_loop3A_602 = vector.broadcast %parallel_loop3A_601 : i32 to vector<16xi32>
          %parallel_loop3A_603 = arith.shli %parallel_loop3A_590, %parallel_loop3A_602 : vector<16xi32>
          %parallel_loop3A_604 = arith.constant -2147483648 : i32
          %parallel_loop3A_605 = vector.broadcast %parallel_loop3A_604 : i32 to vector<16xi32>
          %parallel_loop3A_606 = arith.andi %parallel_loop3A_603, %parallel_loop3A_605 : vector<16xi32>
          %parallel_loop3A_607 = arith.xori %parallel_loop3A_606, %parallel_loop3A_591 : vector<16xi32>
          %parallel_loop3A_608 = tpu.bitcast %parallel_loop3A_607 : vector<16xi32> -> vector<16xf32>
          %parallel_loop3A_609 = arith.addf %parallel_loop3A_555, %parallel_loop3A_608 : vector<16xf32>
          %parallel_loop3A_610 = arith.constant 1 : i32
          %parallel_loop3A_611 = vector.broadcast %parallel_loop3A_610 : i32 to vector<16xi32>
          %parallel_loop3A_612 = arith.shli %parallel_loop3A_590, %parallel_loop3A_611 : vector<16xi32>
          %parallel_loop3A_613 = arith.constant -2147483648 : i32
          %parallel_loop3A_614 = vector.broadcast %parallel_loop3A_613 : i32 to vector<16xi32>
          %parallel_loop3A_615 = arith.andi %parallel_loop3A_612, %parallel_loop3A_614 : vector<16xi32>
          %parallel_loop3A_616 = arith.xori %parallel_loop3A_615, %parallel_loop3A_591 : vector<16xi32>
          %parallel_loop3A_617 = tpu.bitcast %parallel_loop3A_616 : vector<16xi32> -> vector<16xf32>
          %parallel_loop3A_618 = arith.addf %parallel_loop3A_564, %parallel_loop3A_617 : vector<16xf32>
          %parallel_loop3A_619 = arith.constant -2147483648 : i32
          %parallel_loop3A_620 = vector.broadcast %parallel_loop3A_619 : i32 to vector<16xi32>
          %parallel_loop3A_621 = arith.andi %parallel_loop3A_590, %parallel_loop3A_620 : vector<16xi32>
          %parallel_loop3A_622 = arith.xori %parallel_loop3A_621, %parallel_loop3A_591 : vector<16xi32>
          %parallel_loop3A_623 = tpu.bitcast %parallel_loop3A_622 : vector<16xi32> -> vector<16xf32>
          %parallel_loop3A_624 = arith.addf %parallel_loop3A_570, %parallel_loop3A_623 : vector<16xf32>
          %parallel_loop3A_625 = arith.mulf %parallel_loop3A_121, %parallel_loop3A_142 : vector<16xf32>
          %parallel_loop3A_626 = arith.mulf %parallel_loop3A_127, %parallel_loop3A_142 : vector<16xf32>
          %parallel_loop3A_627 = arith.fptosi %parallel_loop3A_625 : vector<16xf32> to vector<16xi32>
          %parallel_loop3A_628 = arith.fptosi %parallel_loop3A_626 : vector<16xf32> to vector<16xi32>
          %parallel_loop3A_629 = arith.sitofp %parallel_loop3A_627 : vector<16xi32> to vector<16xf32>
          %parallel_loop3A_630 = arith.subf %parallel_loop3A_625, %parallel_loop3A_629 : vector<16xf32>
          %parallel_loop3A_631 = arith.sitofp %parallel_loop3A_628 : vector<16xi32> to vector<16xf32>
          %parallel_loop3A_632 = arith.subf %parallel_loop3A_626, %parallel_loop3A_631 : vector<16xf32>
          %parallel_loop3A_633 = arith.constant 1.000000e+00 : f32
          %parallel_loop3A_634 = vector.broadcast %parallel_loop3A_633 : f32 to vector<16xf32>
          %parallel_loop3A_635 = arith.subf %parallel_loop3A_634, %parallel_loop3A_630 : vector<16xf32>
          %parallel_loop3A_636 = arith.constant 1.000000e+00 : f32
          %parallel_loop3A_637 = vector.broadcast %parallel_loop3A_636 : f32 to vector<16xf32>
          %parallel_loop3A_638 = arith.subf %parallel_loop3A_637, %parallel_loop3A_632 : vector<16xf32>
          %parallel_loop3A_639 = arith.constant -1640531535 : i32
          %parallel_loop3A_640 = vector.broadcast %parallel_loop3A_639 : i32 to vector<16xi32>
          %parallel_loop3A_641 = arith.muli %parallel_loop3A_628, %parallel_loop3A_640 : vector<16xi32>
          %parallel_loop3A_642 = arith.constant -1640531535 : i32
          %parallel_loop3A_643 = vector.broadcast %parallel_loop3A_642 : i32 to vector<16xi32>
          %parallel_loop3A_644 = arith.addi %parallel_loop3A_641, %parallel_loop3A_643 : vector<16xi32>
          %parallel_loop3A_645 = arith.constant 1 : i32
          %parallel_loop3A_646 = vector.broadcast %parallel_loop3A_645 : i32 to vector<16xi32>
          %parallel_loop3A_647 = arith.addi %parallel_loop3A_627, %parallel_loop3A_646 : vector<16xi32>
          %parallel_loop3A_648 = arith.constant 32768 : i32
          %parallel_loop3A_649 = arith.addi %parallel_loop3A_146, %parallel_loop3A_648 : i32
          %parallel_loop3A_650 = arith.xori %parallel_loop3A_627, %parallel_loop3A_641 : vector<16xi32>
          %parallel_loop3A_651 = arith.mulf %parallel_loop3A_635, %parallel_loop3A_638 : vector<16xf32>
          %parallel_loop3A_652 = arith.constant 32767 : i32
          %parallel_loop3A_653 = vector.broadcast %parallel_loop3A_652 : i32 to vector<16xi32>
          %parallel_loop3A_654 = arith.andi %parallel_loop3A_650, %parallel_loop3A_653 : vector<16xi32>
          %parallel_loop3A_655 = arith.constant 3 : i32
          %parallel_loop3A_656 = vector.broadcast %parallel_loop3A_655 : i32 to vector<16xi32>
          %parallel_loop3A_657 = arith.shrui %parallel_loop3A_654, %parallel_loop3A_656 : vector<16xi32>
          %parallel_loop3A_658 = arith.constant 7 : i32
          %parallel_loop3A_659 = vector.broadcast %parallel_loop3A_658 : i32 to vector<16xi32>
          %parallel_loop3A_660 = arith.andi %parallel_loop3A_654, %parallel_loop3A_659 : vector<16xi32>
          %parallel_loop3A_661 = arith.constant 2 : i32
          %parallel_loop3A_662 = vector.broadcast %parallel_loop3A_661 : i32 to vector<16xi32>
          %parallel_loop3A_663 = arith.shli %parallel_loop3A_660, %parallel_loop3A_662 : vector<16xi32>
          %parallel_loop3A_664 = arith.constant 28 : i32
          %parallel_loop3A_665 = vector.broadcast %parallel_loop3A_664 : i32 to vector<16xi32>
          %parallel_loop3A_666 = arith.subi %parallel_loop3A_665, %parallel_loop3A_663 : vector<16xi32>
          %parallel_loop3A_667 = tpu.memref_slice %arg9[%parallel_loop3A_649] : memref<61440xi32, #tpu.memory_space<vmem>> -> memref<4096xi32, #tpu.memory_space<vmem>>
          %parallel_loop3A_668 = tpu.vector_load_idx %parallel_loop3A_667[%parallel_loop3A_657] : memref<4096xi32, #tpu.memory_space<vmem>>[vector<16xi32>], vector<16xi32>,
          %parallel_loop3A_669 = arith.shli %parallel_loop3A_668, %parallel_loop3A_666 : vector<16xi32>
          %parallel_loop3A_670 = tpu.bitcast %parallel_loop3A_651 : vector<16xf32> -> vector<16xi32>
          %parallel_loop3A_671 = arith.constant 3 : i32
          %parallel_loop3A_672 = vector.broadcast %parallel_loop3A_671 : i32 to vector<16xi32>
          %parallel_loop3A_673 = arith.shli %parallel_loop3A_669, %parallel_loop3A_672 : vector<16xi32>
          %parallel_loop3A_674 = arith.constant -2147483648 : i32
          %parallel_loop3A_675 = vector.broadcast %parallel_loop3A_674 : i32 to vector<16xi32>
          %parallel_loop3A_676 = arith.andi %parallel_loop3A_673, %parallel_loop3A_675 : vector<16xi32>
          %parallel_loop3A_677 = arith.xori %parallel_loop3A_676, %parallel_loop3A_670 : vector<16xi32>
          %parallel_loop3A_678 = tpu.bitcast %parallel_loop3A_677 : vector<16xi32> -> vector<16xf32>
          %parallel_loop3A_679 = arith.addf %parallel_loop3A_600, %parallel_loop3A_678 : vector<16xf32>
          %parallel_loop3A_680 = arith.constant 2 : i32
          %parallel_loop3A_681 = vector.broadcast %parallel_loop3A_680 : i32 to vector<16xi32>
          %parallel_loop3A_682 = arith.shli %parallel_loop3A_669, %parallel_loop3A_681 : vector<16xi32>
          %parallel_loop3A_683 = arith.constant -2147483648 : i32
          %parallel_loop3A_684 = vector.broadcast %parallel_loop3A_683 : i32 to vector<16xi32>
          %parallel_loop3A_685 = arith.andi %parallel_loop3A_682, %parallel_loop3A_684 : vector<16xi32>
          %parallel_loop3A_686 = arith.xori %parallel_loop3A_685, %parallel_loop3A_670 : vector<16xi32>
          %parallel_loop3A_687 = tpu.bitcast %parallel_loop3A_686 : vector<16xi32> -> vector<16xf32>
          %parallel_loop3A_688 = arith.addf %parallel_loop3A_609, %parallel_loop3A_687 : vector<16xf32>
          %parallel_loop3A_689 = arith.constant 1 : i32
          %parallel_loop3A_690 = vector.broadcast %parallel_loop3A_689 : i32 to vector<16xi32>
          %parallel_loop3A_691 = arith.shli %parallel_loop3A_669, %parallel_loop3A_690 : vector<16xi32>
          %parallel_loop3A_692 = arith.constant -2147483648 : i32
          %parallel_loop3A_693 = vector.broadcast %parallel_loop3A_692 : i32 to vector<16xi32>
          %parallel_loop3A_694 = arith.andi %parallel_loop3A_691, %parallel_loop3A_693 : vector<16xi32>
          %parallel_loop3A_695 = arith.xori %parallel_loop3A_694, %parallel_loop3A_670 : vector<16xi32>
          %parallel_loop3A_696 = tpu.bitcast %parallel_loop3A_695 : vector<16xi32> -> vector<16xf32>
          %parallel_loop3A_697 = arith.addf %parallel_loop3A_618, %parallel_loop3A_696 : vector<16xf32>
          %parallel_loop3A_698 = arith.constant -2147483648 : i32
          %parallel_loop3A_699 = vector.broadcast %parallel_loop3A_698 : i32 to vector<16xi32>
          %parallel_loop3A_700 = arith.andi %parallel_loop3A_669, %parallel_loop3A_699 : vector<16xi32>
          %parallel_loop3A_701 = arith.xori %parallel_loop3A_700, %parallel_loop3A_670 : vector<16xi32>
          %parallel_loop3A_702 = tpu.bitcast %parallel_loop3A_701 : vector<16xi32> -> vector<16xf32>
          %parallel_loop3A_703 = arith.addf %parallel_loop3A_624, %parallel_loop3A_702 : vector<16xf32>
          %parallel_loop3A_704 = arith.xori %parallel_loop3A_627, %parallel_loop3A_644 : vector<16xi32>
          %parallel_loop3A_705 = arith.mulf %parallel_loop3A_635, %parallel_loop3A_632 : vector<16xf32>
          %parallel_loop3A_706 = arith.constant 32767 : i32
          %parallel_loop3A_707 = vector.broadcast %parallel_loop3A_706 : i32 to vector<16xi32>
          %parallel_loop3A_708 = arith.andi %parallel_loop3A_704, %parallel_loop3A_707 : vector<16xi32>
          %parallel_loop3A_709 = arith.constant 3 : i32
          %parallel_loop3A_710 = vector.broadcast %parallel_loop3A_709 : i32 to vector<16xi32>
          %parallel_loop3A_711 = arith.shrui %parallel_loop3A_708, %parallel_loop3A_710 : vector<16xi32>
          %parallel_loop3A_712 = arith.constant 7 : i32
          %parallel_loop3A_713 = vector.broadcast %parallel_loop3A_712 : i32 to vector<16xi32>
          %parallel_loop3A_714 = arith.andi %parallel_loop3A_708, %parallel_loop3A_713 : vector<16xi32>
          %parallel_loop3A_715 = arith.constant 2 : i32
          %parallel_loop3A_716 = vector.broadcast %parallel_loop3A_715 : i32 to vector<16xi32>
          %parallel_loop3A_717 = arith.shli %parallel_loop3A_714, %parallel_loop3A_716 : vector<16xi32>
          %parallel_loop3A_718 = arith.constant 28 : i32
          %parallel_loop3A_719 = vector.broadcast %parallel_loop3A_718 : i32 to vector<16xi32>
          %parallel_loop3A_720 = arith.subi %parallel_loop3A_719, %parallel_loop3A_717 : vector<16xi32>
          %parallel_loop3A_721 = tpu.memref_slice %arg9[%parallel_loop3A_649] : memref<61440xi32, #tpu.memory_space<vmem>> -> memref<4096xi32, #tpu.memory_space<vmem>>
          %parallel_loop3A_722 = tpu.vector_load_idx %parallel_loop3A_721[%parallel_loop3A_711] : memref<4096xi32, #tpu.memory_space<vmem>>[vector<16xi32>], vector<16xi32>,
          %parallel_loop3A_723 = arith.shli %parallel_loop3A_722, %parallel_loop3A_720 : vector<16xi32>
          %parallel_loop3A_724 = tpu.bitcast %parallel_loop3A_705 : vector<16xf32> -> vector<16xi32>
          %parallel_loop3A_725 = arith.constant 3 : i32
          %parallel_loop3A_726 = vector.broadcast %parallel_loop3A_725 : i32 to vector<16xi32>
          %parallel_loop3A_727 = arith.shli %parallel_loop3A_723, %parallel_loop3A_726 : vector<16xi32>
          %parallel_loop3A_728 = arith.constant -2147483648 : i32
          %parallel_loop3A_729 = vector.broadcast %parallel_loop3A_728 : i32 to vector<16xi32>
          %parallel_loop3A_730 = arith.andi %parallel_loop3A_727, %parallel_loop3A_729 : vector<16xi32>
          %parallel_loop3A_731 = arith.xori %parallel_loop3A_730, %parallel_loop3A_724 : vector<16xi32>
          %parallel_loop3A_732 = tpu.bitcast %parallel_loop3A_731 : vector<16xi32> -> vector<16xf32>
          %parallel_loop3A_733 = arith.addf %parallel_loop3A_679, %parallel_loop3A_732 : vector<16xf32>
          %parallel_loop3A_734 = arith.constant 2 : i32
          %parallel_loop3A_735 = vector.broadcast %parallel_loop3A_734 : i32 to vector<16xi32>
          %parallel_loop3A_736 = arith.shli %parallel_loop3A_723, %parallel_loop3A_735 : vector<16xi32>
          %parallel_loop3A_737 = arith.constant -2147483648 : i32
          %parallel_loop3A_738 = vector.broadcast %parallel_loop3A_737 : i32 to vector<16xi32>
          %parallel_loop3A_739 = arith.andi %parallel_loop3A_736, %parallel_loop3A_738 : vector<16xi32>
          %parallel_loop3A_740 = arith.xori %parallel_loop3A_739, %parallel_loop3A_724 : vector<16xi32>
          %parallel_loop3A_741 = tpu.bitcast %parallel_loop3A_740 : vector<16xi32> -> vector<16xf32>
          %parallel_loop3A_742 = arith.addf %parallel_loop3A_688, %parallel_loop3A_741 : vector<16xf32>
          %parallel_loop3A_743 = arith.constant 1 : i32
          %parallel_loop3A_744 = vector.broadcast %parallel_loop3A_743 : i32 to vector<16xi32>
          %parallel_loop3A_745 = arith.shli %parallel_loop3A_723, %parallel_loop3A_744 : vector<16xi32>
          %parallel_loop3A_746 = arith.constant -2147483648 : i32
          %parallel_loop3A_747 = vector.broadcast %parallel_loop3A_746 : i32 to vector<16xi32>
          %parallel_loop3A_748 = arith.andi %parallel_loop3A_745, %parallel_loop3A_747 : vector<16xi32>
          %parallel_loop3A_749 = arith.xori %parallel_loop3A_748, %parallel_loop3A_724 : vector<16xi32>
          %parallel_loop3A_750 = tpu.bitcast %parallel_loop3A_749 : vector<16xi32> -> vector<16xf32>
          %parallel_loop3A_751 = arith.addf %parallel_loop3A_697, %parallel_loop3A_750 : vector<16xf32>
          %parallel_loop3A_752 = arith.constant -2147483648 : i32
          %parallel_loop3A_753 = vector.broadcast %parallel_loop3A_752 : i32 to vector<16xi32>
          %parallel_loop3A_754 = arith.andi %parallel_loop3A_723, %parallel_loop3A_753 : vector<16xi32>
          %parallel_loop3A_755 = arith.xori %parallel_loop3A_754, %parallel_loop3A_724 : vector<16xi32>
          %parallel_loop3A_756 = tpu.bitcast %parallel_loop3A_755 : vector<16xi32> -> vector<16xf32>
          %parallel_loop3A_757 = arith.addf %parallel_loop3A_703, %parallel_loop3A_756 : vector<16xf32>
          %parallel_loop3A_758 = arith.xori %parallel_loop3A_647, %parallel_loop3A_641 : vector<16xi32>
          %parallel_loop3A_759 = arith.mulf %parallel_loop3A_630, %parallel_loop3A_638 : vector<16xf32>
          %parallel_loop3A_760 = arith.constant 32767 : i32
          %parallel_loop3A_761 = vector.broadcast %parallel_loop3A_760 : i32 to vector<16xi32>
          %parallel_loop3A_762 = arith.andi %parallel_loop3A_758, %parallel_loop3A_761 : vector<16xi32>
          %parallel_loop3A_763 = arith.constant 3 : i32
          %parallel_loop3A_764 = vector.broadcast %parallel_loop3A_763 : i32 to vector<16xi32>
          %parallel_loop3A_765 = arith.shrui %parallel_loop3A_762, %parallel_loop3A_764 : vector<16xi32>
          %parallel_loop3A_766 = arith.constant 7 : i32
          %parallel_loop3A_767 = vector.broadcast %parallel_loop3A_766 : i32 to vector<16xi32>
          %parallel_loop3A_768 = arith.andi %parallel_loop3A_762, %parallel_loop3A_767 : vector<16xi32>
          %parallel_loop3A_769 = arith.constant 2 : i32
          %parallel_loop3A_770 = vector.broadcast %parallel_loop3A_769 : i32 to vector<16xi32>
          %parallel_loop3A_771 = arith.shli %parallel_loop3A_768, %parallel_loop3A_770 : vector<16xi32>
          %parallel_loop3A_772 = arith.constant 28 : i32
          %parallel_loop3A_773 = vector.broadcast %parallel_loop3A_772 : i32 to vector<16xi32>
          %parallel_loop3A_774 = arith.subi %parallel_loop3A_773, %parallel_loop3A_771 : vector<16xi32>
          %parallel_loop3A_775 = tpu.memref_slice %arg9[%parallel_loop3A_649] : memref<61440xi32, #tpu.memory_space<vmem>> -> memref<4096xi32, #tpu.memory_space<vmem>>
          %parallel_loop3A_776 = tpu.vector_load_idx %parallel_loop3A_775[%parallel_loop3A_765] : memref<4096xi32, #tpu.memory_space<vmem>>[vector<16xi32>], vector<16xi32>,
          %parallel_loop3A_777 = arith.shli %parallel_loop3A_776, %parallel_loop3A_774 : vector<16xi32>
          %parallel_loop3A_778 = tpu.bitcast %parallel_loop3A_759 : vector<16xf32> -> vector<16xi32>
          %parallel_loop3A_779 = arith.constant 3 : i32
          %parallel_loop3A_780 = vector.broadcast %parallel_loop3A_779 : i32 to vector<16xi32>
          %parallel_loop3A_781 = arith.shli %parallel_loop3A_777, %parallel_loop3A_780 : vector<16xi32>
          %parallel_loop3A_782 = arith.constant -2147483648 : i32
          %parallel_loop3A_783 = vector.broadcast %parallel_loop3A_782 : i32 to vector<16xi32>
          %parallel_loop3A_784 = arith.andi %parallel_loop3A_781, %parallel_loop3A_783 : vector<16xi32>
          %parallel_loop3A_785 = arith.xori %parallel_loop3A_784, %parallel_loop3A_778 : vector<16xi32>
          %parallel_loop3A_786 = tpu.bitcast %parallel_loop3A_785 : vector<16xi32> -> vector<16xf32>
          %parallel_loop3A_787 = arith.addf %parallel_loop3A_733, %parallel_loop3A_786 : vector<16xf32>
          %parallel_loop3A_788 = arith.constant 2 : i32
          %parallel_loop3A_789 = vector.broadcast %parallel_loop3A_788 : i32 to vector<16xi32>
          %parallel_loop3A_790 = arith.shli %parallel_loop3A_777, %parallel_loop3A_789 : vector<16xi32>
          %parallel_loop3A_791 = arith.constant -2147483648 : i32
          %parallel_loop3A_792 = vector.broadcast %parallel_loop3A_791 : i32 to vector<16xi32>
          %parallel_loop3A_793 = arith.andi %parallel_loop3A_790, %parallel_loop3A_792 : vector<16xi32>
          %parallel_loop3A_794 = arith.xori %parallel_loop3A_793, %parallel_loop3A_778 : vector<16xi32>
          %parallel_loop3A_795 = tpu.bitcast %parallel_loop3A_794 : vector<16xi32> -> vector<16xf32>
          %parallel_loop3A_796 = arith.addf %parallel_loop3A_742, %parallel_loop3A_795 : vector<16xf32>
          %parallel_loop3A_797 = arith.constant 1 : i32
          %parallel_loop3A_798 = vector.broadcast %parallel_loop3A_797 : i32 to vector<16xi32>
          %parallel_loop3A_799 = arith.shli %parallel_loop3A_777, %parallel_loop3A_798 : vector<16xi32>
          %parallel_loop3A_800 = arith.constant -2147483648 : i32
          %parallel_loop3A_801 = vector.broadcast %parallel_loop3A_800 : i32 to vector<16xi32>
          %parallel_loop3A_802 = arith.andi %parallel_loop3A_799, %parallel_loop3A_801 : vector<16xi32>
          %parallel_loop3A_803 = arith.xori %parallel_loop3A_802, %parallel_loop3A_778 : vector<16xi32>
          %parallel_loop3A_804 = tpu.bitcast %parallel_loop3A_803 : vector<16xi32> -> vector<16xf32>
          %parallel_loop3A_805 = arith.addf %parallel_loop3A_751, %parallel_loop3A_804 : vector<16xf32>
          %parallel_loop3A_806 = arith.constant -2147483648 : i32
          %parallel_loop3A_807 = vector.broadcast %parallel_loop3A_806 : i32 to vector<16xi32>
          %parallel_loop3A_808 = arith.andi %parallel_loop3A_777, %parallel_loop3A_807 : vector<16xi32>
          %parallel_loop3A_809 = arith.xori %parallel_loop3A_808, %parallel_loop3A_778 : vector<16xi32>
          %parallel_loop3A_810 = tpu.bitcast %parallel_loop3A_809 : vector<16xi32> -> vector<16xf32>
          %parallel_loop3A_811 = arith.addf %parallel_loop3A_757, %parallel_loop3A_810 : vector<16xf32>
          %parallel_loop3A_812 = arith.xori %parallel_loop3A_647, %parallel_loop3A_644 : vector<16xi32>
          %parallel_loop3A_813 = arith.mulf %parallel_loop3A_630, %parallel_loop3A_632 : vector<16xf32>
          %parallel_loop3A_814 = arith.constant 32767 : i32
          %parallel_loop3A_815 = vector.broadcast %parallel_loop3A_814 : i32 to vector<16xi32>
          %parallel_loop3A_816 = arith.andi %parallel_loop3A_812, %parallel_loop3A_815 : vector<16xi32>
          %parallel_loop3A_817 = arith.constant 3 : i32
          %parallel_loop3A_818 = vector.broadcast %parallel_loop3A_817 : i32 to vector<16xi32>
          %parallel_loop3A_819 = arith.shrui %parallel_loop3A_816, %parallel_loop3A_818 : vector<16xi32>
          %parallel_loop3A_820 = arith.constant 7 : i32
          %parallel_loop3A_821 = vector.broadcast %parallel_loop3A_820 : i32 to vector<16xi32>
          %parallel_loop3A_822 = arith.andi %parallel_loop3A_816, %parallel_loop3A_821 : vector<16xi32>
          %parallel_loop3A_823 = arith.constant 2 : i32
          %parallel_loop3A_824 = vector.broadcast %parallel_loop3A_823 : i32 to vector<16xi32>
          %parallel_loop3A_825 = arith.shli %parallel_loop3A_822, %parallel_loop3A_824 : vector<16xi32>
          %parallel_loop3A_826 = arith.constant 28 : i32
          %parallel_loop3A_827 = vector.broadcast %parallel_loop3A_826 : i32 to vector<16xi32>
          %parallel_loop3A_828 = arith.subi %parallel_loop3A_827, %parallel_loop3A_825 : vector<16xi32>
          %parallel_loop3A_829 = tpu.memref_slice %arg9[%parallel_loop3A_649] : memref<61440xi32, #tpu.memory_space<vmem>> -> memref<4096xi32, #tpu.memory_space<vmem>>
          %parallel_loop3A_830 = tpu.vector_load_idx %parallel_loop3A_829[%parallel_loop3A_819] : memref<4096xi32, #tpu.memory_space<vmem>>[vector<16xi32>], vector<16xi32>,
          %parallel_loop3A_831 = arith.shli %parallel_loop3A_830, %parallel_loop3A_828 : vector<16xi32>
          %parallel_loop3A_832 = tpu.bitcast %parallel_loop3A_813 : vector<16xf32> -> vector<16xi32>
          %parallel_loop3A_833 = arith.constant 3 : i32
          %parallel_loop3A_834 = vector.broadcast %parallel_loop3A_833 : i32 to vector<16xi32>
          %parallel_loop3A_835 = arith.shli %parallel_loop3A_831, %parallel_loop3A_834 : vector<16xi32>
          %parallel_loop3A_836 = arith.constant -2147483648 : i32
          %parallel_loop3A_837 = vector.broadcast %parallel_loop3A_836 : i32 to vector<16xi32>
          %parallel_loop3A_838 = arith.andi %parallel_loop3A_835, %parallel_loop3A_837 : vector<16xi32>
          %parallel_loop3A_839 = arith.xori %parallel_loop3A_838, %parallel_loop3A_832 : vector<16xi32>
          %parallel_loop3A_840 = tpu.bitcast %parallel_loop3A_839 : vector<16xi32> -> vector<16xf32>
          %parallel_loop3A_841 = arith.addf %parallel_loop3A_787, %parallel_loop3A_840 : vector<16xf32>
          %parallel_loop3A_842 = arith.constant 2 : i32
          %parallel_loop3A_843 = vector.broadcast %parallel_loop3A_842 : i32 to vector<16xi32>
          %parallel_loop3A_844 = arith.shli %parallel_loop3A_831, %parallel_loop3A_843 : vector<16xi32>
          %parallel_loop3A_845 = arith.constant -2147483648 : i32
          %parallel_loop3A_846 = vector.broadcast %parallel_loop3A_845 : i32 to vector<16xi32>
          %parallel_loop3A_847 = arith.andi %parallel_loop3A_844, %parallel_loop3A_846 : vector<16xi32>
          %parallel_loop3A_848 = arith.xori %parallel_loop3A_847, %parallel_loop3A_832 : vector<16xi32>
          %parallel_loop3A_849 = tpu.bitcast %parallel_loop3A_848 : vector<16xi32> -> vector<16xf32>
          %parallel_loop3A_850 = arith.addf %parallel_loop3A_796, %parallel_loop3A_849 : vector<16xf32>
          %parallel_loop3A_851 = arith.constant 1 : i32
          %parallel_loop3A_852 = vector.broadcast %parallel_loop3A_851 : i32 to vector<16xi32>
          %parallel_loop3A_853 = arith.shli %parallel_loop3A_831, %parallel_loop3A_852 : vector<16xi32>
          %parallel_loop3A_854 = arith.constant -2147483648 : i32
          %parallel_loop3A_855 = vector.broadcast %parallel_loop3A_854 : i32 to vector<16xi32>
          %parallel_loop3A_856 = arith.andi %parallel_loop3A_853, %parallel_loop3A_855 : vector<16xi32>
          %parallel_loop3A_857 = arith.xori %parallel_loop3A_856, %parallel_loop3A_832 : vector<16xi32>
          %parallel_loop3A_858 = tpu.bitcast %parallel_loop3A_857 : vector<16xi32> -> vector<16xf32>
          %parallel_loop3A_859 = arith.addf %parallel_loop3A_805, %parallel_loop3A_858 : vector<16xf32>
          %parallel_loop3A_860 = arith.constant -2147483648 : i32
          %parallel_loop3A_861 = vector.broadcast %parallel_loop3A_860 : i32 to vector<16xi32>
          %parallel_loop3A_862 = arith.andi %parallel_loop3A_831, %parallel_loop3A_861 : vector<16xi32>
          %parallel_loop3A_863 = arith.xori %parallel_loop3A_862, %parallel_loop3A_832 : vector<16xi32>
          %parallel_loop3A_864 = tpu.bitcast %parallel_loop3A_863 : vector<16xi32> -> vector<16xf32>
          %parallel_loop3A_865 = arith.addf %parallel_loop3A_811, %parallel_loop3A_864 : vector<16xf32>
          %parallel_loop3A_866 = arith.constant 4 : i32
          %parallel_loop3A_867 = arith.muli %parallel_loop3A_138, %parallel_loop3A_866 : i32
          %parallel_loop3A_868 = arith.constant 48 : i32
          %parallel_loop3A_869 = arith.addi %parallel_loop3A_868, %parallel_loop3A_867 : i32
          %parallel_loop3A_870 = vector.broadcast %parallel_loop3A_869 : i32 to vector<16xi32>
          %parallel_loop3A_871 = arith.addi %mul3A_3, %parallel_loop3A_870 : vector<16xi32>
          %parallel_loop3A_872 = arith.constant 0 : i32
          %parallel_loop3A_873 = vector.broadcast %parallel_loop3A_872 : i32 to vector<16xi32>
          %parallel_loop3A_874 = arith.addi %parallel_loop3A_871, %parallel_loop3A_873 : vector<16xi32>
          tpu.vector_store_idx %arg16[%parallel_loop3A_131, %parallel_loop3A_874], %parallel_loop3A_841 : memref<256x64xf32, #tpu.memory_space<vmem>>[vector<16xi32>, vector<16xi32>], vector<16xf32>,
          %parallel_loop3A_875 = arith.constant 1 : i32
          %parallel_loop3A_876 = vector.broadcast %parallel_loop3A_875 : i32 to vector<16xi32>
          %parallel_loop3A_877 = arith.addi %parallel_loop3A_871, %parallel_loop3A_876 : vector<16xi32>
          tpu.vector_store_idx %arg16[%parallel_loop3A_131, %parallel_loop3A_877], %parallel_loop3A_850 : memref<256x64xf32, #tpu.memory_space<vmem>>[vector<16xi32>, vector<16xi32>], vector<16xf32>,
          %parallel_loop3A_878 = arith.constant 2 : i32
          %parallel_loop3A_879 = vector.broadcast %parallel_loop3A_878 : i32 to vector<16xi32>
          %parallel_loop3A_880 = arith.addi %parallel_loop3A_871, %parallel_loop3A_879 : vector<16xi32>
          tpu.vector_store_idx %arg16[%parallel_loop3A_131, %parallel_loop3A_880], %parallel_loop3A_859 : memref<256x64xf32, #tpu.memory_space<vmem>>[vector<16xi32>, vector<16xi32>], vector<16xf32>,
          %parallel_loop3A_881 = arith.constant 3 : i32
          %parallel_loop3A_882 = vector.broadcast %parallel_loop3A_881 : i32 to vector<16xi32>
          %parallel_loop3A_883 = arith.addi %parallel_loop3A_871, %parallel_loop3A_882 : vector<16xi32>
          tpu.vector_store_idx %arg16[%parallel_loop3A_131, %parallel_loop3A_883], %parallel_loop3A_865 : memref<256x64xf32, #tpu.memory_space<vmem>>[vector<16xi32>, vector<16xi32>], vector<16xf32>,
        } {sc.loop_unroll_factor = 1 : i64, sc.parallel_access}
      } {sc.loop_unroll_factor = 1 : i64, sc.parallel_access}
      %mul3A_58 = arith.constant 256 : i32
      %mul3A_59 = arith.muli %add3A_33, %mul3A_58 : i32
      %add3A_60 = arith.addi %mul3A_5, %mul3A_59 : i32
      %dma_start3A_61 = arith.constant 0 : i32
      %dma_start3A_62 = tpu.memref_slice %arg8[%add3A_60, %dma_start3A_61] : memref<262144x64xf32, #tpu.memory_space<hbm>> -> memref<256x64xf32, #tpu.memory_space<hbm>>
      %dma_start3A_63 = arith.constant 0 : i32
      %dma_start3A_64 = tpu.memref_slice %arg8[%add3A_60, %dma_start3A_63] : memref<262144x64xf32, #tpu.memory_space<hbm>> -> memref<256x64xf32, #tpu.memory_space<hbm>>
      tpu.enqueue_dma source(%arg16 : memref<256x64xf32, #tpu.memory_space<vmem>>) target(%dma_start3A_64 : memref<256x64xf32, #tpu.memory_space<hbm>>) target_semaphore(%arg22 : memref<!tpu.dma_semaphore, #tpu.memory_space<semaphore_mem>>)
      %mul3A_65 = arith.constant 2 : i32
      %mul3A_66 = arith.muli %scan3A_29, %mul3A_65 : i32
      %add3A_67 = arith.constant 1 : i32
      %add3A_68 = arith.addi %mul3A_66, %add3A_67 : i32
      %lt3A = arith.constant 15 : i32
      %lt3A_69 = arith.cmpi slt, %scan3A_29, %lt3A : i32
      %convert_element_type3A_70 = arith.extui %lt3A_69 : i1 to i32
      %cond3A_71 = arith.constant 0 : i32
      %cond3A_72 = arith.cmpi ne, %convert_element_type3A_70, %cond3A_71 : i32
      scf.if %cond3A_72 {
        %add3A_97 = arith.constant 1 : i32
        %add3A_98 = arith.addi %add3A_68, %add3A_97 : i32
        %mul3A_99 = arith.constant 256 : i32
        %mul3A_100 = arith.muli %add3A_98, %mul3A_99 : i32
        %add3A_101 = arith.addi %mul3A_5, %mul3A_100 : i32
        %dma_start3A_102 = tpu.memref_slice %arg3[%add3A_101] : memref<262144xf32, #tpu.memory_space<hbm>> -> memref<256xf32, #tpu.memory_space<hbm>>
        %dma_start3A_103 = tpu.memref_slice %arg3[%add3A_101] : memref<262144xf32, #tpu.memory_space<hbm>> -> memref<256xf32, #tpu.memory_space<hbm>>
        tpu.enqueue_dma source(%dma_start3A_103 : memref<256xf32, #tpu.memory_space<hbm>>) target(%arg10 : memref<256xf32, #tpu.memory_space<vmem>>) target_semaphore(%arg20 : memref<!tpu.dma_semaphore, #tpu.memory_space<semaphore_mem>>)
        %dma_start3A_104 = tpu.memref_slice %arg4[%add3A_101] : memref<262144xf32, #tpu.memory_space<hbm>> -> memref<256xf32, #tpu.memory_space<hbm>>
        %dma_start3A_105 = tpu.memref_slice %arg4[%add3A_101] : memref<262144xf32, #tpu.memory_space<hbm>> -> memref<256xf32, #tpu.memory_space<hbm>>
        tpu.enqueue_dma source(%dma_start3A_105 : memref<256xf32, #tpu.memory_space<hbm>>) target(%arg11 : memref<256xf32, #tpu.memory_space<vmem>>) target_semaphore(%arg20 : memref<!tpu.dma_semaphore, #tpu.memory_space<semaphore_mem>>)
        %dma_start3A_106 = tpu.memref_slice %arg5[%add3A_101] : memref<262144xf32, #tpu.memory_space<hbm>> -> memref<256xf32, #tpu.memory_space<hbm>>
        %dma_start3A_107 = tpu.memref_slice %arg5[%add3A_101] : memref<262144xf32, #tpu.memory_space<hbm>> -> memref<256xf32, #tpu.memory_space<hbm>>
        tpu.enqueue_dma source(%dma_start3A_107 : memref<256xf32, #tpu.memory_space<hbm>>) target(%arg12 : memref<256xf32, #tpu.memory_space<vmem>>) target_semaphore(%arg20 : memref<!tpu.dma_semaphore, #tpu.memory_space<semaphore_mem>>)
      } else {
      }
      %mul3A_73 = arith.constant 256 : i32
      %mul3A_74 = arith.muli %add3A_68, %mul3A_73 : i32
      %add3A_75 = arith.addi %mul3A_5, %mul3A_74 : i32
      %dma_wait3A_76 = tpu.memref_slice %arg3[%add3A_75] : memref<262144xf32, #tpu.memory_space<hbm>> -> memref<256xf32, #tpu.memory_space<hbm>>
      %dma_wait3A_77 = tpu.memref_slice %arg3[%add3A_75] : memref<262144xf32, #tpu.memory_space<hbm>> -> memref<256xf32, #tpu.memory_space<hbm>>
      tpu.wait_dma2 semaphore(%arg21 : memref<!tpu.dma_semaphore, #tpu.memory_space<semaphore_mem>>) src(%dma_wait3A_77 : memref<256xf32, #tpu.memory_space<hbm>>) dst(%arg13 : memref<256xf32, #tpu.memory_space<vmem>>)
      %dma_wait3A_78 = tpu.memref_slice %arg4[%add3A_75] : memref<262144xf32, #tpu.memory_space<hbm>> -> memref<256xf32, #tpu.memory_space<hbm>>
      %dma_wait3A_79 = tpu.memref_slice %arg4[%add3A_75] : memref<262144xf32, #tpu.memory_space<hbm>> -> memref<256xf32, #tpu.memory_space<hbm>>
      tpu.wait_dma2 semaphore(%arg21 : memref<!tpu.dma_semaphore, #tpu.memory_space<semaphore_mem>>) src(%dma_wait3A_79 : memref<256xf32, #tpu.memory_space<hbm>>) dst(%arg14 : memref<256xf32, #tpu.memory_space<vmem>>)
      %dma_wait3A_80 = tpu.memref_slice %arg5[%add3A_75] : memref<262144xf32, #tpu.memory_space<hbm>> -> memref<256xf32, #tpu.memory_space<hbm>>
      %dma_wait3A_81 = tpu.memref_slice %arg5[%add3A_75] : memref<262144xf32, #tpu.memory_space<hbm>> -> memref<256xf32, #tpu.memory_space<hbm>>
      tpu.wait_dma2 semaphore(%arg21 : memref<!tpu.dma_semaphore, #tpu.memory_space<semaphore_mem>>) src(%dma_wait3A_81 : memref<256xf32, #tpu.memory_space<hbm>>) dst(%arg15 : memref<256xf32, #tpu.memory_space<vmem>>)
      %gt3A_82 = arith.constant 0 : i32
      %gt3A_83 = arith.cmpi sgt, %scan3A_29, %gt3A_82 : i32
      %convert_element_type3A_84 = arith.extui %gt3A_83 : i1 to i32
      %cond3A_85 = arith.constant 0 : i32
      %cond3A_86 = arith.cmpi ne, %convert_element_type3A_84, %cond3A_85 : i32
      scf.if %cond3A_86 {
        %mul3A_97 = arith.constant 256 : i32
        %mul3A_98 = arith.muli %add3A_68, %mul3A_97 : i32
        %add3A_99 = arith.addi %mul3A_5, %mul3A_98 : i32
        %dma_wait3A_100 = arith.constant 0 : i32
        %dma_wait3A_101 = tpu.memref_slice %arg8[%add3A_99, %dma_wait3A_100] : memref<262144x64xf32, #tpu.memory_space<hbm>> -> memref<256x64xf32, #tpu.memory_space<hbm>>
        %dma_wait3A_102 = arith.constant 0 : i32
        %dma_wait3A_103 = tpu.memref_slice %arg8[%add3A_99, %dma_wait3A_102] : memref<262144x64xf32, #tpu.memory_space<hbm>> -> memref<256x64xf32, #tpu.memory_space<hbm>>
        tpu.wait_dma2 semaphore(%arg23 : memref<!tpu.dma_semaphore, #tpu.memory_space<semaphore_mem>>) src(%arg17 : memref<256x64xf32, #tpu.memory_space<vmem>>) dst(%dma_wait3A_103 : memref<256x64xf32, #tpu.memory_space<hbm>>)
      } else {
      }
      %parallel_loop3A_87 = arith.constant 0 : i32
      %parallel_loop3A_88 = arith.constant 16 : i32
      %parallel_loop3A_89 = arith.constant 1 : i32
      scf.for %parallel_loop3A_97 = %parallel_loop3A_87 to %parallel_loop3A_88 step %parallel_loop3A_89  : i32 {
        %parallel_loop3A_98 = arith.constant 16 : i32
        %parallel_loop3A_99 = arith.muli %parallel_loop3A_97, %parallel_loop3A_98 : i32
        %parallel_loop3A_100 = arith.index_cast %parallel_loop3A_99 : i32 to index
        %parallel_loop3A_101 = tpu.vector_load %arg13[%parallel_loop3A_100] {strides = array<i32>} : memref<256xf32, #tpu.memory_space<vmem>>, vector<16xf32>,
        %parallel_loop3A_102 = arith.constant 16 : i32
        %parallel_loop3A_103 = arith.muli %parallel_loop3A_97, %parallel_loop3A_102 : i32
        %parallel_loop3A_104 = arith.index_cast %parallel_loop3A_103 : i32 to index
        %parallel_loop3A_105 = tpu.vector_load %arg14[%parallel_loop3A_104] {strides = array<i32>} : memref<256xf32, #tpu.memory_space<vmem>>, vector<16xf32>,
        %parallel_loop3A_106 = arith.constant 16 : i32
        %parallel_loop3A_107 = arith.muli %parallel_loop3A_97, %parallel_loop3A_106 : i32
        %parallel_loop3A_108 = arith.index_cast %parallel_loop3A_107 : i32 to index
        %parallel_loop3A_109 = tpu.vector_load %arg15[%parallel_loop3A_108] {strides = array<i32>} : memref<256xf32, #tpu.memory_space<vmem>>, vector<16xf32>,
        %parallel_loop3A_110 = arith.constant 0.000000e+00 : f32
        %parallel_loop3A_111 = vector.broadcast %parallel_loop3A_110 : f32 to vector<16xf32>
        %parallel_loop3A_112 = arith.maximumf %parallel_loop3A_101, %parallel_loop3A_111 : vector<16xf32>
        %parallel_loop3A_113 = arith.constant 0.999899983 : f32
        %parallel_loop3A_114 = vector.broadcast %parallel_loop3A_113 : f32 to vector<16xf32>
        %parallel_loop3A_115 = arith.minimumf %parallel_loop3A_112, %parallel_loop3A_114 : vector<16xf32>
        %parallel_loop3A_116 = arith.constant 0.000000e+00 : f32
        %parallel_loop3A_117 = vector.broadcast %parallel_loop3A_116 : f32 to vector<16xf32>
        %parallel_loop3A_118 = arith.maximumf %parallel_loop3A_105, %parallel_loop3A_117 : vector<16xf32>
        %parallel_loop3A_119 = arith.constant 0.999899983 : f32
        %parallel_loop3A_120 = vector.broadcast %parallel_loop3A_119 : f32 to vector<16xf32>
        %parallel_loop3A_121 = arith.minimumf %parallel_loop3A_118, %parallel_loop3A_120 : vector<16xf32>
        %parallel_loop3A_122 = arith.constant 0.000000e+00 : f32
        %parallel_loop3A_123 = vector.broadcast %parallel_loop3A_122 : f32 to vector<16xf32>
        %parallel_loop3A_124 = arith.maximumf %parallel_loop3A_109, %parallel_loop3A_123 : vector<16xf32>
        %parallel_loop3A_125 = arith.constant 0.999899983 : f32
        %parallel_loop3A_126 = vector.broadcast %parallel_loop3A_125 : f32 to vector<16xf32>
        %parallel_loop3A_127 = arith.minimumf %parallel_loop3A_124, %parallel_loop3A_126 : vector<16xf32>
        %parallel_loop3A_128 = arith.constant 16 : i32
        %parallel_loop3A_129 = arith.muli %parallel_loop3A_97, %parallel_loop3A_128 : i32
        %parallel_loop3A_130 = vector.broadcast %parallel_loop3A_129 : i32 to vector<16xi32>
        %parallel_loop3A_131 = arith.addi %iota3A, %parallel_loop3A_130 : vector<16xi32>
        %parallel_loop3A_132 = arith.constant 0 : i32
        %parallel_loop3A_133 = arith.constant 12 : i32
        %parallel_loop3A_134 = arith.constant 1 : i32
        scf.for %parallel_loop3A_138 = %parallel_loop3A_132 to %parallel_loop3A_133 step %parallel_loop3A_134  : i32 {
          %parallel_loop3A_139 = arith.constant 16 : i32
          %parallel_loop3A_140 = arith.muli %parallel_loop3A_138, %parallel_loop3A_139 : i32
          %parallel_loop3A_141 = arith.index_cast %parallel_loop3A_140 : i32 to index
          %parallel_loop3A_142 = tpu.vector_load %arg18[%parallel_loop3A_141] {strides = array<i32>} : memref<192xf32, #tpu.memory_space<vmem>>, vector<16xf32>,
          %parallel_loop3A_143 = arith.mulf %parallel_loop3A_115, %parallel_loop3A_142 : vector<16xf32>
          %parallel_loop3A_144 = arith.mulf %parallel_loop3A_121, %parallel_loop3A_142 : vector<16xf32>
          %parallel_loop3A_145 = arith.mulf %parallel_loop3A_127, %parallel_loop3A_142 : vector<16xf32>
          %parallel_loop3A_146 = arith.fptosi %parallel_loop3A_143 : vector<16xf32> to vector<16xi32>
          %parallel_loop3A_147 = arith.fptosi %parallel_loop3A_144 : vector<16xf32> to vector<16xi32>
          %parallel_loop3A_148 = arith.fptosi %parallel_loop3A_145 : vector<16xf32> to vector<16xi32>
          %parallel_loop3A_149 = arith.sitofp %parallel_loop3A_146 : vector<16xi32> to vector<16xf32>
          %parallel_loop3A_150 = arith.subf %parallel_loop3A_143, %parallel_loop3A_149 : vector<16xf32>
          %parallel_loop3A_151 = arith.sitofp %parallel_loop3A_147 : vector<16xi32> to vector<16xf32>
          %parallel_loop3A_152 = arith.subf %parallel_loop3A_144, %parallel_loop3A_151 : vector<16xf32>
          %parallel_loop3A_153 = arith.sitofp %parallel_loop3A_148 : vector<16xi32> to vector<16xf32>
          %parallel_loop3A_154 = arith.subf %parallel_loop3A_145, %parallel_loop3A_153 : vector<16xf32>
          %parallel_loop3A_155 = arith.constant 1.000000e+00 : f32
          %parallel_loop3A_156 = vector.broadcast %parallel_loop3A_155 : f32 to vector<16xf32>
          %parallel_loop3A_157 = arith.subf %parallel_loop3A_156, %parallel_loop3A_150 : vector<16xf32>
          %parallel_loop3A_158 = arith.constant 1.000000e+00 : f32
          %parallel_loop3A_159 = vector.broadcast %parallel_loop3A_158 : f32 to vector<16xf32>
          %parallel_loop3A_160 = arith.subf %parallel_loop3A_159, %parallel_loop3A_152 : vector<16xf32>
          %parallel_loop3A_161 = arith.constant 1.000000e+00 : f32
          %parallel_loop3A_162 = vector.broadcast %parallel_loop3A_161 : f32 to vector<16xf32>
          %parallel_loop3A_163 = arith.subf %parallel_loop3A_162, %parallel_loop3A_154 : vector<16xf32>
          %parallel_loop3A_164 = arith.constant -1640531535 : i32
          %parallel_loop3A_165 = vector.broadcast %parallel_loop3A_164 : i32 to vector<16xi32>
          %parallel_loop3A_166 = arith.muli %parallel_loop3A_147, %parallel_loop3A_165 : vector<16xi32>
          %parallel_loop3A_167 = arith.constant -1640531535 : i32
          %parallel_loop3A_168 = vector.broadcast %parallel_loop3A_167 : i32 to vector<16xi32>
          %parallel_loop3A_169 = arith.addi %parallel_loop3A_166, %parallel_loop3A_168 : vector<16xi32>
          %parallel_loop3A_170 = arith.constant 805459861 : i32
          %parallel_loop3A_171 = vector.broadcast %parallel_loop3A_170 : i32 to vector<16xi32>
          %parallel_loop3A_172 = arith.muli %parallel_loop3A_148, %parallel_loop3A_171 : vector<16xi32>
          %parallel_loop3A_173 = arith.constant 805459861 : i32
          %parallel_loop3A_174 = vector.broadcast %parallel_loop3A_173 : i32 to vector<16xi32>
          %parallel_loop3A_175 = arith.addi %parallel_loop3A_172, %parallel_loop3A_174 : vector<16xi32>
          %parallel_loop3A_176 = arith.constant 1 : i32
          %parallel_loop3A_177 = vector.broadcast %parallel_loop3A_176 : i32 to vector<16xi32>
          %parallel_loop3A_178 = arith.addi %parallel_loop3A_146, %parallel_loop3A_177 : vector<16xi32>
          %parallel_loop3A_179 = arith.xori %parallel_loop3A_146, %parallel_loop3A_166 : vector<16xi32>
          %parallel_loop3A_180 = arith.xori %parallel_loop3A_146, %parallel_loop3A_169 : vector<16xi32>
          %parallel_loop3A_181 = arith.xori %parallel_loop3A_178, %parallel_loop3A_166 : vector<16xi32>
          %parallel_loop3A_182 = arith.xori %parallel_loop3A_178, %parallel_loop3A_169 : vector<16xi32>
          %parallel_loop3A_183 = arith.mulf %parallel_loop3A_157, %parallel_loop3A_160 : vector<16xf32>
          %parallel_loop3A_184 = arith.mulf %parallel_loop3A_157, %parallel_loop3A_152 : vector<16xf32>
          %parallel_loop3A_185 = arith.mulf %parallel_loop3A_150, %parallel_loop3A_160 : vector<16xf32>
          %parallel_loop3A_186 = arith.mulf %parallel_loop3A_150, %parallel_loop3A_152 : vector<16xf32>
          %parallel_loop3A_187 = arith.constant 1024 : i32
          %parallel_loop3A_188 = arith.muli %parallel_loop3A_138, %parallel_loop3A_187 : i32
          %parallel_loop3A_189 = arith.xori %parallel_loop3A_179, %parallel_loop3A_172 : vector<16xi32>
          %parallel_loop3A_190 = arith.mulf %parallel_loop3A_183, %parallel_loop3A_163 : vector<16xf32>
          %parallel_loop3A_191 = arith.constant 8191 : i32
          %parallel_loop3A_192 = vector.broadcast %parallel_loop3A_191 : i32 to vector<16xi32>
          %parallel_loop3A_193 = arith.andi %parallel_loop3A_189, %parallel_loop3A_192 : vector<16xi32>
          %parallel_loop3A_194 = arith.constant 3 : i32
          %parallel_loop3A_195 = vector.broadcast %parallel_loop3A_194 : i32 to vector<16xi32>
          %parallel_loop3A_196 = arith.shrui %parallel_loop3A_193, %parallel_loop3A_195 : vector<16xi32>
          %parallel_loop3A_197 = arith.constant 7 : i32
          %parallel_loop3A_198 = vector.broadcast %parallel_loop3A_197 : i32 to vector<16xi32>
          %parallel_loop3A_199 = arith.andi %parallel_loop3A_193, %parallel_loop3A_198 : vector<16xi32>
          %parallel_loop3A_200 = arith.constant 2 : i32
          %parallel_loop3A_201 = vector.broadcast %parallel_loop3A_200 : i32 to vector<16xi32>
          %parallel_loop3A_202 = arith.shli %parallel_loop3A_199, %parallel_loop3A_201 : vector<16xi32>
          %parallel_loop3A_203 = arith.constant 28 : i32
          %parallel_loop3A_204 = vector.broadcast %parallel_loop3A_203 : i32 to vector<16xi32>
          %parallel_loop3A_205 = arith.subi %parallel_loop3A_204, %parallel_loop3A_202 : vector<16xi32>
          %parallel_loop3A_206 = tpu.memref_slice %arg9[%parallel_loop3A_188] : memref<61440xi32, #tpu.memory_space<vmem>> -> memref<1024xi32, #tpu.memory_space<vmem>>
          %parallel_loop3A_207 = tpu.vector_load_idx %parallel_loop3A_206[%parallel_loop3A_196] : memref<1024xi32, #tpu.memory_space<vmem>>[vector<16xi32>], vector<16xi32>,
          %parallel_loop3A_208 = arith.shli %parallel_loop3A_207, %parallel_loop3A_205 : vector<16xi32>
          %parallel_loop3A_209 = tpu.bitcast %parallel_loop3A_190 : vector<16xf32> -> vector<16xi32>
          %parallel_loop3A_210 = arith.constant 3 : i32
          %parallel_loop3A_211 = vector.broadcast %parallel_loop3A_210 : i32 to vector<16xi32>
          %parallel_loop3A_212 = arith.shli %parallel_loop3A_208, %parallel_loop3A_211 : vector<16xi32>
          %parallel_loop3A_213 = arith.constant -2147483648 : i32
          %parallel_loop3A_214 = vector.broadcast %parallel_loop3A_213 : i32 to vector<16xi32>
          %parallel_loop3A_215 = arith.andi %parallel_loop3A_212, %parallel_loop3A_214 : vector<16xi32>
          %parallel_loop3A_216 = arith.xori %parallel_loop3A_215, %parallel_loop3A_209 : vector<16xi32>
          %parallel_loop3A_217 = tpu.bitcast %parallel_loop3A_216 : vector<16xi32> -> vector<16xf32>
          %parallel_loop3A_218 = arith.constant 2 : i32
          %parallel_loop3A_219 = vector.broadcast %parallel_loop3A_218 : i32 to vector<16xi32>
          %parallel_loop3A_220 = arith.shli %parallel_loop3A_208, %parallel_loop3A_219 : vector<16xi32>
          %parallel_loop3A_221 = arith.constant -2147483648 : i32
          %parallel_loop3A_222 = vector.broadcast %parallel_loop3A_221 : i32 to vector<16xi32>
          %parallel_loop3A_223 = arith.andi %parallel_loop3A_220, %parallel_loop3A_222 : vector<16xi32>
          %parallel_loop3A_224 = arith.xori %parallel_loop3A_223, %parallel_loop3A_209 : vector<16xi32>
          %parallel_loop3A_225 = tpu.bitcast %parallel_loop3A_224 : vector<16xi32> -> vector<16xf32>
          %parallel_loop3A_226 = arith.constant 1 : i32
          %parallel_loop3A_227 = vector.broadcast %parallel_loop3A_226 : i32 to vector<16xi32>
          %parallel_loop3A_228 = arith.shli %parallel_loop3A_208, %parallel_loop3A_227 : vector<16xi32>
          %parallel_loop3A_229 = arith.constant -2147483648 : i32
          %parallel_loop3A_230 = vector.broadcast %parallel_loop3A_229 : i32 to vector<16xi32>
          %parallel_loop3A_231 = arith.andi %parallel_loop3A_228, %parallel_loop3A_230 : vector<16xi32>
          %parallel_loop3A_232 = arith.xori %parallel_loop3A_231, %parallel_loop3A_209 : vector<16xi32>
          %parallel_loop3A_233 = tpu.bitcast %parallel_loop3A_232 : vector<16xi32> -> vector<16xf32>
          %parallel_loop3A_234 = arith.constant -2147483648 : i32
          %parallel_loop3A_235 = vector.broadcast %parallel_loop3A_234 : i32 to vector<16xi32>
          %parallel_loop3A_236 = arith.andi %parallel_loop3A_208, %parallel_loop3A_235 : vector<16xi32>
          %parallel_loop3A_237 = arith.xori %parallel_loop3A_236, %parallel_loop3A_209 : vector<16xi32>
          %parallel_loop3A_238 = tpu.bitcast %parallel_loop3A_237 : vector<16xi32> -> vector<16xf32>
          %parallel_loop3A_239 = arith.xori %parallel_loop3A_179, %parallel_loop3A_175 : vector<16xi32>
          %parallel_loop3A_240 = arith.mulf %parallel_loop3A_183, %parallel_loop3A_154 : vector<16xf32>
          %parallel_loop3A_241 = arith.constant 8191 : i32
          %parallel_loop3A_242 = vector.broadcast %parallel_loop3A_241 : i32 to vector<16xi32>
          %parallel_loop3A_243 = arith.andi %parallel_loop3A_239, %parallel_loop3A_242 : vector<16xi32>
          %parallel_loop3A_244 = arith.constant 3 : i32
          %parallel_loop3A_245 = vector.broadcast %parallel_loop3A_244 : i32 to vector<16xi32>
          %parallel_loop3A_246 = arith.shrui %parallel_loop3A_243, %parallel_loop3A_245 : vector<16xi32>
          %parallel_loop3A_247 = arith.constant 7 : i32
          %parallel_loop3A_248 = vector.broadcast %parallel_loop3A_247 : i32 to vector<16xi32>
          %parallel_loop3A_249 = arith.andi %parallel_loop3A_243, %parallel_loop3A_248 : vector<16xi32>
          %parallel_loop3A_250 = arith.constant 2 : i32
          %parallel_loop3A_251 = vector.broadcast %parallel_loop3A_250 : i32 to vector<16xi32>
          %parallel_loop3A_252 = arith.shli %parallel_loop3A_249, %parallel_loop3A_251 : vector<16xi32>
          %parallel_loop3A_253 = arith.constant 28 : i32
          %parallel_loop3A_254 = vector.broadcast %parallel_loop3A_253 : i32 to vector<16xi32>
          %parallel_loop3A_255 = arith.subi %parallel_loop3A_254, %parallel_loop3A_252 : vector<16xi32>
          %parallel_loop3A_256 = tpu.memref_slice %arg9[%parallel_loop3A_188] : memref<61440xi32, #tpu.memory_space<vmem>> -> memref<1024xi32, #tpu.memory_space<vmem>>
          %parallel_loop3A_257 = tpu.vector_load_idx %parallel_loop3A_256[%parallel_loop3A_246] : memref<1024xi32, #tpu.memory_space<vmem>>[vector<16xi32>], vector<16xi32>,
          %parallel_loop3A_258 = arith.shli %parallel_loop3A_257, %parallel_loop3A_255 : vector<16xi32>
          %parallel_loop3A_259 = tpu.bitcast %parallel_loop3A_240 : vector<16xf32> -> vector<16xi32>
          %parallel_loop3A_260 = arith.constant 3 : i32
          %parallel_loop3A_261 = vector.broadcast %parallel_loop3A_260 : i32 to vector<16xi32>
          %parallel_loop3A_262 = arith.shli %parallel_loop3A_258, %parallel_loop3A_261 : vector<16xi32>
          %parallel_loop3A_263 = arith.constant -2147483648 : i32
          %parallel_loop3A_264 = vector.broadcast %parallel_loop3A_263 : i32 to vector<16xi32>
          %parallel_loop3A_265 = arith.andi %parallel_loop3A_262, %parallel_loop3A_264 : vector<16xi32>
          %parallel_loop3A_266 = arith.xori %parallel_loop3A_265, %parallel_loop3A_259 : vector<16xi32>
          %parallel_loop3A_267 = tpu.bitcast %parallel_loop3A_266 : vector<16xi32> -> vector<16xf32>
          %parallel_loop3A_268 = arith.addf %parallel_loop3A_217, %parallel_loop3A_267 : vector<16xf32>
          %parallel_loop3A_269 = arith.constant 2 : i32
          %parallel_loop3A_270 = vector.broadcast %parallel_loop3A_269 : i32 to vector<16xi32>
          %parallel_loop3A_271 = arith.shli %parallel_loop3A_258, %parallel_loop3A_270 : vector<16xi32>
          %parallel_loop3A_272 = arith.constant -2147483648 : i32
          %parallel_loop3A_273 = vector.broadcast %parallel_loop3A_272 : i32 to vector<16xi32>
          %parallel_loop3A_274 = arith.andi %parallel_loop3A_271, %parallel_loop3A_273 : vector<16xi32>
          %parallel_loop3A_275 = arith.xori %parallel_loop3A_274, %parallel_loop3A_259 : vector<16xi32>
          %parallel_loop3A_276 = tpu.bitcast %parallel_loop3A_275 : vector<16xi32> -> vector<16xf32>
          %parallel_loop3A_277 = arith.addf %parallel_loop3A_225, %parallel_loop3A_276 : vector<16xf32>
          %parallel_loop3A_278 = arith.constant 1 : i32
          %parallel_loop3A_279 = vector.broadcast %parallel_loop3A_278 : i32 to vector<16xi32>
          %parallel_loop3A_280 = arith.shli %parallel_loop3A_258, %parallel_loop3A_279 : vector<16xi32>
          %parallel_loop3A_281 = arith.constant -2147483648 : i32
          %parallel_loop3A_282 = vector.broadcast %parallel_loop3A_281 : i32 to vector<16xi32>
          %parallel_loop3A_283 = arith.andi %parallel_loop3A_280, %parallel_loop3A_282 : vector<16xi32>
          %parallel_loop3A_284 = arith.xori %parallel_loop3A_283, %parallel_loop3A_259 : vector<16xi32>
          %parallel_loop3A_285 = tpu.bitcast %parallel_loop3A_284 : vector<16xi32> -> vector<16xf32>
          %parallel_loop3A_286 = arith.addf %parallel_loop3A_233, %parallel_loop3A_285 : vector<16xf32>
          %parallel_loop3A_287 = arith.constant -2147483648 : i32
          %parallel_loop3A_288 = vector.broadcast %parallel_loop3A_287 : i32 to vector<16xi32>
          %parallel_loop3A_289 = arith.andi %parallel_loop3A_258, %parallel_loop3A_288 : vector<16xi32>
          %parallel_loop3A_290 = arith.xori %parallel_loop3A_289, %parallel_loop3A_259 : vector<16xi32>
          %parallel_loop3A_291 = tpu.bitcast %parallel_loop3A_290 : vector<16xi32> -> vector<16xf32>
          %parallel_loop3A_292 = arith.addf %parallel_loop3A_238, %parallel_loop3A_291 : vector<16xf32>
          %parallel_loop3A_293 = arith.xori %parallel_loop3A_180, %parallel_loop3A_172 : vector<16xi32>
          %parallel_loop3A_294 = arith.mulf %parallel_loop3A_184, %parallel_loop3A_163 : vector<16xf32>
          %parallel_loop3A_295 = arith.constant 8191 : i32
          %parallel_loop3A_296 = vector.broadcast %parallel_loop3A_295 : i32 to vector<16xi32>
          %parallel_loop3A_297 = arith.andi %parallel_loop3A_293, %parallel_loop3A_296 : vector<16xi32>
          %parallel_loop3A_298 = arith.constant 3 : i32
          %parallel_loop3A_299 = vector.broadcast %parallel_loop3A_298 : i32 to vector<16xi32>
          %parallel_loop3A_300 = arith.shrui %parallel_loop3A_297, %parallel_loop3A_299 : vector<16xi32>
          %parallel_loop3A_301 = arith.constant 7 : i32
          %parallel_loop3A_302 = vector.broadcast %parallel_loop3A_301 : i32 to vector<16xi32>
          %parallel_loop3A_303 = arith.andi %parallel_loop3A_297, %parallel_loop3A_302 : vector<16xi32>
          %parallel_loop3A_304 = arith.constant 2 : i32
          %parallel_loop3A_305 = vector.broadcast %parallel_loop3A_304 : i32 to vector<16xi32>
          %parallel_loop3A_306 = arith.shli %parallel_loop3A_303, %parallel_loop3A_305 : vector<16xi32>
          %parallel_loop3A_307 = arith.constant 28 : i32
          %parallel_loop3A_308 = vector.broadcast %parallel_loop3A_307 : i32 to vector<16xi32>
          %parallel_loop3A_309 = arith.subi %parallel_loop3A_308, %parallel_loop3A_306 : vector<16xi32>
          %parallel_loop3A_310 = tpu.memref_slice %arg9[%parallel_loop3A_188] : memref<61440xi32, #tpu.memory_space<vmem>> -> memref<1024xi32, #tpu.memory_space<vmem>>
          %parallel_loop3A_311 = tpu.vector_load_idx %parallel_loop3A_310[%parallel_loop3A_300] : memref<1024xi32, #tpu.memory_space<vmem>>[vector<16xi32>], vector<16xi32>,
          %parallel_loop3A_312 = arith.shli %parallel_loop3A_311, %parallel_loop3A_309 : vector<16xi32>
          %parallel_loop3A_313 = tpu.bitcast %parallel_loop3A_294 : vector<16xf32> -> vector<16xi32>
          %parallel_loop3A_314 = arith.constant 3 : i32
          %parallel_loop3A_315 = vector.broadcast %parallel_loop3A_314 : i32 to vector<16xi32>
          %parallel_loop3A_316 = arith.shli %parallel_loop3A_312, %parallel_loop3A_315 : vector<16xi32>
          %parallel_loop3A_317 = arith.constant -2147483648 : i32
          %parallel_loop3A_318 = vector.broadcast %parallel_loop3A_317 : i32 to vector<16xi32>
          %parallel_loop3A_319 = arith.andi %parallel_loop3A_316, %parallel_loop3A_318 : vector<16xi32>
          %parallel_loop3A_320 = arith.xori %parallel_loop3A_319, %parallel_loop3A_313 : vector<16xi32>
          %parallel_loop3A_321 = tpu.bitcast %parallel_loop3A_320 : vector<16xi32> -> vector<16xf32>
          %parallel_loop3A_322 = arith.addf %parallel_loop3A_268, %parallel_loop3A_321 : vector<16xf32>
          %parallel_loop3A_323 = arith.constant 2 : i32
          %parallel_loop3A_324 = vector.broadcast %parallel_loop3A_323 : i32 to vector<16xi32>
          %parallel_loop3A_325 = arith.shli %parallel_loop3A_312, %parallel_loop3A_324 : vector<16xi32>
          %parallel_loop3A_326 = arith.constant -2147483648 : i32
          %parallel_loop3A_327 = vector.broadcast %parallel_loop3A_326 : i32 to vector<16xi32>
          %parallel_loop3A_328 = arith.andi %parallel_loop3A_325, %parallel_loop3A_327 : vector<16xi32>
          %parallel_loop3A_329 = arith.xori %parallel_loop3A_328, %parallel_loop3A_313 : vector<16xi32>
          %parallel_loop3A_330 = tpu.bitcast %parallel_loop3A_329 : vector<16xi32> -> vector<16xf32>
          %parallel_loop3A_331 = arith.addf %parallel_loop3A_277, %parallel_loop3A_330 : vector<16xf32>
          %parallel_loop3A_332 = arith.constant 1 : i32
          %parallel_loop3A_333 = vector.broadcast %parallel_loop3A_332 : i32 to vector<16xi32>
          %parallel_loop3A_334 = arith.shli %parallel_loop3A_312, %parallel_loop3A_333 : vector<16xi32>
          %parallel_loop3A_335 = arith.constant -2147483648 : i32
          %parallel_loop3A_336 = vector.broadcast %parallel_loop3A_335 : i32 to vector<16xi32>
          %parallel_loop3A_337 = arith.andi %parallel_loop3A_334, %parallel_loop3A_336 : vector<16xi32>
          %parallel_loop3A_338 = arith.xori %parallel_loop3A_337, %parallel_loop3A_313 : vector<16xi32>
          %parallel_loop3A_339 = tpu.bitcast %parallel_loop3A_338 : vector<16xi32> -> vector<16xf32>
          %parallel_loop3A_340 = arith.addf %parallel_loop3A_286, %parallel_loop3A_339 : vector<16xf32>
          %parallel_loop3A_341 = arith.constant -2147483648 : i32
          %parallel_loop3A_342 = vector.broadcast %parallel_loop3A_341 : i32 to vector<16xi32>
          %parallel_loop3A_343 = arith.andi %parallel_loop3A_312, %parallel_loop3A_342 : vector<16xi32>
          %parallel_loop3A_344 = arith.xori %parallel_loop3A_343, %parallel_loop3A_313 : vector<16xi32>
          %parallel_loop3A_345 = tpu.bitcast %parallel_loop3A_344 : vector<16xi32> -> vector<16xf32>
          %parallel_loop3A_346 = arith.addf %parallel_loop3A_292, %parallel_loop3A_345 : vector<16xf32>
          %parallel_loop3A_347 = arith.xori %parallel_loop3A_180, %parallel_loop3A_175 : vector<16xi32>
          %parallel_loop3A_348 = arith.mulf %parallel_loop3A_184, %parallel_loop3A_154 : vector<16xf32>
          %parallel_loop3A_349 = arith.constant 8191 : i32
          %parallel_loop3A_350 = vector.broadcast %parallel_loop3A_349 : i32 to vector<16xi32>
          %parallel_loop3A_351 = arith.andi %parallel_loop3A_347, %parallel_loop3A_350 : vector<16xi32>
          %parallel_loop3A_352 = arith.constant 3 : i32
          %parallel_loop3A_353 = vector.broadcast %parallel_loop3A_352 : i32 to vector<16xi32>
          %parallel_loop3A_354 = arith.shrui %parallel_loop3A_351, %parallel_loop3A_353 : vector<16xi32>
          %parallel_loop3A_355 = arith.constant 7 : i32
          %parallel_loop3A_356 = vector.broadcast %parallel_loop3A_355 : i32 to vector<16xi32>
          %parallel_loop3A_357 = arith.andi %parallel_loop3A_351, %parallel_loop3A_356 : vector<16xi32>
          %parallel_loop3A_358 = arith.constant 2 : i32
          %parallel_loop3A_359 = vector.broadcast %parallel_loop3A_358 : i32 to vector<16xi32>
          %parallel_loop3A_360 = arith.shli %parallel_loop3A_357, %parallel_loop3A_359 : vector<16xi32>
          %parallel_loop3A_361 = arith.constant 28 : i32
          %parallel_loop3A_362 = vector.broadcast %parallel_loop3A_361 : i32 to vector<16xi32>
          %parallel_loop3A_363 = arith.subi %parallel_loop3A_362, %parallel_loop3A_360 : vector<16xi32>
          %parallel_loop3A_364 = tpu.memref_slice %arg9[%parallel_loop3A_188] : memref<61440xi32, #tpu.memory_space<vmem>> -> memref<1024xi32, #tpu.memory_space<vmem>>
          %parallel_loop3A_365 = tpu.vector_load_idx %parallel_loop3A_364[%parallel_loop3A_354] : memref<1024xi32, #tpu.memory_space<vmem>>[vector<16xi32>], vector<16xi32>,
          %parallel_loop3A_366 = arith.shli %parallel_loop3A_365, %parallel_loop3A_363 : vector<16xi32>
          %parallel_loop3A_367 = tpu.bitcast %parallel_loop3A_348 : vector<16xf32> -> vector<16xi32>
          %parallel_loop3A_368 = arith.constant 3 : i32
          %parallel_loop3A_369 = vector.broadcast %parallel_loop3A_368 : i32 to vector<16xi32>
          %parallel_loop3A_370 = arith.shli %parallel_loop3A_366, %parallel_loop3A_369 : vector<16xi32>
          %parallel_loop3A_371 = arith.constant -2147483648 : i32
          %parallel_loop3A_372 = vector.broadcast %parallel_loop3A_371 : i32 to vector<16xi32>
          %parallel_loop3A_373 = arith.andi %parallel_loop3A_370, %parallel_loop3A_372 : vector<16xi32>
          %parallel_loop3A_374 = arith.xori %parallel_loop3A_373, %parallel_loop3A_367 : vector<16xi32>
          %parallel_loop3A_375 = tpu.bitcast %parallel_loop3A_374 : vector<16xi32> -> vector<16xf32>
          %parallel_loop3A_376 = arith.addf %parallel_loop3A_322, %parallel_loop3A_375 : vector<16xf32>
          %parallel_loop3A_377 = arith.constant 2 : i32
          %parallel_loop3A_378 = vector.broadcast %parallel_loop3A_377 : i32 to vector<16xi32>
          %parallel_loop3A_379 = arith.shli %parallel_loop3A_366, %parallel_loop3A_378 : vector<16xi32>
          %parallel_loop3A_380 = arith.constant -2147483648 : i32
          %parallel_loop3A_381 = vector.broadcast %parallel_loop3A_380 : i32 to vector<16xi32>
          %parallel_loop3A_382 = arith.andi %parallel_loop3A_379, %parallel_loop3A_381 : vector<16xi32>
          %parallel_loop3A_383 = arith.xori %parallel_loop3A_382, %parallel_loop3A_367 : vector<16xi32>
          %parallel_loop3A_384 = tpu.bitcast %parallel_loop3A_383 : vector<16xi32> -> vector<16xf32>
          %parallel_loop3A_385 = arith.addf %parallel_loop3A_331, %parallel_loop3A_384 : vector<16xf32>
          %parallel_loop3A_386 = arith.constant 1 : i32
          %parallel_loop3A_387 = vector.broadcast %parallel_loop3A_386 : i32 to vector<16xi32>
          %parallel_loop3A_388 = arith.shli %parallel_loop3A_366, %parallel_loop3A_387 : vector<16xi32>
          %parallel_loop3A_389 = arith.constant -2147483648 : i32
          %parallel_loop3A_390 = vector.broadcast %parallel_loop3A_389 : i32 to vector<16xi32>
          %parallel_loop3A_391 = arith.andi %parallel_loop3A_388, %parallel_loop3A_390 : vector<16xi32>
          %parallel_loop3A_392 = arith.xori %parallel_loop3A_391, %parallel_loop3A_367 : vector<16xi32>
          %parallel_loop3A_393 = tpu.bitcast %parallel_loop3A_392 : vector<16xi32> -> vector<16xf32>
          %parallel_loop3A_394 = arith.addf %parallel_loop3A_340, %parallel_loop3A_393 : vector<16xf32>
          %parallel_loop3A_395 = arith.constant -2147483648 : i32
          %parallel_loop3A_396 = vector.broadcast %parallel_loop3A_395 : i32 to vector<16xi32>
          %parallel_loop3A_397 = arith.andi %parallel_loop3A_366, %parallel_loop3A_396 : vector<16xi32>
          %parallel_loop3A_398 = arith.xori %parallel_loop3A_397, %parallel_loop3A_367 : vector<16xi32>
          %parallel_loop3A_399 = tpu.bitcast %parallel_loop3A_398 : vector<16xi32> -> vector<16xf32>
          %parallel_loop3A_400 = arith.addf %parallel_loop3A_346, %parallel_loop3A_399 : vector<16xf32>
          %parallel_loop3A_401 = arith.xori %parallel_loop3A_181, %parallel_loop3A_172 : vector<16xi32>
          %parallel_loop3A_402 = arith.mulf %parallel_loop3A_185, %parallel_loop3A_163 : vector<16xf32>
          %parallel_loop3A_403 = arith.constant 8191 : i32
          %parallel_loop3A_404 = vector.broadcast %parallel_loop3A_403 : i32 to vector<16xi32>
          %parallel_loop3A_405 = arith.andi %parallel_loop3A_401, %parallel_loop3A_404 : vector<16xi32>
          %parallel_loop3A_406 = arith.constant 3 : i32
          %parallel_loop3A_407 = vector.broadcast %parallel_loop3A_406 : i32 to vector<16xi32>
          %parallel_loop3A_408 = arith.shrui %parallel_loop3A_405, %parallel_loop3A_407 : vector<16xi32>
          %parallel_loop3A_409 = arith.constant 7 : i32
          %parallel_loop3A_410 = vector.broadcast %parallel_loop3A_409 : i32 to vector<16xi32>
          %parallel_loop3A_411 = arith.andi %parallel_loop3A_405, %parallel_loop3A_410 : vector<16xi32>
          %parallel_loop3A_412 = arith.constant 2 : i32
          %parallel_loop3A_413 = vector.broadcast %parallel_loop3A_412 : i32 to vector<16xi32>
          %parallel_loop3A_414 = arith.shli %parallel_loop3A_411, %parallel_loop3A_413 : vector<16xi32>
          %parallel_loop3A_415 = arith.constant 28 : i32
          %parallel_loop3A_416 = vector.broadcast %parallel_loop3A_415 : i32 to vector<16xi32>
          %parallel_loop3A_417 = arith.subi %parallel_loop3A_416, %parallel_loop3A_414 : vector<16xi32>
          %parallel_loop3A_418 = tpu.memref_slice %arg9[%parallel_loop3A_188] : memref<61440xi32, #tpu.memory_space<vmem>> -> memref<1024xi32, #tpu.memory_space<vmem>>
          %parallel_loop3A_419 = tpu.vector_load_idx %parallel_loop3A_418[%parallel_loop3A_408] : memref<1024xi32, #tpu.memory_space<vmem>>[vector<16xi32>], vector<16xi32>,
          %parallel_loop3A_420 = arith.shli %parallel_loop3A_419, %parallel_loop3A_417 : vector<16xi32>
          %parallel_loop3A_421 = tpu.bitcast %parallel_loop3A_402 : vector<16xf32> -> vector<16xi32>
          %parallel_loop3A_422 = arith.constant 3 : i32
          %parallel_loop3A_423 = vector.broadcast %parallel_loop3A_422 : i32 to vector<16xi32>
          %parallel_loop3A_424 = arith.shli %parallel_loop3A_420, %parallel_loop3A_423 : vector<16xi32>
          %parallel_loop3A_425 = arith.constant -2147483648 : i32
          %parallel_loop3A_426 = vector.broadcast %parallel_loop3A_425 : i32 to vector<16xi32>
          %parallel_loop3A_427 = arith.andi %parallel_loop3A_424, %parallel_loop3A_426 : vector<16xi32>
          %parallel_loop3A_428 = arith.xori %parallel_loop3A_427, %parallel_loop3A_421 : vector<16xi32>
          %parallel_loop3A_429 = tpu.bitcast %parallel_loop3A_428 : vector<16xi32> -> vector<16xf32>
          %parallel_loop3A_430 = arith.addf %parallel_loop3A_376, %parallel_loop3A_429 : vector<16xf32>
          %parallel_loop3A_431 = arith.constant 2 : i32
          %parallel_loop3A_432 = vector.broadcast %parallel_loop3A_431 : i32 to vector<16xi32>
          %parallel_loop3A_433 = arith.shli %parallel_loop3A_420, %parallel_loop3A_432 : vector<16xi32>
          %parallel_loop3A_434 = arith.constant -2147483648 : i32
          %parallel_loop3A_435 = vector.broadcast %parallel_loop3A_434 : i32 to vector<16xi32>
          %parallel_loop3A_436 = arith.andi %parallel_loop3A_433, %parallel_loop3A_435 : vector<16xi32>
          %parallel_loop3A_437 = arith.xori %parallel_loop3A_436, %parallel_loop3A_421 : vector<16xi32>
          %parallel_loop3A_438 = tpu.bitcast %parallel_loop3A_437 : vector<16xi32> -> vector<16xf32>
          %parallel_loop3A_439 = arith.addf %parallel_loop3A_385, %parallel_loop3A_438 : vector<16xf32>
          %parallel_loop3A_440 = arith.constant 1 : i32
          %parallel_loop3A_441 = vector.broadcast %parallel_loop3A_440 : i32 to vector<16xi32>
          %parallel_loop3A_442 = arith.shli %parallel_loop3A_420, %parallel_loop3A_441 : vector<16xi32>
          %parallel_loop3A_443 = arith.constant -2147483648 : i32
          %parallel_loop3A_444 = vector.broadcast %parallel_loop3A_443 : i32 to vector<16xi32>
          %parallel_loop3A_445 = arith.andi %parallel_loop3A_442, %parallel_loop3A_444 : vector<16xi32>
          %parallel_loop3A_446 = arith.xori %parallel_loop3A_445, %parallel_loop3A_421 : vector<16xi32>
          %parallel_loop3A_447 = tpu.bitcast %parallel_loop3A_446 : vector<16xi32> -> vector<16xf32>
          %parallel_loop3A_448 = arith.addf %parallel_loop3A_394, %parallel_loop3A_447 : vector<16xf32>
          %parallel_loop3A_449 = arith.constant -2147483648 : i32
          %parallel_loop3A_450 = vector.broadcast %parallel_loop3A_449 : i32 to vector<16xi32>
          %parallel_loop3A_451 = arith.andi %parallel_loop3A_420, %parallel_loop3A_450 : vector<16xi32>
          %parallel_loop3A_452 = arith.xori %parallel_loop3A_451, %parallel_loop3A_421 : vector<16xi32>
          %parallel_loop3A_453 = tpu.bitcast %parallel_loop3A_452 : vector<16xi32> -> vector<16xf32>
          %parallel_loop3A_454 = arith.addf %parallel_loop3A_400, %parallel_loop3A_453 : vector<16xf32>
          %parallel_loop3A_455 = arith.xori %parallel_loop3A_181, %parallel_loop3A_175 : vector<16xi32>
          %parallel_loop3A_456 = arith.mulf %parallel_loop3A_185, %parallel_loop3A_154 : vector<16xf32>
          %parallel_loop3A_457 = arith.constant 8191 : i32
          %parallel_loop3A_458 = vector.broadcast %parallel_loop3A_457 : i32 to vector<16xi32>
          %parallel_loop3A_459 = arith.andi %parallel_loop3A_455, %parallel_loop3A_458 : vector<16xi32>
          %parallel_loop3A_460 = arith.constant 3 : i32
          %parallel_loop3A_461 = vector.broadcast %parallel_loop3A_460 : i32 to vector<16xi32>
          %parallel_loop3A_462 = arith.shrui %parallel_loop3A_459, %parallel_loop3A_461 : vector<16xi32>
          %parallel_loop3A_463 = arith.constant 7 : i32
          %parallel_loop3A_464 = vector.broadcast %parallel_loop3A_463 : i32 to vector<16xi32>
          %parallel_loop3A_465 = arith.andi %parallel_loop3A_459, %parallel_loop3A_464 : vector<16xi32>
          %parallel_loop3A_466 = arith.constant 2 : i32
          %parallel_loop3A_467 = vector.broadcast %parallel_loop3A_466 : i32 to vector<16xi32>
          %parallel_loop3A_468 = arith.shli %parallel_loop3A_465, %parallel_loop3A_467 : vector<16xi32>
          %parallel_loop3A_469 = arith.constant 28 : i32
          %parallel_loop3A_470 = vector.broadcast %parallel_loop3A_469 : i32 to vector<16xi32>
          %parallel_loop3A_471 = arith.subi %parallel_loop3A_470, %parallel_loop3A_468 : vector<16xi32>
          %parallel_loop3A_472 = tpu.memref_slice %arg9[%parallel_loop3A_188] : memref<61440xi32, #tpu.memory_space<vmem>> -> memref<1024xi32, #tpu.memory_space<vmem>>
          %parallel_loop3A_473 = tpu.vector_load_idx %parallel_loop3A_472[%parallel_loop3A_462] : memref<1024xi32, #tpu.memory_space<vmem>>[vector<16xi32>], vector<16xi32>,
          %parallel_loop3A_474 = arith.shli %parallel_loop3A_473, %parallel_loop3A_471 : vector<16xi32>
          %parallel_loop3A_475 = tpu.bitcast %parallel_loop3A_456 : vector<16xf32> -> vector<16xi32>
          %parallel_loop3A_476 = arith.constant 3 : i32
          %parallel_loop3A_477 = vector.broadcast %parallel_loop3A_476 : i32 to vector<16xi32>
          %parallel_loop3A_478 = arith.shli %parallel_loop3A_474, %parallel_loop3A_477 : vector<16xi32>
          %parallel_loop3A_479 = arith.constant -2147483648 : i32
          %parallel_loop3A_480 = vector.broadcast %parallel_loop3A_479 : i32 to vector<16xi32>
          %parallel_loop3A_481 = arith.andi %parallel_loop3A_478, %parallel_loop3A_480 : vector<16xi32>
          %parallel_loop3A_482 = arith.xori %parallel_loop3A_481, %parallel_loop3A_475 : vector<16xi32>
          %parallel_loop3A_483 = tpu.bitcast %parallel_loop3A_482 : vector<16xi32> -> vector<16xf32>
          %parallel_loop3A_484 = arith.addf %parallel_loop3A_430, %parallel_loop3A_483 : vector<16xf32>
          %parallel_loop3A_485 = arith.constant 2 : i32
          %parallel_loop3A_486 = vector.broadcast %parallel_loop3A_485 : i32 to vector<16xi32>
          %parallel_loop3A_487 = arith.shli %parallel_loop3A_474, %parallel_loop3A_486 : vector<16xi32>
          %parallel_loop3A_488 = arith.constant -2147483648 : i32
          %parallel_loop3A_489 = vector.broadcast %parallel_loop3A_488 : i32 to vector<16xi32>
          %parallel_loop3A_490 = arith.andi %parallel_loop3A_487, %parallel_loop3A_489 : vector<16xi32>
          %parallel_loop3A_491 = arith.xori %parallel_loop3A_490, %parallel_loop3A_475 : vector<16xi32>
          %parallel_loop3A_492 = tpu.bitcast %parallel_loop3A_491 : vector<16xi32> -> vector<16xf32>
          %parallel_loop3A_493 = arith.addf %parallel_loop3A_439, %parallel_loop3A_492 : vector<16xf32>
          %parallel_loop3A_494 = arith.constant 1 : i32
          %parallel_loop3A_495 = vector.broadcast %parallel_loop3A_494 : i32 to vector<16xi32>
          %parallel_loop3A_496 = arith.shli %parallel_loop3A_474, %parallel_loop3A_495 : vector<16xi32>
          %parallel_loop3A_497 = arith.constant -2147483648 : i32
          %parallel_loop3A_498 = vector.broadcast %parallel_loop3A_497 : i32 to vector<16xi32>
          %parallel_loop3A_499 = arith.andi %parallel_loop3A_496, %parallel_loop3A_498 : vector<16xi32>
          %parallel_loop3A_500 = arith.xori %parallel_loop3A_499, %parallel_loop3A_475 : vector<16xi32>
          %parallel_loop3A_501 = tpu.bitcast %parallel_loop3A_500 : vector<16xi32> -> vector<16xf32>
          %parallel_loop3A_502 = arith.addf %parallel_loop3A_448, %parallel_loop3A_501 : vector<16xf32>
          %parallel_loop3A_503 = arith.constant -2147483648 : i32
          %parallel_loop3A_504 = vector.broadcast %parallel_loop3A_503 : i32 to vector<16xi32>
          %parallel_loop3A_505 = arith.andi %parallel_loop3A_474, %parallel_loop3A_504 : vector<16xi32>
          %parallel_loop3A_506 = arith.xori %parallel_loop3A_505, %parallel_loop3A_475 : vector<16xi32>
          %parallel_loop3A_507 = tpu.bitcast %parallel_loop3A_506 : vector<16xi32> -> vector<16xf32>
          %parallel_loop3A_508 = arith.addf %parallel_loop3A_454, %parallel_loop3A_507 : vector<16xf32>
          %parallel_loop3A_509 = arith.xori %parallel_loop3A_182, %parallel_loop3A_172 : vector<16xi32>
          %parallel_loop3A_510 = arith.mulf %parallel_loop3A_186, %parallel_loop3A_163 : vector<16xf32>
          %parallel_loop3A_511 = arith.constant 8191 : i32
          %parallel_loop3A_512 = vector.broadcast %parallel_loop3A_511 : i32 to vector<16xi32>
          %parallel_loop3A_513 = arith.andi %parallel_loop3A_509, %parallel_loop3A_512 : vector<16xi32>
          %parallel_loop3A_514 = arith.constant 3 : i32
          %parallel_loop3A_515 = vector.broadcast %parallel_loop3A_514 : i32 to vector<16xi32>
          %parallel_loop3A_516 = arith.shrui %parallel_loop3A_513, %parallel_loop3A_515 : vector<16xi32>
          %parallel_loop3A_517 = arith.constant 7 : i32
          %parallel_loop3A_518 = vector.broadcast %parallel_loop3A_517 : i32 to vector<16xi32>
          %parallel_loop3A_519 = arith.andi %parallel_loop3A_513, %parallel_loop3A_518 : vector<16xi32>
          %parallel_loop3A_520 = arith.constant 2 : i32
          %parallel_loop3A_521 = vector.broadcast %parallel_loop3A_520 : i32 to vector<16xi32>
          %parallel_loop3A_522 = arith.shli %parallel_loop3A_519, %parallel_loop3A_521 : vector<16xi32>
          %parallel_loop3A_523 = arith.constant 28 : i32
          %parallel_loop3A_524 = vector.broadcast %parallel_loop3A_523 : i32 to vector<16xi32>
          %parallel_loop3A_525 = arith.subi %parallel_loop3A_524, %parallel_loop3A_522 : vector<16xi32>
          %parallel_loop3A_526 = tpu.memref_slice %arg9[%parallel_loop3A_188] : memref<61440xi32, #tpu.memory_space<vmem>> -> memref<1024xi32, #tpu.memory_space<vmem>>
          %parallel_loop3A_527 = tpu.vector_load_idx %parallel_loop3A_526[%parallel_loop3A_516] : memref<1024xi32, #tpu.memory_space<vmem>>[vector<16xi32>], vector<16xi32>,
          %parallel_loop3A_528 = arith.shli %parallel_loop3A_527, %parallel_loop3A_525 : vector<16xi32>
          %parallel_loop3A_529 = tpu.bitcast %parallel_loop3A_510 : vector<16xf32> -> vector<16xi32>
          %parallel_loop3A_530 = arith.constant 3 : i32
          %parallel_loop3A_531 = vector.broadcast %parallel_loop3A_530 : i32 to vector<16xi32>
          %parallel_loop3A_532 = arith.shli %parallel_loop3A_528, %parallel_loop3A_531 : vector<16xi32>
          %parallel_loop3A_533 = arith.constant -2147483648 : i32
          %parallel_loop3A_534 = vector.broadcast %parallel_loop3A_533 : i32 to vector<16xi32>
          %parallel_loop3A_535 = arith.andi %parallel_loop3A_532, %parallel_loop3A_534 : vector<16xi32>
          %parallel_loop3A_536 = arith.xori %parallel_loop3A_535, %parallel_loop3A_529 : vector<16xi32>
          %parallel_loop3A_537 = tpu.bitcast %parallel_loop3A_536 : vector<16xi32> -> vector<16xf32>
          %parallel_loop3A_538 = arith.addf %parallel_loop3A_484, %parallel_loop3A_537 : vector<16xf32>
          %parallel_loop3A_539 = arith.constant 2 : i32
          %parallel_loop3A_540 = vector.broadcast %parallel_loop3A_539 : i32 to vector<16xi32>
          %parallel_loop3A_541 = arith.shli %parallel_loop3A_528, %parallel_loop3A_540 : vector<16xi32>
          %parallel_loop3A_542 = arith.constant -2147483648 : i32
          %parallel_loop3A_543 = vector.broadcast %parallel_loop3A_542 : i32 to vector<16xi32>
          %parallel_loop3A_544 = arith.andi %parallel_loop3A_541, %parallel_loop3A_543 : vector<16xi32>
          %parallel_loop3A_545 = arith.xori %parallel_loop3A_544, %parallel_loop3A_529 : vector<16xi32>
          %parallel_loop3A_546 = tpu.bitcast %parallel_loop3A_545 : vector<16xi32> -> vector<16xf32>
          %parallel_loop3A_547 = arith.addf %parallel_loop3A_493, %parallel_loop3A_546 : vector<16xf32>
          %parallel_loop3A_548 = arith.constant 1 : i32
          %parallel_loop3A_549 = vector.broadcast %parallel_loop3A_548 : i32 to vector<16xi32>
          %parallel_loop3A_550 = arith.shli %parallel_loop3A_528, %parallel_loop3A_549 : vector<16xi32>
          %parallel_loop3A_551 = arith.constant -2147483648 : i32
          %parallel_loop3A_552 = vector.broadcast %parallel_loop3A_551 : i32 to vector<16xi32>
          %parallel_loop3A_553 = arith.andi %parallel_loop3A_550, %parallel_loop3A_552 : vector<16xi32>
          %parallel_loop3A_554 = arith.xori %parallel_loop3A_553, %parallel_loop3A_529 : vector<16xi32>
          %parallel_loop3A_555 = tpu.bitcast %parallel_loop3A_554 : vector<16xi32> -> vector<16xf32>
          %parallel_loop3A_556 = arith.addf %parallel_loop3A_502, %parallel_loop3A_555 : vector<16xf32>
          %parallel_loop3A_557 = arith.constant -2147483648 : i32
          %parallel_loop3A_558 = vector.broadcast %parallel_loop3A_557 : i32 to vector<16xi32>
          %parallel_loop3A_559 = arith.andi %parallel_loop3A_528, %parallel_loop3A_558 : vector<16xi32>
          %parallel_loop3A_560 = arith.xori %parallel_loop3A_559, %parallel_loop3A_529 : vector<16xi32>
          %parallel_loop3A_561 = tpu.bitcast %parallel_loop3A_560 : vector<16xi32> -> vector<16xf32>
          %parallel_loop3A_562 = arith.addf %parallel_loop3A_508, %parallel_loop3A_561 : vector<16xf32>
          %parallel_loop3A_563 = arith.xori %parallel_loop3A_182, %parallel_loop3A_175 : vector<16xi32>
          %parallel_loop3A_564 = arith.mulf %parallel_loop3A_186, %parallel_loop3A_154 : vector<16xf32>
          %parallel_loop3A_565 = arith.constant 8191 : i32
          %parallel_loop3A_566 = vector.broadcast %parallel_loop3A_565 : i32 to vector<16xi32>
          %parallel_loop3A_567 = arith.andi %parallel_loop3A_563, %parallel_loop3A_566 : vector<16xi32>
          %parallel_loop3A_568 = arith.constant 3 : i32
          %parallel_loop3A_569 = vector.broadcast %parallel_loop3A_568 : i32 to vector<16xi32>
          %parallel_loop3A_570 = arith.shrui %parallel_loop3A_567, %parallel_loop3A_569 : vector<16xi32>
          %parallel_loop3A_571 = arith.constant 7 : i32
          %parallel_loop3A_572 = vector.broadcast %parallel_loop3A_571 : i32 to vector<16xi32>
          %parallel_loop3A_573 = arith.andi %parallel_loop3A_567, %parallel_loop3A_572 : vector<16xi32>
          %parallel_loop3A_574 = arith.constant 2 : i32
          %parallel_loop3A_575 = vector.broadcast %parallel_loop3A_574 : i32 to vector<16xi32>
          %parallel_loop3A_576 = arith.shli %parallel_loop3A_573, %parallel_loop3A_575 : vector<16xi32>
          %parallel_loop3A_577 = arith.constant 28 : i32
          %parallel_loop3A_578 = vector.broadcast %parallel_loop3A_577 : i32 to vector<16xi32>
          %parallel_loop3A_579 = arith.subi %parallel_loop3A_578, %parallel_loop3A_576 : vector<16xi32>
          %parallel_loop3A_580 = tpu.memref_slice %arg9[%parallel_loop3A_188] : memref<61440xi32, #tpu.memory_space<vmem>> -> memref<1024xi32, #tpu.memory_space<vmem>>
          %parallel_loop3A_581 = tpu.vector_load_idx %parallel_loop3A_580[%parallel_loop3A_570] : memref<1024xi32, #tpu.memory_space<vmem>>[vector<16xi32>], vector<16xi32>,
          %parallel_loop3A_582 = arith.shli %parallel_loop3A_581, %parallel_loop3A_579 : vector<16xi32>
          %parallel_loop3A_583 = tpu.bitcast %parallel_loop3A_564 : vector<16xf32> -> vector<16xi32>
          %parallel_loop3A_584 = arith.constant 3 : i32
          %parallel_loop3A_585 = vector.broadcast %parallel_loop3A_584 : i32 to vector<16xi32>
          %parallel_loop3A_586 = arith.shli %parallel_loop3A_582, %parallel_loop3A_585 : vector<16xi32>
          %parallel_loop3A_587 = arith.constant -2147483648 : i32
          %parallel_loop3A_588 = vector.broadcast %parallel_loop3A_587 : i32 to vector<16xi32>
          %parallel_loop3A_589 = arith.andi %parallel_loop3A_586, %parallel_loop3A_588 : vector<16xi32>
          %parallel_loop3A_590 = arith.xori %parallel_loop3A_589, %parallel_loop3A_583 : vector<16xi32>
          %parallel_loop3A_591 = tpu.bitcast %parallel_loop3A_590 : vector<16xi32> -> vector<16xf32>
          %parallel_loop3A_592 = arith.addf %parallel_loop3A_538, %parallel_loop3A_591 : vector<16xf32>
          %parallel_loop3A_593 = arith.constant 2 : i32
          %parallel_loop3A_594 = vector.broadcast %parallel_loop3A_593 : i32 to vector<16xi32>
          %parallel_loop3A_595 = arith.shli %parallel_loop3A_582, %parallel_loop3A_594 : vector<16xi32>
          %parallel_loop3A_596 = arith.constant -2147483648 : i32
          %parallel_loop3A_597 = vector.broadcast %parallel_loop3A_596 : i32 to vector<16xi32>
          %parallel_loop3A_598 = arith.andi %parallel_loop3A_595, %parallel_loop3A_597 : vector<16xi32>
          %parallel_loop3A_599 = arith.xori %parallel_loop3A_598, %parallel_loop3A_583 : vector<16xi32>
          %parallel_loop3A_600 = tpu.bitcast %parallel_loop3A_599 : vector<16xi32> -> vector<16xf32>
          %parallel_loop3A_601 = arith.addf %parallel_loop3A_547, %parallel_loop3A_600 : vector<16xf32>
          %parallel_loop3A_602 = arith.constant 1 : i32
          %parallel_loop3A_603 = vector.broadcast %parallel_loop3A_602 : i32 to vector<16xi32>
          %parallel_loop3A_604 = arith.shli %parallel_loop3A_582, %parallel_loop3A_603 : vector<16xi32>
          %parallel_loop3A_605 = arith.constant -2147483648 : i32
          %parallel_loop3A_606 = vector.broadcast %parallel_loop3A_605 : i32 to vector<16xi32>
          %parallel_loop3A_607 = arith.andi %parallel_loop3A_604, %parallel_loop3A_606 : vector<16xi32>
          %parallel_loop3A_608 = arith.xori %parallel_loop3A_607, %parallel_loop3A_583 : vector<16xi32>
          %parallel_loop3A_609 = tpu.bitcast %parallel_loop3A_608 : vector<16xi32> -> vector<16xf32>
          %parallel_loop3A_610 = arith.addf %parallel_loop3A_556, %parallel_loop3A_609 : vector<16xf32>
          %parallel_loop3A_611 = arith.constant -2147483648 : i32
          %parallel_loop3A_612 = vector.broadcast %parallel_loop3A_611 : i32 to vector<16xi32>
          %parallel_loop3A_613 = arith.andi %parallel_loop3A_582, %parallel_loop3A_612 : vector<16xi32>
          %parallel_loop3A_614 = arith.xori %parallel_loop3A_613, %parallel_loop3A_583 : vector<16xi32>
          %parallel_loop3A_615 = tpu.bitcast %parallel_loop3A_614 : vector<16xi32> -> vector<16xf32>
          %parallel_loop3A_616 = arith.addf %parallel_loop3A_562, %parallel_loop3A_615 : vector<16xf32>
          %parallel_loop3A_617 = arith.constant 4 : i32
          %parallel_loop3A_618 = arith.muli %parallel_loop3A_138, %parallel_loop3A_617 : i32
          %parallel_loop3A_619 = vector.broadcast %parallel_loop3A_618 : i32 to vector<16xi32>
          %parallel_loop3A_620 = arith.addi %mul3A_3, %parallel_loop3A_619 : vector<16xi32>
          %parallel_loop3A_621 = arith.constant 0 : i32
          %parallel_loop3A_622 = vector.broadcast %parallel_loop3A_621 : i32 to vector<16xi32>
          %parallel_loop3A_623 = arith.addi %parallel_loop3A_620, %parallel_loop3A_622 : vector<16xi32>
          tpu.vector_store_idx %arg17[%parallel_loop3A_131, %parallel_loop3A_623], %parallel_loop3A_592 : memref<256x64xf32, #tpu.memory_space<vmem>>[vector<16xi32>, vector<16xi32>], vector<16xf32>,
          %parallel_loop3A_624 = arith.constant 1 : i32
          %parallel_loop3A_625 = vector.broadcast %parallel_loop3A_624 : i32 to vector<16xi32>
          %parallel_loop3A_626 = arith.addi %parallel_loop3A_620, %parallel_loop3A_625 : vector<16xi32>
          tpu.vector_store_idx %arg17[%parallel_loop3A_131, %parallel_loop3A_626], %parallel_loop3A_601 : memref<256x64xf32, #tpu.memory_space<vmem>>[vector<16xi32>, vector<16xi32>], vector<16xf32>,
          %parallel_loop3A_627 = arith.constant 2 : i32
          %parallel_loop3A_628 = vector.broadcast %parallel_loop3A_627 : i32 to vector<16xi32>
          %parallel_loop3A_629 = arith.addi %parallel_loop3A_620, %parallel_loop3A_628 : vector<16xi32>
          tpu.vector_store_idx %arg17[%parallel_loop3A_131, %parallel_loop3A_629], %parallel_loop3A_610 : memref<256x64xf32, #tpu.memory_space<vmem>>[vector<16xi32>, vector<16xi32>], vector<16xf32>,
          %parallel_loop3A_630 = arith.constant 3 : i32
          %parallel_loop3A_631 = vector.broadcast %parallel_loop3A_630 : i32 to vector<16xi32>
          %parallel_loop3A_632 = arith.addi %parallel_loop3A_620, %parallel_loop3A_631 : vector<16xi32>
          tpu.vector_store_idx %arg17[%parallel_loop3A_131, %parallel_loop3A_632], %parallel_loop3A_616 : memref<256x64xf32, #tpu.memory_space<vmem>>[vector<16xi32>, vector<16xi32>], vector<16xf32>,
        } {sc.loop_unroll_factor = 1 : i64, sc.parallel_access}
        %parallel_loop3A_135 = arith.constant 0 : i32
        %parallel_loop3A_136 = arith.constant 4 : i32
        %parallel_loop3A_137 = arith.constant 1 : i32
        scf.for %parallel_loop3A_138 = %parallel_loop3A_135 to %parallel_loop3A_136 step %parallel_loop3A_137  : i32 {
          %parallel_loop3A_139 = arith.constant 16 : i32
          %parallel_loop3A_140 = arith.muli %parallel_loop3A_138, %parallel_loop3A_139 : i32
          %parallel_loop3A_141 = arith.index_cast %parallel_loop3A_140 : i32 to index
          %parallel_loop3A_142 = tpu.vector_load %arg19[%parallel_loop3A_141] {strides = array<i32>} : memref<64xf32, #tpu.memory_space<vmem>>, vector<16xf32>,
          %parallel_loop3A_143 = arith.constant 4096 : i32
          %parallel_loop3A_144 = arith.muli %parallel_loop3A_138, %parallel_loop3A_143 : i32
          %parallel_loop3A_145 = arith.constant 12288 : i32
          %parallel_loop3A_146 = arith.addi %parallel_loop3A_145, %parallel_loop3A_144 : i32
          %parallel_loop3A_147 = arith.mulf %parallel_loop3A_115, %parallel_loop3A_142 : vector<16xf32>
          %parallel_loop3A_148 = arith.mulf %parallel_loop3A_121, %parallel_loop3A_142 : vector<16xf32>
          %parallel_loop3A_149 = arith.fptosi %parallel_loop3A_147 : vector<16xf32> to vector<16xi32>
          %parallel_loop3A_150 = arith.fptosi %parallel_loop3A_148 : vector<16xf32> to vector<16xi32>
          %parallel_loop3A_151 = arith.sitofp %parallel_loop3A_149 : vector<16xi32> to vector<16xf32>
          %parallel_loop3A_152 = arith.subf %parallel_loop3A_147, %parallel_loop3A_151 : vector<16xf32>
          %parallel_loop3A_153 = arith.sitofp %parallel_loop3A_150 : vector<16xi32> to vector<16xf32>
          %parallel_loop3A_154 = arith.subf %parallel_loop3A_148, %parallel_loop3A_153 : vector<16xf32>
          %parallel_loop3A_155 = arith.constant 1.000000e+00 : f32
          %parallel_loop3A_156 = vector.broadcast %parallel_loop3A_155 : f32 to vector<16xf32>
          %parallel_loop3A_157 = arith.subf %parallel_loop3A_156, %parallel_loop3A_152 : vector<16xf32>
          %parallel_loop3A_158 = arith.constant 1.000000e+00 : f32
          %parallel_loop3A_159 = vector.broadcast %parallel_loop3A_158 : f32 to vector<16xf32>
          %parallel_loop3A_160 = arith.subf %parallel_loop3A_159, %parallel_loop3A_154 : vector<16xf32>
          %parallel_loop3A_161 = arith.constant -1640531535 : i32
          %parallel_loop3A_162 = vector.broadcast %parallel_loop3A_161 : i32 to vector<16xi32>
          %parallel_loop3A_163 = arith.muli %parallel_loop3A_150, %parallel_loop3A_162 : vector<16xi32>
          %parallel_loop3A_164 = arith.constant -1640531535 : i32
          %parallel_loop3A_165 = vector.broadcast %parallel_loop3A_164 : i32 to vector<16xi32>
          %parallel_loop3A_166 = arith.addi %parallel_loop3A_163, %parallel_loop3A_165 : vector<16xi32>
          %parallel_loop3A_167 = arith.constant 1 : i32
          %parallel_loop3A_168 = vector.broadcast %parallel_loop3A_167 : i32 to vector<16xi32>
          %parallel_loop3A_169 = arith.addi %parallel_loop3A_149, %parallel_loop3A_168 : vector<16xi32>
          %parallel_loop3A_170 = arith.constant 0 : i32
          %parallel_loop3A_171 = arith.addi %parallel_loop3A_146, %parallel_loop3A_170 : i32
          %parallel_loop3A_172 = arith.xori %parallel_loop3A_149, %parallel_loop3A_163 : vector<16xi32>
          %parallel_loop3A_173 = arith.mulf %parallel_loop3A_157, %parallel_loop3A_160 : vector<16xf32>
          %parallel_loop3A_174 = arith.constant 32767 : i32
          %parallel_loop3A_175 = vector.broadcast %parallel_loop3A_174 : i32 to vector<16xi32>
          %parallel_loop3A_176 = arith.andi %parallel_loop3A_172, %parallel_loop3A_175 : vector<16xi32>
          %parallel_loop3A_177 = arith.constant 3 : i32
          %parallel_loop3A_178 = vector.broadcast %parallel_loop3A_177 : i32 to vector<16xi32>
          %parallel_loop3A_179 = arith.shrui %parallel_loop3A_176, %parallel_loop3A_178 : vector<16xi32>
          %parallel_loop3A_180 = arith.constant 7 : i32
          %parallel_loop3A_181 = vector.broadcast %parallel_loop3A_180 : i32 to vector<16xi32>
          %parallel_loop3A_182 = arith.andi %parallel_loop3A_176, %parallel_loop3A_181 : vector<16xi32>
          %parallel_loop3A_183 = arith.constant 2 : i32
          %parallel_loop3A_184 = vector.broadcast %parallel_loop3A_183 : i32 to vector<16xi32>
          %parallel_loop3A_185 = arith.shli %parallel_loop3A_182, %parallel_loop3A_184 : vector<16xi32>
          %parallel_loop3A_186 = arith.constant 28 : i32
          %parallel_loop3A_187 = vector.broadcast %parallel_loop3A_186 : i32 to vector<16xi32>
          %parallel_loop3A_188 = arith.subi %parallel_loop3A_187, %parallel_loop3A_185 : vector<16xi32>
          %parallel_loop3A_189 = tpu.memref_slice %arg9[%parallel_loop3A_171] : memref<61440xi32, #tpu.memory_space<vmem>> -> memref<4096xi32, #tpu.memory_space<vmem>>
          %parallel_loop3A_190 = tpu.vector_load_idx %parallel_loop3A_189[%parallel_loop3A_179] : memref<4096xi32, #tpu.memory_space<vmem>>[vector<16xi32>], vector<16xi32>,
          %parallel_loop3A_191 = arith.shli %parallel_loop3A_190, %parallel_loop3A_188 : vector<16xi32>
          %parallel_loop3A_192 = tpu.bitcast %parallel_loop3A_173 : vector<16xf32> -> vector<16xi32>
          %parallel_loop3A_193 = arith.constant 3 : i32
          %parallel_loop3A_194 = vector.broadcast %parallel_loop3A_193 : i32 to vector<16xi32>
          %parallel_loop3A_195 = arith.shli %parallel_loop3A_191, %parallel_loop3A_194 : vector<16xi32>
          %parallel_loop3A_196 = arith.constant -2147483648 : i32
          %parallel_loop3A_197 = vector.broadcast %parallel_loop3A_196 : i32 to vector<16xi32>
          %parallel_loop3A_198 = arith.andi %parallel_loop3A_195, %parallel_loop3A_197 : vector<16xi32>
          %parallel_loop3A_199 = arith.xori %parallel_loop3A_198, %parallel_loop3A_192 : vector<16xi32>
          %parallel_loop3A_200 = tpu.bitcast %parallel_loop3A_199 : vector<16xi32> -> vector<16xf32>
          %parallel_loop3A_201 = arith.constant 2 : i32
          %parallel_loop3A_202 = vector.broadcast %parallel_loop3A_201 : i32 to vector<16xi32>
          %parallel_loop3A_203 = arith.shli %parallel_loop3A_191, %parallel_loop3A_202 : vector<16xi32>
          %parallel_loop3A_204 = arith.constant -2147483648 : i32
          %parallel_loop3A_205 = vector.broadcast %parallel_loop3A_204 : i32 to vector<16xi32>
          %parallel_loop3A_206 = arith.andi %parallel_loop3A_203, %parallel_loop3A_205 : vector<16xi32>
          %parallel_loop3A_207 = arith.xori %parallel_loop3A_206, %parallel_loop3A_192 : vector<16xi32>
          %parallel_loop3A_208 = tpu.bitcast %parallel_loop3A_207 : vector<16xi32> -> vector<16xf32>
          %parallel_loop3A_209 = arith.constant 1 : i32
          %parallel_loop3A_210 = vector.broadcast %parallel_loop3A_209 : i32 to vector<16xi32>
          %parallel_loop3A_211 = arith.shli %parallel_loop3A_191, %parallel_loop3A_210 : vector<16xi32>
          %parallel_loop3A_212 = arith.constant -2147483648 : i32
          %parallel_loop3A_213 = vector.broadcast %parallel_loop3A_212 : i32 to vector<16xi32>
          %parallel_loop3A_214 = arith.andi %parallel_loop3A_211, %parallel_loop3A_213 : vector<16xi32>
          %parallel_loop3A_215 = arith.xori %parallel_loop3A_214, %parallel_loop3A_192 : vector<16xi32>
          %parallel_loop3A_216 = tpu.bitcast %parallel_loop3A_215 : vector<16xi32> -> vector<16xf32>
          %parallel_loop3A_217 = arith.constant -2147483648 : i32
          %parallel_loop3A_218 = vector.broadcast %parallel_loop3A_217 : i32 to vector<16xi32>
          %parallel_loop3A_219 = arith.andi %parallel_loop3A_191, %parallel_loop3A_218 : vector<16xi32>
          %parallel_loop3A_220 = arith.xori %parallel_loop3A_219, %parallel_loop3A_192 : vector<16xi32>
          %parallel_loop3A_221 = tpu.bitcast %parallel_loop3A_220 : vector<16xi32> -> vector<16xf32>
          %parallel_loop3A_222 = arith.xori %parallel_loop3A_149, %parallel_loop3A_166 : vector<16xi32>
          %parallel_loop3A_223 = arith.mulf %parallel_loop3A_157, %parallel_loop3A_154 : vector<16xf32>
          %parallel_loop3A_224 = arith.constant 32767 : i32
          %parallel_loop3A_225 = vector.broadcast %parallel_loop3A_224 : i32 to vector<16xi32>
          %parallel_loop3A_226 = arith.andi %parallel_loop3A_222, %parallel_loop3A_225 : vector<16xi32>
          %parallel_loop3A_227 = arith.constant 3 : i32
          %parallel_loop3A_228 = vector.broadcast %parallel_loop3A_227 : i32 to vector<16xi32>
          %parallel_loop3A_229 = arith.shrui %parallel_loop3A_226, %parallel_loop3A_228 : vector<16xi32>
          %parallel_loop3A_230 = arith.constant 7 : i32
          %parallel_loop3A_231 = vector.broadcast %parallel_loop3A_230 : i32 to vector<16xi32>
          %parallel_loop3A_232 = arith.andi %parallel_loop3A_226, %parallel_loop3A_231 : vector<16xi32>
          %parallel_loop3A_233 = arith.constant 2 : i32
          %parallel_loop3A_234 = vector.broadcast %parallel_loop3A_233 : i32 to vector<16xi32>
          %parallel_loop3A_235 = arith.shli %parallel_loop3A_232, %parallel_loop3A_234 : vector<16xi32>
          %parallel_loop3A_236 = arith.constant 28 : i32
          %parallel_loop3A_237 = vector.broadcast %parallel_loop3A_236 : i32 to vector<16xi32>
          %parallel_loop3A_238 = arith.subi %parallel_loop3A_237, %parallel_loop3A_235 : vector<16xi32>
          %parallel_loop3A_239 = tpu.memref_slice %arg9[%parallel_loop3A_171] : memref<61440xi32, #tpu.memory_space<vmem>> -> memref<4096xi32, #tpu.memory_space<vmem>>
          %parallel_loop3A_240 = tpu.vector_load_idx %parallel_loop3A_239[%parallel_loop3A_229] : memref<4096xi32, #tpu.memory_space<vmem>>[vector<16xi32>], vector<16xi32>,
          %parallel_loop3A_241 = arith.shli %parallel_loop3A_240, %parallel_loop3A_238 : vector<16xi32>
          %parallel_loop3A_242 = tpu.bitcast %parallel_loop3A_223 : vector<16xf32> -> vector<16xi32>
          %parallel_loop3A_243 = arith.constant 3 : i32
          %parallel_loop3A_244 = vector.broadcast %parallel_loop3A_243 : i32 to vector<16xi32>
          %parallel_loop3A_245 = arith.shli %parallel_loop3A_241, %parallel_loop3A_244 : vector<16xi32>
          %parallel_loop3A_246 = arith.constant -2147483648 : i32
          %parallel_loop3A_247 = vector.broadcast %parallel_loop3A_246 : i32 to vector<16xi32>
          %parallel_loop3A_248 = arith.andi %parallel_loop3A_245, %parallel_loop3A_247 : vector<16xi32>
          %parallel_loop3A_249 = arith.xori %parallel_loop3A_248, %parallel_loop3A_242 : vector<16xi32>
          %parallel_loop3A_250 = tpu.bitcast %parallel_loop3A_249 : vector<16xi32> -> vector<16xf32>
          %parallel_loop3A_251 = arith.addf %parallel_loop3A_200, %parallel_loop3A_250 : vector<16xf32>
          %parallel_loop3A_252 = arith.constant 2 : i32
          %parallel_loop3A_253 = vector.broadcast %parallel_loop3A_252 : i32 to vector<16xi32>
          %parallel_loop3A_254 = arith.shli %parallel_loop3A_241, %parallel_loop3A_253 : vector<16xi32>
          %parallel_loop3A_255 = arith.constant -2147483648 : i32
          %parallel_loop3A_256 = vector.broadcast %parallel_loop3A_255 : i32 to vector<16xi32>
          %parallel_loop3A_257 = arith.andi %parallel_loop3A_254, %parallel_loop3A_256 : vector<16xi32>
          %parallel_loop3A_258 = arith.xori %parallel_loop3A_257, %parallel_loop3A_242 : vector<16xi32>
          %parallel_loop3A_259 = tpu.bitcast %parallel_loop3A_258 : vector<16xi32> -> vector<16xf32>
          %parallel_loop3A_260 = arith.addf %parallel_loop3A_208, %parallel_loop3A_259 : vector<16xf32>
          %parallel_loop3A_261 = arith.constant 1 : i32
          %parallel_loop3A_262 = vector.broadcast %parallel_loop3A_261 : i32 to vector<16xi32>
          %parallel_loop3A_263 = arith.shli %parallel_loop3A_241, %parallel_loop3A_262 : vector<16xi32>
          %parallel_loop3A_264 = arith.constant -2147483648 : i32
          %parallel_loop3A_265 = vector.broadcast %parallel_loop3A_264 : i32 to vector<16xi32>
          %parallel_loop3A_266 = arith.andi %parallel_loop3A_263, %parallel_loop3A_265 : vector<16xi32>
          %parallel_loop3A_267 = arith.xori %parallel_loop3A_266, %parallel_loop3A_242 : vector<16xi32>
          %parallel_loop3A_268 = tpu.bitcast %parallel_loop3A_267 : vector<16xi32> -> vector<16xf32>
          %parallel_loop3A_269 = arith.addf %parallel_loop3A_216, %parallel_loop3A_268 : vector<16xf32>
          %parallel_loop3A_270 = arith.constant -2147483648 : i32
          %parallel_loop3A_271 = vector.broadcast %parallel_loop3A_270 : i32 to vector<16xi32>
          %parallel_loop3A_272 = arith.andi %parallel_loop3A_241, %parallel_loop3A_271 : vector<16xi32>
          %parallel_loop3A_273 = arith.xori %parallel_loop3A_272, %parallel_loop3A_242 : vector<16xi32>
          %parallel_loop3A_274 = tpu.bitcast %parallel_loop3A_273 : vector<16xi32> -> vector<16xf32>
          %parallel_loop3A_275 = arith.addf %parallel_loop3A_221, %parallel_loop3A_274 : vector<16xf32>
          %parallel_loop3A_276 = arith.xori %parallel_loop3A_169, %parallel_loop3A_163 : vector<16xi32>
          %parallel_loop3A_277 = arith.mulf %parallel_loop3A_152, %parallel_loop3A_160 : vector<16xf32>
          %parallel_loop3A_278 = arith.constant 32767 : i32
          %parallel_loop3A_279 = vector.broadcast %parallel_loop3A_278 : i32 to vector<16xi32>
          %parallel_loop3A_280 = arith.andi %parallel_loop3A_276, %parallel_loop3A_279 : vector<16xi32>
          %parallel_loop3A_281 = arith.constant 3 : i32
          %parallel_loop3A_282 = vector.broadcast %parallel_loop3A_281 : i32 to vector<16xi32>
          %parallel_loop3A_283 = arith.shrui %parallel_loop3A_280, %parallel_loop3A_282 : vector<16xi32>
          %parallel_loop3A_284 = arith.constant 7 : i32
          %parallel_loop3A_285 = vector.broadcast %parallel_loop3A_284 : i32 to vector<16xi32>
          %parallel_loop3A_286 = arith.andi %parallel_loop3A_280, %parallel_loop3A_285 : vector<16xi32>
          %parallel_loop3A_287 = arith.constant 2 : i32
          %parallel_loop3A_288 = vector.broadcast %parallel_loop3A_287 : i32 to vector<16xi32>
          %parallel_loop3A_289 = arith.shli %parallel_loop3A_286, %parallel_loop3A_288 : vector<16xi32>
          %parallel_loop3A_290 = arith.constant 28 : i32
          %parallel_loop3A_291 = vector.broadcast %parallel_loop3A_290 : i32 to vector<16xi32>
          %parallel_loop3A_292 = arith.subi %parallel_loop3A_291, %parallel_loop3A_289 : vector<16xi32>
          %parallel_loop3A_293 = tpu.memref_slice %arg9[%parallel_loop3A_171] : memref<61440xi32, #tpu.memory_space<vmem>> -> memref<4096xi32, #tpu.memory_space<vmem>>
          %parallel_loop3A_294 = tpu.vector_load_idx %parallel_loop3A_293[%parallel_loop3A_283] : memref<4096xi32, #tpu.memory_space<vmem>>[vector<16xi32>], vector<16xi32>,
          %parallel_loop3A_295 = arith.shli %parallel_loop3A_294, %parallel_loop3A_292 : vector<16xi32>
          %parallel_loop3A_296 = tpu.bitcast %parallel_loop3A_277 : vector<16xf32> -> vector<16xi32>
          %parallel_loop3A_297 = arith.constant 3 : i32
          %parallel_loop3A_298 = vector.broadcast %parallel_loop3A_297 : i32 to vector<16xi32>
          %parallel_loop3A_299 = arith.shli %parallel_loop3A_295, %parallel_loop3A_298 : vector<16xi32>
          %parallel_loop3A_300 = arith.constant -2147483648 : i32
          %parallel_loop3A_301 = vector.broadcast %parallel_loop3A_300 : i32 to vector<16xi32>
          %parallel_loop3A_302 = arith.andi %parallel_loop3A_299, %parallel_loop3A_301 : vector<16xi32>
          %parallel_loop3A_303 = arith.xori %parallel_loop3A_302, %parallel_loop3A_296 : vector<16xi32>
          %parallel_loop3A_304 = tpu.bitcast %parallel_loop3A_303 : vector<16xi32> -> vector<16xf32>
          %parallel_loop3A_305 = arith.addf %parallel_loop3A_251, %parallel_loop3A_304 : vector<16xf32>
          %parallel_loop3A_306 = arith.constant 2 : i32
          %parallel_loop3A_307 = vector.broadcast %parallel_loop3A_306 : i32 to vector<16xi32>
          %parallel_loop3A_308 = arith.shli %parallel_loop3A_295, %parallel_loop3A_307 : vector<16xi32>
          %parallel_loop3A_309 = arith.constant -2147483648 : i32
          %parallel_loop3A_310 = vector.broadcast %parallel_loop3A_309 : i32 to vector<16xi32>
          %parallel_loop3A_311 = arith.andi %parallel_loop3A_308, %parallel_loop3A_310 : vector<16xi32>
          %parallel_loop3A_312 = arith.xori %parallel_loop3A_311, %parallel_loop3A_296 : vector<16xi32>
          %parallel_loop3A_313 = tpu.bitcast %parallel_loop3A_312 : vector<16xi32> -> vector<16xf32>
          %parallel_loop3A_314 = arith.addf %parallel_loop3A_260, %parallel_loop3A_313 : vector<16xf32>
          %parallel_loop3A_315 = arith.constant 1 : i32
          %parallel_loop3A_316 = vector.broadcast %parallel_loop3A_315 : i32 to vector<16xi32>
          %parallel_loop3A_317 = arith.shli %parallel_loop3A_295, %parallel_loop3A_316 : vector<16xi32>
          %parallel_loop3A_318 = arith.constant -2147483648 : i32
          %parallel_loop3A_319 = vector.broadcast %parallel_loop3A_318 : i32 to vector<16xi32>
          %parallel_loop3A_320 = arith.andi %parallel_loop3A_317, %parallel_loop3A_319 : vector<16xi32>
          %parallel_loop3A_321 = arith.xori %parallel_loop3A_320, %parallel_loop3A_296 : vector<16xi32>
          %parallel_loop3A_322 = tpu.bitcast %parallel_loop3A_321 : vector<16xi32> -> vector<16xf32>
          %parallel_loop3A_323 = arith.addf %parallel_loop3A_269, %parallel_loop3A_322 : vector<16xf32>
          %parallel_loop3A_324 = arith.constant -2147483648 : i32
          %parallel_loop3A_325 = vector.broadcast %parallel_loop3A_324 : i32 to vector<16xi32>
          %parallel_loop3A_326 = arith.andi %parallel_loop3A_295, %parallel_loop3A_325 : vector<16xi32>
          %parallel_loop3A_327 = arith.xori %parallel_loop3A_326, %parallel_loop3A_296 : vector<16xi32>
          %parallel_loop3A_328 = tpu.bitcast %parallel_loop3A_327 : vector<16xi32> -> vector<16xf32>
          %parallel_loop3A_329 = arith.addf %parallel_loop3A_275, %parallel_loop3A_328 : vector<16xf32>
          %parallel_loop3A_330 = arith.xori %parallel_loop3A_169, %parallel_loop3A_166 : vector<16xi32>
          %parallel_loop3A_331 = arith.mulf %parallel_loop3A_152, %parallel_loop3A_154 : vector<16xf32>
          %parallel_loop3A_332 = arith.constant 32767 : i32
          %parallel_loop3A_333 = vector.broadcast %parallel_loop3A_332 : i32 to vector<16xi32>
          %parallel_loop3A_334 = arith.andi %parallel_loop3A_330, %parallel_loop3A_333 : vector<16xi32>
          %parallel_loop3A_335 = arith.constant 3 : i32
          %parallel_loop3A_336 = vector.broadcast %parallel_loop3A_335 : i32 to vector<16xi32>
          %parallel_loop3A_337 = arith.shrui %parallel_loop3A_334, %parallel_loop3A_336 : vector<16xi32>
          %parallel_loop3A_338 = arith.constant 7 : i32
          %parallel_loop3A_339 = vector.broadcast %parallel_loop3A_338 : i32 to vector<16xi32>
          %parallel_loop3A_340 = arith.andi %parallel_loop3A_334, %parallel_loop3A_339 : vector<16xi32>
          %parallel_loop3A_341 = arith.constant 2 : i32
          %parallel_loop3A_342 = vector.broadcast %parallel_loop3A_341 : i32 to vector<16xi32>
          %parallel_loop3A_343 = arith.shli %parallel_loop3A_340, %parallel_loop3A_342 : vector<16xi32>
          %parallel_loop3A_344 = arith.constant 28 : i32
          %parallel_loop3A_345 = vector.broadcast %parallel_loop3A_344 : i32 to vector<16xi32>
          %parallel_loop3A_346 = arith.subi %parallel_loop3A_345, %parallel_loop3A_343 : vector<16xi32>
          %parallel_loop3A_347 = tpu.memref_slice %arg9[%parallel_loop3A_171] : memref<61440xi32, #tpu.memory_space<vmem>> -> memref<4096xi32, #tpu.memory_space<vmem>>
          %parallel_loop3A_348 = tpu.vector_load_idx %parallel_loop3A_347[%parallel_loop3A_337] : memref<4096xi32, #tpu.memory_space<vmem>>[vector<16xi32>], vector<16xi32>,
          %parallel_loop3A_349 = arith.shli %parallel_loop3A_348, %parallel_loop3A_346 : vector<16xi32>
          %parallel_loop3A_350 = tpu.bitcast %parallel_loop3A_331 : vector<16xf32> -> vector<16xi32>
          %parallel_loop3A_351 = arith.constant 3 : i32
          %parallel_loop3A_352 = vector.broadcast %parallel_loop3A_351 : i32 to vector<16xi32>
          %parallel_loop3A_353 = arith.shli %parallel_loop3A_349, %parallel_loop3A_352 : vector<16xi32>
          %parallel_loop3A_354 = arith.constant -2147483648 : i32
          %parallel_loop3A_355 = vector.broadcast %parallel_loop3A_354 : i32 to vector<16xi32>
          %parallel_loop3A_356 = arith.andi %parallel_loop3A_353, %parallel_loop3A_355 : vector<16xi32>
          %parallel_loop3A_357 = arith.xori %parallel_loop3A_356, %parallel_loop3A_350 : vector<16xi32>
          %parallel_loop3A_358 = tpu.bitcast %parallel_loop3A_357 : vector<16xi32> -> vector<16xf32>
          %parallel_loop3A_359 = arith.addf %parallel_loop3A_305, %parallel_loop3A_358 : vector<16xf32>
          %parallel_loop3A_360 = arith.constant 2 : i32
          %parallel_loop3A_361 = vector.broadcast %parallel_loop3A_360 : i32 to vector<16xi32>
          %parallel_loop3A_362 = arith.shli %parallel_loop3A_349, %parallel_loop3A_361 : vector<16xi32>
          %parallel_loop3A_363 = arith.constant -2147483648 : i32
          %parallel_loop3A_364 = vector.broadcast %parallel_loop3A_363 : i32 to vector<16xi32>
          %parallel_loop3A_365 = arith.andi %parallel_loop3A_362, %parallel_loop3A_364 : vector<16xi32>
          %parallel_loop3A_366 = arith.xori %parallel_loop3A_365, %parallel_loop3A_350 : vector<16xi32>
          %parallel_loop3A_367 = tpu.bitcast %parallel_loop3A_366 : vector<16xi32> -> vector<16xf32>
          %parallel_loop3A_368 = arith.addf %parallel_loop3A_314, %parallel_loop3A_367 : vector<16xf32>
          %parallel_loop3A_369 = arith.constant 1 : i32
          %parallel_loop3A_370 = vector.broadcast %parallel_loop3A_369 : i32 to vector<16xi32>
          %parallel_loop3A_371 = arith.shli %parallel_loop3A_349, %parallel_loop3A_370 : vector<16xi32>
          %parallel_loop3A_372 = arith.constant -2147483648 : i32
          %parallel_loop3A_373 = vector.broadcast %parallel_loop3A_372 : i32 to vector<16xi32>
          %parallel_loop3A_374 = arith.andi %parallel_loop3A_371, %parallel_loop3A_373 : vector<16xi32>
          %parallel_loop3A_375 = arith.xori %parallel_loop3A_374, %parallel_loop3A_350 : vector<16xi32>
          %parallel_loop3A_376 = tpu.bitcast %parallel_loop3A_375 : vector<16xi32> -> vector<16xf32>
          %parallel_loop3A_377 = arith.addf %parallel_loop3A_323, %parallel_loop3A_376 : vector<16xf32>
          %parallel_loop3A_378 = arith.constant -2147483648 : i32
          %parallel_loop3A_379 = vector.broadcast %parallel_loop3A_378 : i32 to vector<16xi32>
          %parallel_loop3A_380 = arith.andi %parallel_loop3A_349, %parallel_loop3A_379 : vector<16xi32>
          %parallel_loop3A_381 = arith.xori %parallel_loop3A_380, %parallel_loop3A_350 : vector<16xi32>
          %parallel_loop3A_382 = tpu.bitcast %parallel_loop3A_381 : vector<16xi32> -> vector<16xf32>
          %parallel_loop3A_383 = arith.addf %parallel_loop3A_329, %parallel_loop3A_382 : vector<16xf32>
          %parallel_loop3A_384 = arith.mulf %parallel_loop3A_115, %parallel_loop3A_142 : vector<16xf32>
          %parallel_loop3A_385 = arith.mulf %parallel_loop3A_127, %parallel_loop3A_142 : vector<16xf32>
          %parallel_loop3A_386 = arith.fptosi %parallel_loop3A_384 : vector<16xf32> to vector<16xi32>
          %parallel_loop3A_387 = arith.fptosi %parallel_loop3A_385 : vector<16xf32> to vector<16xi32>
          %parallel_loop3A_388 = arith.sitofp %parallel_loop3A_386 : vector<16xi32> to vector<16xf32>
          %parallel_loop3A_389 = arith.subf %parallel_loop3A_384, %parallel_loop3A_388 : vector<16xf32>
          %parallel_loop3A_390 = arith.sitofp %parallel_loop3A_387 : vector<16xi32> to vector<16xf32>
          %parallel_loop3A_391 = arith.subf %parallel_loop3A_385, %parallel_loop3A_390 : vector<16xf32>
          %parallel_loop3A_392 = arith.constant 1.000000e+00 : f32
          %parallel_loop3A_393 = vector.broadcast %parallel_loop3A_392 : f32 to vector<16xf32>
          %parallel_loop3A_394 = arith.subf %parallel_loop3A_393, %parallel_loop3A_389 : vector<16xf32>
          %parallel_loop3A_395 = arith.constant 1.000000e+00 : f32
          %parallel_loop3A_396 = vector.broadcast %parallel_loop3A_395 : f32 to vector<16xf32>
          %parallel_loop3A_397 = arith.subf %parallel_loop3A_396, %parallel_loop3A_391 : vector<16xf32>
          %parallel_loop3A_398 = arith.constant -1640531535 : i32
          %parallel_loop3A_399 = vector.broadcast %parallel_loop3A_398 : i32 to vector<16xi32>
          %parallel_loop3A_400 = arith.muli %parallel_loop3A_387, %parallel_loop3A_399 : vector<16xi32>
          %parallel_loop3A_401 = arith.constant -1640531535 : i32
          %parallel_loop3A_402 = vector.broadcast %parallel_loop3A_401 : i32 to vector<16xi32>
          %parallel_loop3A_403 = arith.addi %parallel_loop3A_400, %parallel_loop3A_402 : vector<16xi32>
          %parallel_loop3A_404 = arith.constant 1 : i32
          %parallel_loop3A_405 = vector.broadcast %parallel_loop3A_404 : i32 to vector<16xi32>
          %parallel_loop3A_406 = arith.addi %parallel_loop3A_386, %parallel_loop3A_405 : vector<16xi32>
          %parallel_loop3A_407 = arith.constant 16384 : i32
          %parallel_loop3A_408 = arith.addi %parallel_loop3A_146, %parallel_loop3A_407 : i32
          %parallel_loop3A_409 = arith.xori %parallel_loop3A_386, %parallel_loop3A_400 : vector<16xi32>
          %parallel_loop3A_410 = arith.mulf %parallel_loop3A_394, %parallel_loop3A_397 : vector<16xf32>
          %parallel_loop3A_411 = arith.constant 32767 : i32
          %parallel_loop3A_412 = vector.broadcast %parallel_loop3A_411 : i32 to vector<16xi32>
          %parallel_loop3A_413 = arith.andi %parallel_loop3A_409, %parallel_loop3A_412 : vector<16xi32>
          %parallel_loop3A_414 = arith.constant 3 : i32
          %parallel_loop3A_415 = vector.broadcast %parallel_loop3A_414 : i32 to vector<16xi32>
          %parallel_loop3A_416 = arith.shrui %parallel_loop3A_413, %parallel_loop3A_415 : vector<16xi32>
          %parallel_loop3A_417 = arith.constant 7 : i32
          %parallel_loop3A_418 = vector.broadcast %parallel_loop3A_417 : i32 to vector<16xi32>
          %parallel_loop3A_419 = arith.andi %parallel_loop3A_413, %parallel_loop3A_418 : vector<16xi32>
          %parallel_loop3A_420 = arith.constant 2 : i32
          %parallel_loop3A_421 = vector.broadcast %parallel_loop3A_420 : i32 to vector<16xi32>
          %parallel_loop3A_422 = arith.shli %parallel_loop3A_419, %parallel_loop3A_421 : vector<16xi32>
          %parallel_loop3A_423 = arith.constant 28 : i32
          %parallel_loop3A_424 = vector.broadcast %parallel_loop3A_423 : i32 to vector<16xi32>
          %parallel_loop3A_425 = arith.subi %parallel_loop3A_424, %parallel_loop3A_422 : vector<16xi32>
          %parallel_loop3A_426 = tpu.memref_slice %arg9[%parallel_loop3A_408] : memref<61440xi32, #tpu.memory_space<vmem>> -> memref<4096xi32, #tpu.memory_space<vmem>>
          %parallel_loop3A_427 = tpu.vector_load_idx %parallel_loop3A_426[%parallel_loop3A_416] : memref<4096xi32, #tpu.memory_space<vmem>>[vector<16xi32>], vector<16xi32>,
          %parallel_loop3A_428 = arith.shli %parallel_loop3A_427, %parallel_loop3A_425 : vector<16xi32>
          %parallel_loop3A_429 = tpu.bitcast %parallel_loop3A_410 : vector<16xf32> -> vector<16xi32>
          %parallel_loop3A_430 = arith.constant 3 : i32
          %parallel_loop3A_431 = vector.broadcast %parallel_loop3A_430 : i32 to vector<16xi32>
          %parallel_loop3A_432 = arith.shli %parallel_loop3A_428, %parallel_loop3A_431 : vector<16xi32>
          %parallel_loop3A_433 = arith.constant -2147483648 : i32
          %parallel_loop3A_434 = vector.broadcast %parallel_loop3A_433 : i32 to vector<16xi32>
          %parallel_loop3A_435 = arith.andi %parallel_loop3A_432, %parallel_loop3A_434 : vector<16xi32>
          %parallel_loop3A_436 = arith.xori %parallel_loop3A_435, %parallel_loop3A_429 : vector<16xi32>
          %parallel_loop3A_437 = tpu.bitcast %parallel_loop3A_436 : vector<16xi32> -> vector<16xf32>
          %parallel_loop3A_438 = arith.addf %parallel_loop3A_359, %parallel_loop3A_437 : vector<16xf32>
          %parallel_loop3A_439 = arith.constant 2 : i32
          %parallel_loop3A_440 = vector.broadcast %parallel_loop3A_439 : i32 to vector<16xi32>
          %parallel_loop3A_441 = arith.shli %parallel_loop3A_428, %parallel_loop3A_440 : vector<16xi32>
          %parallel_loop3A_442 = arith.constant -2147483648 : i32
          %parallel_loop3A_443 = vector.broadcast %parallel_loop3A_442 : i32 to vector<16xi32>
          %parallel_loop3A_444 = arith.andi %parallel_loop3A_441, %parallel_loop3A_443 : vector<16xi32>
          %parallel_loop3A_445 = arith.xori %parallel_loop3A_444, %parallel_loop3A_429 : vector<16xi32>
          %parallel_loop3A_446 = tpu.bitcast %parallel_loop3A_445 : vector<16xi32> -> vector<16xf32>
          %parallel_loop3A_447 = arith.addf %parallel_loop3A_368, %parallel_loop3A_446 : vector<16xf32>
          %parallel_loop3A_448 = arith.constant 1 : i32
          %parallel_loop3A_449 = vector.broadcast %parallel_loop3A_448 : i32 to vector<16xi32>
          %parallel_loop3A_450 = arith.shli %parallel_loop3A_428, %parallel_loop3A_449 : vector<16xi32>
          %parallel_loop3A_451 = arith.constant -2147483648 : i32
          %parallel_loop3A_452 = vector.broadcast %parallel_loop3A_451 : i32 to vector<16xi32>
          %parallel_loop3A_453 = arith.andi %parallel_loop3A_450, %parallel_loop3A_452 : vector<16xi32>
          %parallel_loop3A_454 = arith.xori %parallel_loop3A_453, %parallel_loop3A_429 : vector<16xi32>
          %parallel_loop3A_455 = tpu.bitcast %parallel_loop3A_454 : vector<16xi32> -> vector<16xf32>
          %parallel_loop3A_456 = arith.addf %parallel_loop3A_377, %parallel_loop3A_455 : vector<16xf32>
          %parallel_loop3A_457 = arith.constant -2147483648 : i32
          %parallel_loop3A_458 = vector.broadcast %parallel_loop3A_457 : i32 to vector<16xi32>
          %parallel_loop3A_459 = arith.andi %parallel_loop3A_428, %parallel_loop3A_458 : vector<16xi32>
          %parallel_loop3A_460 = arith.xori %parallel_loop3A_459, %parallel_loop3A_429 : vector<16xi32>
          %parallel_loop3A_461 = tpu.bitcast %parallel_loop3A_460 : vector<16xi32> -> vector<16xf32>
          %parallel_loop3A_462 = arith.addf %parallel_loop3A_383, %parallel_loop3A_461 : vector<16xf32>
          %parallel_loop3A_463 = arith.xori %parallel_loop3A_386, %parallel_loop3A_403 : vector<16xi32>
          %parallel_loop3A_464 = arith.mulf %parallel_loop3A_394, %parallel_loop3A_391 : vector<16xf32>
          %parallel_loop3A_465 = arith.constant 32767 : i32
          %parallel_loop3A_466 = vector.broadcast %parallel_loop3A_465 : i32 to vector<16xi32>
          %parallel_loop3A_467 = arith.andi %parallel_loop3A_463, %parallel_loop3A_466 : vector<16xi32>
          %parallel_loop3A_468 = arith.constant 3 : i32
          %parallel_loop3A_469 = vector.broadcast %parallel_loop3A_468 : i32 to vector<16xi32>
          %parallel_loop3A_470 = arith.shrui %parallel_loop3A_467, %parallel_loop3A_469 : vector<16xi32>
          %parallel_loop3A_471 = arith.constant 7 : i32
          %parallel_loop3A_472 = vector.broadcast %parallel_loop3A_471 : i32 to vector<16xi32>
          %parallel_loop3A_473 = arith.andi %parallel_loop3A_467, %parallel_loop3A_472 : vector<16xi32>
          %parallel_loop3A_474 = arith.constant 2 : i32
          %parallel_loop3A_475 = vector.broadcast %parallel_loop3A_474 : i32 to vector<16xi32>
          %parallel_loop3A_476 = arith.shli %parallel_loop3A_473, %parallel_loop3A_475 : vector<16xi32>
          %parallel_loop3A_477 = arith.constant 28 : i32
          %parallel_loop3A_478 = vector.broadcast %parallel_loop3A_477 : i32 to vector<16xi32>
          %parallel_loop3A_479 = arith.subi %parallel_loop3A_478, %parallel_loop3A_476 : vector<16xi32>
          %parallel_loop3A_480 = tpu.memref_slice %arg9[%parallel_loop3A_408] : memref<61440xi32, #tpu.memory_space<vmem>> -> memref<4096xi32, #tpu.memory_space<vmem>>
          %parallel_loop3A_481 = tpu.vector_load_idx %parallel_loop3A_480[%parallel_loop3A_470] : memref<4096xi32, #tpu.memory_space<vmem>>[vector<16xi32>], vector<16xi32>,
          %parallel_loop3A_482 = arith.shli %parallel_loop3A_481, %parallel_loop3A_479 : vector<16xi32>
          %parallel_loop3A_483 = tpu.bitcast %parallel_loop3A_464 : vector<16xf32> -> vector<16xi32>
          %parallel_loop3A_484 = arith.constant 3 : i32
          %parallel_loop3A_485 = vector.broadcast %parallel_loop3A_484 : i32 to vector<16xi32>
          %parallel_loop3A_486 = arith.shli %parallel_loop3A_482, %parallel_loop3A_485 : vector<16xi32>
          %parallel_loop3A_487 = arith.constant -2147483648 : i32
          %parallel_loop3A_488 = vector.broadcast %parallel_loop3A_487 : i32 to vector<16xi32>
          %parallel_loop3A_489 = arith.andi %parallel_loop3A_486, %parallel_loop3A_488 : vector<16xi32>
          %parallel_loop3A_490 = arith.xori %parallel_loop3A_489, %parallel_loop3A_483 : vector<16xi32>
          %parallel_loop3A_491 = tpu.bitcast %parallel_loop3A_490 : vector<16xi32> -> vector<16xf32>
          %parallel_loop3A_492 = arith.addf %parallel_loop3A_438, %parallel_loop3A_491 : vector<16xf32>
          %parallel_loop3A_493 = arith.constant 2 : i32
          %parallel_loop3A_494 = vector.broadcast %parallel_loop3A_493 : i32 to vector<16xi32>
          %parallel_loop3A_495 = arith.shli %parallel_loop3A_482, %parallel_loop3A_494 : vector<16xi32>
          %parallel_loop3A_496 = arith.constant -2147483648 : i32
          %parallel_loop3A_497 = vector.broadcast %parallel_loop3A_496 : i32 to vector<16xi32>
          %parallel_loop3A_498 = arith.andi %parallel_loop3A_495, %parallel_loop3A_497 : vector<16xi32>
          %parallel_loop3A_499 = arith.xori %parallel_loop3A_498, %parallel_loop3A_483 : vector<16xi32>
          %parallel_loop3A_500 = tpu.bitcast %parallel_loop3A_499 : vector<16xi32> -> vector<16xf32>
          %parallel_loop3A_501 = arith.addf %parallel_loop3A_447, %parallel_loop3A_500 : vector<16xf32>
          %parallel_loop3A_502 = arith.constant 1 : i32
          %parallel_loop3A_503 = vector.broadcast %parallel_loop3A_502 : i32 to vector<16xi32>
          %parallel_loop3A_504 = arith.shli %parallel_loop3A_482, %parallel_loop3A_503 : vector<16xi32>
          %parallel_loop3A_505 = arith.constant -2147483648 : i32
          %parallel_loop3A_506 = vector.broadcast %parallel_loop3A_505 : i32 to vector<16xi32>
          %parallel_loop3A_507 = arith.andi %parallel_loop3A_504, %parallel_loop3A_506 : vector<16xi32>
          %parallel_loop3A_508 = arith.xori %parallel_loop3A_507, %parallel_loop3A_483 : vector<16xi32>
          %parallel_loop3A_509 = tpu.bitcast %parallel_loop3A_508 : vector<16xi32> -> vector<16xf32>
          %parallel_loop3A_510 = arith.addf %parallel_loop3A_456, %parallel_loop3A_509 : vector<16xf32>
          %parallel_loop3A_511 = arith.constant -2147483648 : i32
          %parallel_loop3A_512 = vector.broadcast %parallel_loop3A_511 : i32 to vector<16xi32>
          %parallel_loop3A_513 = arith.andi %parallel_loop3A_482, %parallel_loop3A_512 : vector<16xi32>
          %parallel_loop3A_514 = arith.xori %parallel_loop3A_513, %parallel_loop3A_483 : vector<16xi32>
          %parallel_loop3A_515 = tpu.bitcast %parallel_loop3A_514 : vector<16xi32> -> vector<16xf32>
          %parallel_loop3A_516 = arith.addf %parallel_loop3A_462, %parallel_loop3A_515 : vector<16xf32>
          %parallel_loop3A_517 = arith.xori %parallel_loop3A_406, %parallel_loop3A_400 : vector<16xi32>
          %parallel_loop3A_518 = arith.mulf %parallel_loop3A_389, %parallel_loop3A_397 : vector<16xf32>
          %parallel_loop3A_519 = arith.constant 32767 : i32
          %parallel_loop3A_520 = vector.broadcast %parallel_loop3A_519 : i32 to vector<16xi32>
          %parallel_loop3A_521 = arith.andi %parallel_loop3A_517, %parallel_loop3A_520 : vector<16xi32>
          %parallel_loop3A_522 = arith.constant 3 : i32
          %parallel_loop3A_523 = vector.broadcast %parallel_loop3A_522 : i32 to vector<16xi32>
          %parallel_loop3A_524 = arith.shrui %parallel_loop3A_521, %parallel_loop3A_523 : vector<16xi32>
          %parallel_loop3A_525 = arith.constant 7 : i32
          %parallel_loop3A_526 = vector.broadcast %parallel_loop3A_525 : i32 to vector<16xi32>
          %parallel_loop3A_527 = arith.andi %parallel_loop3A_521, %parallel_loop3A_526 : vector<16xi32>
          %parallel_loop3A_528 = arith.constant 2 : i32
          %parallel_loop3A_529 = vector.broadcast %parallel_loop3A_528 : i32 to vector<16xi32>
          %parallel_loop3A_530 = arith.shli %parallel_loop3A_527, %parallel_loop3A_529 : vector<16xi32>
          %parallel_loop3A_531 = arith.constant 28 : i32
          %parallel_loop3A_532 = vector.broadcast %parallel_loop3A_531 : i32 to vector<16xi32>
          %parallel_loop3A_533 = arith.subi %parallel_loop3A_532, %parallel_loop3A_530 : vector<16xi32>
          %parallel_loop3A_534 = tpu.memref_slice %arg9[%parallel_loop3A_408] : memref<61440xi32, #tpu.memory_space<vmem>> -> memref<4096xi32, #tpu.memory_space<vmem>>
          %parallel_loop3A_535 = tpu.vector_load_idx %parallel_loop3A_534[%parallel_loop3A_524] : memref<4096xi32, #tpu.memory_space<vmem>>[vector<16xi32>], vector<16xi32>,
          %parallel_loop3A_536 = arith.shli %parallel_loop3A_535, %parallel_loop3A_533 : vector<16xi32>
          %parallel_loop3A_537 = tpu.bitcast %parallel_loop3A_518 : vector<16xf32> -> vector<16xi32>
          %parallel_loop3A_538 = arith.constant 3 : i32
          %parallel_loop3A_539 = vector.broadcast %parallel_loop3A_538 : i32 to vector<16xi32>
          %parallel_loop3A_540 = arith.shli %parallel_loop3A_536, %parallel_loop3A_539 : vector<16xi32>
          %parallel_loop3A_541 = arith.constant -2147483648 : i32
          %parallel_loop3A_542 = vector.broadcast %parallel_loop3A_541 : i32 to vector<16xi32>
          %parallel_loop3A_543 = arith.andi %parallel_loop3A_540, %parallel_loop3A_542 : vector<16xi32>
          %parallel_loop3A_544 = arith.xori %parallel_loop3A_543, %parallel_loop3A_537 : vector<16xi32>
          %parallel_loop3A_545 = tpu.bitcast %parallel_loop3A_544 : vector<16xi32> -> vector<16xf32>
          %parallel_loop3A_546 = arith.addf %parallel_loop3A_492, %parallel_loop3A_545 : vector<16xf32>
          %parallel_loop3A_547 = arith.constant 2 : i32
          %parallel_loop3A_548 = vector.broadcast %parallel_loop3A_547 : i32 to vector<16xi32>
          %parallel_loop3A_549 = arith.shli %parallel_loop3A_536, %parallel_loop3A_548 : vector<16xi32>
          %parallel_loop3A_550 = arith.constant -2147483648 : i32
          %parallel_loop3A_551 = vector.broadcast %parallel_loop3A_550 : i32 to vector<16xi32>
          %parallel_loop3A_552 = arith.andi %parallel_loop3A_549, %parallel_loop3A_551 : vector<16xi32>
          %parallel_loop3A_553 = arith.xori %parallel_loop3A_552, %parallel_loop3A_537 : vector<16xi32>
          %parallel_loop3A_554 = tpu.bitcast %parallel_loop3A_553 : vector<16xi32> -> vector<16xf32>
          %parallel_loop3A_555 = arith.addf %parallel_loop3A_501, %parallel_loop3A_554 : vector<16xf32>
          %parallel_loop3A_556 = arith.constant 1 : i32
          %parallel_loop3A_557 = vector.broadcast %parallel_loop3A_556 : i32 to vector<16xi32>
          %parallel_loop3A_558 = arith.shli %parallel_loop3A_536, %parallel_loop3A_557 : vector<16xi32>
          %parallel_loop3A_559 = arith.constant -2147483648 : i32
          %parallel_loop3A_560 = vector.broadcast %parallel_loop3A_559 : i32 to vector<16xi32>
          %parallel_loop3A_561 = arith.andi %parallel_loop3A_558, %parallel_loop3A_560 : vector<16xi32>
          %parallel_loop3A_562 = arith.xori %parallel_loop3A_561, %parallel_loop3A_537 : vector<16xi32>
          %parallel_loop3A_563 = tpu.bitcast %parallel_loop3A_562 : vector<16xi32> -> vector<16xf32>
          %parallel_loop3A_564 = arith.addf %parallel_loop3A_510, %parallel_loop3A_563 : vector<16xf32>
          %parallel_loop3A_565 = arith.constant -2147483648 : i32
          %parallel_loop3A_566 = vector.broadcast %parallel_loop3A_565 : i32 to vector<16xi32>
          %parallel_loop3A_567 = arith.andi %parallel_loop3A_536, %parallel_loop3A_566 : vector<16xi32>
          %parallel_loop3A_568 = arith.xori %parallel_loop3A_567, %parallel_loop3A_537 : vector<16xi32>
          %parallel_loop3A_569 = tpu.bitcast %parallel_loop3A_568 : vector<16xi32> -> vector<16xf32>
          %parallel_loop3A_570 = arith.addf %parallel_loop3A_516, %parallel_loop3A_569 : vector<16xf32>
          %parallel_loop3A_571 = arith.xori %parallel_loop3A_406, %parallel_loop3A_403 : vector<16xi32>
          %parallel_loop3A_572 = arith.mulf %parallel_loop3A_389, %parallel_loop3A_391 : vector<16xf32>
          %parallel_loop3A_573 = arith.constant 32767 : i32
          %parallel_loop3A_574 = vector.broadcast %parallel_loop3A_573 : i32 to vector<16xi32>
          %parallel_loop3A_575 = arith.andi %parallel_loop3A_571, %parallel_loop3A_574 : vector<16xi32>
          %parallel_loop3A_576 = arith.constant 3 : i32
          %parallel_loop3A_577 = vector.broadcast %parallel_loop3A_576 : i32 to vector<16xi32>
          %parallel_loop3A_578 = arith.shrui %parallel_loop3A_575, %parallel_loop3A_577 : vector<16xi32>
          %parallel_loop3A_579 = arith.constant 7 : i32
          %parallel_loop3A_580 = vector.broadcast %parallel_loop3A_579 : i32 to vector<16xi32>
          %parallel_loop3A_581 = arith.andi %parallel_loop3A_575, %parallel_loop3A_580 : vector<16xi32>
          %parallel_loop3A_582 = arith.constant 2 : i32
          %parallel_loop3A_583 = vector.broadcast %parallel_loop3A_582 : i32 to vector<16xi32>
          %parallel_loop3A_584 = arith.shli %parallel_loop3A_581, %parallel_loop3A_583 : vector<16xi32>
          %parallel_loop3A_585 = arith.constant 28 : i32
          %parallel_loop3A_586 = vector.broadcast %parallel_loop3A_585 : i32 to vector<16xi32>
          %parallel_loop3A_587 = arith.subi %parallel_loop3A_586, %parallel_loop3A_584 : vector<16xi32>
          %parallel_loop3A_588 = tpu.memref_slice %arg9[%parallel_loop3A_408] : memref<61440xi32, #tpu.memory_space<vmem>> -> memref<4096xi32, #tpu.memory_space<vmem>>
          %parallel_loop3A_589 = tpu.vector_load_idx %parallel_loop3A_588[%parallel_loop3A_578] : memref<4096xi32, #tpu.memory_space<vmem>>[vector<16xi32>], vector<16xi32>,
          %parallel_loop3A_590 = arith.shli %parallel_loop3A_589, %parallel_loop3A_587 : vector<16xi32>
          %parallel_loop3A_591 = tpu.bitcast %parallel_loop3A_572 : vector<16xf32> -> vector<16xi32>
          %parallel_loop3A_592 = arith.constant 3 : i32
          %parallel_loop3A_593 = vector.broadcast %parallel_loop3A_592 : i32 to vector<16xi32>
          %parallel_loop3A_594 = arith.shli %parallel_loop3A_590, %parallel_loop3A_593 : vector<16xi32>
          %parallel_loop3A_595 = arith.constant -2147483648 : i32
          %parallel_loop3A_596 = vector.broadcast %parallel_loop3A_595 : i32 to vector<16xi32>
          %parallel_loop3A_597 = arith.andi %parallel_loop3A_594, %parallel_loop3A_596 : vector<16xi32>
          %parallel_loop3A_598 = arith.xori %parallel_loop3A_597, %parallel_loop3A_591 : vector<16xi32>
          %parallel_loop3A_599 = tpu.bitcast %parallel_loop3A_598 : vector<16xi32> -> vector<16xf32>
          %parallel_loop3A_600 = arith.addf %parallel_loop3A_546, %parallel_loop3A_599 : vector<16xf32>
          %parallel_loop3A_601 = arith.constant 2 : i32
          %parallel_loop3A_602 = vector.broadcast %parallel_loop3A_601 : i32 to vector<16xi32>
          %parallel_loop3A_603 = arith.shli %parallel_loop3A_590, %parallel_loop3A_602 : vector<16xi32>
          %parallel_loop3A_604 = arith.constant -2147483648 : i32
          %parallel_loop3A_605 = vector.broadcast %parallel_loop3A_604 : i32 to vector<16xi32>
          %parallel_loop3A_606 = arith.andi %parallel_loop3A_603, %parallel_loop3A_605 : vector<16xi32>
          %parallel_loop3A_607 = arith.xori %parallel_loop3A_606, %parallel_loop3A_591 : vector<16xi32>
          %parallel_loop3A_608 = tpu.bitcast %parallel_loop3A_607 : vector<16xi32> -> vector<16xf32>
          %parallel_loop3A_609 = arith.addf %parallel_loop3A_555, %parallel_loop3A_608 : vector<16xf32>
          %parallel_loop3A_610 = arith.constant 1 : i32
          %parallel_loop3A_611 = vector.broadcast %parallel_loop3A_610 : i32 to vector<16xi32>
          %parallel_loop3A_612 = arith.shli %parallel_loop3A_590, %parallel_loop3A_611 : vector<16xi32>
          %parallel_loop3A_613 = arith.constant -2147483648 : i32
          %parallel_loop3A_614 = vector.broadcast %parallel_loop3A_613 : i32 to vector<16xi32>
          %parallel_loop3A_615 = arith.andi %parallel_loop3A_612, %parallel_loop3A_614 : vector<16xi32>
          %parallel_loop3A_616 = arith.xori %parallel_loop3A_615, %parallel_loop3A_591 : vector<16xi32>
          %parallel_loop3A_617 = tpu.bitcast %parallel_loop3A_616 : vector<16xi32> -> vector<16xf32>
          %parallel_loop3A_618 = arith.addf %parallel_loop3A_564, %parallel_loop3A_617 : vector<16xf32>
          %parallel_loop3A_619 = arith.constant -2147483648 : i32
          %parallel_loop3A_620 = vector.broadcast %parallel_loop3A_619 : i32 to vector<16xi32>
          %parallel_loop3A_621 = arith.andi %parallel_loop3A_590, %parallel_loop3A_620 : vector<16xi32>
          %parallel_loop3A_622 = arith.xori %parallel_loop3A_621, %parallel_loop3A_591 : vector<16xi32>
          %parallel_loop3A_623 = tpu.bitcast %parallel_loop3A_622 : vector<16xi32> -> vector<16xf32>
          %parallel_loop3A_624 = arith.addf %parallel_loop3A_570, %parallel_loop3A_623 : vector<16xf32>
          %parallel_loop3A_625 = arith.mulf %parallel_loop3A_121, %parallel_loop3A_142 : vector<16xf32>
          %parallel_loop3A_626 = arith.mulf %parallel_loop3A_127, %parallel_loop3A_142 : vector<16xf32>
          %parallel_loop3A_627 = arith.fptosi %parallel_loop3A_625 : vector<16xf32> to vector<16xi32>
          %parallel_loop3A_628 = arith.fptosi %parallel_loop3A_626 : vector<16xf32> to vector<16xi32>
          %parallel_loop3A_629 = arith.sitofp %parallel_loop3A_627 : vector<16xi32> to vector<16xf32>
          %parallel_loop3A_630 = arith.subf %parallel_loop3A_625, %parallel_loop3A_629 : vector<16xf32>
          %parallel_loop3A_631 = arith.sitofp %parallel_loop3A_628 : vector<16xi32> to vector<16xf32>
          %parallel_loop3A_632 = arith.subf %parallel_loop3A_626, %parallel_loop3A_631 : vector<16xf32>
          %parallel_loop3A_633 = arith.constant 1.000000e+00 : f32
          %parallel_loop3A_634 = vector.broadcast %parallel_loop3A_633 : f32 to vector<16xf32>
          %parallel_loop3A_635 = arith.subf %parallel_loop3A_634, %parallel_loop3A_630 : vector<16xf32>
          %parallel_loop3A_636 = arith.constant 1.000000e+00 : f32
          %parallel_loop3A_637 = vector.broadcast %parallel_loop3A_636 : f32 to vector<16xf32>
          %parallel_loop3A_638 = arith.subf %parallel_loop3A_637, %parallel_loop3A_632 : vector<16xf32>
          %parallel_loop3A_639 = arith.constant -1640531535 : i32
          %parallel_loop3A_640 = vector.broadcast %parallel_loop3A_639 : i32 to vector<16xi32>
          %parallel_loop3A_641 = arith.muli %parallel_loop3A_628, %parallel_loop3A_640 : vector<16xi32>
          %parallel_loop3A_642 = arith.constant -1640531535 : i32
          %parallel_loop3A_643 = vector.broadcast %parallel_loop3A_642 : i32 to vector<16xi32>
          %parallel_loop3A_644 = arith.addi %parallel_loop3A_641, %parallel_loop3A_643 : vector<16xi32>
          %parallel_loop3A_645 = arith.constant 1 : i32
          %parallel_loop3A_646 = vector.broadcast %parallel_loop3A_645 : i32 to vector<16xi32>
          %parallel_loop3A_647 = arith.addi %parallel_loop3A_627, %parallel_loop3A_646 : vector<16xi32>
          %parallel_loop3A_648 = arith.constant 32768 : i32
          %parallel_loop3A_649 = arith.addi %parallel_loop3A_146, %parallel_loop3A_648 : i32
          %parallel_loop3A_650 = arith.xori %parallel_loop3A_627, %parallel_loop3A_641 : vector<16xi32>
          %parallel_loop3A_651 = arith.mulf %parallel_loop3A_635, %parallel_loop3A_638 : vector<16xf32>
          %parallel_loop3A_652 = arith.constant 32767 : i32
          %parallel_loop3A_653 = vector.broadcast %parallel_loop3A_652 : i32 to vector<16xi32>
          %parallel_loop3A_654 = arith.andi %parallel_loop3A_650, %parallel_loop3A_653 : vector<16xi32>
          %parallel_loop3A_655 = arith.constant 3 : i32
          %parallel_loop3A_656 = vector.broadcast %parallel_loop3A_655 : i32 to vector<16xi32>
          %parallel_loop3A_657 = arith.shrui %parallel_loop3A_654, %parallel_loop3A_656 : vector<16xi32>
          %parallel_loop3A_658 = arith.constant 7 : i32
          %parallel_loop3A_659 = vector.broadcast %parallel_loop3A_658 : i32 to vector<16xi32>
          %parallel_loop3A_660 = arith.andi %parallel_loop3A_654, %parallel_loop3A_659 : vector<16xi32>
          %parallel_loop3A_661 = arith.constant 2 : i32
          %parallel_loop3A_662 = vector.broadcast %parallel_loop3A_661 : i32 to vector<16xi32>
          %parallel_loop3A_663 = arith.shli %parallel_loop3A_660, %parallel_loop3A_662 : vector<16xi32>
          %parallel_loop3A_664 = arith.constant 28 : i32
          %parallel_loop3A_665 = vector.broadcast %parallel_loop3A_664 : i32 to vector<16xi32>
          %parallel_loop3A_666 = arith.subi %parallel_loop3A_665, %parallel_loop3A_663 : vector<16xi32>
          %parallel_loop3A_667 = tpu.memref_slice %arg9[%parallel_loop3A_649] : memref<61440xi32, #tpu.memory_space<vmem>> -> memref<4096xi32, #tpu.memory_space<vmem>>
          %parallel_loop3A_668 = tpu.vector_load_idx %parallel_loop3A_667[%parallel_loop3A_657] : memref<4096xi32, #tpu.memory_space<vmem>>[vector<16xi32>], vector<16xi32>,
          %parallel_loop3A_669 = arith.shli %parallel_loop3A_668, %parallel_loop3A_666 : vector<16xi32>
          %parallel_loop3A_670 = tpu.bitcast %parallel_loop3A_651 : vector<16xf32> -> vector<16xi32>
          %parallel_loop3A_671 = arith.constant 3 : i32
          %parallel_loop3A_672 = vector.broadcast %parallel_loop3A_671 : i32 to vector<16xi32>
          %parallel_loop3A_673 = arith.shli %parallel_loop3A_669, %parallel_loop3A_672 : vector<16xi32>
          %parallel_loop3A_674 = arith.constant -2147483648 : i32
          %parallel_loop3A_675 = vector.broadcast %parallel_loop3A_674 : i32 to vector<16xi32>
          %parallel_loop3A_676 = arith.andi %parallel_loop3A_673, %parallel_loop3A_675 : vector<16xi32>
          %parallel_loop3A_677 = arith.xori %parallel_loop3A_676, %parallel_loop3A_670 : vector<16xi32>
          %parallel_loop3A_678 = tpu.bitcast %parallel_loop3A_677 : vector<16xi32> -> vector<16xf32>
          %parallel_loop3A_679 = arith.addf %parallel_loop3A_600, %parallel_loop3A_678 : vector<16xf32>
          %parallel_loop3A_680 = arith.constant 2 : i32
          %parallel_loop3A_681 = vector.broadcast %parallel_loop3A_680 : i32 to vector<16xi32>
          %parallel_loop3A_682 = arith.shli %parallel_loop3A_669, %parallel_loop3A_681 : vector<16xi32>
          %parallel_loop3A_683 = arith.constant -2147483648 : i32
          %parallel_loop3A_684 = vector.broadcast %parallel_loop3A_683 : i32 to vector<16xi32>
          %parallel_loop3A_685 = arith.andi %parallel_loop3A_682, %parallel_loop3A_684 : vector<16xi32>
          %parallel_loop3A_686 = arith.xori %parallel_loop3A_685, %parallel_loop3A_670 : vector<16xi32>
          %parallel_loop3A_687 = tpu.bitcast %parallel_loop3A_686 : vector<16xi32> -> vector<16xf32>
          %parallel_loop3A_688 = arith.addf %parallel_loop3A_609, %parallel_loop3A_687 : vector<16xf32>
          %parallel_loop3A_689 = arith.constant 1 : i32
          %parallel_loop3A_690 = vector.broadcast %parallel_loop3A_689 : i32 to vector<16xi32>
          %parallel_loop3A_691 = arith.shli %parallel_loop3A_669, %parallel_loop3A_690 : vector<16xi32>
          %parallel_loop3A_692 = arith.constant -2147483648 : i32
          %parallel_loop3A_693 = vector.broadcast %parallel_loop3A_692 : i32 to vector<16xi32>
          %parallel_loop3A_694 = arith.andi %parallel_loop3A_691, %parallel_loop3A_693 : vector<16xi32>
          %parallel_loop3A_695 = arith.xori %parallel_loop3A_694, %parallel_loop3A_670 : vector<16xi32>
          %parallel_loop3A_696 = tpu.bitcast %parallel_loop3A_695 : vector<16xi32> -> vector<16xf32>
          %parallel_loop3A_697 = arith.addf %parallel_loop3A_618, %parallel_loop3A_696 : vector<16xf32>
          %parallel_loop3A_698 = arith.constant -2147483648 : i32
          %parallel_loop3A_699 = vector.broadcast %parallel_loop3A_698 : i32 to vector<16xi32>
          %parallel_loop3A_700 = arith.andi %parallel_loop3A_669, %parallel_loop3A_699 : vector<16xi32>
          %parallel_loop3A_701 = arith.xori %parallel_loop3A_700, %parallel_loop3A_670 : vector<16xi32>
          %parallel_loop3A_702 = tpu.bitcast %parallel_loop3A_701 : vector<16xi32> -> vector<16xf32>
          %parallel_loop3A_703 = arith.addf %parallel_loop3A_624, %parallel_loop3A_702 : vector<16xf32>
          %parallel_loop3A_704 = arith.xori %parallel_loop3A_627, %parallel_loop3A_644 : vector<16xi32>
          %parallel_loop3A_705 = arith.mulf %parallel_loop3A_635, %parallel_loop3A_632 : vector<16xf32>
          %parallel_loop3A_706 = arith.constant 32767 : i32
          %parallel_loop3A_707 = vector.broadcast %parallel_loop3A_706 : i32 to vector<16xi32>
          %parallel_loop3A_708 = arith.andi %parallel_loop3A_704, %parallel_loop3A_707 : vector<16xi32>
          %parallel_loop3A_709 = arith.constant 3 : i32
          %parallel_loop3A_710 = vector.broadcast %parallel_loop3A_709 : i32 to vector<16xi32>
          %parallel_loop3A_711 = arith.shrui %parallel_loop3A_708, %parallel_loop3A_710 : vector<16xi32>
          %parallel_loop3A_712 = arith.constant 7 : i32
          %parallel_loop3A_713 = vector.broadcast %parallel_loop3A_712 : i32 to vector<16xi32>
          %parallel_loop3A_714 = arith.andi %parallel_loop3A_708, %parallel_loop3A_713 : vector<16xi32>
          %parallel_loop3A_715 = arith.constant 2 : i32
          %parallel_loop3A_716 = vector.broadcast %parallel_loop3A_715 : i32 to vector<16xi32>
          %parallel_loop3A_717 = arith.shli %parallel_loop3A_714, %parallel_loop3A_716 : vector<16xi32>
          %parallel_loop3A_718 = arith.constant 28 : i32
          %parallel_loop3A_719 = vector.broadcast %parallel_loop3A_718 : i32 to vector<16xi32>
          %parallel_loop3A_720 = arith.subi %parallel_loop3A_719, %parallel_loop3A_717 : vector<16xi32>
          %parallel_loop3A_721 = tpu.memref_slice %arg9[%parallel_loop3A_649] : memref<61440xi32, #tpu.memory_space<vmem>> -> memref<4096xi32, #tpu.memory_space<vmem>>
          %parallel_loop3A_722 = tpu.vector_load_idx %parallel_loop3A_721[%parallel_loop3A_711] : memref<4096xi32, #tpu.memory_space<vmem>>[vector<16xi32>], vector<16xi32>,
          %parallel_loop3A_723 = arith.shli %parallel_loop3A_722, %parallel_loop3A_720 : vector<16xi32>
          %parallel_loop3A_724 = tpu.bitcast %parallel_loop3A_705 : vector<16xf32> -> vector<16xi32>
          %parallel_loop3A_725 = arith.constant 3 : i32
          %parallel_loop3A_726 = vector.broadcast %parallel_loop3A_725 : i32 to vector<16xi32>
          %parallel_loop3A_727 = arith.shli %parallel_loop3A_723, %parallel_loop3A_726 : vector<16xi32>
          %parallel_loop3A_728 = arith.constant -2147483648 : i32
          %parallel_loop3A_729 = vector.broadcast %parallel_loop3A_728 : i32 to vector<16xi32>
          %parallel_loop3A_730 = arith.andi %parallel_loop3A_727, %parallel_loop3A_729 : vector<16xi32>
          %parallel_loop3A_731 = arith.xori %parallel_loop3A_730, %parallel_loop3A_724 : vector<16xi32>
          %parallel_loop3A_732 = tpu.bitcast %parallel_loop3A_731 : vector<16xi32> -> vector<16xf32>
          %parallel_loop3A_733 = arith.addf %parallel_loop3A_679, %parallel_loop3A_732 : vector<16xf32>
          %parallel_loop3A_734 = arith.constant 2 : i32
          %parallel_loop3A_735 = vector.broadcast %parallel_loop3A_734 : i32 to vector<16xi32>
          %parallel_loop3A_736 = arith.shli %parallel_loop3A_723, %parallel_loop3A_735 : vector<16xi32>
          %parallel_loop3A_737 = arith.constant -2147483648 : i32
          %parallel_loop3A_738 = vector.broadcast %parallel_loop3A_737 : i32 to vector<16xi32>
          %parallel_loop3A_739 = arith.andi %parallel_loop3A_736, %parallel_loop3A_738 : vector<16xi32>
          %parallel_loop3A_740 = arith.xori %parallel_loop3A_739, %parallel_loop3A_724 : vector<16xi32>
          %parallel_loop3A_741 = tpu.bitcast %parallel_loop3A_740 : vector<16xi32> -> vector<16xf32>
          %parallel_loop3A_742 = arith.addf %parallel_loop3A_688, %parallel_loop3A_741 : vector<16xf32>
          %parallel_loop3A_743 = arith.constant 1 : i32
          %parallel_loop3A_744 = vector.broadcast %parallel_loop3A_743 : i32 to vector<16xi32>
          %parallel_loop3A_745 = arith.shli %parallel_loop3A_723, %parallel_loop3A_744 : vector<16xi32>
          %parallel_loop3A_746 = arith.constant -2147483648 : i32
          %parallel_loop3A_747 = vector.broadcast %parallel_loop3A_746 : i32 to vector<16xi32>
          %parallel_loop3A_748 = arith.andi %parallel_loop3A_745, %parallel_loop3A_747 : vector<16xi32>
          %parallel_loop3A_749 = arith.xori %parallel_loop3A_748, %parallel_loop3A_724 : vector<16xi32>
          %parallel_loop3A_750 = tpu.bitcast %parallel_loop3A_749 : vector<16xi32> -> vector<16xf32>
          %parallel_loop3A_751 = arith.addf %parallel_loop3A_697, %parallel_loop3A_750 : vector<16xf32>
          %parallel_loop3A_752 = arith.constant -2147483648 : i32
          %parallel_loop3A_753 = vector.broadcast %parallel_loop3A_752 : i32 to vector<16xi32>
          %parallel_loop3A_754 = arith.andi %parallel_loop3A_723, %parallel_loop3A_753 : vector<16xi32>
          %parallel_loop3A_755 = arith.xori %parallel_loop3A_754, %parallel_loop3A_724 : vector<16xi32>
          %parallel_loop3A_756 = tpu.bitcast %parallel_loop3A_755 : vector<16xi32> -> vector<16xf32>
          %parallel_loop3A_757 = arith.addf %parallel_loop3A_703, %parallel_loop3A_756 : vector<16xf32>
          %parallel_loop3A_758 = arith.xori %parallel_loop3A_647, %parallel_loop3A_641 : vector<16xi32>
          %parallel_loop3A_759 = arith.mulf %parallel_loop3A_630, %parallel_loop3A_638 : vector<16xf32>
          %parallel_loop3A_760 = arith.constant 32767 : i32
          %parallel_loop3A_761 = vector.broadcast %parallel_loop3A_760 : i32 to vector<16xi32>
          %parallel_loop3A_762 = arith.andi %parallel_loop3A_758, %parallel_loop3A_761 : vector<16xi32>
          %parallel_loop3A_763 = arith.constant 3 : i32
          %parallel_loop3A_764 = vector.broadcast %parallel_loop3A_763 : i32 to vector<16xi32>
          %parallel_loop3A_765 = arith.shrui %parallel_loop3A_762, %parallel_loop3A_764 : vector<16xi32>
          %parallel_loop3A_766 = arith.constant 7 : i32
          %parallel_loop3A_767 = vector.broadcast %parallel_loop3A_766 : i32 to vector<16xi32>
          %parallel_loop3A_768 = arith.andi %parallel_loop3A_762, %parallel_loop3A_767 : vector<16xi32>
          %parallel_loop3A_769 = arith.constant 2 : i32
          %parallel_loop3A_770 = vector.broadcast %parallel_loop3A_769 : i32 to vector<16xi32>
          %parallel_loop3A_771 = arith.shli %parallel_loop3A_768, %parallel_loop3A_770 : vector<16xi32>
          %parallel_loop3A_772 = arith.constant 28 : i32
          %parallel_loop3A_773 = vector.broadcast %parallel_loop3A_772 : i32 to vector<16xi32>
          %parallel_loop3A_774 = arith.subi %parallel_loop3A_773, %parallel_loop3A_771 : vector<16xi32>
          %parallel_loop3A_775 = tpu.memref_slice %arg9[%parallel_loop3A_649] : memref<61440xi32, #tpu.memory_space<vmem>> -> memref<4096xi32, #tpu.memory_space<vmem>>
          %parallel_loop3A_776 = tpu.vector_load_idx %parallel_loop3A_775[%parallel_loop3A_765] : memref<4096xi32, #tpu.memory_space<vmem>>[vector<16xi32>], vector<16xi32>,
          %parallel_loop3A_777 = arith.shli %parallel_loop3A_776, %parallel_loop3A_774 : vector<16xi32>
          %parallel_loop3A_778 = tpu.bitcast %parallel_loop3A_759 : vector<16xf32> -> vector<16xi32>
          %parallel_loop3A_779 = arith.constant 3 : i32
          %parallel_loop3A_780 = vector.broadcast %parallel_loop3A_779 : i32 to vector<16xi32>
          %parallel_loop3A_781 = arith.shli %parallel_loop3A_777, %parallel_loop3A_780 : vector<16xi32>
          %parallel_loop3A_782 = arith.constant -2147483648 : i32
          %parallel_loop3A_783 = vector.broadcast %parallel_loop3A_782 : i32 to vector<16xi32>
          %parallel_loop3A_784 = arith.andi %parallel_loop3A_781, %parallel_loop3A_783 : vector<16xi32>
          %parallel_loop3A_785 = arith.xori %parallel_loop3A_784, %parallel_loop3A_778 : vector<16xi32>
          %parallel_loop3A_786 = tpu.bitcast %parallel_loop3A_785 : vector<16xi32> -> vector<16xf32>
          %parallel_loop3A_787 = arith.addf %parallel_loop3A_733, %parallel_loop3A_786 : vector<16xf32>
          %parallel_loop3A_788 = arith.constant 2 : i32
          %parallel_loop3A_789 = vector.broadcast %parallel_loop3A_788 : i32 to vector<16xi32>
          %parallel_loop3A_790 = arith.shli %parallel_loop3A_777, %parallel_loop3A_789 : vector<16xi32>
          %parallel_loop3A_791 = arith.constant -2147483648 : i32
          %parallel_loop3A_792 = vector.broadcast %parallel_loop3A_791 : i32 to vector<16xi32>
          %parallel_loop3A_793 = arith.andi %parallel_loop3A_790, %parallel_loop3A_792 : vector<16xi32>
          %parallel_loop3A_794 = arith.xori %parallel_loop3A_793, %parallel_loop3A_778 : vector<16xi32>
          %parallel_loop3A_795 = tpu.bitcast %parallel_loop3A_794 : vector<16xi32> -> vector<16xf32>
          %parallel_loop3A_796 = arith.addf %parallel_loop3A_742, %parallel_loop3A_795 : vector<16xf32>
          %parallel_loop3A_797 = arith.constant 1 : i32
          %parallel_loop3A_798 = vector.broadcast %parallel_loop3A_797 : i32 to vector<16xi32>
          %parallel_loop3A_799 = arith.shli %parallel_loop3A_777, %parallel_loop3A_798 : vector<16xi32>
          %parallel_loop3A_800 = arith.constant -2147483648 : i32
          %parallel_loop3A_801 = vector.broadcast %parallel_loop3A_800 : i32 to vector<16xi32>
          %parallel_loop3A_802 = arith.andi %parallel_loop3A_799, %parallel_loop3A_801 : vector<16xi32>
          %parallel_loop3A_803 = arith.xori %parallel_loop3A_802, %parallel_loop3A_778 : vector<16xi32>
          %parallel_loop3A_804 = tpu.bitcast %parallel_loop3A_803 : vector<16xi32> -> vector<16xf32>
          %parallel_loop3A_805 = arith.addf %parallel_loop3A_751, %parallel_loop3A_804 : vector<16xf32>
          %parallel_loop3A_806 = arith.constant -2147483648 : i32
          %parallel_loop3A_807 = vector.broadcast %parallel_loop3A_806 : i32 to vector<16xi32>
          %parallel_loop3A_808 = arith.andi %parallel_loop3A_777, %parallel_loop3A_807 : vector<16xi32>
          %parallel_loop3A_809 = arith.xori %parallel_loop3A_808, %parallel_loop3A_778 : vector<16xi32>
          %parallel_loop3A_810 = tpu.bitcast %parallel_loop3A_809 : vector<16xi32> -> vector<16xf32>
          %parallel_loop3A_811 = arith.addf %parallel_loop3A_757, %parallel_loop3A_810 : vector<16xf32>
          %parallel_loop3A_812 = arith.xori %parallel_loop3A_647, %parallel_loop3A_644 : vector<16xi32>
          %parallel_loop3A_813 = arith.mulf %parallel_loop3A_630, %parallel_loop3A_632 : vector<16xf32>
          %parallel_loop3A_814 = arith.constant 32767 : i32
          %parallel_loop3A_815 = vector.broadcast %parallel_loop3A_814 : i32 to vector<16xi32>
          %parallel_loop3A_816 = arith.andi %parallel_loop3A_812, %parallel_loop3A_815 : vector<16xi32>
          %parallel_loop3A_817 = arith.constant 3 : i32
          %parallel_loop3A_818 = vector.broadcast %parallel_loop3A_817 : i32 to vector<16xi32>
          %parallel_loop3A_819 = arith.shrui %parallel_loop3A_816, %parallel_loop3A_818 : vector<16xi32>
          %parallel_loop3A_820 = arith.constant 7 : i32
          %parallel_loop3A_821 = vector.broadcast %parallel_loop3A_820 : i32 to vector<16xi32>
          %parallel_loop3A_822 = arith.andi %parallel_loop3A_816, %parallel_loop3A_821 : vector<16xi32>
          %parallel_loop3A_823 = arith.constant 2 : i32
          %parallel_loop3A_824 = vector.broadcast %parallel_loop3A_823 : i32 to vector<16xi32>
          %parallel_loop3A_825 = arith.shli %parallel_loop3A_822, %parallel_loop3A_824 : vector<16xi32>
          %parallel_loop3A_826 = arith.constant 28 : i32
          %parallel_loop3A_827 = vector.broadcast %parallel_loop3A_826 : i32 to vector<16xi32>
          %parallel_loop3A_828 = arith.subi %parallel_loop3A_827, %parallel_loop3A_825 : vector<16xi32>
          %parallel_loop3A_829 = tpu.memref_slice %arg9[%parallel_loop3A_649] : memref<61440xi32, #tpu.memory_space<vmem>> -> memref<4096xi32, #tpu.memory_space<vmem>>
          %parallel_loop3A_830 = tpu.vector_load_idx %parallel_loop3A_829[%parallel_loop3A_819] : memref<4096xi32, #tpu.memory_space<vmem>>[vector<16xi32>], vector<16xi32>,
          %parallel_loop3A_831 = arith.shli %parallel_loop3A_830, %parallel_loop3A_828 : vector<16xi32>
          %parallel_loop3A_832 = tpu.bitcast %parallel_loop3A_813 : vector<16xf32> -> vector<16xi32>
          %parallel_loop3A_833 = arith.constant 3 : i32
          %parallel_loop3A_834 = vector.broadcast %parallel_loop3A_833 : i32 to vector<16xi32>
          %parallel_loop3A_835 = arith.shli %parallel_loop3A_831, %parallel_loop3A_834 : vector<16xi32>
          %parallel_loop3A_836 = arith.constant -2147483648 : i32
          %parallel_loop3A_837 = vector.broadcast %parallel_loop3A_836 : i32 to vector<16xi32>
          %parallel_loop3A_838 = arith.andi %parallel_loop3A_835, %parallel_loop3A_837 : vector<16xi32>
          %parallel_loop3A_839 = arith.xori %parallel_loop3A_838, %parallel_loop3A_832 : vector<16xi32>
          %parallel_loop3A_840 = tpu.bitcast %parallel_loop3A_839 : vector<16xi32> -> vector<16xf32>
          %parallel_loop3A_841 = arith.addf %parallel_loop3A_787, %parallel_loop3A_840 : vector<16xf32>
          %parallel_loop3A_842 = arith.constant 2 : i32
          %parallel_loop3A_843 = vector.broadcast %parallel_loop3A_842 : i32 to vector<16xi32>
          %parallel_loop3A_844 = arith.shli %parallel_loop3A_831, %parallel_loop3A_843 : vector<16xi32>
          %parallel_loop3A_845 = arith.constant -2147483648 : i32
          %parallel_loop3A_846 = vector.broadcast %parallel_loop3A_845 : i32 to vector<16xi32>
          %parallel_loop3A_847 = arith.andi %parallel_loop3A_844, %parallel_loop3A_846 : vector<16xi32>
          %parallel_loop3A_848 = arith.xori %parallel_loop3A_847, %parallel_loop3A_832 : vector<16xi32>
          %parallel_loop3A_849 = tpu.bitcast %parallel_loop3A_848 : vector<16xi32> -> vector<16xf32>
          %parallel_loop3A_850 = arith.addf %parallel_loop3A_796, %parallel_loop3A_849 : vector<16xf32>
          %parallel_loop3A_851 = arith.constant 1 : i32
          %parallel_loop3A_852 = vector.broadcast %parallel_loop3A_851 : i32 to vector<16xi32>
          %parallel_loop3A_853 = arith.shli %parallel_loop3A_831, %parallel_loop3A_852 : vector<16xi32>
          %parallel_loop3A_854 = arith.constant -2147483648 : i32
          %parallel_loop3A_855 = vector.broadcast %parallel_loop3A_854 : i32 to vector<16xi32>
          %parallel_loop3A_856 = arith.andi %parallel_loop3A_853, %parallel_loop3A_855 : vector<16xi32>
          %parallel_loop3A_857 = arith.xori %parallel_loop3A_856, %parallel_loop3A_832 : vector<16xi32>
          %parallel_loop3A_858 = tpu.bitcast %parallel_loop3A_857 : vector<16xi32> -> vector<16xf32>
          %parallel_loop3A_859 = arith.addf %parallel_loop3A_805, %parallel_loop3A_858 : vector<16xf32>
          %parallel_loop3A_860 = arith.constant -2147483648 : i32
          %parallel_loop3A_861 = vector.broadcast %parallel_loop3A_860 : i32 to vector<16xi32>
          %parallel_loop3A_862 = arith.andi %parallel_loop3A_831, %parallel_loop3A_861 : vector<16xi32>
          %parallel_loop3A_863 = arith.xori %parallel_loop3A_862, %parallel_loop3A_832 : vector<16xi32>
          %parallel_loop3A_864 = tpu.bitcast %parallel_loop3A_863 : vector<16xi32> -> vector<16xf32>
          %parallel_loop3A_865 = arith.addf %parallel_loop3A_811, %parallel_loop3A_864 : vector<16xf32>
          %parallel_loop3A_866 = arith.constant 4 : i32
          %parallel_loop3A_867 = arith.muli %parallel_loop3A_138, %parallel_loop3A_866 : i32
          %parallel_loop3A_868 = arith.constant 48 : i32
          %parallel_loop3A_869 = arith.addi %parallel_loop3A_868, %parallel_loop3A_867 : i32
          %parallel_loop3A_870 = vector.broadcast %parallel_loop3A_869 : i32 to vector<16xi32>
          %parallel_loop3A_871 = arith.addi %mul3A_3, %parallel_loop3A_870 : vector<16xi32>
          %parallel_loop3A_872 = arith.constant 0 : i32
          %parallel_loop3A_873 = vector.broadcast %parallel_loop3A_872 : i32 to vector<16xi32>
          %parallel_loop3A_874 = arith.addi %parallel_loop3A_871, %parallel_loop3A_873 : vector<16xi32>
          tpu.vector_store_idx %arg17[%parallel_loop3A_131, %parallel_loop3A_874], %parallel_loop3A_841 : memref<256x64xf32, #tpu.memory_space<vmem>>[vector<16xi32>, vector<16xi32>], vector<16xf32>,
          %parallel_loop3A_875 = arith.constant 1 : i32
          %parallel_loop3A_876 = vector.broadcast %parallel_loop3A_875 : i32 to vector<16xi32>
          %parallel_loop3A_877 = arith.addi %parallel_loop3A_871, %parallel_loop3A_876 : vector<16xi32>
          tpu.vector_store_idx %arg17[%parallel_loop3A_131, %parallel_loop3A_877], %parallel_loop3A_850 : memref<256x64xf32, #tpu.memory_space<vmem>>[vector<16xi32>, vector<16xi32>], vector<16xf32>,
          %parallel_loop3A_878 = arith.constant 2 : i32
          %parallel_loop3A_879 = vector.broadcast %parallel_loop3A_878 : i32 to vector<16xi32>
          %parallel_loop3A_880 = arith.addi %parallel_loop3A_871, %parallel_loop3A_879 : vector<16xi32>
          tpu.vector_store_idx %arg17[%parallel_loop3A_131, %parallel_loop3A_880], %parallel_loop3A_859 : memref<256x64xf32, #tpu.memory_space<vmem>>[vector<16xi32>, vector<16xi32>], vector<16xf32>,
          %parallel_loop3A_881 = arith.constant 3 : i32
          %parallel_loop3A_882 = vector.broadcast %parallel_loop3A_881 : i32 to vector<16xi32>
          %parallel_loop3A_883 = arith.addi %parallel_loop3A_871, %parallel_loop3A_882 : vector<16xi32>
          tpu.vector_store_idx %arg17[%parallel_loop3A_131, %parallel_loop3A_883], %parallel_loop3A_865 : memref<256x64xf32, #tpu.memory_space<vmem>>[vector<16xi32>, vector<16xi32>], vector<16xf32>,
        } {sc.loop_unroll_factor = 1 : i64, sc.parallel_access}
      } {sc.loop_unroll_factor = 1 : i64, sc.parallel_access}
      %mul3A_90 = arith.constant 256 : i32
      %mul3A_91 = arith.muli %add3A_68, %mul3A_90 : i32
      %add3A_92 = arith.addi %mul3A_5, %mul3A_91 : i32
      %dma_start3A_93 = arith.constant 0 : i32
      %dma_start3A_94 = tpu.memref_slice %arg8[%add3A_92, %dma_start3A_93] : memref<262144x64xf32, #tpu.memory_space<hbm>> -> memref<256x64xf32, #tpu.memory_space<hbm>>
      %dma_start3A_95 = arith.constant 0 : i32
      %dma_start3A_96 = tpu.memref_slice %arg8[%add3A_92, %dma_start3A_95] : memref<262144x64xf32, #tpu.memory_space<hbm>> -> memref<256x64xf32, #tpu.memory_space<hbm>>
      tpu.enqueue_dma source(%arg17 : memref<256x64xf32, #tpu.memory_space<vmem>>) target(%dma_start3A_96 : memref<256x64xf32, #tpu.memory_space<hbm>>) target_semaphore(%arg23 : memref<!tpu.dma_semaphore, #tpu.memory_space<semaphore_mem>>)
    }
    %scan3A_17 = arith.constant 16 : i32
    %add3A_18 = arith.constant 7680 : i32
    %add3A_19 = arith.addi %mul3A_5, %add3A_18 : i32
    %dma_wait3A = arith.constant 0 : i32
    %dma_wait3A_20 = tpu.memref_slice %arg8[%add3A_19, %dma_wait3A] : memref<262144x64xf32, #tpu.memory_space<hbm>> -> memref<256x64xf32, #tpu.memory_space<hbm>>
    %dma_wait3A_21 = arith.constant 0 : i32
    %dma_wait3A_22 = tpu.memref_slice %arg8[%add3A_19, %dma_wait3A_21] : memref<262144x64xf32, #tpu.memory_space<hbm>> -> memref<256x64xf32, #tpu.memory_space<hbm>>
    tpu.wait_dma2 semaphore(%arg22 : memref<!tpu.dma_semaphore, #tpu.memory_space<semaphore_mem>>) src(%arg16 : memref<256x64xf32, #tpu.memory_space<vmem>>) dst(%dma_wait3A_22 : memref<256x64xf32, #tpu.memory_space<hbm>>)
    %add3A_23 = arith.constant 7936 : i32
    %add3A_24 = arith.addi %mul3A_5, %add3A_23 : i32
    %dma_wait3A_25 = arith.constant 0 : i32
    %dma_wait3A_26 = tpu.memref_slice %arg8[%add3A_24, %dma_wait3A_25] : memref<262144x64xf32, #tpu.memory_space<hbm>> -> memref<256x64xf32, #tpu.memory_space<hbm>>
    %dma_wait3A_27 = arith.constant 0 : i32
    %dma_wait3A_28 = tpu.memref_slice %arg8[%add3A_24, %dma_wait3A_27] : memref<262144x64xf32, #tpu.memory_space<hbm>> -> memref<256x64xf32, #tpu.memory_space<hbm>>
    tpu.wait_dma2 semaphore(%arg23 : memref<!tpu.dma_semaphore, #tpu.memory_space<semaphore_mem>>) src(%arg17 : memref<256x64xf32, #tpu.memory_space<vmem>>) dst(%dma_wait3A_28 : memref<256x64xf32, #tpu.memory_space<hbm>>)
    return
  }
}

module attributes {stable_mosaic.version = 14 : i64} {
  func.func @_pack_body(%arg0: i32, %arg1: memref<4096x4xf32, #tpu.memory_space<vmem>>, %arg2: memref<1x1x512xi32, #tpu.memory_space<vmem>>) attributes {dimension_semantics = [#tpu.dimension_semantics<arbitrary>], iteration_bounds = array<i64: 24>, scalar_prefetch = 0 : i64, scratch_operands = 0 : i64, tpu.core_type = #tpu.core_type<tc>, window_params = [{transform_indices = @transform_0, window_bounds = array<i64: 4096, 4>}, {transform_indices = @transform_1, window_bounds = array<i64: 1, 1, 512>}]} {
    %get3A = arith.constant 0 : index
    %get3A_0 = arith.constant 0 : index
    %get3A_1 = vector.load %arg1[%get3A, %get3A_0] : memref<4096x4xf32, #tpu.memory_space<vmem>>, vector<4096x4xf32>
    %reshape3A = vector.shape_cast %get3A_1 : vector<4096x4xf32> to vector<512x8x4xf32>
    %iota3A = tpu.iota {dimensions = array<i32: 1>} : vector<512x8x4xi32>
    %iota3A_2 = tpu.iota {dimensions = array<i32: 2>} : vector<512x8x4xi32>
    %mul3A = arith.constant 4 : i32
    %mul3A_3 = vector.broadcast %mul3A : i32 to vector<512x8x4xi32>
    %mul3A_4 = arith.muli %iota3A, %mul3A_3 : vector<512x8x4xi32>
    %add3A = arith.addi %mul3A_4, %iota3A_2 : vector<512x8x4xi32>
    %shift_left3A = arith.constant 1 : i32
    %shift_left3A_5 = vector.broadcast %shift_left3A : i32 to vector<512x8x4xi32>
    %shift_left3A_6 = arith.shli %shift_left3A_5, %add3A : vector<512x8x4xi32>
    %lt3A = arith.constant 0.000000e+00 : f32
    %lt3A_7 = vector.broadcast %lt3A : f32 to vector<512x8x4xf32>
    %lt3A_8 = arith.cmpf olt, %reshape3A, %lt3A_7 : vector<512x8x4xf32>
    %jit3A = arith.constant 0 : i32
    %broadcast_in_dim3A = vector.broadcast %jit3A : i32 to vector<512x8x4xi32>
    %select_n3A = arith.select %lt3A_8, %shift_left3A_6, %broadcast_in_dim3A : vector<512x8x4xi1>, vector<512x8x4xi32>
    %reduce_sum3A = arith.constant dense<0> : vector<512xi32>
    %reduce_sum3A_9 = vector.multi_reduction <add>, %select_n3A, %reduce_sum3A [1, 2] : vector<512x8x4xi32> to vector<512xi32>
    %reshape3A_10 = vector.shape_cast %reduce_sum3A_9 : vector<512xi32> to vector<1x1x512xi32>
    %swap3A = arith.constant 0 : index
    %swap3A_11 = arith.constant 0 : index
    %swap3A_12 = arith.constant 0 : index
    %swap3A_13 = vector.load %arg2[%swap3A, %swap3A_11, %swap3A_12] : memref<1x1x512xi32, #tpu.memory_space<vmem>>, vector<1x1x512xi32>
    tpu.vector_store %arg2[%swap3A, %swap3A_11, %swap3A_12], %reshape3A_10 {strides = array<i32>} : memref<1x1x512xi32, #tpu.memory_space<vmem>>, vector<1x1x512xi32>,
    return
  }
  func.func @transform_0(%arg0: i32) -> (i32, i32) {
    %c0_i32 = arith.constant 0 : i32
    %c0_i32_0 = arith.constant 0 : i32
    return %arg0, %c0_i32 : i32, i32
  }
  func.func @transform_1(%arg0: i32) -> (i32, i32, i32) {
    %c0_i32 = arith.constant 0 : i32
    %c0_i32_0 = arith.constant 0 : i32
    %c0_i32_1 = arith.constant 0 : i32
    return %arg0, %c0_i32, %c0_i32_0 : i32, i32, i32
  }
}

module attributes {stable_mosaic.version = 14 : i64} {
  func.func @_pack_body(%arg0: i32, %arg1: memref<4096x4xf32, #tpu.memory_space<vmem>>, %arg2: memref<1x1x512xi32, #tpu.memory_space<vmem>>) attributes {dimension_semantics = [#tpu.dimension_semantics<arbitrary>], iteration_bounds = array<i64: 32>, scalar_prefetch = 0 : i64, scratch_operands = 0 : i64, tpu.core_type = #tpu.core_type<tc>, window_params = [{transform_indices = @transform_0, window_bounds = array<i64: 4096, 4>}, {transform_indices = @transform_1, window_bounds = array<i64: 1, 1, 512>}]} {
    %get3A = arith.constant 0 : index
    %get3A_0 = arith.constant 0 : index
    %get3A_1 = vector.load %arg1[%get3A, %get3A_0] : memref<4096x4xf32, #tpu.memory_space<vmem>>, vector<4096x4xf32>
    %reshape3A = vector.shape_cast %get3A_1 : vector<4096x4xf32> to vector<512x8x4xf32>
    %iota3A = tpu.iota {dimensions = array<i32: 1>} : vector<512x8x4xi32>
    %iota3A_2 = tpu.iota {dimensions = array<i32: 2>} : vector<512x8x4xi32>
    %mul3A = arith.constant 4 : i32
    %mul3A_3 = vector.broadcast %mul3A : i32 to vector<512x8x4xi32>
    %mul3A_4 = arith.muli %iota3A, %mul3A_3 : vector<512x8x4xi32>
    %add3A = arith.addi %mul3A_4, %iota3A_2 : vector<512x8x4xi32>
    %shift_left3A = arith.constant 1 : i32
    %shift_left3A_5 = vector.broadcast %shift_left3A : i32 to vector<512x8x4xi32>
    %shift_left3A_6 = arith.shli %shift_left3A_5, %add3A : vector<512x8x4xi32>
    %lt3A = arith.constant 0.000000e+00 : f32
    %lt3A_7 = vector.broadcast %lt3A : f32 to vector<512x8x4xf32>
    %lt3A_8 = arith.cmpf olt, %reshape3A, %lt3A_7 : vector<512x8x4xf32>
    %jit3A = arith.constant 0 : i32
    %broadcast_in_dim3A = vector.broadcast %jit3A : i32 to vector<512x8x4xi32>
    %select_n3A = arith.select %lt3A_8, %shift_left3A_6, %broadcast_in_dim3A : vector<512x8x4xi1>, vector<512x8x4xi32>
    %reduce_sum3A = arith.constant dense<0> : vector<512xi32>
    %reduce_sum3A_9 = vector.multi_reduction <add>, %select_n3A, %reduce_sum3A [1, 2] : vector<512x8x4xi32> to vector<512xi32>
    %reshape3A_10 = vector.shape_cast %reduce_sum3A_9 : vector<512xi32> to vector<1x1x512xi32>
    %swap3A = arith.constant 0 : index
    %swap3A_11 = arith.constant 0 : index
    %swap3A_12 = arith.constant 0 : index
    %swap3A_13 = vector.load %arg2[%swap3A, %swap3A_11, %swap3A_12] : memref<1x1x512xi32, #tpu.memory_space<vmem>>, vector<1x1x512xi32>
    tpu.vector_store %arg2[%swap3A, %swap3A_11, %swap3A_12], %reshape3A_10 {strides = array<i32>} : memref<1x1x512xi32, #tpu.memory_space<vmem>>, vector<1x1x512xi32>,
    return
  }
  func.func @transform_0(%arg0: i32) -> (i32, i32) {
    %c0_i32 = arith.constant 0 : i32
    %c0_i32_0 = arith.constant 0 : i32
    return %arg0, %c0_i32 : i32, i32
  }
  func.func @transform_1(%arg0: i32) -> (i32, i32, i32) {
    %c0_i32 = arith.constant 0 : i32
    %c0_i32_0 = arith.constant 0 : i32
    %c0_i32_1 = arith.constant 0 : i32
    return %arg0, %c0_i32, %c0_i32_0 : i32, i32, i32
  }
}

</mosaic_0001>

<sc_bundles>
// kernel: kernel.7.cloned.1.call-start
scs
__scs_entry_jumppad:
0x0: {  	(pc) =	sbr.rel $0x88, $3  }
0x1: {  	(tag) =	ssettag $0x0;
	lr =	simm.s32 $0x1  }
0x2: {  	[smem:$0x3F9C] =	sst lr;
	_ =	strace $0xD0000000  }
0x3: {  	_ = 	snop  }
0x4: {  	_ = 	snop  }
0x5: {  	_ = 	snop  }
0x6: {  	_ = 	snop  }
0x7: {  	_ = 	snop  }
__scs_overlays_trampoline_lowered:
0x8: {  	[smem:$0x3FAB] =	sst s0  }
0x9: {  	[smem:$0x3FAC] =	sst s1  }
0xa: {  	[smem:$0x3FAD] =	sst s2  }
0xb: {  	[smem:$0x3FAE] =	sst s3  }
0xc: {  	[smem:$0x3FAF] =	sst s4  }
0xd: {  	[smem:$0x3FB0] =	sst s5  }
0xe: {  	[smem:$0x3FB1] =	sst s6  }
0xf: {  	[smem:$0x3FB2] =	sst s7  }
0x10: {  	[smem:$0x3FB3] =	sst s8  }
0x11: {  	[smem:$0x3FB4] =	sst s9;
	s0 =	simm.s32 @!p0 $0x0  }
0x12: {  	s1 =	sld [smem:$0x3F9A];
	s0 =	simm.s32 @p0 $0x1  }
0x13: {  	[smem:$0x3FB5] =	sst s0;
	s0 =	simm.s32 @!p1 $0x0  }
0x14: {  	s2 =	sld [smem:$0x3F99];
	s0 =	simm.s32 @p1 $0x1  }
0x15: {  	[smem:$0x3FB6] =	sst s0;
	s0 =	simm.s32 @!p2 $0x0  }
0x16: {  	s3 =	sld [smem:$0x3FDB];
	s0 =	simm.s32 @p2 $0x1  }
0x17: {  	s4 =	simm.s32 $0x1BF5;
	[smem:$0x3FB8] =	sst s0  }
0x18: {  	s0 =	sld [smem:$0x3F9B];
	_ =	swait.ge [sflag:s4], $0x0  }
0x19: {  	s7 =	sld [smem:$0x3F9C]  }
0x1a: {  	s8 =	sadd.s32 $0xFFFFE003, lr  }
0x1b: {  	s9 =	sadd.s32 $0xFFFFFEF7, lr;
	s5 =	simm.s32 $0xFFFFFFFF;
	p2 =	slt.u32 s8, $0xFFFFF086  }
0x1c: {  	p1 =	slt.u32 s9, $0xF7A;
	s5 =	simm.s32 @!p2 $0x0  }
0x1d: {  	s5 =	simm.s32 @p1 $0x1;
	p0 =	seq.s32 s7, s2  }
0x1e: {  	s7 =	smul.u32 @!p0 $0xF7A, s2;
	p2 =	seq.s32 @!p0 s5, $0x0  }
0x1f: {  	s9 =	smul.u32 $0xF7A, s1;
	s8 =	simm.s32 @!p0 $0x1BF5;
	p2 =	por !p2, p0  }
0x20: {  	[sflag:s8] =	ssyncset.s32 @!p0 $0xFFFFF086;
	s6 =	sadd.s32 @!p0 s3, s7;
	s7 =	simm.s32 @!p0 $0x108  }
0x21: {  	s3 =	sadd.s32 s3, s9;
	s6 =	sadd.s32 @!p0 $0x88, s6;
	s7 =	simm.s32 @p2 $0x1082  }
0x22: {  	[simem:s7], [sflag:s8] =	dma.local @!p0 [hbm:s6], $0xF7A  }
0x23: {  	s9 =	sor.u32 $0xD0000000, s2;
	s6 =	simm.s32 $0x108;
	_ =	swait.ge @!p0 [sflag:s8], $0x0  }
0x24: {  	s3 =	sadd.s32 $0x88, s3;
	s6 =	simm.s32 @!p1 $0x1082;
	[sflag:s4] =	ssyncset.s32 $0xFFFFF086  }
0x25: {  	[simem:s6], [sflag:s4] =	dma.local [hbm:s3], $0xF7A  }
0x26: {  	[smem:$0x3F9C] =	sst s1;
	(tag) =	ssettag s2;
	_ =	strace s9  }
0x27: {  	s1 =	sld [smem:$0x3FAC]  }
0x28: {  	s2 =	sld [smem:$0x3FAD]  }
0x29: {  	s4 =	sld [smem:$0x3FAF]  }
0x2a: {  	p0 =	seq.s32 s5, $0x0;
	s5 =	sld [smem:$0x3FB0]  }
0x2b: {  	s6 =	sld [smem:$0x3FB1]  }
0x2c: {  	s7 =	sld [smem:$0x3FB2]  }
0x2d: {  	s3 =	simm.s32 $0x108;
	s8 =	sld [smem:$0x3FB3]  }
0x2e: {  	s3 =	simm.s32 @!p0 $0x1082;
	s9 =	sld [smem:$0x3FB4]  }
0x2f: {  	lr =	sadd.s32 s0, s3;
	s0 =	sld [smem:$0x3FAB]  }
0x30: {  	s3 =	sld [smem:$0x3FAE]  }
0x31: {  	[smem:$0x3FB7] =	sst s10  }
0x32: {  	s10 =	sld [smem:$0x3FB5];
	_ =	sdelay $0x3  }
0x33: {  	p0 =	seq.s32 s10, $0x1;
	s10 =	sld [smem:$0x3FB7];
	_ =	sdelay $0x3  }
0x34: {  	[smem:$0x3FB7] =	sst s10  }
0x35: {  	s10 =	sld [smem:$0x3FB6];
	_ =	sdelay $0x3  }
0x36: {  	p1 =	seq.s32 s10, $0x1;
	s10 =	sld [smem:$0x3FB7];
	_ =	sdelay $0x3  }
0x37: {  	[smem:$0x3FB7] =	sst s10  }
0x38: {  	s10 =	sld [smem:$0x3FB8]  }
0x39: {  	_ = 	snop;
	(pc) =	sbr.ind lr, $3  }
0x3a: {  	_ = 	snop  }
0x3b: {  	_ = 	snop  }
0x3c: {  	p2 =	seq.s32 s10, $0x1;
	s10 =	sld [smem:$0x3FB7]  }
0x3d: {  	_ =	shalt  }
0x3e: {  	_ =	shalt  }
0x3f: {  	_ =	shalt  }
0x40: {  	_ =	shalt  }
0x41: {  	_ =	shalt  }
0x42: {  	_ =	shalt  }
0x43: {  	_ =	shalt  }
0x44: {  	_ =	shalt  }
0x45: {  	_ =	shalt  }
0x46: {  	_ =	shalt  }
0x47: {  	_ =	shalt  }
0x48: {  	_ =	shalt  }
0x49: {  	_ =	shalt  }
0x4a: {  	_ =	shalt  }
0x4b: {  	_ =	shalt  }
0x4c: {  	_ =	shalt  }
0x4d: {  	_ =	shalt  }
0x4e: {  	_ =	shalt  }
0x4f: {  	_ =	shalt  }
0x50: {  	_ =	shalt  }
0x51: {  	_ =	shalt  }
0x52: {  	_ =	shalt  }
0x53: {  	_ =	shalt  }
0x54: {  	_ =	shalt  }
0x55: {  	_ =	shalt  }
0x56: {  	_ =	shalt  }
0x57: {  	_ =	shalt  }
0x58: {  	_ =	shalt  }
0x59: {  	_ =	shalt  }
0x5a: {  	_ =	shalt  }
0x5b: {  	_ =	shalt  }
0x5c: {  	_ =	shalt  }
0x5d: {  	_ =	shalt  }
0x5e: {  	_ =	shalt  }
0x5f: {  	_ =	shalt  }
0x60: {  	_ =	shalt  }
0x61: {  	_ =	shalt  }
0x62: {  	_ =	shalt  }
0x63: {  	_ =	shalt  }
0x64: {  	_ =	shalt  }
0x65: {  	_ =	shalt  }
0x66: {  	_ =	shalt  }
0x67: {  	_ =	shalt  }
0x68: {  	_ =	shalt  }
0x69: {  	_ =	shalt  }
0x6a: {  	_ =	shalt  }
0x6b: {  	_ =	shalt  }
0x6c: {  	_ =	shalt  }
0x6d: {  	_ =	shalt  }
0x6e: {  	_ =	shalt  }
0x6f: {  	_ =	shalt  }
0x70: {  	_ =	shalt  }
0x71: {  	_ =	shalt  }
0x72: {  	_ =	shalt  }
0x73: {  	_ =	shalt  }
0x74: {  	_ =	shalt  }
0x75: {  	_ =	shalt  }
0x76: {  	_ =	shalt  }
0x77: {  	_ =	shalt  }
0x78: {  	_ =	shalt  }
0x79: {  	_ =	shalt  }
0x7a: {  	_ =	shalt  }
0x7b: {  	_ =	shalt  }
0x7c: {  	_ =	shalt  }
0x7d: {  	_ =	shalt  }
0x7e: {  	_ =	shalt  }
0x7f: {  	_ =	shalt  }
0x80: {  	_ =	shalt  }
0x81: {  	_ =	shalt  }
0x82: {  	_ =	shalt  }
0x83: {  	_ =	shalt  }
0x84: {  	_ =	shalt  }
0x85: {  	_ =	shalt  }
0x86: {  	_ =	shalt  }
0x87: {  	_ =	shalt  }
.Lfunc_end0:
.L_simem_size_0:
called_computation_lowered:
.L_overlay_start_0:
0x88: {  	s2 =	sld [smem:$0x3FD9]  }
0x89: {  	s3 =	sld [smem:$0x3FFE];
	_ =	sdelay $0x1  }
0x8a: {  	s1 =	srdreg.scid  }
0x8b: {  	s0 =	sand.u32 $0x1, s1  }
0x8c: {  	s17 =	sshll.u32 s0, $0xA;
	s2 =	sadd.s32 s3, s2  }
0x8d: {  	s2 =	sadd.s32 s2, s17  }
0x8e: {  	[smem:$0x3FC3] =	sst s2  }
0x8f: {  	_ = 	snop  }
0x90: {  	s2 =	sld [smem:$0x3FD0];
	(tm) =	ssettm $0x1  }
0x91: {  	s18 =	sld [smem:$0x3FFB];
	_ =	sdelay $0x3  }
0x92: {  	_ =	strace s18  }
0x93: {  	s3 =	sld [smem:$0x3FFC];
	_ =	sdelay $0x3  }
0x94: {  	_ =	strace s3  }
0x95: {  	s3 =	sld [smem:$0x3FFD];
	_ =	sdelay $0x3  }
0x96: {  	_ =	strace s3  }
0x97: {  	_ =	strace $0x8FFFFFFF  }
0x98: {  	s19 =	sld [smem:$0x3FDB];
	_ =	sdelay $0x1  }
0x99: {  	s4 =	simm.s32 $_scs_section_size  }
0x9a: {  	s5 =	simm.s32 $_size__tile_overlayer_lowered;
	s6 =	simm.s32 $_tile_overlayer_lowered  }
0x9b: {  	s22 =	simm.s32 $0x1BFF;
	s21 =	sshll.u32 s6, $0x1;
	s3 =	sadd.s32 s4, s19  }
0x9c: {  	s7 =	simm.s32 $0x0;
	s20 =	sshll.u32 s5, $0x1;
	s5 =	sadd.s32 s21, s3  }
0x9d: {  	[timem:s7], [sflag:s22] =	dma.local [hbm:s5], s20  }
0x9e: {  	_ =	swait.ge [sflag:s22], s20  }
0x9f: {  	s4 =	ssub.s32 $0x0, s20;
	[sflag:s22] =	ssyncset.done $0x0  }
0xa0: {  	[sflag:s22] =	ssyncadd.s32 s4;
	_ =	sdelay $0x1  }
0xa1: {  	s23 =	simm.s32 $0x1B8B  }
0xa2: {  	_ =	swait.ge [sflag:s23], $0x1  }
0xa3: {  	[sflag:s23] =	ssyncset.done $0x0  }
0xa4: {  	s25 =	simm.s32 $0x1B8E;
	s24 =	sld [smem:$0x3FFE];
	[sflag:s23] =	ssyncadd.s32 $0xFFFFFFFF  }
0xa5: {  	s26 =	simm.s32 $execute0_lowered;
	[smem:$0x3FD2] =	sst s25  }
0xa6: {  	s5 =	sshll.u32 s26, $0x1;
	_ =	strace $0x80000046;
	[dreg:$0x1] =	wrdreg $0xFFFFFFFF  }
0xa7: {  	s28 =	simm.s32 $_size_execute0_lowered;
	s3 =	sadd.s32 s3, s5;
	[dreg:$0x0] =	wrdreg $0x0  }
0xa8: {  	s5 =	sshll.u32 s28, $0x1;
	[dreg:$0x2] =	wrdreg s3  }
0xa9: {  	[dreg:$0x3] =	wrdreg s5  }
0xaa: {  	[dreg:$0x4] =	wrdreg $0xC0  }
0xab: {  	_ =	task [dreg:s7], $0x5FFFF  }
0xac: {  	[dreg:$0x1] =	wrdreg $0xFFFFFFFF  }
0xad: {  	[dreg:$0x0] =	wrdreg $0x60  }
0xae: {  	[dreg:$0x2] =	wrdreg s2  }
0xaf: {  	[dreg:$0x3] =	wrdreg s24  }
0xb0: {  	[dreg:$0x4] =	wrdreg $0x9  }
0xb1: {  	_ =	task.clear_ibuf [dreg:s7], $0x5FFFF;
	_ =	strace $0x90000046  }
0xb2: {  	s29 =	simm.s32 $0x9;
	_ =	strace $0x80000048  }
0xb3: {  	_ =	swait.ge [sflag:s29], $0x1  }
0xb4: {  	[sflag:s29] =	ssyncadd.s32 $0xFFFFFFFF  }
0xb5: {  	_ =	strace $0x90000048  }
0xb6: {  	_ =	sfence  }
0xb7: {  	s30 =	sld [smem:$0x0];
	_ =	sdelay $0x2  }
0xb8: {  	s31 =	sshll.u32 s1, $0xD;
	s1 =	sshrl.u32 s1, $0x2  }
0xb9: {  	s3 =	sand.u32 $0x4000, s31;
	s1 =	sadd.s32 s1, s30  }
0xba: {  	s0 =	sor.u32 s3, s0;
	s1 =	sshll.u32 s1, $0x11  }
0xbb: {  	s0 =	sor.u32 s1, s0  }
0xbc: {  	s0 =	sadd.s32 $0x8F2B, s0  }
0xbd: {  	[sflag:s0] =	ssyncadd.remote.s32 $0x1  }
0xbe: {  	_ =	sfence.sel $0xFFFF  }
0xbf: {  	[dreg:$0x0] =	wrdreg $0xFFFFFFFF;
	(pc) =	sbr.abs _section_cstart, $3  }
0xc0: {  	[dreg:$0x1] =	wrdreg $0xFFFFFFFF  }
0xc1: {  	_ =	task.clear_ibuf [dreg:s7], $0x2FFFF;
	_ =	strace $0x9FFFFFFF  }
0xc2: {  	(tm) =	ssettm $0x7FFFFFFF  }
0xc3: {  	_ =	shalt  }
tec
execute0_lowered:
.L_overlay_start_1:
0x0: {  	(tag) =	ssettag $0x1  }
0x1: {  	s0 =	rddreg [dreg:$0x1]  }
0x2: {  	s2 =	simm.s32 $0x0;
	s1 =	srdreg.scid;
	s7 =	stileid.u32  }
0x3: {  	s17 =	simm.s32 $0x5;
	s28 =	simm.s32 $0xF600;
	s29 =	simm.s32 $0x2  }
0x4: {  	s30 =	simm.s32 $0x17600;
	s31 =	simm.s32 $0x3;
	[smem:$0x7FF] =	sst s2  }
0x5: {  	s3 =	sadd.s32 $0x11000, s0;
	s5 =	sadd.s32 $0x9000, s0;
	s6 =	sadd.s32 $0x1000, s0  }
0x6: {  	s4 =	sadd.s32 $0x19200, s0;
	s1 =	sand.u32 $0x1, s1;
	s7 =	sshll.u32 s7, $0xE  }
0x7: {  	s8 =	sadd.s32 $0x19000, s0;
	s9 =	sadd.s32 $0x19400, s0;
	s0 =	simm.s32 $0x4  }
0x8: {  	_ =	strace $0x80000047;
	[dreg:$0x3] =	wrdreg s4;
	s20 =	ssub.s32 $0x2, s1  }
0x9: {  	s1 =	sshll.u32 s1, $0xD;
	[dreg:$0x4] =	wrdreg s8;
	s21 =	sshrl.u32 s20, $0x1  }
0xa: {  	s4 =	simm.s32 $0x0;
	s1 =	sor.u32 s1, s7;
	s22 =	ssub.s32 s20, s21  }
0xb: {  	s23 =	sshrl.u32 s1, $0x3;
	s26 =	sshll.u32 s1, $0x4;
	s14 =	sor.u32 $0x200, s1  }
0xc: {  	v0 =	vlaneseq.u32;
	s16 =	sor.u32 $0x100, s1;
	s24 =	sadd.s32 s3, s23;
	s25 =	sadd.s32 s5, s23  }
0xd: {  	v0 =	vmul.u32 $0x80, v0;
	s12 =	sadd.s32 s6, s23;
	s13 =	sadd.s32 s9, s26;
	s15 =	smax.u32 s22, $0x1  }
0xe: {  	s23 =	simm.s32 $0xF300;
	s26 =	simm.s32 $0x1;
	[dreg:$0x5] =	wrdreg s24  }
0xf: {  	[tilespmem:$0x1FFF0] =	vst v0;
	[dreg:$0x6] =	wrdreg s25;
	s24 =	simm.s32 $0xF400;
	s25 =	simm.s32 $0xF500  }
.LBB2_1:
0x10: {  	s1 =	rddreg [dreg:$0x0]  }
0x11: {  	[tilespmem:s2], [sflag:$0x5] =	stream.linear.gather [hbm4b:s1+s2], $0xF000, $0x38;
	[tilespmem:$0x1F780] =	vst v63  }
0x12: {  	_ =	swait.ge [sflag:s17], $0xF000  }
0x13: {  	[sflag:s17] =	ssyncset.done $0x0  }
0x14: {  	s7 =	simm.s32 $0x1F600;
	s8 =	rddreg [dreg:$0x3];
	[sflag:s17] =	ssyncadd.s32 $0xFFFF1000  }
0x15: {  	[tilespmem:s7], [sflag:$0x5] =	stream.linear.gather [hbm4b:s8+s2], $0x100, $0x38;
	[tilespmem:$0x1F780] =	vst v63  }
0x16: {  	_ =	swait.ge [sflag:s17], $0x100  }
0x17: {  	[sflag:s17] =	ssyncset.done $0x0  }
0x18: {  	s11 =	simm.s32 $0x1F700;
	s10 =	rddreg [dreg:$0x4];
	[sflag:s17] =	ssyncadd.s32 $0xFFFFFF00  }
0x19: {  	[tilespmem:s11], [sflag:$0x5] =	stream.linear.gather [hbm4b:s10+s2], $0x80, $0x38;
	[tilespmem:$0x1F780] =	vst v63  }
0x1a: {  	_ =	swait.ge [sflag:s17], $0x80  }
0x1b: {  	[sflag:s17] =	ssyncset.done $0x0  }
0x1c: {  	s19 =	simm.s32 $0xF000;
	s18 =	rddreg [dreg:$0x5];
	[sflag:s17] =	ssyncadd.s32 $0xFFFFFF80  }
0x1d: {  	[tilespmem:s19], [sflag:$0x1] =	stream.linear.gather [hbm4b:s18+s2], $0x100, $0x38;
	[tilespmem:$0x1F780] =	vst v63  }
0x1e: {  	s21 =	simm.s32 $0xF100;
	s20 =	rddreg [dreg:$0x6]  }
0x1f: {  	[tilespmem:s21], [sflag:$0x1] =	stream.linear.gather [hbm4b:s20+s2], $0x100, $0x38;
	[tilespmem:$0x1F780] =	vst v63  }
0x20: {  	s22 =	simm.s32 $0xF200;
	s1 =	simm.s32 $0x0  }
0x21: {  	[tilespmem:s22], [sflag:$0x1] =	stream.linear.gather [hbm4b:s12+s2], $0x100, $0x38;
	[tilespmem:$0x1F780] =	vst v63  }
.LBB2_2:
0x22: {  	s19 =	sshll.u32 s1, $0x9  }
0x23: {  	s18 =	sor.u32 s16, s19  }
0x24: {  	s7 =	sshrl.u32 s18, $0x3  }
0x25: {  	s8 =	sadd.s32 s3, s7  }
0x26: {  	[tilespmem:s23], [sflag:$0x2] =	stream.linear.gather [hbm4b:s8+s2], $0x100, $0x38;
	[tilespmem:$0x1F780] =	vst v63  }
0x27: {  	s22 =	sadd.s32 s5, s7  }
0x28: {  	[tilespmem:s24], [sflag:$0x2] =	stream.linear.gather [hbm4b:s22+s2], $0x100, $0x38;
	[tilespmem:$0x1F780] =	vst v63  }
0x29: {  	s7 =	sadd.s32 s6, s7  }
0x2a: {  	[tilespmem:s25], [sflag:$0x2] =	stream.linear.gather [hbm4b:s7+s2], $0x100, $0x38;
	[tilespmem:$0x1F780] =	vst v63  }
0x2b: {  	_ =	swait.ge [sflag:s26], $0x100  }
0x2c: {  	[sflag:s26] =	ssyncset.done $0x0  }
0x2d: {  	[sflag:s26] =	ssyncadd.s32 $0xFFFFFF00  }
0x2e: {  	_ =	swait.ge [sflag:s26], $0x100  }
0x2f: {  	[sflag:s26] =	ssyncset.done $0x0  }
0x30: {  	[sflag:s26] =	ssyncadd.s32 $0xFFFFFF00  }
0x31: {  	_ =	swait.ge [sflag:s26], $0x100  }
0x32: {  	p0 =	seq.s32 s1, $0x0;
	[sflag:s26] =	ssyncset.done $0x0  }
0x33: {  	s7 =	simm.s32 @!p0 $0x3;
	[sflag:s26] =	ssyncadd.s32 $0xFFFFFF00  }
0x34: {  	_ =	swait.ge @!p0 [sflag:s7], $0x8000  }
0x35: {  	[sflag:s7] =	ssyncset.done @!p0 $0x0  }
0x36: {  	s20 =	simm.s32 $0x0;
	s21 =	simm.s32 $0x0;
	[sflag:s7] =	ssyncadd.s32 @!p0 $0xFFFF8000  }
.LBB2_3:
0x37: {  	s7 =	sshll.u32 s21, $0x4  }
0x38: {  	v2 =	vld [tilespmem:s7+$0xF100]  }
0x39: {  	v3 =	vld [tilespmem:s7+$0xF200]  }
0x3a: {  	s8 =	simm.s32 $0x1F600;
	v1 =	vld [tilespmem:s7+$0xF000]  }
0x3b: {  	v5 =	vld [tilespmem:s8+$0x0]  }
0x3c: {  	v0 =	vld [tilespmem:$0x1FFF0]  }
0x3d: {  	v4 =	vmov s7  }
0x3e: {  	v4 =	vshll.u32 v4, $0x7;
	v2 =	vmax.f32 v2, $0.0e+00;
	v3 =	vmax.f32 v3, $0.0e+00  }
0x3f: {  	v1 =	vmax.f32 v1, $0.0e+00;
	v61 =	vmin.f32 v2, $9.998999830e-01;
	v62 =	vmin.f32 v3, $9.998999830e-01  }
0x40: {  	v60 =	vmin.f32 v1, $9.998999830e-01;
	v10 =	vmul.f32 v5, v61;
	v11 =	vmul.f32 v5, v62  }
0x41: {  	v63 =	vor.u32 v0, v4;
	v12 =	vmul.f32 v5, v60  }
0x42: {  	v0 =	vor.u32 $0x1, v63;
	v7 =	vtrunc.f32 v10;
	v8 =	vtrunc.f32 v11  }
0x43: {  	v9 =	vor.u32 s20, v63;
	v13 =	vcvt.f32.s32 v7;
	v8 =	vcvt.f32.s32 v8  }
0x44: {  	v1 =	vor.u32 $0x2, v63;
	v2 =	vor.u32 $0x3, v63;
	v14 =	vtrunc.f32 v12  }
0x45: {  	v14 =	vcvt.f32.s32 v14;
	v15 =	vmul.u32 $0x9E3779B1, v13;
	v16 =	vmul.u32 $0x30025795, v8  }
0x46: {  	v13 =	vcvt.s32.f32 v13;
	v17 =	vcvt.s32.f32 v8;
	v8 =	vor.u32 s20, v2  }
0x47: {  	v25 =	vcvt.s32.f32 v14;
	v18 =	vadd.s32 $0x9E3779B1, v15;
	v19 =	vadd.s32 $0x30025795, v16  }
0x48: {  	v20 =	vxor.u32 v14, v15;
	v13 =	vsub.f32 v10, v13;
	v17 =	vsub.f32 v11, v17  }
0x49: {  	v10 =	vxor.u32 v16, v20;
	v20 =	vxor.u32 v19, v20;
	v21 =	vxor.u32 v14, v18  }
0x4a: {  	v14 =	vadd.s32 $0x1, v14;
	v22 =	vshrl.u32 v10, $0x3;
	v23 =	vshrl.u32 v20, $0x3  }
0x4b: {  	v24 =	vsub.f32 $1.000000000e+00, v13;
	v11 =	vxor.u32 v16, v21;
	v26 =	vxor.u32 $0xFFFFFFFF, v10  }
0x4c: {  	v10 =	vsub.f32 v12, v25;
	v12 =	vxor.u32 v14, v18;
	v25 =	vsub.f32 $1.000000000e+00, v17  }
0x4d: {  	v14 =	vxor.u32 v15, v14;
	v20 =	vxor.u32 $0xFFFFFFFF, v20;
	v21 =	vxor.u32 v19, v21  }
0x4e: {  	v22 =	vand.u32 $0x3FF, v22;
	v23 =	vand.u32 $0x3FF, v23;
	v27 =	vxor.u32 $0xFFFFFFFF, v11  }
0x4f: {  	v18 =	vshrl.u32 v11, $0x3;
	v11 =	vxor.u32 v16, v12;
	v32 =	vxor.u32 v19, v12  }
0x50: {  	v12 =	vshll.u32 v26, $0x2;
	v33 =	vshrl.u32 v21, $0x3;
	v21 =	vxor.u32 $0xFFFFFFFF, v21  }
0x51: {  	v19 =	vxor.u32 v19, v14;
	v20 =	vshll.u32 v20, $0x2;
	v14 =	vxor.u32 v16, v14  }
0x52: {  	v15 =	vsub.f32 $1.000000000e+00, v10;
	v28 =	vmul.f32 v13, v10;
	v29 =	vshrl.u32 v11, $0x3  }
0x53: {  	v30 =	vxor.u32 $0xFFFFFFFF, v11;
	v31 =	vmul.f32 v24, v10;
	v42 =	vand.u32 $0x1C, v12  }
0x54: {  	v18 =	vand.u32 $0x3FF, v18;
	v20 =	vand.u32 $0x1C, v20;
	v33 =	vand.u32 $0x3FF, v33  }
0x55: {  	v45 =	vxor.u32 $0xFFFFFFFF, v14;
	v21 =	vshll.u32 v21, $0x2;
	v14 =	vshrl.u32 v14, $0x3  }
0x56: {  	v26 =	vshll.u32 v30, $0x2;
	v10 =	vmul.f32 v25, v28;
	v24 =	vmul.f32 v24, v15;
	v22 =	vld.idx.msk [tilespmem:v22+s20+$0x0], $0xffff  }
0x57: {  	v21 =	vand.u32 $0x1C, v21;
	v13 =	vmul.f32 v15, v13;
	v11 =	vmul.f32 v31, v17;
	v23 =	vld.idx.msk [tilespmem:v23+s20+$0x0], $0xffff  }
0x58: {  	v14 =	vand.u32 $0x3FF, v14;
	v12 =	vmul.f32 v31, v25;
	v28 =	vmul.f32 v28, v17  }
0x59: {  	v15 =	vshrl.u32 v32, $0x3;
	v43 =	vmul.f32 v24, v25;
	v25 =	vmul.f32 v13, v25  }
0x5a: {  	v24 =	vmul.f32 v24, v17;
	v13 =	vmul.f32 v13, v17;
	v17 =	vxor.u32 $0xFFFFFFFF, v32  }
0x5b: {  	v26 =	vand.u32 $0x1C, v26;
	v15 =	vand.u32 $0x3FF, v15;
	v17 =	vshll.u32 v17, $0x2  }
0x5c: {  	v17 =	vand.u32 $0x1C, v17;
	v22 =	vshll.u32 v22, v42;
	v20 =	vshll.u32 v23, v20  }
0x5d: {  	v23 =	vshll.u32 v27, $0x2;
	v27 =	vshrl.u32 v19, $0x3;
	v19 =	vxor.u32 $0xFFFFFFFF, v19  }
0x5e: {  	v44 =	vshll.u32 v22, $0x3;
	v34 =	vshll.u32 v22, $0x1;
	v35 =	vshll.u32 v22, $0x2  }
0x5f: {  	v18 =	vld.idx.msk [tilespmem:v18+s20+$0x0], $0xffff;
	v22 =	vand.u32 $0x80000000, v22;
	v23 =	vand.u32 $0x1C, v23;
	v36 =	vshll.u32 v20, $0x3  }
0x60: {  	v37 =	vand.u32 $0x80000000, v20;
	v27 =	vand.u32 $0x3FF, v27;
	v19 =	vshll.u32 v19, $0x2  }
0x61: {  	v46 =	vshll.u32 v20, $0x2;
	v20 =	vshll.u32 v20, $0x1;
	v31 =	vand.u32 $0x80000000, v44  }
0x62: {  	v16 =	vand.u32 $0x80000000, v35;
	v22 =	vxor.u32 v43, v22;
	v36 =	vand.u32 $0x80000000, v36  }
0x63: {  	v34 =	vand.u32 $0x80000000, v34;
	v37 =	vxor.u32 v24, v37;
	v47 =	vand.u32 $0x80000000, v46  }
0x64: {  	v18 =	vshll.u32 v18, v23;
	v20 =	vand.u32 $0x80000000, v20;
	v35 =	vshll.u32 v45, $0x2  }
0x65: {  	v14 =	vld.idx.msk [tilespmem:v14+s20+$0x0], $0xffff;
	v31 =	vxor.u32 v43, v31;
	v16 =	vxor.u32 v43, v16;
	v30 =	vxor.u32 v43, v34  }
0x66: {  	v15 =	vld.idx.msk [tilespmem:v15+s20+$0x0], $0xffff;
	v36 =	vxor.u32 v24, v36;
	v32 =	vxor.u32 v24, v47;
	v48 =	vshll.u32 v18, $0x3  }
0x67: {  	v49 =	vand.u32 $0x80000000, v18;
	v50 =	vshll.u32 v18, $0x2;
	v18 =	vshll.u32 v18, $0x1  }
0x68: {  	v23 =	vld.idx.msk [tilespmem:v33+s20+$0x0], $0xffff;
	v20 =	vxor.u32 v24, v20;
	v24 =	vand.u32 $0x3FF, v29;
	v22 =	vadd.f32 v37, v22  }
0x69: {  	v35 =	vand.u32 $0x1C, v35;
	v16 =	vadd.f32 v32, v16;
	v31 =	vadd.f32 v36, v31  }
0x6a: {  	v32 =	vxor.u32 v25, v49;
	v18 =	vand.u32 $0x80000000, v18;
	v51 =	vand.u32 $0x80000000, v48  }
0x6b: {  	v35 =	vshll.u32 v14, v35;
	v17 =	vshll.u32 v15, v17;
	v20 =	vadd.f32 v20, v30  }
0x6c: {  	v14 =	vxor.u32 v25, v18;
	v22 =	vadd.f32 v32, v22;
	v54 =	vand.u32 $0x80000000, v17  }
0x6d: {  	v55 =	vshll.u32 v17, $0x1;
	v20 =	vadd.f32 v14, v20;
	v21 =	vshll.u32 v23, v21  }
0x6e: {  	v14 =	vand.u32 $0x1C, v19;
	v29 =	vand.u32 $0x80000000, v55;
	v23 =	vshll.u32 v21, $0x3  }
0x6f: {  	v27 =	vld.idx.msk [tilespmem:v27+s20+$0x0], $0xffff;
	v52 =	vand.u32 $0x80000000, v21;
	v53 =	vshll.u32 v21, $0x2;
	v21 =	vshll.u32 v21, $0x1  }
0x70: {  	v15 =	vld.idx.msk [tilespmem:v24+s20+$0x0], $0xffff;
	v23 =	vand.u32 $0x80000000, v23;
	v24 =	vand.u32 $0x80000000, v53;
	v21 =	vand.u32 $0x80000000, v21  }
0x71: {  	v18 =	vxor.u32 v13, v23;
	v23 =	vxor.u32 v13, v52;
	v24 =	vxor.u32 v13, v24  }
0x72: {  	v21 =	vxor.u32 v13, v21;
	v13 =	vand.u32 $0x80000000, v50;
	v32 =	vadd.f32 v23, v22  }
0x73: {  	v22 =	vshll.u32 v17, $0x3;
	v23 =	vxor.u32 v25, v51;
	v19 =	vxor.u32 v25, v13  }
0x74: {  	v14 =	vshll.u32 v27, v14;
	v17 =	vshll.u32 v17, $0x2;
	v21 =	vadd.f32 v21, v20  }
0x75: {  	v23 =	vadd.f32 v23, v31;
	v22 =	vand.u32 $0x80000000, v22;
	v25 =	vshll.u32 v14, $0x3  }
0x76: {  	v27 =	vadd.f32 v19, v16;
	v16 =	vshll.u32 v35, $0x3;
	v57 =	vshll.u32 v14, $0x2  }
0x77: {  	v17 =	vand.u32 $0x80000000, v17;
	v13 =	vshll.u32 v15, v26;
	v26 =	vshll.u32 v14, $0x1  }
0x78: {  	v16 =	vand.u32 $0x80000000, v16;
	v25 =	vand.u32 $0x80000000, v25;
	v33 =	vand.u32 $0x80000000, v57  }
0x79: {  	v20 =	vxor.u32 v28, v22;
	v22 =	vand.u32 $0x80000000, v35;
	v15 =	vshll.u32 v13, $0x1  }
0x7a: {  	v26 =	vand.u32 $0x80000000, v26;
	v19 =	vshll.u32 v13, $0x3;
	v56 =	vxor.u32 v12, v16  }
0x7b: {  	v16 =	vshll.u32 v35, $0x2;
	v25 =	vxor.u32 v11, v25;
	v18 =	vadd.f32 v18, v23  }
0x7c: {  	v23 =	vshll.u32 v35, $0x1;
	v27 =	vadd.f32 v24, v27;
	v59 =	vxor.u32 v12, v22  }
0x7d: {  	v15 =	vand.u32 $0x80000000, v15;
	v19 =	vand.u32 $0x80000000, v19;
	v23 =	vand.u32 $0x80000000, v23  }
0x7e: {  	v58 =	vand.u32 $0x80000000, v16;
	v16 =	vxor.u32 v28, v17;
	v17 =	vxor.u32 v28, v29  }
0x7f: {  	v22 =	vxor.u32 v11, v26;
	v26 =	vshll.u32 v13, $0x2;
	v31 =	vadd.f32 v56, v18  }
0x80: {  	v18 =	vxor.u32 v12, v23;
	v23 =	vxor.u32 v11, v33;
	v12 =	vxor.u32 v12, v58  }
0x81: {  	s22 =	simm.s32 $0x1F610;
	v26 =	vand.u32 $0x80000000, v26;
	v21 =	vadd.f32 v18, v21;
	v24 =	vadd.f32 v25, v31  }
0x82: {  	s10 =	simm.s32 $0x0;
	s8 =	simm.s32 $0x4;
	s7 =	simm.s32 $0x0;
	v18 =	vxor.u32 v28, v54;
	v25 =	vadd.f32 v12, v27;
	v12 =	vadd.f32 v59, v32  }
.LBB2_4:
0x83: {  	p1 =	sne.s32 s8, $0x2C  }
0x84: {  	v27 =	vld [tilespmem:s22+$0x0];
	v14 =	vand.u32 $0x80000000, v14;
	v19 =	vxor.u32 v10, v19;
	v26 =	vxor.u32 v10, v26;
	s10 =	sadd.s32 $0x400, s10;
	s11 =	smov.u32 s8;
	s8 =	sadd.s32 $0x4, s8  }
0x85: {  	v15 =	vxor.u32 v10, v15;
	v23 =	vadd.f32 v23, v25;
	v19 =	vadd.f32 v19, v24  }
0x86: {  	v13 =	vand.u32 $0x80000000, v13;
	v24 =	vor.u32 s11, v63;
	v11 =	vxor.u32 v11, v14  }
0x87: {  	v10 =	vxor.u32 v10, v13;
	v14 =	vadd.f32 v26, v23;
	v13 =	vadd.f32 v20, v19  }
0x88: {  	v11 =	vadd.f32 v11, v12;
	v12 =	vor.u32 s7, v0;
	v19 =	vadd.f32 v22, v21  }
0x89: {  	v20 =	vmul.f32 v27, v61;
	v21 =	vmul.f32 v27, v62;
	[tilespmem:v9+s28+$0x0] =	vst.idx.msk $0xffff, v13;
	v13 =	vor.u32 s7, v1;
	s7 =	smov.u32 s11  }
0x8a: {  	v10 =	vadd.f32 v10, v11;
	v22 =	vmul.f32 v27, v60;
	v15 =	vadd.f32 v15, v19;
	v9 =	vmovc v24  }
0x8b: {  	v14 =	vadd.f32 v16, v14;
	v11 =	vtrunc.f32 v20;
	v19 =	vtrunc.f32 v21  }
0x8c: {  	v15 =	vadd.f32 v17, v15;
	v11 =	vcvt.f32.s32 v11;
	v16 =	vcvt.f32.s32 v19  }
0x8d: {  	v10 =	vadd.f32 v18, v10;
	v17 =	vtrunc.f32 v22;
	[tilespmem:v12+s28+$0x0] =	vst.idx.msk $0xffff, v14  }
0x8e: {  	v12 =	vcvt.f32.s32 v17;
	v14 =	vmul.u32 $0x9E3779B1, v11;
	v17 =	vmul.u32 $0x30025795, v16;
	[tilespmem:v13+s28+$0x0] =	vst.idx.msk $0xffff, v15  }
0x8f: {  	v11 =	vcvt.s32.f32 v11;
	v13 =	vcvt.s32.f32 v16;
	[tilespmem:v8+s28+$0x0] =	vst.idx.msk $0xffff, v10;
	v8 =	vor.u32 s7, v2  }
0x90: {  	v10 =	vadd.s32 $0x9E3779B1, v14;
	v15 =	vadd.s32 $0x30025795, v17;
	v16 =	vxor.u32 v12, v14  }
0x91: {  	v11 =	vsub.f32 v20, v11;
	v18 =	vxor.u32 v17, v16;
	v16 =	vxor.u32 v15, v16  }
0x92: {  	v19 =	vxor.u32 v12, v10;
	v20 =	vshrl.u32 v18, $0x3;
	v23 =	vshrl.u32 v16, $0x3  }
0x93: {  	v24 =	vsub.f32 $1.000000000e+00, v11;
	v20 =	vand.u32 $0x3FF, v20;
	v23 =	vand.u32 $0x3FF, v23  }
0x94: {  	v25 =	vcvt.s32.f32 v12;
	v21 =	vsub.f32 v21, v13;
	v13 =	vxor.u32 v17, v19  }
0x95: {  	v12 =	vadd.s32 $0x1, v12;
	v18 =	vxor.u32 $0xFFFFFFFF, v18;
	v26 =	vxor.u32 $0xFFFFFFFF, v13  }
0x96: {  	v22 =	vsub.f32 v22, v25;
	v25 =	vxor.u32 v12, v10;
	v27 =	vshrl.u32 v13, $0x3  }
0x97: {  	v28 =	vsub.f32 $1.000000000e+00, v21;
	v14 =	vxor.u32 v14, v12;
	v10 =	vxor.u32 v17, v25  }
0x98: {  	v12 =	vsub.f32 $1.000000000e+00, v22;
	v29 =	vmul.f32 v11, v22;
	v13 =	vld.idx.msk [tilespmem:v20+s10+$0x0], $0xffff;
	v20 =	vshrl.u32 v10, $0x3  }
0x99: {  	v16 =	vxor.u32 $0xFFFFFFFF, v16;
	v19 =	vxor.u32 v15, v19;
	v30 =	vxor.u32 $0xFFFFFFFF, v10  }
0x9a: {  	v25 =	vxor.u32 v15, v25;
	v22 =	vmul.f32 v24, v22;
	v10 =	vmul.f32 v28, v29  }
0x9b: {  	v32 =	vshrl.u32 v25, $0x3;
	v24 =	vmul.f32 v24, v12;
	v31 =	vmul.f32 v12, v11;
	v23 =	vld.idx.msk [tilespmem:v23+s10+$0x0], $0xffff  }
0x9c: {  	v12 =	vshll.u32 v18, $0x2;
	v18 =	vshll.u32 v30, $0x2;
	v11 =	vmul.f32 v22, v21  }
0x9d: {  	v33 =	vshrl.u32 v19, $0x3;
	v30 =	vand.u32 $0x1C, v12;
	v12 =	vmul.f32 v22, v28  }
0x9e: {  	v19 =	vxor.u32 $0xFFFFFFFF, v19;
	v22 =	vshll.u32 v13, v30;
	v13 =	vand.u32 $0x1C, v18  }
0x9f: {  	v32 =	vand.u32 $0x3FF, v32;
	v18 =	vmul.f32 v24, v28;
	v30 =	vshll.u32 v22, $0x3  }
0xa0: {  	v27 =	vand.u32 $0x3FF, v27;
	v34 =	vshll.u32 v22, $0x1;
	v30 =	vand.u32 $0x80000000, v30  }
0xa1: {  	v15 =	vxor.u32 v15, v14;
	v28 =	vmul.f32 v31, v28;
	v30 =	vxor.u32 v18, v30  }
0xa2: {  	v16 =	vshll.u32 v16, $0x2;
	v14 =	vxor.u32 v17, v14;
	v35 =	vshll.u32 v22, $0x2  }
0xa3: {  	v16 =	vand.u32 $0x1C, v16;
	v22 =	vand.u32 $0x80000000, v22;
	v17 =	vand.u32 $0x80000000, v35  }
0xa4: {  	v24 =	vmul.f32 v24, v21;
	v22 =	vxor.u32 v18, v22;
	v17 =	vxor.u32 v18, v17  }
0xa5: {  	v16 =	vshll.u32 v23, v16;
	v23 =	vshll.u32 v26, $0x2;
	v26 =	vshrl.u32 v15, $0x3  }
0xa6: {  	v33 =	vand.u32 $0x3FF, v33;
	v35 =	vxor.u32 $0xFFFFFFFF, v14;
	v23 =	vand.u32 $0x1C, v23  }
0xa7: {  	v19 =	vshll.u32 v19, $0x2;
	v14 =	vshrl.u32 v14, $0x3;
	v36 =	vshll.u32 v16, $0x3;
	v27 =	vld.idx.msk [tilespmem:v27+s10+$0x0], $0xffff  }
0xa8: {  	v37 =	vand.u32 $0x80000000, v16;
	v26 =	vand.u32 $0x3FF, v26;
	v36 =	vand.u32 $0x80000000, v36  }
0xa9: {  	v19 =	vand.u32 $0x1C, v19;
	v34 =	vand.u32 $0x80000000, v34;
	v15 =	vxor.u32 $0xFFFFFFFF, v15  }
0xaa: {  	v18 =	vxor.u32 v18, v34;
	v14 =	vand.u32 $0x3FF, v14;
	v15 =	vshll.u32 v15, $0x2  }
0xab: {  	v29 =	vmul.f32 v29, v21;
	v34 =	vshll.u32 v16, $0x2;
	v37 =	vxor.u32 v24, v37  }
0xac: {  	v25 =	vxor.u32 $0xFFFFFFFF, v25;
	v21 =	vmul.f32 v31, v21;
	v36 =	vxor.u32 v24, v36  }
0xad: {  	v25 =	vshll.u32 v25, $0x2;
	v31 =	vand.u32 $0x80000000, v34;
	v23 =	vshll.u32 v27, v23;
	v27 =	vld.idx.msk [tilespmem:v33+s10+$0x0], $0xffff  }
0xae: {  	v16 =	vshll.u32 v16, $0x1;
	v31 =	vxor.u32 v24, v31;
	v33 =	vshll.u32 v23, $0x3  }
0xaf: {  	v25 =	vand.u32 $0x1C, v25;
	v17 =	vadd.f32 v31, v17;
	v31 =	vand.u32 $0x80000000, v23;
	v14 =	vld.idx.msk [tilespmem:v14+s10+$0x0], $0xffff  }
0xb0: {  	v16 =	vand.u32 $0x80000000, v16;
	v30 =	vadd.f32 v36, v30;
	v31 =	vxor.u32 v28, v31  }
0xb1: {  	v35 =	vshll.u32 v35, $0x2;
	v34 =	vshll.u32 v23, $0x2;
	v23 =	vshll.u32 v23, $0x1;
	v32 =	vld.idx.msk [tilespmem:v32+s10+$0x0], $0xffff  }
0xb2: {  	v20 =	vand.u32 $0x3FF, v20;
	v16 =	vxor.u32 v24, v16;
	v23 =	vand.u32 $0x80000000, v23  }
0xb3: {  	v22 =	vadd.f32 v37, v22;
	v24 =	vand.u32 $0x80000000, v33;
	v19 =	vshll.u32 v27, v19  }
0xb4: {  	v35 =	vand.u32 $0x1C, v35;
	v27 =	vshll.u32 v19, $0x3;
	v33 =	vand.u32 $0x80000000, v19  }
0xb5: {  	v36 =	vshll.u32 v19, $0x2;
	v27 =	vand.u32 $0x80000000, v27;
	v35 =	vshll.u32 v14, v35  }
0xb6: {  	v14 =	vxor.u32 v28, v23;
	v23 =	vxor.u32 v21, v27;
	v27 =	vxor.u32 v21, v33;
	v26 =	vld.idx.msk [tilespmem:v26+s10+$0x0], $0xffff  }
0xb7: {  	v22 =	vadd.f32 v31, v22;
	v19 =	vshll.u32 v19, $0x1;
	v25 =	vshll.u32 v32, v25;
	v20 =	vld.idx.msk [tilespmem:v20+s10+$0x0], $0xffff  }
0xb8: {  	v16 =	vadd.f32 v16, v18;
	v18 =	vand.u32 $0x80000000, v36;
	v31 =	vand.u32 $0x80000000, v25  }
0xb9: {  	v32 =	vxor.u32 v21, v18;
	v27 =	vadd.f32 v27, v22;
	v18 =	vshll.u32 v25, $0x3  }
0xba: {  	v19 =	vand.u32 $0x80000000, v19;
	v22 =	vxor.u32 v28, v24;
	v24 =	vshll.u32 v25, $0x1  }
0xbb: {  	v21 =	vxor.u32 v21, v19;
	v22 =	vadd.f32 v22, v30;
	v18 =	vand.u32 $0x80000000, v18  }
0xbc: {  	v16 =	vadd.f32 v14, v16;
	v14 =	vand.u32 $0x1C, v15;
	v19 =	vand.u32 $0x80000000, v34  }
0xbd: {  	v15 =	vxor.u32 v28, v19;
	v14 =	vshll.u32 v26, v14;
	v13 =	vshll.u32 v20, v13  }
0xbe: {  	v19 =	vshll.u32 v14, $0x3;
	v20 =	vshll.u32 v14, $0x1;
	v26 =	vshll.u32 v13, $0x1  }
0xbf: {  	v28 =	vadd.f32 v15, v17;
	v17 =	vshll.u32 v35, $0x3;
	v15 =	vand.u32 $0x80000000, v26  }
0xc0: {  	v17 =	vand.u32 $0x80000000, v17;
	v26 =	vand.u32 $0x80000000, v20;
	v20 =	vshll.u32 v13, $0x3  }
0xc1: {  	v24 =	vand.u32 $0x80000000, v24;
	v30 =	vand.u32 $0x80000000, v19;
	v19 =	vand.u32 $0x80000000, v20  }
0xc2: {  	v33 =	vshll.u32 v35, $0x2;
	v17 =	vxor.u32 v12, v17;
	v30 =	vxor.u32 v11, v30  }
0xc3: {  	v22 =	vadd.f32 v23, v22;
	v23 =	vshll.u32 v25, $0x2;
	v20 =	vshll.u32 v35, $0x1  }
0xc4: {  	v23 =	vand.u32 $0x80000000, v23;
	v25 =	vand.u32 $0x80000000, v20;
	v20 =	vshll.u32 v14, $0x2  }
0xc5: {  	v21 =	vadd.f32 v21, v16;
	v34 =	vand.u32 $0x80000000, v20;
	v20 =	vxor.u32 v29, v18  }
0xc6: {  	v33 =	vand.u32 $0x80000000, v33;
	v16 =	vxor.u32 v29, v23;
	v35 =	vand.u32 $0x80000000, v35  }
.Ltmp0:
0xc7: {  	v36 =	vadd.f32 v17, v22;
	v17 =	vxor.u32 v29, v24;
	v18 =	vxor.u32 v12, v25;
	(pc) =	sbr.rel @p1 .LBB2_4-.Ltmp0, $4  }
0xc8: {  	v21 =	vadd.f32 v18, v21;
	v23 =	vxor.u32 v11, v34;
	v18 =	vxor.u32 v29, v31  }
0xc9: {  	v22 =	vxor.u32 v11, v26;
	v25 =	vadd.f32 v32, v28;
	v28 =	vxor.u32 v12, v35  }
0xca: {  	v24 =	vadd.f32 v30, v36;
	v26 =	vshll.u32 v13, $0x2;
	v12 =	vxor.u32 v12, v33  }
0xcb: {  	s22 =	sadd.s32 $0x10, s22;
	v26 =	vand.u32 $0x80000000, v26;
	v25 =	vadd.f32 v12, v25;
	v12 =	vadd.f32 v28, v27  }
0xcc: {  	v14 =	vand.u32 $0x80000000, v14  }
0xcd: {  	v19 =	vxor.u32 v10, v19;
	v26 =	vxor.u32 v10, v26;
	v15 =	vxor.u32 v10, v15  }
0xce: {  	v13 =	vand.u32 $0x80000000, v13;
	v23 =	vadd.f32 v23, v25;
	v19 =	vadd.f32 v19, v24  }
0xcf: {  	v11 =	vxor.u32 v11, v14;
	v14 =	vadd.f32 v22, v21;
	v21 =	vor.u32 s7, v0  }
0xd0: {  	v11 =	vadd.f32 v11, v12;
	v12 =	vor.u32 s7, v1;
	v22 =	vadd.f32 v26, v23  }
0xd1: {  	v10 =	vxor.u32 v10, v13;
	v13 =	vadd.f32 v20, v19;
	v14 =	vadd.f32 v15, v14  }
0xd2: {  	v10 =	vadd.f32 v10, v11;
	v11 =	vadd.f32 v16, v22  }
0xd3: {  	[tilespmem:v9+s28+$0x0] =	vst.idx.msk $0xffff, v13;
	v9 =	vadd.f32 v17, v14  }
0xd4: {  	v10 =	vadd.f32 v18, v10;
	[tilespmem:v21+s28+$0x0] =	vst.idx.msk $0xffff, v11  }
0xd5: {  	[tilespmem:v12+s28+$0x0] =	vst.idx.msk $0xffff, v9  }
0xd6: {  	s22 =	simm.s32 $0x1F700;
	[tilespmem:v8+s28+$0x0] =	vst.idx.msk $0xffff, v10  }
0xd7: {  	v8 =	vld [tilespmem:s22+$0x0];
	_ =	sdelay $0x4  }
0xd8: {  	v12 =	vmul.f32 v8, v60;
	v13 =	vmul.f32 v8, v62  }
0xd9: {  	s11 =	simm.s32 $0x30;
	v14 =	vmul.f32 v8, v61  }
0xda: {  	v3 =	vor.u32 s11, v63;
	v10 =	vtrunc.f32 v12;
	v9 =	vtrunc.f32 v13  }
0xdb: {  	v11 =	vtrunc.f32 v14;
	v15 =	vcvt.f32.s32 v9;
	v9 =	vor.u32 s11, v0  }
0xdc: {  	v16 =	vcvt.f32.s32 v10;
	v17 =	vcvt.f32.s32 v11;
	v10 =	vor.u32 s11, v1  }
0xdd: {  	v11 =	vor.u32 s11, v2;
	v18 =	vcvt.s32.f32 v15;
	v15 =	vmul.u32 $0x9E3779B1, v15  }
0xde: {  	v19 =	vcvt.s32.f32 v16;
	v20 =	vcvt.s32.f32 v17;
	v21 =	vadd.s32 $0x1, v17  }
0xdf: {  	v22 =	vmul.u32 $0x9E3779B1, v17;
	v23 =	vadd.s32 $0x1, v16;
	v24 =	vxor.u32 v15, v21  }
0xe0: {  	v19 =	vsub.f32 v12, v19;
	v18 =	vsub.f32 v13, v18;
	v12 =	vxor.u32 v17, v15  }
0xe1: {  	v26 =	vsub.f32 v14, v20;
	v13 =	vadd.s32 $0x9E3779B1, v15;
	v14 =	vxor.u32 v15, v23  }
0xe2: {  	v20 =	vxor.u32 v16, v22;
	v25 =	vxor.u32 v22, v23;
	v15 =	vxor.u32 v16, v15  }
0xe3: {  	v22 =	vadd.s32 $0x9E3779B1, v22;
	v27 =	vxor.u32 $0xFFFFFFFF, v12;
	v28 =	vxor.u32 $0xFFFFFFFF, v24  }
0xe4: {  	v29 =	vxor.u32 $0xFFFFFFFF, v14;
	v24 =	vshrl.u32 v24, $0x3;
	v21 =	vxor.u32 v21, v13  }
0xe5: {  	v30 =	vxor.u32 $0xFFFFFFFF, v15;
	v31 =	vshrl.u32 v12, $0x3;
	v17 =	vxor.u32 v17, v13  }
0xe6: {  	v32 =	vxor.u32 $0xFFFFFFFF, v25;
	v33 =	vshrl.u32 v14, $0x3;
	v34 =	vxor.u32 v23, v13  }
0xe7: {  	v35 =	vxor.u32 $0xFFFFFFFF, v20;
	v15 =	vshrl.u32 v15, $0x3;
	v36 =	vxor.u32 v16, v13  }
0xe8: {  	v20 =	vshrl.u32 v20, $0x3;
	v25 =	vshrl.u32 v25, $0x3;
	v23 =	vxor.u32 v23, v22  }
0xe9: {  	v16 =	vxor.u32 v16, v22;
	v12 =	vmul.f32 v18, v26;
	v22 =	vxor.u32 $0xFFFFFFFF, v21  }
0xea: {  	v13 =	vmul.f32 v18, v19;
	v37 =	vxor.u32 $0xFFFFFFFF, v17;
	v28 =	vshll.u32 v28, $0x2  }
0xeb: {  	v29 =	vshll.u32 v29, $0x2;
	v38 =	vxor.u32 $0xFFFFFFFF, v34;
	v27 =	vshll.u32 v27, $0x2  }
0xec: {  	v14 =	vmul.f32 v26, v19;
	v24 =	vand.u32 $0xFFF, v24;
	v21 =	vshrl.u32 v21, $0x3  }
0xed: {  	v39 =	vsub.f32 $1.000000000e+00, v18;
	v30 =	vshll.u32 v30, $0x2;
	v40 =	vxor.u32 $0xFFFFFFFF, v36  }
0xee: {  	v41 =	vxor.u32 $0xFFFFFFFF, v23;
	v31 =	vand.u32 $0xFFF, v31;
	v17 =	vshrl.u32 v17, $0x3  }
0xef: {  	v42 =	vsub.f32 $1.000000000e+00, v19;
	v32 =	vshll.u32 v32, $0x2;
	v34 =	vshrl.u32 v34, $0x3  }
0xf0: {  	v43 =	vsub.f32 $1.000000000e+00, v26;
	v35 =	vshll.u32 v35, $0x2;
	v33 =	vand.u32 $0xFFF, v33  }
0xf1: {  	[tilespmem:$0x1FFB0] =	vst v3;
	v44 =	vxor.u32 $0xFFFFFFFF, v16;
	v15 =	vand.u32 $0xFFF, v15;
	v36 =	vshrl.u32 v36, $0x3  }
0xf2: {  	[tilespmem:$0x1FFC0] =	vst v0;
	v20 =	vand.u32 $0xFFF, v20;
	v25 =	vand.u32 $0xFFF, v25;
	v23 =	vshrl.u32 v23, $0x3  }
0xf3: {  	[tilespmem:$0x1FFD0] =	vst v1;
	v16 =	vshrl.u32 v16, $0x3;
	v28 =	vand.u32 $0x1C, v28;
	v22 =	vshll.u32 v22, $0x2  }
0xf4: {  	s7 =	simm.s32 $0xB000;
	[tilespmem:$0x1FFE0] =	vst v2;
	v38 =	vshll.u32 v38, $0x2;
	v27 =	vand.u32 $0x1C, v27;
	v37 =	vshll.u32 v37, $0x2  }
0xf5: {  	v40 =	vshll.u32 v40, $0x2;
	v29 =	vand.u32 $0x1C, v29;
	v21 =	vand.u32 $0xFFF, v21;
	v45 =	vld.idx.msk [tilespmem:v24+s7+$0x0], $0xffff  }
0xf6: {  	v41 =	vshll.u32 v41, $0x2;
	v30 =	vand.u32 $0x1C, v30;
	v17 =	vand.u32 $0xFFF, v17;
	v31 =	vld.idx.msk [tilespmem:v31+s7+$0x0], $0xffff  }
0xf7: {  	v35 =	vand.u32 $0x1C, v35;
	v32 =	vand.u32 $0x1C, v32;
	v34 =	vand.u32 $0xFFF, v34;
	v33 =	vld.idx.msk [tilespmem:v33+s7+$0xFFFFC000], $0xffff  }
0xf8: {  	v44 =	vshll.u32 v44, $0x2;
	v47 =	vand.u32 $0xFFF, v23;
	v36 =	vand.u32 $0xFFF, v36;
	v46 =	vld.idx.msk [tilespmem:v15+s7+$0xFFFFC000], $0xffff  }
0xf9: {  	v50 =	vand.u32 $0xFFF, v16;
	v49 =	vand.u32 $0x1C, v22;
	v16 =	vmul.f32 v42, v18;
	v48 =	vld.idx.msk [tilespmem:v25+s7+$0xFFFF8000], $0xffff  }
0xfa: {  	v37 =	vand.u32 $0x1C, v37;
	v23 =	vmul.f32 v39, v19;
	v22 =	vmul.f32 v39, v42;
	v51 =	vld.idx.msk [tilespmem:v20+s7+$0xFFFF8000], $0xffff  }
0xfb: {  	v4 =	vand.u32 $0x1C, v40;
	v5 =	vand.u32 $0x1C, v41;
	v25 =	vmul.f32 v39, v26;
	v52 =	vld.idx.msk [tilespmem:v21+s7+$0x0], $0xffff  }
0xfc: {  	v57 =	vand.u32 $0x1C, v44;
	v24 =	vmul.f32 v39, v43;
	v15 =	vmul.f32 v43, v18  }
0xfd: {  	v18 =	vand.u32 $0x1C, v38;
	v20 =	vmul.f32 v43, v42;
	v21 =	vmul.f32 v43, v19;
	v17 =	vld.idx.msk [tilespmem:v17+s7+$0x0], $0xffff  }
0xfe: {  	v19 =	vmul.f32 v42, v26;
	v31 =	vshll.u32 v31, v27;
	v28 =	vshll.u32 v45, v28  }
0xff: {  	v34 =	vld.idx.msk [tilespmem:v34+s7+$0xFFFFC000], $0xffff;
	v32 =	vshll.u32 v48, v32;
	v30 =	vshll.u32 v46, v30;
	v33 =	vshll.u32 v33, v29  }
0x100: {  	v36 =	vld.idx.msk [tilespmem:v36+s7+$0xFFFFC000], $0xffff;
	v6 =	vshll.u32 v51, v35;
	v58 =	vand.u32 $0x80000000, v28;
	v59 =	vshll.u32 v52, v49  }
0x101: {  	v26 =	vshll.u32 v28, $0x3;
	v27 =	vshll.u32 v28, $0x2;
	v55 =	vshll.u32 v28, $0x1  }
0x102: {  	v7 =	vld.idx.msk [tilespmem:v47+s7+$0xFFFF8000], $0xffff;
	v52 =	vshll.u32 v31, $0x3;
	v56 =	vand.u32 $0x80000000, v31;
	v28 =	vshll.u32 v17, v37  }
0x103: {  	v29 =	vand.u32 $0x80000000, v33;
	v53 =	vshll.u32 v31, $0x2;
	v54 =	vshll.u32 v31, $0x1  }
0x104: {  	v48 =	vshll.u32 v33, $0x3;
	v49 =	vshll.u32 v33, $0x2;
	v47 =	vshll.u32 v34, v18  }
0x105: {  	v17 =	vld.idx.msk [tilespmem:v50+s7+$0xFFFF8000], $0xffff;
	v50 =	vand.u32 $0x80000000, v30;
	v42 =	vshll.u32 v36, v4;
	v51 =	vshll.u32 v33, $0x1  }
0x106: {  	v43 =	vshll.u32 v30, $0x3;
	v44 =	vshll.u32 v30, $0x2;
	v45 =	vshll.u32 v30, $0x1  }
0x107: {  	v35 =	vshll.u32 v32, $0x3;
	v46 =	vand.u32 $0x80000000, v32;
	v34 =	vshll.u32 v7, v5  }
0x108: {  	v36 =	vand.u32 $0x80000000, v6;
	v37 =	vshll.u32 v32, $0x2;
	v38 =	vshll.u32 v32, $0x1  }
0x109: {  	v39 =	vshll.u32 v6, $0x3;
	v40 =	vshll.u32 v6, $0x2;
	v41 =	vshll.u32 v6, $0x1  }
0x10a: {  	v18 =	vxor.u32 v25, v58;
	v32 =	vshll.u32 v59, $0x3;
	v33 =	vshll.u32 v59, $0x2  }
0x10b: {  	s8 =	simm.s32 $0x34;
	v31 =	vshll.u32 v59, $0x1;
	v30 =	vshll.u32 v17, v57;
	v17 =	vand.u32 $0x80000000, v59  }
.LBB2_6:
0x10c: {  	v57 =	vand.u32 $0x80000000, v26;
	v58 =	vand.u32 $0x80000000, v27;
	v55 =	vand.u32 $0x80000000, v55  }
0x10d: {  	v27 =	vxor.u32 v24, v56;
	v56 =	vshll.u32 v28, $0x3;
	v0 =	vand.u32 $0x80000000, v28  }
0x10e: {  	[tilespmem:$0x1FF80] =	vst v9;
	v52 =	vand.u32 $0x80000000, v52;
	v59 =	vshll.u32 v28, $0x2;
	v9 =	vmovc v60;
	v60 =	vshll.u32 v28, $0x1  }
0x10f: {  	[tilespmem:$0x1FF90] =	vst v10;
	v28 =	vand.u32 $0x80000000, v47;
	v53 =	vand.u32 $0x80000000, v53;
	v54 =	vand.u32 $0x80000000, v54  }
0x110: {  	[tilespmem:$0x1FFA0] =	vst v11;
	v29 =	vxor.u32 v23, v29;
	v10 =	vmovc v61;
	v61 =	vshll.u32 v47, $0x3;
	v11 =	vmovc v62;
	v62 =	vshll.u32 v47, $0x2  }
0x111: {  	v48 =	vand.u32 $0x80000000, v48;
	v49 =	vand.u32 $0x80000000, v49;
	v47 =	vshll.u32 v47, $0x1  }
0x112: {  	v50 =	vxor.u32 v22, v50;
	v26 =	vmovc v17;
	v17 =	vand.u32 $0x80000000, v42;
	v51 =	vand.u32 $0x80000000, v51  }
0x113: {  	v1 =	vshll.u32 v42, $0x2;
	v43 =	vand.u32 $0x80000000, v43;
	v44 =	vand.u32 $0x80000000, v44  }
0x114: {  	v45 =	vand.u32 $0x80000000, v45;
	v46 =	vxor.u32 v21, v46;
	v2 =	vshll.u32 v34, $0x3  }
0x115: {  	v3 =	vand.u32 $0x80000000, v34;
	v35 =	vand.u32 $0x80000000, v35;
	v4 =	vshll.u32 v34, $0x2  }
0x116: {  	v34 =	vshll.u32 v34, $0x1;
	v37 =	vand.u32 $0x80000000, v37;
	v38 =	vand.u32 $0x80000000, v38  }
0x117: {  	v39 =	vand.u32 $0x80000000, v39;
	v40 =	vand.u32 $0x80000000, v40;
	v41 =	vand.u32 $0x80000000, v41  }
0x118: {  	v5 =	vshll.u32 v30, $0x3;
	v6 =	vshll.u32 v30, $0x2;
	v7 =	vand.u32 $0x80000000, v30  }
0x119: {  	v8 =	vshll.u32 v30, $0x1;
	v32 =	vand.u32 $0x80000000, v32;
	v30 =	vand.u32 $0x80000000, v33  }
0x11a: {  	v31 =	vand.u32 $0x80000000, v31;
	[tilespmem:$0x1FF70] =	vst v0;
	v0 =	vshll.u32 v42, $0x3;
	v42 =	vshll.u32 v42, $0x1  }
0x11b: {  	v36 =	vxor.u32 v20, v36;
	v33 =	vxor.u32 v25, v57;
	v57 =	vxor.u32 v25, v58  }
0x11c: {  	v56 =	vand.u32 $0x80000000, v56;
	v58 =	vand.u32 $0x80000000, v59;
	v25 =	vxor.u32 v25, v55  }
0x11d: {  	v52 =	vxor.u32 v24, v52;
	v53 =	vxor.u32 v24, v53;
	v55 =	vand.u32 $0x80000000, v60  }
0x11e: {  	v59 =	vand.u32 $0x80000000, v61;
	v60 =	vand.u32 $0x80000000, v62;
	v24 =	vxor.u32 v24, v54  }
0x11f: {  	v48 =	vxor.u32 v23, v48;
	v49 =	vxor.u32 v23, v49;
	v47 =	vand.u32 $0x80000000, v47  }
0x120: {  	v1 =	vand.u32 $0x80000000, v1;
	v23 =	vxor.u32 v23, v51;
	v43 =	vxor.u32 v22, v43  }
0x121: {  	v44 =	vxor.u32 v22, v44;
	v2 =	vand.u32 $0x80000000, v2;
	v4 =	vand.u32 $0x80000000, v4  }
0x122: {  	v22 =	vxor.u32 v22, v45;
	v35 =	vxor.u32 v21, v35;
	v37 =	vxor.u32 v21, v37  }
0x123: {  	v34 =	vand.u32 $0x80000000, v34;
	v39 =	vxor.u32 v20, v39;
	v5 =	vand.u32 $0x80000000, v5  }
0x124: {  	v21 =	vxor.u32 v21, v38;
	v54 =	vxor.u32 v20, v40;
	v6 =	vand.u32 $0x80000000, v6  }
0x125: {  	v8 =	vand.u32 $0x80000000, v8;
	v20 =	vxor.u32 v20, v41;
	v7 =	vxor.u32 v19, v7  }
0x126: {  	v3 =	vxor.u32 v14, v3;
	v0 =	vand.u32 $0x80000000, v0;
	v42 =	vand.u32 $0x80000000, v42  }
0x127: {  	v5 =	vxor.u32 v19, v5;
	v6 =	vxor.u32 v19, v6;
	v8 =	vxor.u32 v19, v8  }
0x128: {  	v7 =	vadd.f32 v7, v36;
	v2 =	vxor.u32 v14, v2;
	v4 =	vxor.u32 v14, v4  }
0x129: {  	s22 =	sadd.s32 $0x10, s22;
	v38 =	vxor.u32 v14, v34;
	v1 =	vxor.u32 v16, v1;
	v45 =	vxor.u32 v13, v47  }
0x12a: {  	v51 =	vld [tilespmem:s22+$0x0];
	v47 =	vxor.u32 v15, v56;
	v5 =	vadd.f32 v5, v39;
	v6 =	vadd.f32 v6, v54  }
0x12b: {  	v8 =	vadd.f32 v8, v20;
	v0 =	vxor.u32 v16, v0;
	v41 =	vxor.u32 v16, v42  }
0x12c: {  	v42 =	vxor.u32 v16, v17;
	v5 =	vadd.f32 v35, v5;
	v6 =	vadd.f32 v37, v6  }
0x12d: {  	v54 =	vxor.u32 v12, v31;
	v8 =	vadd.f32 v21, v8;
	v37 =	vadd.f32 v46, v7  }
0x12e: {  	v46 =	vxor.u32 v13, v28;
	v2 =	vadd.f32 v2, v5;
	v4 =	vadd.f32 v4, v6  }
0x12f: {  	v34 =	vmul.f32 v51, v10;
	v6 =	vadd.f32 v38, v8;
	v3 =	vadd.f32 v3, v37  }
0x130: {  	v38 =	vor.u32 s8, v63;
	v2 =	vadd.f32 v43, v2;
	v4 =	vadd.f32 v44, v4  }
0x131: {  	v39 =	vadd.f32 v22, v6;
	v40 =	vadd.f32 v50, v3;
	v43 =	vxor.u32 v13, v59  }
0x132: {  	v50 =	vld [tilespmem:$0x1FF70];
	v59 =	vmul.f32 v51, v9;
	v0 =	vadd.f32 v0, v2;
	v1 =	vadd.f32 v1, v4  }
0x133: {  	v44 =	vxor.u32 v13, v60;
	v3 =	vadd.f32 v41, v39;
	v2 =	vadd.f32 v42, v40  }
0x134: {  	v36 =	vtrunc.f32 v59;
	v39 =	vtrunc.f32 v34;
	v40 =	vld [tilespmem:$0x1FFC0];
	v0 =	vadd.f32 v48, v0  }
0x135: {  	v41 =	vld [tilespmem:$0x1FFD0];
	v5 =	vcvt.f32.s32 v39;
	v1 =	vadd.f32 v49, v1;
	v3 =	vadd.f32 v23, v3  }
0x136: {  	v2 =	vadd.f32 v29, v2;
	v48 =	vxor.u32 v15, v58;
	v49 =	vxor.u32 v15, v55  }
0x137: {  	v55 =	vxor.u32 v12, v26;
	v4 =	vxor.u32 v15, v50;
	v8 =	vcvt.s32.f32 v5  }
0x138: {  	v13 =	vmul.u32 $0x9E3779B1, v5;
	v0 =	vadd.f32 v43, v0;
	v1 =	vadd.f32 v44, v1  }
0x139: {  	v60 =	vmovc v9;
	v3 =	vadd.f32 v45, v3;
	v2 =	vadd.f32 v46, v2;
	v9 =	vor.u32 s8, v40  }
0x13a: {  	v61 =	vmovc v10;
	v10 =	vor.u32 s8, v41;
	v0 =	vadd.f32 v52, v0;
	v1 =	vadd.f32 v53, v1  }
0x13b: {  	v56 =	vld [tilespmem:$0x1FFB0];
	v3 =	vadd.f32 v24, v3;
	v52 =	vxor.u32 v12, v32;
	v32 =	vmul.f32 v51, v11  }
0x13c: {  	v43 =	vld [tilespmem:$0x1FFE0];
	v2 =	vadd.f32 v27, v2;
	v53 =	vxor.u32 v12, v30;
	v0 =	vadd.f32 v47, v0  }
0x13d: {  	v1 =	vadd.f32 v48, v1;
	v3 =	vadd.f32 v49, v3;
	v37 =	vtrunc.f32 v32  }
0x13e: {  	v2 =	vadd.f32 v4, v2;
	v4 =	vcvt.f32.s32 v37;
	v0 =	vadd.f32 v33, v0  }
0x13f: {  	v12 =	vadd.s32 $0x1, v5;
	v1 =	vadd.f32 v57, v1;
	v3 =	vadd.f32 v25, v3  }
0x140: {  	v2 =	vadd.f32 v18, v2;
	v42 =	vcvt.s32.f32 v4;
	v4 =	vmul.u32 $0x9E3779B1, v4  }
0x141: {  	v62 =	vmovc v11;
	v11 =	vor.u32 s8, v43;
	v0 =	vadd.f32 v52, v0;
	v1 =	vadd.f32 v53, v1  }
0x142: {  	v3 =	vadd.f32 v54, v3;
	v57 =	vadd.f32 v55, v2;
	v15 =	vxor.u32 v4, v12  }
0x143: {  	v2 =	vsub.f32 v32, v42;
	v45 =	vxor.u32 v5, v4;
	v46 =	vadd.s32 $0x9E3779B1, v4  }
0x144: {  	[tilespmem:v56+s28+$0x0] =	vst.idx.msk $0xffff, v0;
	v0 =	vcvt.f32.s32 v36;
	v18 =	vxor.u32 $0xFFFFFFFF, v45;
	v19 =	vxor.u32 $0xFFFFFFFF, v15  }
0x145: {  	v15 =	vshrl.u32 v15, $0x3;
	v21 =	vxor.u32 v12, v46;
	v5 =	vxor.u32 v5, v46  }
0x146: {  	v58 =	vld [tilespmem:$0x1FF80];
	v6 =	vshrl.u32 v45, $0x3;
	v27 =	vxor.u32 $0xFFFFFFFF, v21;
	v28 =	vxor.u32 $0xFFFFFFFF, v5  }
0x147: {  	v33 =	vld [tilespmem:$0x1FF90];
	v19 =	vshll.u32 v19, $0x2;
	v18 =	vshll.u32 v18, $0x2;
	v15 =	vand.u32 $0xFFF, v15  }
0x148: {  	v21 =	vshrl.u32 v21, $0x3;
	v30 =	vsub.f32 $1.000000000e+00, v2;
	v6 =	vand.u32 $0xFFF, v6  }
0x149: {  	v5 =	vshrl.u32 v5, $0x3;
	v44 =	vcvt.s32.f32 v0;
	v14 =	vadd.s32 $0x1, v0  }
0x14a: {  	v16 =	vxor.u32 v0, v13;
	v7 =	vxor.u32 v0, v46;
	v51 =	vand.u32 $0x1C, v19  }
0x14b: {  	v19 =	vshll.u32 v27, $0x2;
	v18 =	vand.u32 $0x1C, v18;
	v28 =	vshll.u32 v28, $0x2  }
0x14c: {  	v5 =	vand.u32 $0xFFF, v5;
	v17 =	vxor.u32 v13, v14;
	v13 =	vadd.s32 $0x9E3779B1, v13  }
0x14d: {  	v24 =	vxor.u32 v14, v46;
	v25 =	vxor.u32 $0xFFFFFFFF, v16;
	v16 =	vshrl.u32 v16, $0x3  }
0x14e: {  	[tilespmem:v58+s28+$0x0] =	vst.idx.msk $0xffff, v1;
	v31 =	vxor.u32 $0xFFFFFFFF, v7;
	v7 =	vshrl.u32 v7, $0x3;
	v58 =	vand.u32 $0x1C, v19  }
0x14f: {  	v28 =	vand.u32 $0x1C, v28;
	[tilespmem:v33+s28+$0x0] =	vst.idx.msk $0xffff, v3;
	v1 =	vsub.f32 v59, v44;
	v3 =	vsub.f32 v34, v8  }
0x150: {  	v35 =	vld [tilespmem:$0x1FFA0];
	v8 =	vxor.u32 v4, v14;
	v4 =	vxor.u32 v0, v4;
	v23 =	vxor.u32 $0xFFFFFFFF, v17  }
0x151: {  	v17 =	vshrl.u32 v17, $0x3;
	v26 =	vxor.u32 v14, v13;
	v0 =	vxor.u32 v0, v13  }
0x152: {  	v29 =	vxor.u32 $0xFFFFFFFF, v24;
	v24 =	vshrl.u32 v24, $0x3;
	v25 =	vshll.u32 v25, $0x2  }
0x153: {  	v16 =	vand.u32 $0xFFF, v16;
	v31 =	vshll.u32 v31, $0x2;
	v7 =	vand.u32 $0xFFF, v7  }
0x154: {  	v20 =	vxor.u32 $0xFFFFFFFF, v8;
	v22 =	vxor.u32 $0xFFFFFFFF, v4;
	v8 =	vshrl.u32 v8, $0x3  }
0x155: {  	v4 =	vshrl.u32 v4, $0x3;
	v47 =	vxor.u32 $0xFFFFFFFF, v26;
	v23 =	vshll.u32 v23, $0x2  }
0x156: {  	v50 =	vxor.u32 $0xFFFFFFFF, v0;
	v17 =	vand.u32 $0xFFF, v17;
	v26 =	vshrl.u32 v26, $0x3  }
0x157: {  	v0 =	vshrl.u32 v0, $0x3;
	v27 =	vshll.u32 v29, $0x2;
	v54 =	vand.u32 $0x1C, v25  }
0x158: {  	s7 =	sadd.s32 $0x1000, s7;
	[tilespmem:v35+s28+$0x0] =	vst.idx.msk $0xffff, v57;
	v56 =	vand.u32 $0xFFF, v24;
	v12 =	vmul.f32 v2, v3;
	v13 =	vmul.f32 v2, v1  }
0x159: {  	v20 =	vshll.u32 v20, $0x2;
	v14 =	vmul.f32 v3, v1;
	v22 =	vshll.u32 v22, $0x2;
	v29 =	vld.idx.msk [tilespmem:v15+s7+$0x0], $0xffff  }
0x15a: {  	v48 =	vsub.f32 $1.000000000e+00, v1;
	v49 =	vsub.f32 $1.000000000e+00, v3;
	v8 =	vand.u32 $0xFFF, v8;
	v6 =	vld.idx.msk [tilespmem:v6+s7+$0x0], $0xffff  }
0x15b: {  	v4 =	vand.u32 $0xFFF, v4;
	v32 =	vshll.u32 v47, $0x2;
	v55 =	vand.u32 $0x1C, v23;
	v5 =	vld.idx.msk [tilespmem:v5+s7+$0x0], $0xffff  }
0x15c: {  	v35 =	vshll.u32 v50, $0x2;
	v26 =	vand.u32 $0xFFF, v26;
	v0 =	vand.u32 $0xFFF, v0;
	v57 =	vld.idx.msk [tilespmem:v16+s7+$0xFFFF8000], $0xffff  }
0x15d: {  	v25 =	vmul.f32 v30, v3;
	v52 =	vand.u32 $0x1C, v20;
	v20 =	vand.u32 $0xFFF, v21;
	v7 =	vld.idx.msk [tilespmem:v7+s7+$0xFFFFC000], $0xffff  }
0x15e: {  	v23 =	vmul.f32 v30, v1;
	v47 =	vand.u32 $0x1C, v27;
	v24 =	vmul.f32 v30, v49;
	v17 =	vld.idx.msk [tilespmem:v17+s7+$0xFFFF8000], $0xffff  }
0x15f: {  	v15 =	vmul.f32 v49, v2;
	v21 =	vmul.f32 v49, v1;
	v1 =	vand.u32 $0x1C, v31;
	v31 =	vld.idx.msk [tilespmem:v56+s7+$0xFFFFC000], $0xffff  }
0x160: {  	v53 =	vand.u32 $0x1C, v22;
	v22 =	vmul.f32 v30, v48;
	v19 =	vmul.f32 v48, v3;
	v8 =	vld.idx.msk [tilespmem:v8+s7+$0xFFFFC000], $0xffff  }
0x161: {  	v3 =	vand.u32 $0x1C, v32;
	v30 =	vand.u32 $0x1C, v35;
	v16 =	vmul.f32 v48, v2;
	v4 =	vld.idx.msk [tilespmem:v4+s7+$0xFFFFC000], $0xffff  }
0x162: {  	v6 =	vshll.u32 v6, v18;
	v18 =	vshll.u32 v29, v51;
	v59 =	vld.idx.msk [tilespmem:v20+s7+$0x0], $0xffff;
	v20 =	vmul.f32 v49, v48  }
0x163: {  	v39 =	vld.idx.msk [tilespmem:v26+s7+$0xFFFF8000], $0xffff;
	v33 =	vand.u32 $0x80000000, v18;
	v26 =	vshll.u32 v18, $0x3;
	v27 =	vshll.u32 v18, $0x2  }
0x164: {  	v56 =	vand.u32 $0x80000000, v6;
	v28 =	vshll.u32 v5, v28;
	v32 =	vshll.u32 v57, v54  }
0x165: {  	v54 =	vshll.u32 v6, $0x1;
	v42 =	vshll.u32 v7, v1;
	v17 =	vshll.u32 v17, v55  }
0x166: {  	v0 =	vld.idx.msk [tilespmem:v0+s7+$0xFFFF8000], $0xffff;
	v55 =	vshll.u32 v18, $0x1;
	v47 =	vshll.u32 v31, v47;
	v36 =	vand.u32 $0x80000000, v32  }
0x167: {  	v40 =	vshll.u32 v32, $0x2;
	v41 =	vshll.u32 v32, $0x1;
	v18 =	vxor.u32 v25, v33  }
0x168: {  	v4 =	vshll.u32 v4, v53;
	v8 =	vshll.u32 v8, v52;
	v52 =	vshll.u32 v6, $0x3  }
0x169: {  	v53 =	vshll.u32 v6, $0x2;
	v35 =	vshll.u32 v17, $0x3;
	v46 =	vand.u32 $0x80000000, v17  }
0x16a: {  	p1 =	sne.s32 s8, $0x3C;
	[tilespmem:$0x1FFB0] =	vst v38;
	v34 =	vshll.u32 v39, v3;
	v37 =	vshll.u32 v17, $0x2;
	v38 =	vshll.u32 v17, $0x1  }
.Ltmp1:
0x16b: {  	v39 =	vshll.u32 v32, $0x3;
	v30 =	vshll.u32 v0, v30;
	v57 =	vshll.u32 v59, v58;
	(pc) =	sbr.rel @p1 .LBB2_6-.Ltmp1, $4  }
0x16c: {  	v29 =	vand.u32 $0x80000000, v8;
	v48 =	vshll.u32 v8, $0x3;
	v49 =	vshll.u32 v8, $0x2  }
0x16d: {  	v50 =	vand.u32 $0x80000000, v4;
	v51 =	vshll.u32 v8, $0x1;
	v43 =	vshll.u32 v4, $0x3  }
0x16e: {  	v44 =	vshll.u32 v4, $0x2;
	v45 =	vshll.u32 v4, $0x1;
	v17 =	vand.u32 $0x80000000, v57  }
0x16f: {  	s8 =	sadd.s32 $0x4, s8;
	v32 =	vshll.u32 v57, $0x3;
	v33 =	vshll.u32 v57, $0x2;
	v31 =	vshll.u32 v57, $0x1  }
0x170: {  	v0 =	vand.u32 $0x80000000, v26;
	v1 =	vand.u32 $0x80000000, v27;
	v2 =	vand.u32 $0x80000000, v55  }
0x171: {  	v3 =	vxor.u32 v24, v56;
	v4 =	vshll.u32 v28, $0x3;
	v5 =	vand.u32 $0x80000000, v28  }
0x172: {  	v6 =	vand.u32 $0x80000000, v52;
	v7 =	vshll.u32 v28, $0x2;
	v8 =	vshll.u32 v28, $0x1  }
0x173: {  	v26 =	vand.u32 $0x80000000, v47;
	v27 =	vand.u32 $0x80000000, v53;
	v28 =	vand.u32 $0x80000000, v54  }
0x174: {  	v29 =	vxor.u32 v23, v29;
	v52 =	vshll.u32 v47, $0x3;
	v53 =	vshll.u32 v47, $0x2  }
0x175: {  	v48 =	vand.u32 $0x80000000, v48;
	v49 =	vand.u32 $0x80000000, v49;
	v47 =	vshll.u32 v47, $0x1  }
0x176: {  	v50 =	vxor.u32 v22, v50;
	v54 =	vand.u32 $0x80000000, v42;
	v51 =	vand.u32 $0x80000000, v51  }
0x177: {  	v55 =	vshll.u32 v42, $0x3;
	v56 =	vshll.u32 v42, $0x2;
	v42 =	vshll.u32 v42, $0x1  }
0x178: {  	v43 =	vand.u32 $0x80000000, v43;
	v44 =	vand.u32 $0x80000000, v44;
	v45 =	vand.u32 $0x80000000, v45  }
0x179: {  	v46 =	vxor.u32 v21, v46;
	v57 =	vshll.u32 v34, $0x3;
	v58 =	vand.u32 $0x80000000, v34  }
0x17a: {  	v35 =	vand.u32 $0x80000000, v35;
	v59 =	vshll.u32 v34, $0x2;
	v34 =	vshll.u32 v34, $0x1  }
0x17b: {  	v36 =	vxor.u32 v20, v36;
	v37 =	vand.u32 $0x80000000, v37;
	v38 =	vand.u32 $0x80000000, v38  }
0x17c: {  	v39 =	vand.u32 $0x80000000, v39;
	v40 =	vand.u32 $0x80000000, v40;
	v41 =	vand.u32 $0x80000000, v41  }
0x17d: {  	v60 =	vshll.u32 v30, $0x3;
	v61 =	vshll.u32 v30, $0x2;
	v62 =	vand.u32 $0x80000000, v30  }
0x17e: {  	v30 =	vshll.u32 v30, $0x1;
	v32 =	vand.u32 $0x80000000, v32;
	v33 =	vand.u32 $0x80000000, v33  }
0x17f: {  	v31 =	vand.u32 $0x80000000, v31;
	v0 =	vxor.u32 v25, v0;
	v1 =	vxor.u32 v25, v1  }
0x180: {  	v4 =	vand.u32 $0x80000000, v4;
	v7 =	vand.u32 $0x80000000, v7;
	v2 =	vxor.u32 v25, v2  }
0x181: {  	v6 =	vxor.u32 v24, v6;
	v25 =	vxor.u32 v24, v27;
	v8 =	vand.u32 $0x80000000, v8  }
0x182: {  	v27 =	vand.u32 $0x80000000, v52;
	v52 =	vand.u32 $0x80000000, v53;
	v24 =	vxor.u32 v24, v28  }
0x183: {  	v28 =	vxor.u32 v23, v48;
	v48 =	vxor.u32 v23, v49;
	v47 =	vand.u32 $0x80000000, v47  }
0x184: {  	v49 =	vand.u32 $0x80000000, v55;
	v53 =	vand.u32 $0x80000000, v56;
	v23 =	vxor.u32 v23, v51  }
0x185: {  	v43 =	vxor.u32 v22, v43;
	v44 =	vxor.u32 v22, v44;
	v42 =	vand.u32 $0x80000000, v42  }
0x186: {  	v51 =	vand.u32 $0x80000000, v57;
	v55 =	vand.u32 $0x80000000, v59;
	v22 =	vxor.u32 v22, v45  }
0x187: {  	v35 =	vxor.u32 v21, v35;
	v37 =	vxor.u32 v21, v37;
	v34 =	vand.u32 $0x80000000, v34  }
0x188: {  	v39 =	vxor.u32 v20, v39;
	v59 =	vand.u32 $0x80000000, v60;
	v21 =	vxor.u32 v21, v38  }
0x189: {  	v60 =	vxor.u32 v20, v40;
	v56 =	vand.u32 $0x80000000, v61;
	v63 =	vxor.u32 v19, v59  }
0x18a: {  	v30 =	vand.u32 $0x80000000, v30;
	v57 =	vxor.u32 v19, v56;
	v39 =	vadd.f32 v63, v39  }
0x18b: {  	v59 =	vxor.u32 v20, v41;
	v30 =	vxor.u32 v19, v30;
	v38 =	vadd.f32 v57, v60  }
0x18c: {  	v20 =	vadd.f32 v30, v59;
	v60 =	vxor.u32 v19, v62;
	v61 =	vadd.f32 v35, v39  }
0x18d: {  	v63 =	vxor.u32 v14, v51;
	v19 =	vadd.f32 v60, v36;
	v62 =	vadd.f32 v37, v38  }
0x18e: {  	v20 =	vadd.f32 v21, v20;
	v39 =	vxor.u32 v14, v55;
	v38 =	vadd.f32 v63, v61  }
0x18f: {  	v34 =	vxor.u32 v14, v34;
	v19 =	vadd.f32 v46, v19;
	v30 =	vadd.f32 v39, v62  }
0x190: {  	v40 =	vxor.u32 v14, v58;
	v20 =	vadd.f32 v34, v20;
	v21 =	vadd.f32 v43, v38  }
0x191: {  	v14 =	vadd.f32 v40, v19;
	v41 =	vadd.f32 v44, v30;
	v43 =	vxor.u32 v16, v49  }
0x192: {  	v20 =	vadd.f32 v22, v20;
	v44 =	vxor.u32 v16, v53;
	v21 =	vadd.f32 v43, v21  }
0x193: {  	v45 =	vxor.u32 v16, v42;
	v14 =	vadd.f32 v50, v14;
	v19 =	vadd.f32 v44, v41  }
0x194: {  	v46 =	vxor.u32 v16, v54;
	v20 =	vadd.f32 v45, v20;
	v21 =	vadd.f32 v28, v21  }
0x195: {  	v50 =	vxor.u32 v13, v27;
	v14 =	vadd.f32 v46, v14;
	v49 =	vadd.f32 v48, v19  }
0x196: {  	v51 =	vxor.u32 v13, v52;
	v20 =	vadd.f32 v23, v20;
	v19 =	vadd.f32 v50, v21  }
0x197: {  	v52 =	vxor.u32 v13, v47;
	v14 =	vadd.f32 v29, v14;
	v16 =	vadd.f32 v51, v49  }
0x198: {  	v62 =	vld [tilespmem:$0x1FFB0];
	v53 =	vxor.u32 v13, v26;
	v20 =	vadd.f32 v52, v20;
	v6 =	vadd.f32 v6, v19  }
0x199: {  	v4 =	vxor.u32 v15, v4;
	v13 =	vadd.f32 v53, v14;
	v54 =	vadd.f32 v25, v16  }
0x19a: {  	v56 =	vxor.u32 v15, v7;
	v55 =	vadd.f32 v24, v20;
	v4 =	vadd.f32 v4, v6  }
0x19b: {  	v57 =	vxor.u32 v15, v8;
	v3 =	vadd.f32 v3, v13;
	v6 =	vadd.f32 v56, v54  }
0x19c: {  	v5 =	vxor.u32 v15, v5;
	v7 =	vadd.f32 v57, v55;
	v0 =	vadd.f32 v0, v4  }
0x19d: {  	s21 =	sadd.s32 $0x1, s21;
	v58 =	vxor.u32 v12, v32;
	v3 =	vadd.f32 v5, v3;
	v1 =	vadd.f32 v1, v6  }
0x19e: {  	p1 =	sne.s32 s21, $0x10;
	v59 =	vxor.u32 v12, v33;
	v2 =	vadd.f32 v2, v7;
	v0 =	vadd.f32 v58, v0  }
.Ltmp2:
0x19f: {  	v60 =	vxor.u32 v12, v31;
	v3 =	vadd.f32 v18, v3;
	v1 =	vadd.f32 v59, v1;
	(pc) =	sbr.rel @p1 .LBB2_3-.Ltmp2, $4  }
0x1a0: {  	v61 =	vxor.u32 v12, v17;
	v2 =	vadd.f32 v60, v2;
	[tilespmem:v62+s28+$0x0] =	vst.idx.msk $0xffff, v0  }
0x1a1: {  	v63 =	vadd.f32 v61, v3;
	[tilespmem:v9+s28+$0x0] =	vst.idx.msk $0xffff, v1  }
0x1a2: {  	[tilespmem:v10+s28+$0x0] =	vst.idx.msk $0xffff, v2  }
0x1a3: {  	[tilespmem:v11+s28+$0x0] =	vst.idx.msk $0xffff, v63  }
0x1a4: {  	s7 =	sshll.u32 s1, $0xD  }
0x1a5: {  	p1 =	seq.s32 s1, $0xF;
	s7 =	sadd.s32 s7, s13  }
0x1a6: {  	[hbm4b:s7+s2] =	stream.linear.scatter [tilespmem:s28], [sflag:$0x3], $0x8000, $0x38;
	[tilespmem:$0x1F780] =	vst v63  }
0x1a7: {  	s7 =	sadd.s32 @!p1 s19, s14  }
0x1a8: {  	s7 =	sshrl.u32 @!p1 s7, $0x3  }
0x1a9: {  	s10 =	simm.s32 @!p1 $0x0;
	s11 =	simm.s32 @!p1 $0xF000;
	s8 =	sadd.s32 @!p1 s3, s7  }
0x1aa: {  	[tilespmem:s11], [sflag:$0x1] =	stream.linear.gather @!p1 [hbm4b:s8+s10], $0x100, $0x38;
	[tilespmem:$0x1F780] =	vst v63  }
0x1ab: {  	s8 =	sadd.s32 @!p1 s5, s7;
	s11 =	simm.s32 @!p1 $0xF100  }
0x1ac: {  	[tilespmem:s11], [sflag:$0x1] =	stream.linear.gather @!p1 [hbm4b:s8+s10], $0x100, $0x38;
	[tilespmem:$0x1F780] =	vst v63  }
0x1ad: {  	s7 =	sadd.s32 @!p1 s6, s7;
	s8 =	simm.s32 @!p1 $0xF200  }
0x1ae: {  	[tilespmem:s8], [sflag:$0x1] =	stream.linear.gather @!p1 [hbm4b:s7+s10], $0x100, $0x38;
	[tilespmem:$0x1F780] =	vst v63  }
0x1af: {  	_ =	swait.ge [sflag:s29], $0x100  }
0x1b0: {  	[sflag:s29] =	ssyncset.done $0x0  }
0x1b1: {  	[sflag:s29] =	ssyncadd.s32 $0xFFFFFF00  }
0x1b2: {  	_ =	swait.ge [sflag:s29], $0x100  }
0x1b3: {  	[sflag:s29] =	ssyncset.done $0x0  }
0x1b4: {  	[sflag:s29] =	ssyncadd.s32 $0xFFFFFF00  }
0x1b5: {  	_ =	swait.ge [sflag:s29], $0x100  }
0x1b6: {  	[sflag:s29] =	ssyncset.done $0x0  }
0x1b7: {  	s7 =	simm.s32 @!p0 $0x4;
	[sflag:s29] =	ssyncadd.s32 $0xFFFFFF00  }
0x1b8: {  	_ =	swait.ge @!p0 [sflag:s7], $0x8000  }
0x1b9: {  	[sflag:s7] =	ssyncset.done @!p0 $0x0  }
0x1ba: {  	s20 =	simm.s32 $0x0;
	s19 =	simm.s32 $0x0;
	[sflag:s7] =	ssyncadd.s32 @!p0 $0xFFFF8000  }
.LBB2_9:
0x1bb: {  	s7 =	sshll.u32 s20, $0x4  }
0x1bc: {  	v0 =	vld [tilespmem:s7+$0xF300]  }
0x1bd: {  	v2 =	vld [tilespmem:s7+$0xF400]  }
0x1be: {  	v3 =	vld [tilespmem:s7+$0xF500]  }
0x1bf: {  	s8 =	simm.s32 $0x1F600  }
0x1c0: {  	v5 =	vld [tilespmem:s8+$0x0]  }
0x1c1: {  	v1 =	vld [tilespmem:$0x1FFF0]  }
0x1c2: {  	v0 =	vmax.f32 v0, $0.0e+00  }
0x1c3: {  	v3 =	vmax.f32 v3, $0.0e+00;
	v60 =	vmin.f32 v0, $9.998999830e-01;
	v0 =	vmax.f32 v2, $0.0e+00  }
0x1c4: {  	v62 =	vmin.f32 v3, $9.998999830e-01;
	v61 =	vmin.f32 v0, $9.998999830e-01;
	v0 =	vmov s7  }
0x1c5: {  	v11 =	vmul.f32 v5, v62;
	v0 =	vshll.u32 v0, $0x7;
	v10 =	vmul.f32 v5, v61  }
0x1c6: {  	v63 =	vor.u32 v1, v0;
	v0 =	vmul.f32 v5, v60  }
0x1c7: {  	v8 =	vtrunc.f32 v11;
	v1 =	vor.u32 $0x1, v63;
	v7 =	vtrunc.f32 v10  }
0x1c8: {  	v2 =	vor.u32 $0x2, v63;
	v8 =	vcvt.f32.s32 v8;
	v3 =	vor.u32 $0x3, v63  }
0x1c9: {  	v9 =	vor.u32 s19, v63;
	v12 =	vcvt.f32.s32 v7;
	v13 =	vtrunc.f32 v0  }
0x1ca: {  	v13 =	vcvt.f32.s32 v13;
	v15 =	vmul.u32 $0x30025795, v8;
	v16 =	vcvt.s32.f32 v8  }
0x1cb: {  	v8 =	vor.u32 s19, v3;
	v14 =	vmul.u32 $0x9E3779B1, v12;
	v12 =	vcvt.s32.f32 v12  }
0x1cc: {  	v18 =	vadd.s32 $0x30025795, v15;
	v24 =	vcvt.s32.f32 v13;
	v16 =	vsub.f32 v11, v16  }
0x1cd: {  	v17 =	vadd.s32 $0x9E3779B1, v14;
	v19 =	vxor.u32 v13, v14;
	v12 =	vsub.f32 v10, v12  }
0x1ce: {  	v10 =	vxor.u32 v15, v19;
	v19 =	vxor.u32 v18, v19;
	v20 =	vxor.u32 v13, v17  }
0x1cf: {  	v13 =	vadd.s32 $0x1, v13;
	v0 =	vsub.f32 v0, v24;
	v27 =	vsub.f32 $1.000000000e+00, v16  }
0x1d0: {  	v21 =	vshrl.u32 v10, $0x3;
	v22 =	vshrl.u32 v19, $0x3;
	v23 =	vsub.f32 $1.000000000e+00, v12  }
0x1d1: {  	v11 =	vxor.u32 v15, v20;
	v25 =	vxor.u32 $0xFFFFFFFF, v10;
	v17 =	vxor.u32 v13, v17  }
0x1d2: {  	v13 =	vxor.u32 v14, v13;
	v19 =	vxor.u32 $0xFFFFFFFF, v19;
	v20 =	vxor.u32 v18, v20  }
0x1d3: {  	v21 =	vand.u32 $0x3FF, v21;
	v22 =	vand.u32 $0x3FF, v22;
	v26 =	vxor.u32 $0xFFFFFFFF, v11  }
0x1d4: {  	v24 =	vshrl.u32 v11, $0x3;
	v10 =	vxor.u32 v15, v17;
	v11 =	vsub.f32 $1.000000000e+00, v0  }
0x1d5: {  	v14 =	vmul.f32 v12, v0;
	v17 =	vxor.u32 v18, v17;
	v32 =	vshrl.u32 v20, $0x3  }
0x1d6: {  	v20 =	vxor.u32 $0xFFFFFFFF, v20;
	v18 =	vxor.u32 v18, v13;
	v19 =	vshll.u32 v19, $0x2  }
0x1d7: {  	v13 =	vxor.u32 v15, v13;
	v28 =	vshrl.u32 v10, $0x3;
	v29 =	vxor.u32 $0xFFFFFFFF, v10  }
0x1d8: {  	v0 =	vmul.f32 v23, v0;
	v31 =	vshrl.u32 v17, $0x3;
	v24 =	vand.u32 $0x3FF, v24  }
0x1d9: {  	v19 =	vand.u32 $0x1C, v19;
	v32 =	vand.u32 $0x3FF, v32;
	v43 =	vxor.u32 $0xFFFFFFFF, v13  }
0x1da: {  	v20 =	vshll.u32 v20, $0x2;
	v13 =	vshrl.u32 v13, $0x3;
	v10 =	vmul.f32 v27, v14  }
0x1db: {  	v17 =	vxor.u32 $0xFFFFFFFF, v17;
	v23 =	vmul.f32 v23, v11;
	v30 =	vmul.f32 v11, v12;
	v21 =	vld.idx.msk [tilespmem:v21+s19+$0x0], $0xffff  }
0x1dc: {  	v12 =	vshll.u32 v25, $0x2;
	v25 =	vshll.u32 v29, $0x2;
	v31 =	vand.u32 $0x3FF, v31;
	v22 =	vld.idx.msk [tilespmem:v22+s19+$0x0], $0xffff  }
0x1dd: {  	v20 =	vand.u32 $0x1C, v20;
	v13 =	vand.u32 $0x3FF, v13;
	v37 =	vmul.f32 v14, v16  }
0x1de: {  	v17 =	vshll.u32 v17, $0x2;
	v50 =	vshll.u32 v43, $0x2;
	v11 =	vmul.f32 v0, v16  }
0x1df: {  	v42 =	vand.u32 $0x1C, v12;
	v12 =	vmul.f32 v0, v27;
	v17 =	vand.u32 $0x1C, v17  }
0x1e0: {  	v0 =	vshll.u32 v21, v42;
	v21 =	vand.u32 $0x1C, v25;
	v25 =	vmul.f32 v23, v27  }
0x1e1: {  	v27 =	vmul.f32 v30, v27;
	v23 =	vmul.f32 v23, v16;
	v19 =	vshll.u32 v22, v19  }
0x1e2: {  	v22 =	vshll.u32 v26, $0x2;
	v26 =	vshrl.u32 v18, $0x3;
	v18 =	vxor.u32 $0xFFFFFFFF, v18  }
0x1e3: {  	v16 =	vmul.f32 v30, v16;
	v29 =	vshll.u32 v0, $0x3;
	v33 =	vshll.u32 v0, $0x1  }
0x1e4: {  	v24 =	vld.idx.msk [tilespmem:v24+s19+$0x0], $0xffff;
	v34 =	vshll.u32 v0, $0x2;
	v0 =	vand.u32 $0x80000000, v0;
	v22 =	vand.u32 $0x1C, v22  }
0x1e5: {  	v31 =	vld.idx.msk [tilespmem:v31+s19+$0x0], $0xffff;
	v35 =	vshll.u32 v19, $0x3;
	v36 =	vand.u32 $0x80000000, v19;
	v26 =	vand.u32 $0x3FF, v26  }
0x1e6: {  	v18 =	vshll.u32 v18, $0x2;
	v44 =	vshll.u32 v19, $0x2;
	v19 =	vshll.u32 v19, $0x1  }
0x1e7: {  	v29 =	vand.u32 $0x80000000, v29;
	v15 =	vand.u32 $0x80000000, v34;
	v0 =	vxor.u32 v25, v0  }
0x1e8: {  	v35 =	vand.u32 $0x80000000, v35;
	v33 =	vand.u32 $0x80000000, v33;
	v36 =	vxor.u32 v23, v36  }
0x1e9: {  	v45 =	vand.u32 $0x80000000, v44;
	v22 =	vshll.u32 v24, v22;
	v19 =	vand.u32 $0x80000000, v19  }
0x1ea: {  	v17 =	vshll.u32 v31, v17;
	v29 =	vxor.u32 v25, v29;
	v15 =	vxor.u32 v25, v15  }
0x1eb: {  	v25 =	vxor.u32 v25, v33;
	v14 =	vxor.u32 v23, v35;
	v30 =	vxor.u32 v23, v45  }
0x1ec: {  	v13 =	vld.idx.msk [tilespmem:v13+s19+$0x0], $0xffff;
	v46 =	vshll.u32 v22, $0x3;
	v47 =	vand.u32 $0x80000000, v22;
	v49 =	vshll.u32 v22, $0x2  }
0x1ed: {  	v22 =	vshll.u32 v22, $0x1;
	v19 =	vxor.u32 v23, v19;
	v23 =	vand.u32 $0x3FF, v28  }
0x1ee: {  	v24 =	vld.idx.msk [tilespmem:v32+s19+$0x0], $0xffff;
	v0 =	vadd.f32 v36, v0;
	v33 =	vand.u32 $0x1C, v50;
	v54 =	vand.u32 $0x80000000, v17  }
0x1ef: {  	v31 =	vshll.u32 v17, $0x1;
	v15 =	vadd.f32 v30, v15;
	v14 =	vadd.f32 v14, v29  }
0x1f0: {  	v48 =	vxor.u32 v27, v47;
	v22 =	vand.u32 $0x80000000, v22;
	v51 =	vand.u32 $0x80000000, v46  }
0x1f1: {  	v33 =	vshll.u32 v13, v33;
	v19 =	vadd.f32 v19, v25;
	v13 =	vxor.u32 v27, v22  }
0x1f2: {  	v0 =	vadd.f32 v48, v0;
	v28 =	vxor.u32 v27, v51;
	v55 =	vshll.u32 v33, $0x2  }
0x1f3: {  	v58 =	vand.u32 $0x80000000, v33;
	v28 =	vadd.f32 v28, v14;
	v20 =	vshll.u32 v24, v20  }
0x1f4: {  	v14 =	vand.u32 $0x80000000, v49;
	v30 =	vand.u32 $0x80000000, v55;
	v24 =	vshll.u32 v20, $0x3  }
0x1f5: {  	v26 =	vld.idx.msk [tilespmem:v26+s19+$0x0], $0xffff;
	v52 =	vand.u32 $0x80000000, v20;
	v53 =	vshll.u32 v20, $0x2;
	v20 =	vshll.u32 v20, $0x1  }
0x1f6: {  	v23 =	vld.idx.msk [tilespmem:v23+s19+$0x0], $0xffff;
	v24 =	vand.u32 $0x80000000, v24;
	v25 =	vand.u32 $0x80000000, v53;
	v20 =	vand.u32 $0x80000000, v20  }
0x1f7: {  	v22 =	vxor.u32 v16, v24;
	v24 =	vxor.u32 v16, v52;
	v25 =	vxor.u32 v16, v25  }
0x1f8: {  	v16 =	vxor.u32 v16, v20;
	v0 =	vadd.f32 v24, v0;
	v24 =	vshll.u32 v17, $0x3  }
0x1f9: {  	v22 =	vadd.f32 v22, v28;
	v17 =	vshll.u32 v17, $0x2;
	v20 =	vand.u32 $0x80000000, v24  }
0x1fa: {  	v24 =	vadd.f32 v13, v19;
	v13 =	vand.u32 $0x1C, v18;
	v18 =	vxor.u32 v27, v14  }
0x1fb: {  	v17 =	vand.u32 $0x80000000, v17;
	v14 =	vshll.u32 v26, v13;
	v13 =	vshll.u32 v23, v21  }
0x1fc: {  	v26 =	vadd.f32 v18, v15;
	v18 =	vshll.u32 v33, $0x3;
	v20 =	vxor.u32 v37, v20  }
0x1fd: {  	v19 =	vshll.u32 v14, $0x3;
	v21 =	vshll.u32 v14, $0x1;
	v23 =	vshll.u32 v13, $0x1  }
0x1fe: {  	v18 =	vand.u32 $0x80000000, v18;
	v57 =	vshll.u32 v14, $0x2;
	v24 =	vadd.f32 v16, v24  }
0x1ff: {  	v16 =	vxor.u32 v37, v17;
	v15 =	vand.u32 $0x80000000, v23;
	v27 =	vand.u32 $0x80000000, v21  }
0x200: {  	v21 =	vshll.u32 v13, $0x3;
	v23 =	vand.u32 $0x80000000, v19;
	v18 =	vxor.u32 v12, v18  }
0x201: {  	v28 =	vand.u32 $0x80000000, v57;
	v25 =	vadd.f32 v25, v26;
	v26 =	vxor.u32 v12, v58  }
0x202: {  	v19 =	vand.u32 $0x80000000, v21;
	v21 =	vand.u32 $0x80000000, v31;
	v56 =	vxor.u32 v11, v23  }
0x203: {  	v23 =	vshll.u32 v33, $0x1;
	v59 =	vadd.f32 v18, v22;
	v22 =	vxor.u32 v11, v27  }
0x204: {  	v27 =	vshll.u32 v13, $0x2;
	v23 =	vand.u32 $0x80000000, v23;
	v17 =	vxor.u32 v37, v21  }
0x205: {  	v18 =	vxor.u32 v12, v23;
	v23 =	vxor.u32 v11, v28;
	v12 =	vxor.u32 v12, v30  }
0x206: {  	s21 =	simm.s32 $0x1F610;
	v21 =	vadd.f32 v18, v24;
	v18 =	vxor.u32 v37, v54;
	v24 =	vadd.f32 v56, v59  }
0x207: {  	s10 =	simm.s32 $0x0;
	s8 =	simm.s32 $0x4;
	s7 =	simm.s32 $0x0;
	v25 =	vadd.f32 v12, v25;
	v12 =	vadd.f32 v26, v0;
	v26 =	vand.u32 $0x80000000, v27  }
.LBB2_10:
0x208: {  	p0 =	sne.s32 s8, $0x2C  }
0x209: {  	v0 =	vld [tilespmem:s21+$0x0];
	v14 =	vand.u32 $0x80000000, v14;
	v19 =	vxor.u32 v10, v19;
	v26 =	vxor.u32 v10, v26;
	s10 =	sadd.s32 $0x400, s10;
	s11 =	smov.u32 s8;
	s8 =	sadd.s32 $0x4, s8  }
0x20a: {  	v15 =	vxor.u32 v10, v15;
	v23 =	vadd.f32 v23, v25;
	v19 =	vadd.f32 v19, v24  }
0x20b: {  	v13 =	vand.u32 $0x80000000, v13;
	v24 =	vor.u32 s11, v63;
	v11 =	vxor.u32 v11, v14  }
0x20c: {  	v10 =	vxor.u32 v10, v13;
	v14 =	vadd.f32 v26, v23;
	v13 =	vadd.f32 v20, v19  }
0x20d: {  	v11 =	vadd.f32 v11, v12;
	v12 =	vor.u32 s7, v1;
	v19 =	vadd.f32 v22, v21  }
0x20e: {  	v20 =	vmul.f32 v0, v61;
	v21 =	vmul.f32 v0, v62;
	[tilespmem:v9+s30+$0x0] =	vst.idx.msk $0xffff, v13;
	v13 =	vor.u32 s7, v2;
	s7 =	smov.u32 s11  }
0x20f: {  	v10 =	vadd.f32 v10, v11;
	v0 =	vmul.f32 v0, v60;
	v15 =	vadd.f32 v15, v19;
	v9 =	vmovc v24  }
0x210: {  	v14 =	vadd.f32 v16, v14;
	v11 =	vtrunc.f32 v20;
	v19 =	vtrunc.f32 v21  }
0x211: {  	v15 =	vadd.f32 v17, v15;
	v11 =	vcvt.f32.s32 v11;
	v16 =	vcvt.f32.s32 v19  }
0x212: {  	v10 =	vadd.f32 v18, v10;
	v17 =	vtrunc.f32 v0;
	[tilespmem:v12+s30+$0x0] =	vst.idx.msk $0xffff, v14  }
0x213: {  	v12 =	vcvt.f32.s32 v17;
	v14 =	vmul.u32 $0x9E3779B1, v11;
	v17 =	vmul.u32 $0x30025795, v16;
	[tilespmem:v13+s30+$0x0] =	vst.idx.msk $0xffff, v15  }
0x214: {  	v11 =	vcvt.s32.f32 v11;
	v13 =	vcvt.s32.f32 v16;
	[tilespmem:v8+s30+$0x0] =	vst.idx.msk $0xffff, v10;
	v8 =	vor.u32 s7, v3  }
0x215: {  	v10 =	vadd.s32 $0x9E3779B1, v14;
	v15 =	vadd.s32 $0x30025795, v17;
	v16 =	vxor.u32 v12, v14  }
0x216: {  	v11 =	vsub.f32 v20, v11;
	v18 =	vxor.u32 v17, v16;
	v16 =	vxor.u32 v15, v16  }
0x217: {  	v19 =	vxor.u32 v12, v10;
	v20 =	vshrl.u32 v18, $0x3;
	v22 =	vshrl.u32 v16, $0x3  }
0x218: {  	v23 =	vsub.f32 $1.000000000e+00, v11;
	v20 =	vand.u32 $0x3FF, v20;
	v22 =	vand.u32 $0x3FF, v22  }
0x219: {  	v24 =	vcvt.s32.f32 v12;
	v21 =	vsub.f32 v21, v13;
	v13 =	vxor.u32 v17, v19  }
0x21a: {  	v12 =	vadd.s32 $0x1, v12;
	v18 =	vxor.u32 $0xFFFFFFFF, v18;
	v25 =	vxor.u32 $0xFFFFFFFF, v13  }
0x21b: {  	v0 =	vsub.f32 v0, v24;
	v24 =	vxor.u32 v12, v10;
	v26 =	vshrl.u32 v13, $0x3  }
0x21c: {  	v27 =	vsub.f32 $1.000000000e+00, v21;
	v14 =	vxor.u32 v14, v12;
	v10 =	vxor.u32 v17, v24  }
0x21d: {  	v12 =	vsub.f32 $1.000000000e+00, v0;
	v28 =	vmul.f32 v11, v0;
	v13 =	vld.idx.msk [tilespmem:v20+s10+$0x0], $0xffff;
	v20 =	vshrl.u32 v10, $0x3  }
0x21e: {  	v16 =	vxor.u32 $0xFFFFFFFF, v16;
	v19 =	vxor.u32 v15, v19;
	v29 =	vxor.u32 $0xFFFFFFFF, v10  }
0x21f: {  	v24 =	vxor.u32 v15, v24;
	v0 =	vmul.f32 v23, v0;
	v10 =	vmul.f32 v27, v28  }
0x220: {  	v31 =	vshrl.u32 v24, $0x3;
	v23 =	vmul.f32 v23, v12;
	v30 =	vmul.f32 v12, v11;
	v22 =	vld.idx.msk [tilespmem:v22+s10+$0x0], $0xffff  }
0x221: {  	v12 =	vshll.u32 v18, $0x2;
	v18 =	vshll.u32 v29, $0x2;
	v11 =	vmul.f32 v0, v21  }
0x222: {  	v32 =	vshrl.u32 v19, $0x3;
	v29 =	vand.u32 $0x1C, v12;
	v12 =	vmul.f32 v0, v27  }
0x223: {  	v19 =	vxor.u32 $0xFFFFFFFF, v19;
	v0 =	vshll.u32 v13, v29;
	v13 =	vand.u32 $0x1C, v18  }
0x224: {  	v31 =	vand.u32 $0x3FF, v31;
	v18 =	vmul.f32 v23, v27;
	v29 =	vshll.u32 v0, $0x3  }
0x225: {  	v26 =	vand.u32 $0x3FF, v26;
	v33 =	vshll.u32 v0, $0x1;
	v29 =	vand.u32 $0x80000000, v29  }
0x226: {  	v15 =	vxor.u32 v15, v14;
	v27 =	vmul.f32 v30, v27;
	v29 =	vxor.u32 v18, v29  }
0x227: {  	v16 =	vshll.u32 v16, $0x2;
	v14 =	vxor.u32 v17, v14;
	v34 =	vshll.u32 v0, $0x2  }
0x228: {  	v16 =	vand.u32 $0x1C, v16;
	v0 =	vand.u32 $0x80000000, v0;
	v17 =	vand.u32 $0x80000000, v34  }
0x229: {  	v23 =	vmul.f32 v23, v21;
	v0 =	vxor.u32 v18, v0;
	v17 =	vxor.u32 v18, v17  }
0x22a: {  	v16 =	vshll.u32 v22, v16;
	v22 =	vshll.u32 v25, $0x2;
	v25 =	vshrl.u32 v15, $0x3  }
0x22b: {  	v32 =	vand.u32 $0x3FF, v32;
	v34 =	vxor.u32 $0xFFFFFFFF, v14;
	v22 =	vand.u32 $0x1C, v22  }
0x22c: {  	v19 =	vshll.u32 v19, $0x2;
	v14 =	vshrl.u32 v14, $0x3;
	v35 =	vshll.u32 v16, $0x3;
	v26 =	vld.idx.msk [tilespmem:v26+s10+$0x0], $0xffff  }
0x22d: {  	v36 =	vand.u32 $0x80000000, v16;
	v25 =	vand.u32 $0x3FF, v25;
	v35 =	vand.u32 $0x80000000, v35  }
0x22e: {  	v19 =	vand.u32 $0x1C, v19;
	v33 =	vand.u32 $0x80000000, v33;
	v15 =	vxor.u32 $0xFFFFFFFF, v15  }
0x22f: {  	v18 =	vxor.u32 v18, v33;
	v14 =	vand.u32 $0x3FF, v14;
	v15 =	vshll.u32 v15, $0x2  }
0x230: {  	v28 =	vmul.f32 v28, v21;
	v33 =	vshll.u32 v16, $0x2;
	v36 =	vxor.u32 v23, v36  }
0x231: {  	v24 =	vxor.u32 $0xFFFFFFFF, v24;
	v21 =	vmul.f32 v30, v21;
	v35 =	vxor.u32 v23, v35  }
0x232: {  	v24 =	vshll.u32 v24, $0x2;
	v30 =	vand.u32 $0x80000000, v33;
	v22 =	vshll.u32 v26, v22;
	v26 =	vld.idx.msk [tilespmem:v32+s10+$0x0], $0xffff  }
0x233: {  	v16 =	vshll.u32 v16, $0x1;
	v30 =	vxor.u32 v23, v30;
	v32 =	vshll.u32 v22, $0x3  }
0x234: {  	v24 =	vand.u32 $0x1C, v24;
	v17 =	vadd.f32 v30, v17;
	v30 =	vand.u32 $0x80000000, v22;
	v14 =	vld.idx.msk [tilespmem:v14+s10+$0x0], $0xffff  }
0x235: {  	v16 =	vand.u32 $0x80000000, v16;
	v29 =	vadd.f32 v35, v29;
	v30 =	vxor.u32 v27, v30  }
0x236: {  	v34 =	vshll.u32 v34, $0x2;
	v33 =	vshll.u32 v22, $0x2;
	v22 =	vshll.u32 v22, $0x1;
	v31 =	vld.idx.msk [tilespmem:v31+s10+$0x0], $0xffff  }
0x237: {  	v20 =	vand.u32 $0x3FF, v20;
	v16 =	vxor.u32 v23, v16;
	v22 =	vand.u32 $0x80000000, v22  }
0x238: {  	v0 =	vadd.f32 v36, v0;
	v23 =	vand.u32 $0x80000000, v32;
	v19 =	vshll.u32 v26, v19  }
0x239: {  	v34 =	vand.u32 $0x1C, v34;
	v26 =	vshll.u32 v19, $0x3;
	v32 =	vand.u32 $0x80000000, v19  }
0x23a: {  	v35 =	vshll.u32 v19, $0x2;
	v26 =	vand.u32 $0x80000000, v26;
	v34 =	vshll.u32 v14, v34  }
0x23b: {  	v14 =	vxor.u32 v27, v22;
	v22 =	vxor.u32 v21, v26;
	v26 =	vxor.u32 v21, v32;
	v25 =	vld.idx.msk [tilespmem:v25+s10+$0x0], $0xffff  }
0x23c: {  	v0 =	vadd.f32 v30, v0;
	v19 =	vshll.u32 v19, $0x1;
	v24 =	vshll.u32 v31, v24;
	v20 =	vld.idx.msk [tilespmem:v20+s10+$0x0], $0xffff  }
0x23d: {  	v16 =	vadd.f32 v16, v18;
	v18 =	vand.u32 $0x80000000, v35;
	v30 =	vand.u32 $0x80000000, v24  }
0x23e: {  	v31 =	vxor.u32 v21, v18;
	v0 =	vadd.f32 v26, v0;
	v18 =	vshll.u32 v24, $0x3  }
0x23f: {  	v23 =	vxor.u32 v27, v23;
	v19 =	vand.u32 $0x80000000, v19;
	v26 =	vshll.u32 v24, $0x1  }
0x240: {  	v23 =	vadd.f32 v23, v29;
	v21 =	vxor.u32 v21, v19;
	v18 =	vand.u32 $0x80000000, v18  }
0x241: {  	v16 =	vadd.f32 v14, v16;
	v14 =	vand.u32 $0x1C, v15;
	v19 =	vand.u32 $0x80000000, v33  }
0x242: {  	v15 =	vxor.u32 v27, v19;
	v14 =	vshll.u32 v25, v14;
	v13 =	vshll.u32 v20, v13  }
0x243: {  	v19 =	vshll.u32 v14, $0x3;
	v20 =	vshll.u32 v14, $0x1;
	v25 =	vshll.u32 v13, $0x1  }
0x244: {  	v27 =	vadd.f32 v15, v17;
	v17 =	vshll.u32 v34, $0x3;
	v15 =	vand.u32 $0x80000000, v25  }
0x245: {  	v17 =	vand.u32 $0x80000000, v17;
	v25 =	vand.u32 $0x80000000, v20;
	v20 =	vshll.u32 v13, $0x3  }
0x246: {  	v26 =	vand.u32 $0x80000000, v26;
	v29 =	vand.u32 $0x80000000, v19;
	v19 =	vand.u32 $0x80000000, v20  }
0x247: {  	v32 =	vshll.u32 v34, $0x2;
	v17 =	vxor.u32 v12, v17;
	v29 =	vxor.u32 v11, v29  }
0x248: {  	v22 =	vadd.f32 v22, v23;
	v23 =	vshll.u32 v24, $0x2;
	v20 =	vshll.u32 v34, $0x1  }
0x249: {  	v23 =	vand.u32 $0x80000000, v23;
	v24 =	vand.u32 $0x80000000, v20;
	v20 =	vshll.u32 v14, $0x2  }
0x24a: {  	v21 =	vadd.f32 v21, v16;
	v33 =	vand.u32 $0x80000000, v20;
	v20 =	vxor.u32 v28, v18  }
0x24b: {  	v32 =	vand.u32 $0x80000000, v32;
	v16 =	vxor.u32 v28, v23;
	v34 =	vand.u32 $0x80000000, v34  }
.Ltmp3:
0x24c: {  	v35 =	vadd.f32 v17, v22;
	v17 =	vxor.u32 v28, v26;
	v18 =	vxor.u32 v12, v24;
	(pc) =	sbr.rel @p0 .LBB2_10-.Ltmp3, $4  }
0x24d: {  	v21 =	vadd.f32 v18, v21;
	v23 =	vxor.u32 v11, v33;
	v18 =	vxor.u32 v28, v30  }
0x24e: {  	v26 =	vadd.f32 v31, v27;
	v22 =	vxor.u32 v11, v25;
	v27 =	vxor.u32 v12, v34  }
0x24f: {  	v12 =	vxor.u32 v12, v32;
	v24 =	vadd.f32 v29, v35;
	v28 =	vshll.u32 v13, $0x2  }
0x250: {  	s21 =	sadd.s32 $0x10, s21;
	v25 =	vadd.f32 v12, v26;
	v12 =	vadd.f32 v27, v0;
	v26 =	vand.u32 $0x80000000, v28  }
0x251: {  	v0 =	vand.u32 $0x80000000, v14  }
0x252: {  	v14 =	vxor.u32 v10, v19;
	v19 =	vxor.u32 v10, v26;
	v15 =	vxor.u32 v10, v15  }
0x253: {  	v23 =	vadd.f32 v23, v25;
	v14 =	vadd.f32 v14, v24;
	v0 =	vxor.u32 v11, v0  }
0x254: {  	v11 =	vand.u32 $0x80000000, v13;
	v13 =	vadd.f32 v22, v21;
	v21 =	vor.u32 s7, v1  }
0x255: {  	v0 =	vadd.f32 v0, v12;
	v12 =	vor.u32 s7, v2;
	v19 =	vadd.f32 v19, v23  }
0x256: {  	v10 =	vxor.u32 v10, v11;
	v11 =	vadd.f32 v20, v14;
	v13 =	vadd.f32 v15, v13  }
0x257: {  	v0 =	vadd.f32 v10, v0;
	v10 =	vadd.f32 v16, v19  }
0x258: {  	[tilespmem:v9+s30+$0x0] =	vst.idx.msk $0xffff, v11;
	v9 =	vadd.f32 v17, v13  }
0x259: {  	v0 =	vadd.f32 v18, v0;
	[tilespmem:v21+s30+$0x0] =	vst.idx.msk $0xffff, v10  }
0x25a: {  	[tilespmem:v12+s30+$0x0] =	vst.idx.msk $0xffff, v9  }
0x25b: {  	s21 =	simm.s32 $0x1F700;
	[tilespmem:v8+s30+$0x0] =	vst.idx.msk $0xffff, v0  }
0x25c: {  	v0 =	vld [tilespmem:s21+$0x0];
	_ =	sdelay $0x4  }
0x25d: {  	v12 =	vmul.f32 v0, v60;
	v13 =	vmul.f32 v0, v62  }
0x25e: {  	s22 =	simm.s32 $0x30;
	v0 =	vmul.f32 v0, v61  }
0x25f: {  	v4 =	vor.u32 s22, v63;
	v10 =	vtrunc.f32 v12;
	v9 =	vtrunc.f32 v13  }
0x260: {  	v11 =	vtrunc.f32 v0;
	v14 =	vcvt.f32.s32 v9;
	v9 =	vor.u32 s22, v1  }
0x261: {  	v15 =	vcvt.f32.s32 v10;
	v16 =	vcvt.f32.s32 v11;
	v10 =	vor.u32 s22, v2  }
0x262: {  	v11 =	vor.u32 s22, v3;
	v17 =	vcvt.s32.f32 v14;
	v14 =	vmul.u32 $0x9E3779B1, v14  }
0x263: {  	v18 =	vcvt.s32.f32 v15;
	v19 =	vcvt.s32.f32 v16;
	v20 =	vadd.s32 $0x1, v16  }
0x264: {  	v21 =	vmul.u32 $0x9E3779B1, v16;
	v22 =	vadd.s32 $0x1, v15;
	v23 =	vxor.u32 v14, v20  }
0x265: {  	v18 =	vsub.f32 v12, v18;
	v17 =	vsub.f32 v13, v17;
	v12 =	vxor.u32 v16, v14  }
0x266: {  	v0 =	vsub.f32 v0, v19;
	v13 =	vadd.s32 $0x9E3779B1, v14;
	v19 =	vxor.u32 v14, v22  }
0x267: {  	v24 =	vxor.u32 v15, v21;
	v25 =	vxor.u32 v21, v22;
	v14 =	vxor.u32 v15, v14  }
0x268: {  	v21 =	vadd.s32 $0x9E3779B1, v21;
	v26 =	vxor.u32 $0xFFFFFFFF, v12;
	v27 =	vxor.u32 $0xFFFFFFFF, v23  }
0x269: {  	v28 =	vxor.u32 $0xFFFFFFFF, v19;
	v23 =	vshrl.u32 v23, $0x3;
	v20 =	vxor.u32 v20, v13  }
0x26a: {  	v29 =	vxor.u32 $0xFFFFFFFF, v14;
	v30 =	vshrl.u32 v12, $0x3;
	v16 =	vxor.u32 v16, v13  }
0x26b: {  	v31 =	vxor.u32 $0xFFFFFFFF, v25;
	v19 =	vshrl.u32 v19, $0x3;
	v32 =	vxor.u32 v22, v13  }
0x26c: {  	v33 =	vxor.u32 $0xFFFFFFFF, v24;
	v34 =	vshrl.u32 v14, $0x3;
	v35 =	vxor.u32 v15, v13  }
0x26d: {  	v24 =	vshrl.u32 v24, $0x3;
	v25 =	vshrl.u32 v25, $0x3;
	v22 =	vxor.u32 v22, v21  }
0x26e: {  	v15 =	vxor.u32 v15, v21;
	v12 =	vmul.f32 v17, v0;
	v21 =	vxor.u32 $0xFFFFFFFF, v20  }
0x26f: {  	v13 =	vmul.f32 v17, v18;
	v36 =	vxor.u32 $0xFFFFFFFF, v16;
	v27 =	vshll.u32 v27, $0x2  }
0x270: {  	v28 =	vshll.u32 v28, $0x2;
	v37 =	vxor.u32 $0xFFFFFFFF, v32;
	v26 =	vshll.u32 v26, $0x2  }
0x271: {  	v14 =	vmul.f32 v0, v18;
	v23 =	vand.u32 $0xFFF, v23;
	v20 =	vshrl.u32 v20, $0x3  }
0x272: {  	v38 =	vsub.f32 $1.000000000e+00, v17;
	v29 =	vshll.u32 v29, $0x2;
	v39 =	vxor.u32 $0xFFFFFFFF, v35  }
0x273: {  	v40 =	vxor.u32 $0xFFFFFFFF, v22;
	v30 =	vand.u32 $0xFFF, v30;
	v16 =	vshrl.u32 v16, $0x3  }
0x274: {  	v41 =	vsub.f32 $1.000000000e+00, v18;
	v31 =	vshll.u32 v31, $0x2;
	v32 =	vshrl.u32 v32, $0x3  }
0x275: {  	v42 =	vsub.f32 $1.000000000e+00, v0;
	v33 =	vshll.u32 v33, $0x2;
	v19 =	vand.u32 $0xFFF, v19  }
0x276: {  	[tilespmem:$0x1FF30] =	vst v4;
	v43 =	vxor.u32 $0xFFFFFFFF, v15;
	v34 =	vand.u32 $0xFFF, v34;
	v35 =	vshrl.u32 v35, $0x3  }
0x277: {  	[tilespmem:$0x1FF40] =	vst v1;
	v24 =	vand.u32 $0xFFF, v24;
	v25 =	vand.u32 $0xFFF, v25;
	v22 =	vshrl.u32 v22, $0x3  }
0x278: {  	[tilespmem:$0x1FF50] =	vst v2;
	v15 =	vshrl.u32 v15, $0x3;
	v27 =	vand.u32 $0x1C, v27;
	v21 =	vshll.u32 v21, $0x2  }
0x279: {  	s7 =	simm.s32 $0xB000;
	[tilespmem:$0x1FF60] =	vst v3;
	v37 =	vshll.u32 v37, $0x2;
	v26 =	vand.u32 $0x1C, v26;
	v36 =	vshll.u32 v36, $0x2  }
0x27a: {  	v39 =	vshll.u32 v39, $0x2;
	v28 =	vand.u32 $0x1C, v28;
	v20 =	vand.u32 $0xFFF, v20;
	v44 =	vld.idx.msk [tilespmem:v23+s7+$0x0], $0xffff  }
0x27b: {  	v40 =	vshll.u32 v40, $0x2;
	v29 =	vand.u32 $0x1C, v29;
	v45 =	vand.u32 $0xFFF, v16;
	v30 =	vld.idx.msk [tilespmem:v30+s7+$0x0], $0xffff  }
0x27c: {  	v33 =	vand.u32 $0x1C, v33;
	v31 =	vand.u32 $0x1C, v31;
	v32 =	vand.u32 $0xFFF, v32;
	v46 =	vld.idx.msk [tilespmem:v19+s7+$0xFFFFC000], $0xffff  }
0x27d: {  	v43 =	vshll.u32 v43, $0x2;
	v47 =	vand.u32 $0xFFF, v22;
	v35 =	vand.u32 $0xFFF, v35;
	v34 =	vld.idx.msk [tilespmem:v34+s7+$0xFFFFC000], $0xffff  }
0x27e: {  	v50 =	vand.u32 $0xFFF, v15;
	v49 =	vand.u32 $0x1C, v21;
	v15 =	vmul.f32 v42, v17;
	v48 =	vld.idx.msk [tilespmem:v25+s7+$0xFFFF8000], $0xffff  }
0x27f: {  	v36 =	vand.u32 $0x1C, v36;
	v16 =	vmul.f32 v41, v17;
	v17 =	vand.u32 $0x1C, v37;
	v51 =	vld.idx.msk [tilespmem:v24+s7+$0xFFFF8000], $0xffff  }
0x280: {  	v21 =	vmul.f32 v42, v18;
	v22 =	vmul.f32 v38, v41;
	v4 =	vand.u32 $0x1C, v40;
	v52 =	vld.idx.msk [tilespmem:v20+s7+$0x0], $0xffff  }
0x281: {  	v57 =	vand.u32 $0x1C, v43;
	v25 =	vmul.f32 v38, v0;
	v24 =	vmul.f32 v38, v42  }
0x282: {  	v23 =	vmul.f32 v38, v18;
	v18 =	vand.u32 $0x1C, v39;
	v19 =	vmul.f32 v41, v0;
	v45 =	vld.idx.msk [tilespmem:v45+s7+$0x0], $0xffff  }
0x283: {  	v20 =	vmul.f32 v42, v41;
	v30 =	vshll.u32 v30, v26;
	v5 =	vshll.u32 v44, v27  }
0x284: {  	v32 =	vld.idx.msk [tilespmem:v32+s7+$0xFFFFC000], $0xffff;
	v31 =	vshll.u32 v48, v31;
	v34 =	vshll.u32 v34, v29;
	v6 =	vshll.u32 v46, v28  }
0x285: {  	v35 =	vld.idx.msk [tilespmem:v35+s7+$0xFFFFC000], $0xffff;
	v33 =	vshll.u32 v51, v33;
	v58 =	vand.u32 $0x80000000, v5;
	v59 =	vshll.u32 v52, v49  }
0x286: {  	v26 =	vshll.u32 v5, $0x3;
	v27 =	vshll.u32 v5, $0x2;
	v55 =	vshll.u32 v5, $0x1  }
0x287: {  	v7 =	vld.idx.msk [tilespmem:v47+s7+$0xFFFF8000], $0xffff;
	v52 =	vshll.u32 v30, $0x3;
	v56 =	vand.u32 $0x80000000, v30;
	v28 =	vshll.u32 v45, v36  }
0x288: {  	v29 =	vand.u32 $0x80000000, v6;
	v53 =	vshll.u32 v30, $0x2;
	v54 =	vshll.u32 v30, $0x1  }
0x289: {  	v48 =	vshll.u32 v6, $0x3;
	v49 =	vshll.u32 v6, $0x2;
	v47 =	vshll.u32 v32, v17  }
0x28a: {  	v17 =	vld.idx.msk [tilespmem:v50+s7+$0xFFFF8000], $0xffff;
	v50 =	vand.u32 $0x80000000, v34;
	v42 =	vshll.u32 v35, v18;
	v51 =	vshll.u32 v6, $0x1  }
0x28b: {  	v43 =	vshll.u32 v34, $0x3;
	v44 =	vshll.u32 v34, $0x2;
	v45 =	vshll.u32 v34, $0x1  }
0x28c: {  	v35 =	vshll.u32 v31, $0x3;
	v46 =	vand.u32 $0x80000000, v31;
	v34 =	vshll.u32 v7, v4  }
0x28d: {  	v36 =	vand.u32 $0x80000000, v33;
	v37 =	vshll.u32 v31, $0x2;
	v38 =	vshll.u32 v31, $0x1  }
0x28e: {  	v39 =	vshll.u32 v33, $0x3;
	v40 =	vshll.u32 v33, $0x2;
	v41 =	vshll.u32 v33, $0x1  }
0x28f: {  	v18 =	vxor.u32 v25, v58;
	v32 =	vshll.u32 v59, $0x3;
	v33 =	vshll.u32 v59, $0x2  }
0x290: {  	s8 =	simm.s32 $0x34;
	v31 =	vshll.u32 v59, $0x1;
	v30 =	vshll.u32 v17, v57;
	v17 =	vand.u32 $0x80000000, v59  }
.LBB2_12:
0x291: {  	v0 =	vand.u32 $0x80000000, v26;
	v57 =	vand.u32 $0x80000000, v27;
	v55 =	vand.u32 $0x80000000, v55  }
0x292: {  	v27 =	vxor.u32 v24, v56;
	v56 =	vshll.u32 v28, $0x3;
	v1 =	vand.u32 $0x80000000, v28  }
0x293: {  	v52 =	vand.u32 $0x80000000, v52;
	v58 =	vshll.u32 v28, $0x2;
	v59 =	vshll.u32 v28, $0x1  }
0x294: {  	[tilespmem:$0x1FF00] =	vst v9;
	v28 =	vand.u32 $0x80000000, v47;
	v53 =	vand.u32 $0x80000000, v53;
	v54 =	vand.u32 $0x80000000, v54  }
0x295: {  	[tilespmem:$0x1FF10] =	vst v10;
	v29 =	vxor.u32 v23, v29;
	v9 =	vmovc v60;
	v60 =	vshll.u32 v47, $0x3;
	v10 =	vmovc v61;
	v61 =	vshll.u32 v47, $0x2  }
0x296: {  	v48 =	vand.u32 $0x80000000, v48;
	v49 =	vand.u32 $0x80000000, v49;
	v47 =	vshll.u32 v47, $0x1  }
0x297: {  	[tilespmem:$0x1FF20] =	vst v11;
	v50 =	vxor.u32 v22, v50;
	v11 =	vand.u32 $0x80000000, v42;
	v51 =	vand.u32 $0x80000000, v51  }
0x298: {  	v26 =	vmovc v17;
	v17 =	vmovc v63;
	v63 =	vshll.u32 v42, $0x3;
	v43 =	vand.u32 $0x80000000, v43;
	v44 =	vand.u32 $0x80000000, v44  }
0x299: {  	v45 =	vand.u32 $0x80000000, v45;
	v46 =	vxor.u32 v21, v46;
	v2 =	vshll.u32 v34, $0x3  }
0x29a: {  	v3 =	vand.u32 $0x80000000, v34;
	v35 =	vand.u32 $0x80000000, v35;
	v4 =	vshll.u32 v34, $0x2  }
0x29b: {  	v34 =	vshll.u32 v34, $0x1;
	v37 =	vand.u32 $0x80000000, v37;
	v38 =	vand.u32 $0x80000000, v38  }
0x29c: {  	v39 =	vand.u32 $0x80000000, v39;
	v40 =	vand.u32 $0x80000000, v40;
	v41 =	vand.u32 $0x80000000, v41  }
0x29d: {  	v5 =	vshll.u32 v30, $0x3;
	v6 =	vshll.u32 v30, $0x2;
	v7 =	vand.u32 $0x80000000, v30  }
0x29e: {  	v8 =	vshll.u32 v30, $0x1;
	v32 =	vand.u32 $0x80000000, v32;
	v30 =	vand.u32 $0x80000000, v33  }
0x29f: {  	v31 =	vand.u32 $0x80000000, v31;
	[tilespmem:$0x1FEF0] =	vst v1;
	v1 =	vshll.u32 v42, $0x2;
	v42 =	vshll.u32 v42, $0x1  }
0x2a0: {  	v36 =	vxor.u32 v20, v36;
	v0 =	vxor.u32 v25, v0;
	v33 =	vxor.u32 v25, v57  }
0x2a1: {  	v56 =	vand.u32 $0x80000000, v56;
	v57 =	vand.u32 $0x80000000, v58;
	v25 =	vxor.u32 v25, v55  }
0x2a2: {  	v52 =	vxor.u32 v24, v52;
	v53 =	vxor.u32 v24, v53;
	v55 =	vand.u32 $0x80000000, v59  }
0x2a3: {  	v58 =	vand.u32 $0x80000000, v60;
	v59 =	vand.u32 $0x80000000, v61;
	v24 =	vxor.u32 v24, v54  }
0x2a4: {  	v48 =	vxor.u32 v23, v48;
	v49 =	vxor.u32 v23, v49;
	v47 =	vand.u32 $0x80000000, v47  }
0x2a5: {  	v54 =	vand.u32 $0x80000000, v63;
	v23 =	vxor.u32 v23, v51;
	v43 =	vxor.u32 v22, v43  }
0x2a6: {  	v44 =	vxor.u32 v22, v44;
	v2 =	vand.u32 $0x80000000, v2;
	v4 =	vand.u32 $0x80000000, v4  }
0x2a7: {  	v22 =	vxor.u32 v22, v45;
	v35 =	vxor.u32 v21, v35;
	v37 =	vxor.u32 v21, v37  }
0x2a8: {  	v34 =	vand.u32 $0x80000000, v34;
	v39 =	vxor.u32 v20, v39;
	v5 =	vand.u32 $0x80000000, v5  }
0x2a9: {  	v21 =	vxor.u32 v21, v38;
	v51 =	vxor.u32 v20, v40;
	v6 =	vand.u32 $0x80000000, v6  }
0x2aa: {  	v8 =	vand.u32 $0x80000000, v8;
	v20 =	vxor.u32 v20, v41;
	v7 =	vxor.u32 v19, v7  }
0x2ab: {  	v3 =	vxor.u32 v14, v3;
	v38 =	vor.u32 s8, v17;
	v5 =	vxor.u32 v19, v5  }
0x2ac: {  	v1 =	vand.u32 $0x80000000, v1;
	v6 =	vxor.u32 v19, v6;
	v5 =	vadd.f32 v5, v39  }
0x2ad: {  	v8 =	vxor.u32 v19, v8;
	v7 =	vadd.f32 v7, v36;
	v6 =	vadd.f32 v6, v51  }
0x2ae: {  	v42 =	vand.u32 $0x80000000, v42;
	v8 =	vadd.f32 v8, v20;
	v5 =	vadd.f32 v35, v5  }
0x2af: {  	v2 =	vxor.u32 v14, v2;
	v4 =	vxor.u32 v14, v4;
	v6 =	vadd.f32 v37, v6  }
0x2b0: {  	v40 =	vxor.u32 v14, v34;
	v8 =	vadd.f32 v21, v8;
	v2 =	vadd.f32 v2, v5  }
0x2b1: {  	v41 =	vxor.u32 v16, v54;
	v39 =	vadd.f32 v46, v7;
	v4 =	vadd.f32 v4, v6  }
0x2b2: {  	v45 =	vxor.u32 v13, v58;
	v6 =	vadd.f32 v40, v8;
	v2 =	vadd.f32 v43, v2  }
0x2b3: {  	v47 =	vxor.u32 v13, v47;
	v3 =	vadd.f32 v3, v39;
	v4 =	vadd.f32 v44, v4  }
0x2b4: {  	v1 =	vxor.u32 v16, v1;
	v6 =	vadd.f32 v22, v6;
	v2 =	vadd.f32 v41, v2  }
0x2b5: {  	v3 =	vadd.f32 v50, v3;
	v43 =	vxor.u32 v16, v42;
	v1 =	vadd.f32 v1, v4  }
0x2b6: {  	v44 =	vxor.u32 v16, v11;
	v4 =	vadd.f32 v43, v6;
	v2 =	vadd.f32 v48, v2  }
0x2b7: {  	v54 =	vxor.u32 v12, v32;
	v3 =	vadd.f32 v44, v3;
	v1 =	vadd.f32 v49, v1  }
0x2b8: {  	v58 =	vld [tilespmem:$0x1FF30];
	v46 =	vxor.u32 v13, v59;
	v4 =	vadd.f32 v23, v4;
	v2 =	vadd.f32 v45, v2  }
0x2b9: {  	v51 =	vxor.u32 v15, v55;
	v43 =	vld [tilespmem:$0x1FF60];
	v3 =	vadd.f32 v29, v3;
	v1 =	vadd.f32 v46, v1  }
0x2ba: {  	s21 =	sadd.s32 $0x10, s21;
	v55 =	vxor.u32 v12, v30;
	v4 =	vadd.f32 v47, v4;
	v2 =	vadd.f32 v52, v2;
	v52 =	vld [tilespmem:$0x1FEF0]  }
0x2bb: {  	v50 =	vxor.u32 v15, v57;
	v48 =	vxor.u32 v13, v28;
	v1 =	vadd.f32 v53, v1;
	v53 =	vld [tilespmem:s21+$0x0]  }
0x2bc: {  	v7 =	vld [tilespmem:$0x1FF00];
	v49 =	vxor.u32 v15, v56;
	v3 =	vadd.f32 v48, v3;
	v4 =	vadd.f32 v24, v4  }
0x2bd: {  	v34 =	vld [tilespmem:$0x1FF10];
	v57 =	vxor.u32 v12, v26;
	v2 =	vadd.f32 v49, v2;
	v1 =	vadd.f32 v50, v1  }
0x2be: {  	v56 =	vxor.u32 v12, v31;
	v3 =	vadd.f32 v27, v3;
	v4 =	vadd.f32 v51, v4  }
0x2bf: {  	v40 =	vld [tilespmem:$0x1FF40];
	v11 =	vor.u32 s8, v43;
	v0 =	vadd.f32 v0, v2;
	v1 =	vadd.f32 v33, v1  }
0x2c0: {  	v41 =	vld [tilespmem:$0x1FF50];
	v4 =	vadd.f32 v25, v4;
	v5 =	vxor.u32 v15, v52;
	v32 =	vmul.f32 v53, v9  }
0x2c1: {  	v33 =	vmul.f32 v53, v62;
	v2 =	vmul.f32 v53, v10;
	v0 =	vadd.f32 v54, v0  }
0x2c2: {  	v3 =	vadd.f32 v5, v3;
	v1 =	vadd.f32 v55, v1;
	v36 =	vtrunc.f32 v32  }
0x2c3: {  	v4 =	vadd.f32 v56, v4;
	v37 =	vtrunc.f32 v33;
	v39 =	vtrunc.f32 v2;
	[tilespmem:v58+s30+$0x0] =	vst.idx.msk $0xffff, v0  }
0x2c4: {  	v3 =	vadd.f32 v18, v3;
	v0 =	vcvt.f32.s32 v36;
	v5 =	vcvt.f32.s32 v39;
	[tilespmem:v7+s30+$0x0] =	vst.idx.msk $0xffff, v1  }
0x2c5: {  	v60 =	vmovc v9;
	v61 =	vmovc v10;
	v9 =	vor.u32 s8, v40;
	v10 =	vor.u32 s8, v41;
	[tilespmem:v34+s30+$0x0] =	vst.idx.msk $0xffff, v4;
	v4 =	vcvt.f32.s32 v37  }
0x2c6: {  	v59 =	vadd.f32 v57, v3;
	v44 =	vcvt.s32.f32 v0;
	v8 =	vcvt.s32.f32 v5  }
0x2c7: {  	v12 =	vadd.s32 $0x1, v5;
	v13 =	vmul.u32 $0x9E3779B1, v5;
	v14 =	vadd.s32 $0x1, v0  }
0x2c8: {  	v42 =	vcvt.s32.f32 v4;
	v4 =	vmul.u32 $0x9E3779B1, v4;
	v1 =	vsub.f32 v32, v44  }
0x2c9: {  	v63 =	vmovc v17;
	v2 =	vsub.f32 v2, v8;
	v16 =	vxor.u32 v0, v13;
	v17 =	vxor.u32 v13, v14  }
0x2ca: {  	v13 =	vadd.s32 $0x9E3779B1, v13;
	v23 =	vxor.u32 $0xFFFFFFFF, v17;
	v25 =	vxor.u32 $0xFFFFFFFF, v16  }
0x2cb: {  	v16 =	vshrl.u32 v16, $0x3;
	v17 =	vshrl.u32 v17, $0x3;
	v26 =	vxor.u32 v14, v13  }
0x2cc: {  	v15 =	vxor.u32 v4, v12;
	v3 =	vsub.f32 v33, v42;
	v45 =	vxor.u32 v5, v4  }
0x2cd: {  	v46 =	vadd.s32 $0x9E3779B1, v4;
	v8 =	vxor.u32 v4, v14;
	v4 =	vxor.u32 v0, v4  }
0x2ce: {  	v47 =	vxor.u32 $0xFFFFFFFF, v26;
	v48 =	vsub.f32 $1.000000000e+00, v1;
	v23 =	vshll.u32 v23, $0x2  }
0x2cf: {  	v49 =	vsub.f32 $1.000000000e+00, v2;
	v25 =	vshll.u32 v25, $0x2;
	v16 =	vand.u32 $0xFFF, v16  }
0x2d0: {  	v17 =	vand.u32 $0xFFF, v17;
	v26 =	vshrl.u32 v26, $0x3;
	v18 =	vxor.u32 $0xFFFFFFFF, v45  }
0x2d1: {  	v19 =	vxor.u32 $0xFFFFFFFF, v15;
	v20 =	vxor.u32 $0xFFFFFFFF, v8;
	v15 =	vshrl.u32 v15, $0x3  }
0x2d2: {  	v21 =	vxor.u32 v12, v46;
	v22 =	vxor.u32 $0xFFFFFFFF, v4;
	v6 =	vshrl.u32 v45, $0x3  }
0x2d3: {  	v5 =	vxor.u32 v5, v46;
	v8 =	vshrl.u32 v8, $0x3;
	v24 =	vxor.u32 v14, v46  }
0x2d4: {  	v4 =	vshrl.u32 v4, $0x3;
	v7 =	vxor.u32 v0, v46;
	v0 =	vxor.u32 v0, v13  }
0x2d5: {  	v14 =	vmul.f32 v2, v1;
	v32 =	vshll.u32 v47, $0x2;
	v54 =	vand.u32 $0x1C, v25  }
0x2d6: {  	v55 =	vand.u32 $0x1C, v23;
	v26 =	vand.u32 $0xFFF, v26;
	v12 =	vmul.f32 v3, v2  }
0x2d7: {  	v35 =	vld [tilespmem:$0x1FF20];
	v27 =	vxor.u32 $0xFFFFFFFF, v21;
	v13 =	vmul.f32 v3, v1;
	v28 =	vxor.u32 $0xFFFFFFFF, v5  }
0x2d8: {  	v19 =	vshll.u32 v19, $0x2;
	v20 =	vshll.u32 v20, $0x2;
	v29 =	vxor.u32 $0xFFFFFFFF, v24  }
0x2d9: {  	v18 =	vshll.u32 v18, $0x2;
	v15 =	vand.u32 $0xFFF, v15;
	v21 =	vshrl.u32 v21, $0x3  }
0x2da: {  	v30 =	vsub.f32 $1.000000000e+00, v3;
	v22 =	vshll.u32 v22, $0x2;
	v31 =	vxor.u32 $0xFFFFFFFF, v7  }
0x2db: {  	v6 =	vand.u32 $0xFFF, v6;
	v5 =	vshrl.u32 v5, $0x3;
	v24 =	vshrl.u32 v24, $0x3  }
0x2dc: {  	v8 =	vand.u32 $0xFFF, v8;
	v50 =	vxor.u32 $0xFFFFFFFF, v0;
	v4 =	vand.u32 $0xFFF, v4  }
0x2dd: {  	v7 =	vshrl.u32 v7, $0x3;
	v0 =	vshrl.u32 v0, $0x3;
	v51 =	vand.u32 $0x1C, v19  }
0x2de: {  	v19 =	vshll.u32 v27, $0x2;
	v27 =	vshll.u32 v29, $0x2;
	v18 =	vand.u32 $0x1C, v18  }
0x2df: {  	s7 =	sadd.s32 $0x1000, s7;
	[tilespmem:v35+s30+$0x0] =	vst.idx.msk $0xffff, v59;
	v28 =	vshll.u32 v28, $0x2;
	v31 =	vshll.u32 v31, $0x2;
	v52 =	vand.u32 $0x1C, v20  }
0x2e0: {  	v20 =	vand.u32 $0xFFF, v21;
	v53 =	vand.u32 $0x1C, v22;
	v5 =	vand.u32 $0xFFF, v5;
	v17 =	vld.idx.msk [tilespmem:v17+s7+$0xFFFF8000], $0xffff  }
0x2e1: {  	v56 =	vand.u32 $0xFFF, v24;
	v35 =	vshll.u32 v50, $0x2;
	v7 =	vand.u32 $0xFFF, v7;
	v57 =	vld.idx.msk [tilespmem:v16+s7+$0xFFFF8000], $0xffff  }
0x2e2: {  	v0 =	vand.u32 $0xFFF, v0;
	v21 =	vmul.f32 v49, v1;
	v25 =	vmul.f32 v30, v2;
	v39 =	vld.idx.msk [tilespmem:v26+s7+$0xFFFF8000], $0xffff  }
0x2e3: {  	v58 =	vand.u32 $0x1C, v19;
	v24 =	vmul.f32 v30, v49;
	v28 =	vand.u32 $0x1C, v28;
	v29 =	vld.idx.msk [tilespmem:v15+s7+$0x0], $0xffff  }
0x2e4: {  	v23 =	vmul.f32 v30, v1;
	v47 =	vand.u32 $0x1C, v27;
	v22 =	vmul.f32 v30, v48;
	v6 =	vld.idx.msk [tilespmem:v6+s7+$0x0], $0xffff  }
0x2e5: {  	v1 =	vand.u32 $0x1C, v31;
	v19 =	vmul.f32 v48, v2;
	v2 =	vand.u32 $0x1C, v32;
	v8 =	vld.idx.msk [tilespmem:v8+s7+$0xFFFFC000], $0xffff  }
0x2e6: {  	v30 =	vand.u32 $0x1C, v35;
	v16 =	vmul.f32 v48, v3;
	v4 =	vld.idx.msk [tilespmem:v4+s7+$0xFFFFC000], $0xffff;
	v15 =	vmul.f32 v49, v3  }
0x2e7: {  	v59 =	vld.idx.msk [tilespmem:v20+s7+$0x0], $0xffff;
	v20 =	vmul.f32 v49, v48;
	v17 =	vshll.u32 v17, v55;
	v32 =	vshll.u32 v57, v54  }
0x2e8: {  	v35 =	vshll.u32 v17, $0x3;
	v46 =	vand.u32 $0x80000000, v17;
	v34 =	vshll.u32 v39, v2  }
0x2e9: {  	[tilespmem:$0x1FF30] =	vst v38;
	v5 =	vld.idx.msk [tilespmem:v5+s7+$0x0], $0xffff;
	v36 =	vand.u32 $0x80000000, v32;
	v37 =	vshll.u32 v17, $0x2;
	v38 =	vshll.u32 v17, $0x1  }
0x2ea: {  	v39 =	vshll.u32 v32, $0x3;
	v40 =	vshll.u32 v32, $0x2;
	v41 =	vshll.u32 v32, $0x1  }
0x2eb: {  	v31 =	vld.idx.msk [tilespmem:v56+s7+$0xFFFFC000], $0xffff;
	v6 =	vshll.u32 v6, v18;
	v18 =	vshll.u32 v29, v51;
	v4 =	vshll.u32 v4, v53  }
0x2ec: {  	v7 =	vld.idx.msk [tilespmem:v7+s7+$0xFFFFC000], $0xffff;
	v8 =	vshll.u32 v8, v52;
	v33 =	vand.u32 $0x80000000, v18;
	v57 =	vshll.u32 v59, v58  }
0x2ed: {  	v26 =	vshll.u32 v18, $0x3;
	v27 =	vshll.u32 v18, $0x2;
	v55 =	vshll.u32 v18, $0x1  }
0x2ee: {  	v0 =	vld.idx.msk [tilespmem:v0+s7+$0xFFFF8000], $0xffff;
	v52 =	vshll.u32 v6, $0x3;
	v56 =	vand.u32 $0x80000000, v6;
	v28 =	vshll.u32 v5, v28  }
0x2ef: {  	p0 =	sne.s32 s8, $0x3C;
	v29 =	vand.u32 $0x80000000, v8;
	v53 =	vshll.u32 v6, $0x2;
	v54 =	vshll.u32 v6, $0x1  }
.Ltmp4:
0x2f0: {  	v48 =	vshll.u32 v8, $0x3;
	v49 =	vshll.u32 v8, $0x2;
	v47 =	vshll.u32 v31, v47;
	(pc) =	sbr.rel @p0 .LBB2_12-.Ltmp4, $4  }
0x2f1: {  	v50 =	vand.u32 $0x80000000, v4;
	v42 =	vshll.u32 v7, v1;
	v51 =	vshll.u32 v8, $0x1  }
0x2f2: {  	v43 =	vshll.u32 v4, $0x3;
	v44 =	vshll.u32 v4, $0x2;
	v45 =	vshll.u32 v4, $0x1  }
0x2f3: {  	v30 =	vshll.u32 v0, v30;
	v18 =	vxor.u32 v25, v33;
	v17 =	vand.u32 $0x80000000, v57  }
0x2f4: {  	s8 =	sadd.s32 $0x4, s8;
	v32 =	vshll.u32 v57, $0x3;
	v33 =	vshll.u32 v57, $0x2;
	v31 =	vshll.u32 v57, $0x1  }
0x2f5: {  	v0 =	vand.u32 $0x80000000, v26;
	v1 =	vand.u32 $0x80000000, v27;
	v2 =	vand.u32 $0x80000000, v55  }
0x2f6: {  	v3 =	vxor.u32 v24, v56;
	v4 =	vshll.u32 v28, $0x3;
	v5 =	vand.u32 $0x80000000, v28  }
0x2f7: {  	v6 =	vand.u32 $0x80000000, v52;
	v7 =	vshll.u32 v28, $0x2;
	v8 =	vshll.u32 v28, $0x1  }
0x2f8: {  	v26 =	vand.u32 $0x80000000, v47;
	v27 =	vand.u32 $0x80000000, v53;
	v28 =	vand.u32 $0x80000000, v54  }
0x2f9: {  	v29 =	vxor.u32 v23, v29;
	v52 =	vshll.u32 v47, $0x3;
	v53 =	vshll.u32 v47, $0x2  }
0x2fa: {  	v48 =	vand.u32 $0x80000000, v48;
	v49 =	vand.u32 $0x80000000, v49;
	v47 =	vshll.u32 v47, $0x1  }
0x2fb: {  	v50 =	vxor.u32 v22, v50;
	v54 =	vand.u32 $0x80000000, v42;
	v51 =	vand.u32 $0x80000000, v51  }
0x2fc: {  	v55 =	vshll.u32 v42, $0x3;
	v56 =	vshll.u32 v42, $0x2;
	v42 =	vshll.u32 v42, $0x1  }
0x2fd: {  	v43 =	vand.u32 $0x80000000, v43;
	v44 =	vand.u32 $0x80000000, v44;
	v45 =	vand.u32 $0x80000000, v45  }
0x2fe: {  	v46 =	vxor.u32 v21, v46;
	v57 =	vshll.u32 v34, $0x3;
	v58 =	vand.u32 $0x80000000, v34  }
0x2ff: {  	v35 =	vand.u32 $0x80000000, v35;
	v59 =	vshll.u32 v34, $0x2;
	v34 =	vshll.u32 v34, $0x1  }
0x300: {  	v36 =	vxor.u32 v20, v36;
	v37 =	vand.u32 $0x80000000, v37;
	v38 =	vand.u32 $0x80000000, v38  }
0x301: {  	v39 =	vand.u32 $0x80000000, v39;
	v40 =	vand.u32 $0x80000000, v40;
	v41 =	vand.u32 $0x80000000, v41  }
0x302: {  	v60 =	vshll.u32 v30, $0x3;
	v61 =	vshll.u32 v30, $0x2;
	v62 =	vand.u32 $0x80000000, v30  }
0x303: {  	v30 =	vshll.u32 v30, $0x1;
	v32 =	vand.u32 $0x80000000, v32;
	v33 =	vand.u32 $0x80000000, v33  }
0x304: {  	v31 =	vand.u32 $0x80000000, v31;
	v0 =	vxor.u32 v25, v0;
	v1 =	vxor.u32 v25, v1  }
0x305: {  	v4 =	vand.u32 $0x80000000, v4;
	v7 =	vand.u32 $0x80000000, v7;
	v2 =	vxor.u32 v25, v2  }
0x306: {  	v6 =	vxor.u32 v24, v6;
	v25 =	vxor.u32 v24, v27;
	v8 =	vand.u32 $0x80000000, v8  }
0x307: {  	v27 =	vand.u32 $0x80000000, v52;
	v52 =	vand.u32 $0x80000000, v53;
	v24 =	vxor.u32 v24, v28  }
0x308: {  	v28 =	vxor.u32 v23, v48;
	v48 =	vxor.u32 v23, v49;
	v47 =	vand.u32 $0x80000000, v47  }
0x309: {  	v49 =	vand.u32 $0x80000000, v55;
	v53 =	vand.u32 $0x80000000, v56;
	v23 =	vxor.u32 v23, v51  }
0x30a: {  	v43 =	vxor.u32 v22, v43;
	v44 =	vxor.u32 v22, v44;
	v42 =	vand.u32 $0x80000000, v42  }
0x30b: {  	v51 =	vand.u32 $0x80000000, v57;
	v55 =	vand.u32 $0x80000000, v59;
	v22 =	vxor.u32 v22, v45  }
0x30c: {  	v35 =	vxor.u32 v21, v35;
	v37 =	vxor.u32 v21, v37;
	v34 =	vand.u32 $0x80000000, v34  }
0x30d: {  	v39 =	vxor.u32 v20, v39;
	v59 =	vand.u32 $0x80000000, v60;
	v21 =	vxor.u32 v21, v38  }
0x30e: {  	v60 =	vxor.u32 v20, v40;
	v56 =	vand.u32 $0x80000000, v61;
	v63 =	vxor.u32 v19, v59  }
0x30f: {  	v30 =	vand.u32 $0x80000000, v30;
	v57 =	vxor.u32 v19, v56;
	v39 =	vadd.f32 v63, v39  }
0x310: {  	v59 =	vxor.u32 v20, v41;
	v30 =	vxor.u32 v19, v30;
	v38 =	vadd.f32 v57, v60  }
0x311: {  	v20 =	vadd.f32 v30, v59;
	v60 =	vxor.u32 v19, v62;
	v61 =	vadd.f32 v35, v39  }
0x312: {  	v63 =	vxor.u32 v14, v51;
	v19 =	vadd.f32 v60, v36;
	v62 =	vadd.f32 v37, v38  }
0x313: {  	v20 =	vadd.f32 v21, v20;
	v39 =	vxor.u32 v14, v55;
	v38 =	vadd.f32 v63, v61  }
0x314: {  	v34 =	vxor.u32 v14, v34;
	v19 =	vadd.f32 v46, v19;
	v30 =	vadd.f32 v39, v62  }
0x315: {  	v40 =	vxor.u32 v14, v58;
	v20 =	vadd.f32 v34, v20;
	v21 =	vadd.f32 v43, v38  }
0x316: {  	v14 =	vadd.f32 v40, v19;
	v41 =	vadd.f32 v44, v30;
	v43 =	vxor.u32 v16, v49  }
0x317: {  	v20 =	vadd.f32 v22, v20;
	v44 =	vxor.u32 v16, v53;
	v21 =	vadd.f32 v43, v21  }
0x318: {  	v45 =	vxor.u32 v16, v42;
	v14 =	vadd.f32 v50, v14;
	v19 =	vadd.f32 v44, v41  }
0x319: {  	v46 =	vxor.u32 v16, v54;
	v20 =	vadd.f32 v45, v20;
	v21 =	vadd.f32 v28, v21  }
0x31a: {  	v50 =	vxor.u32 v13, v27;
	v14 =	vadd.f32 v46, v14;
	v49 =	vadd.f32 v48, v19  }
0x31b: {  	v51 =	vxor.u32 v13, v52;
	v20 =	vadd.f32 v23, v20;
	v19 =	vadd.f32 v50, v21  }
0x31c: {  	v52 =	vxor.u32 v13, v47;
	v14 =	vadd.f32 v29, v14;
	v16 =	vadd.f32 v51, v49  }
0x31d: {  	v62 =	vld [tilespmem:$0x1FF30];
	v53 =	vxor.u32 v13, v26;
	v20 =	vadd.f32 v52, v20;
	v6 =	vadd.f32 v6, v19  }
0x31e: {  	v4 =	vxor.u32 v15, v4;
	v13 =	vadd.f32 v53, v14;
	v54 =	vadd.f32 v25, v16  }
0x31f: {  	v56 =	vxor.u32 v15, v7;
	v55 =	vadd.f32 v24, v20;
	v4 =	vadd.f32 v4, v6  }
0x320: {  	v57 =	vxor.u32 v15, v8;
	v3 =	vadd.f32 v3, v13;
	v6 =	vadd.f32 v56, v54  }
0x321: {  	v5 =	vxor.u32 v15, v5;
	v7 =	vadd.f32 v57, v55;
	v0 =	vadd.f32 v0, v4  }
0x322: {  	s20 =	sadd.s32 $0x1, s20;
	v58 =	vxor.u32 v12, v32;
	v3 =	vadd.f32 v5, v3;
	v1 =	vadd.f32 v1, v6  }
0x323: {  	p0 =	sne.s32 s20, $0x10;
	v59 =	vxor.u32 v12, v33;
	v2 =	vadd.f32 v2, v7;
	v0 =	vadd.f32 v58, v0  }
.Ltmp5:
0x324: {  	v60 =	vxor.u32 v12, v31;
	v3 =	vadd.f32 v18, v3;
	v1 =	vadd.f32 v59, v1;
	(pc) =	sbr.rel @p0 .LBB2_9-.Ltmp5, $4  }
0x325: {  	v61 =	vxor.u32 v12, v17;
	v2 =	vadd.f32 v60, v2;
	[tilespmem:v62+s30+$0x0] =	vst.idx.msk $0xffff, v0  }
0x326: {  	v63 =	vadd.f32 v61, v3;
	[tilespmem:v9+s30+$0x0] =	vst.idx.msk $0xffff, v1  }
0x327: {  	[tilespmem:v10+s30+$0x0] =	vst.idx.msk $0xffff, v2  }
0x328: {  	[tilespmem:v11+s30+$0x0] =	vst.idx.msk $0xffff, v63  }
0x329: {  	s1 =	sadd.s32 $0x1, s1  }
0x32a: {  	p0 =	sne.s32 s1, $0x10  }
.Ltmp6:
0x32b: {  	_ = 	snop;
	(pc) =	sbr.rel @p0 .LBB2_2-.Ltmp6, $4  }
0x32c: {  	_ = 	snop  }
0x32d: {  	s7 =	sshll.u32 s18, $0x4  }
0x32e: {  	s7 =	sadd.s32 s9, s7  }
0x32f: {  	[hbm4b:s7+s2] =	stream.linear.scatter [tilespmem:s30], [sflag:$0x4], $0x8000, $0x38;
	[tilespmem:$0x1F780] =	vst v63  }
0x330: {  	s4 =	sadd.s32 $0x1, s4  }
0x331: {  	_ =	swait.ge [sflag:s31], $0x8000;
	p0 =	sne.s32 s4, s15  }
.Ltmp7:
0x332: {  	[sflag:s31] =	ssyncset.done $0x0;
	(pc) =	sbr.rel @p0 .LBB2_1-.Ltmp7, $4  }
0x333: {  	[sflag:s31] =	ssyncadd.s32 $0xFFFF8000  }
0x334: {  	_ =	swait.ge [sflag:s0], $0x8000  }
0x335: {  	[sflag:s0] =	ssyncset.done $0x0  }
0x336: {  	[sflag:s0] =	ssyncadd.s32 $0xFFFF8000  }
0x337: {  	_ =	sfence.sel $0x180000  }
0x338: {  	[bflag:$0x0] =	sbarrier.arrive $0xFFFF  }
0x339: {  	_ =	strace $0x90000047  }
0x33a: {  	s0 =	stileid.u32;
	[bflag:$0x2] =	sbarrier.arrive $0xFFFF  }
0x33b: {  	p0 =	sne.s32 s0, $0x0;
	s0 =	rddreg [dreg:$0x2]  }
0x33c: {  	s0 =	sadd.s32 @!p0 $0x100000, s0  }
0x33d: {  	[sflag:s0] =	ssyncadd.tile.s32 @!p0 $0x1;
	_ =	shalt  }
.Lfunc_end2:
_tile_overlayer_lowered:
.L_overlay_start_2:
0x33e: {  	(tag) =	ssettag $0x2  }
0x33f: {  	s0 =	rddreg [dreg:$0x0];
	s2 =	stileid.u32  }
0x340: {  	s1 =	rddreg [dreg:$0x1];
	p0 =	sne.s32 s2, $0x0  }
0x341: {  	s3 =	rddreg [dreg:$0x2];
	[bflag:$0x3] =	sbarrier.arrive $0xFFFF;
	s2 =	simm.s32 @!p0 $0x1C05  }
0x342: {  	[timem:s3], [sflag:s2] =	dma.local @!p0 [hbm:s0], s1  }
0x343: {  	s0 =	simm.s32 @!p0 $0x5  }
0x344: {  	_ =	swait.ge @!p0 [sflag:s0], s1  }
0x345: {  	s1 =	ssub.s32 @!p0 $0x0, s1;
	[sflag:s0] =	ssyncset.done @!p0 $0x0  }
0x346: {  	[sflag:s0] =	ssyncadd.s32 @!p0 s1  }
0x347: {  	[bflag:$0x3] =	sbarrier.arrive $0xFFFF  }
0x348: {  	_ =	shalt  }

</sc_bundles>
